<compile_context>
chip_gen: v7x
topology: tpu7x:2x2x1
jax: 0.10.2.dev20260603
libtpu: 0.0.44.dev20260713+nightly
codegen_flags: <defaults>
</compile_context>

<pallas_src>
import functools

import jax
import jax.numpy as jnp
from jax import lax
from jax.experimental import pallas as pl
from jax.experimental.pallas import tpu as pltpu
from jax.experimental.pallas import tpu_sc as plsc

END_ID = 2
B = 32
V = 1_000_000
LOG2E = 1.4426950408889634

SC_TILES = 512
SC_SHARD = SC_TILES * 128
SC_END = 8 * SC_SHARD
SC_CW = 4096
SC_NCH = SC_SHARD // SC_CW

TC_START = SC_END
TC_CHUNK = 16384
TC_NFULL = (V - TC_START) // TC_CHUNK
TC_TAIL_START = TC_START + TC_NFULL * TC_CHUNK
TC_TAIL = V - TC_TAIL_START


def _sc_body(logits_hbm, m_hbm, s_hbm, a_hbm,
             buf0, buf1, stage, sem0, sem1):
    w = lax.axis_index("s") * 2 + lax.axis_index("c")
    g = w // 8
    j = w % 8
    col0 = j * SC_SHARD

    bufs = (buf0, buf1)
    sems = (sem0, sem1)
    copies = []
    c0 = pltpu.make_async_copy(
        logits_hbm.at[pl.ds(g * 8, 8), pl.ds(col0, SC_CW)], buf0, sem0)
    c0.start()
    copies.append(c0)

    lane = lax.iota(jnp.int32, 16)
    ms = [jnp.full((16,), -jnp.inf, jnp.float32) for _ in range(8)]
    ss = [jnp.zeros((16,), jnp.float32) for _ in range(8)]
    aa = [jnp.zeros((16,), jnp.int32) for _ in range(8)]

    for c in range(SC_NCH):
        if c + 1 < SC_NCH:
            nxt = pltpu.make_async_copy(
                logits_hbm.at[pl.ds(g * 8, 8),
                              pl.ds(col0 + (c + 1) * SC_CW, SC_CW)],
                bufs[(c + 1) % 2], sems[(c + 1) % 2])
            nxt.start()
            copies.append(nxt)
        copies[c].wait()
        buf = bufs[c % 2]
        base_c = col0 + c * SC_CW
        carry0 = tuple(ms) + tuple(ss) + tuple(aa)

        @plsc.parallel_loop(0, SC_CW // 16, 1, unroll=4, carry=carry0)
        def _chunk(v, carry, buf=buf, base_c=base_c):
            ms = list(carry[0:8])
            ss = list(carry[8:16])
            aa = list(carry[16:24])
            idx = lane + (base_c + v * 16)
            for r in range(8):
                x = buf[r, pl.ds(v * 16, 16)]
                upd = x > ms[r]
                ms[r] = jnp.maximum(ms[r], x)
                aa[r] = jnp.where(upd, idx, aa[r])
                ss[r] = ss[r] + jnp.exp(x)
            return tuple(ms) + tuple(ss) + tuple(aa)

        ms = list(_chunk[0:8])
        ss = list(_chunk[8:16])
        aa = list(_chunk[16:24])

    for r in range(8):
        base = (g * 8 + r) * 128 + j * 16
        stage[...] = ms[r]
        pltpu.sync_copy(stage, m_hbm.at[pl.ds(base, 16)])
        stage[...] = ss[r]
        pltpu.sync_copy(stage, s_hbm.at[pl.ds(base, 16)])
        stage[...] = lax.bitcast_convert_type(aa[r], jnp.float32)
        pltpu.sync_copy(stage, a_hbm.at[pl.ds(base, 16)])


def _tc_step(x_ref, tail_ref, iota_ref, m_out, s_out, a_out,
             m_ref, s_ref, a_ref):
    i = pl.program_id(0)

    x = x_ref[...]
    iota = iota_ref[...]
    cmax = jnp.max(x, axis=1, keepdims=True)
    cargf = jnp.min(jnp.where(x == cmax, iota, jnp.float32(V)),
                    axis=1, keepdims=True)
    carg = cargf.astype(jnp.int32) + (TC_START + i * TC_CHUNK)
    csum = jnp.sum(jnp.exp2(x * LOG2E), axis=1, keepdims=True)

    @pl.when(i == 0)
    def _init():
        m_ref[...] = cmax
        s_ref[...] = csum
        a_ref[...] = carg

    @pl.when(i > 0)
    def _acc():
        m_old = m_ref[...]
        m_ref[...] = jnp.maximum(m_old, cmax)
        s_ref[...] = s_ref[...] + csum
        a_ref[...] = jnp.where(cmax > m_old, carg, a_ref[...])

    @pl.when(i == TC_NFULL - 1)
    def _finish():
        t = tail_ref[...]
        tiota = iota_ref[0:1, 0:TC_TAIL]
        tmax = jnp.max(t, axis=1, keepdims=True)
        targf = jnp.min(jnp.where(t == tmax, tiota, jnp.float32(V)),
                        axis=1, keepdims=True)
        targ = targf.astype(jnp.int32) + TC_TAIL_START
        tsum = jnp.sum(jnp.exp2(t * LOG2E), axis=1, keepdims=True)
        m_old = m_ref[...]
        m_out[...] = jnp.maximum(m_old, tmax)
        a_out[...] = jnp.where(tmax > m_old, targ, a_ref[...])
        s_out[...] = s_ref[...] + tsum


def _merge_step(scm_ref, scs_ref, sca_ref, tcm_ref, tcs_ref, tca_ref,
                flag_ref, wid_ref, wlp_ref, unf_ref):
    scm = scm_ref[...]
    scs = scs_ref[...]
    sca = sca_ref[...]
    scmax = jnp.max(scm, axis=1, keepdims=True)
    scargf = jnp.min(
        jnp.where(scm == scmax, sca.astype(jnp.float32), jnp.float32(V)),
        axis=1, keepdims=True)
    scarg = scargf.astype(jnp.int32)
    scsum = jnp.sum(scs, axis=1, keepdims=True)

    tcm = tcm_ref[...]
    tcs = tcs_ref[...]
    tca = tca_ref[...]

    mm = jnp.maximum(scmax, tcm)
    afin = jnp.where(tcm > scmax, tca, scarg)
    sfin = scsum + tcs

    unf = flag_ref[...] * (afin != END_ID).astype(jnp.int32)
    wid_ref[...] = jnp.where(unf == 0, END_ID, afin)
    wlp_ref[...] = mm - jnp.log(sfin)
    unf_ref[...] = unf


@jax.jit
def kernel(logits, unfinished_flag):
    mesh = plsc.VectorSubcoreMesh(core_axis_name="c", subcore_axis_name="s")
    sc_run = functools.partial(
        pl.kernel,
        mesh=mesh,
        out_type=(
            jax.ShapeDtypeStruct((B * 128,), jnp.float32),
            jax.ShapeDtypeStruct((B * 128,), jnp.float32),
            jax.ShapeDtypeStruct((B * 128,), jnp.float32),
        ),
        scratch_types=[
            pltpu.VMEM((8, SC_CW), jnp.float32),
            pltpu.VMEM((8, SC_CW), jnp.float32),
            pltpu.VMEM((16,), jnp.float32),
            pltpu.SemaphoreType.DMA,
            pltpu.SemaphoreType.DMA,
        ],
        compiler_params=pltpu.CompilerParams(use_tc_tiling_on_sc=True),
    )(_sc_body)
    scm, scs, scaf = sc_run(logits)

    tail = jax.lax.slice(logits, (0, TC_TAIL_START), (B, V))
    iota = jax.lax.broadcasted_iota(jnp.float32, (1, TC_CHUNK), 1)
    tc_out_types = (
        jax.ShapeDtypeStruct((B, 1), jnp.float32),
        jax.ShapeDtypeStruct((B, 1), jnp.float32),
        jax.ShapeDtypeStruct((B, 1), jnp.int32),
    )
    tcm, tcs, tca = pl.pallas_call(
        _tc_step,
        grid=(TC_NFULL,),
        in_specs=[
            pl.BlockSpec((B, TC_CHUNK),
                         lambda i: (0, i + TC_START // TC_CHUNK)),
            pl.BlockSpec((B, TC_TAIL), lambda i: (0, 0)),
            pl.BlockSpec((1, TC_CHUNK), lambda i: (0, 0)),
        ],
        out_specs=(
            pl.BlockSpec((B, 1), lambda i: (0, 0)),
            pl.BlockSpec((B, 1), lambda i: (0, 0)),
            pl.BlockSpec((B, 1), lambda i: (0, 0)),
        ),
        out_shape=tc_out_types,
        scratch_shapes=[
            pltpu.VMEM((B, 1), jnp.float32),
            pltpu.VMEM((B, 1), jnp.float32),
            pltpu.VMEM((B, 1), jnp.int32),
        ],
    )(logits, tail, iota)

    sca = jax.lax.bitcast_convert_type(scaf, jnp.int32)
    flag2d = unfinished_flag.reshape(B, 1).astype(jnp.int32)
    out_types = (
        jax.ShapeDtypeStruct((B, 1), jnp.int32),
        jax.ShapeDtypeStruct((B, 1), jnp.float32),
        jax.ShapeDtypeStruct((B, 1), jnp.int32),
    )
    wid, wlp, unf = pl.pallas_call(
        _merge_step,
        out_shape=out_types,
    )(scm.reshape(B, 128), scs.reshape(B, 128), sca.reshape(B, 128),
      tcm, tcs, tca, flag2d)
    return (wid.reshape(B), wlp.reshape(B), unf.reshape(B))

# --- scband reference (transcript-rebuilt; emitter-appended) ---
"""Pipeline reference for scband-language-model-38431367364802 (READ-ONLY COPY).

The authoritative reference and input builder live on the scoring server;
editing this copy changes nothing except your own understanding.
"""

import jax, jax.numpy as jnp
import numpy as np

END_WORD_ID = 2

def setup_inputs(seed: int = 0) -> dict:
    key = jax.random.key(seed)
    k1, k2 = jax.random.split(key)
    logits = jax.random.normal(k1, (32, 1000000), dtype=jnp.float32)
    unfinished_flag = jnp.ones((32,), dtype=jnp.int32)
    return {"logits": logits, "unfinished_flag": unfinished_flag}

def reference(logits, unfinished_flag):
    # One greedy (sample_max=True) decoding step of LanguageModel.sample:
    #   log_prob = F.log_softmax(output, -1)
    #   word_log_prob, word_id = torch.max(log_prob, dim=-1)
    #   unfinished_flag = unfinished_flag * (word_id != end_word_id)
    #   _word_id = word_id.clone(); _word_id[unfinished_flag == 0] = end_word_id
    log_prob = jax.nn.log_softmax(logits, axis=-1)
    word_log_prob = jnp.max(log_prob, axis=-1)
    word_id = jnp.argmax(log_prob, axis=-1)
    unfinished = unfinished_flag * (word_id != END_WORD_ID).astype(unfinished_flag.dtype)
    _word_id = jnp.where(unfinished == 0, jnp.asarray(END_WORD_ID, word_id.dtype), word_id)
    return (_word_id, word_log_prob, unfinished)

if __name__ == "__main__":
    import jax
    _d = setup_inputs()
    print(jax.jit(kernel)(*tuple(_d.values())))

</pallas_src>

<mosaic_0001>
#map = affine_map<(d0, d1) -> (0, 0)>
#map1 = affine_map<(d0, d1) -> (0)>
module attributes {stable_mosaic.version = 14 : i64} {
  func.func @_sc_body(%arg0: i32, %arg1: i32, %arg2: memref<32x1000000xf32, #tpu.memory_space<hbm>>, %arg3: memref<4096xf32, #tpu.memory_space<hbm>>, %arg4: memref<4096xf32, #tpu.memory_space<hbm>>, %arg5: memref<4096xf32, #tpu.memory_space<hbm>>, %arg6: memref<8x4096xf32, #tpu.memory_space<vmem>>, %arg7: memref<8x4096xf32, #tpu.memory_space<vmem>>, %arg8: memref<16xf32, #tpu.memory_space<vmem>>, %arg9: memref<!tpu.dma_semaphore, #tpu.memory_space<semaphore_mem>>, %arg10: memref<!tpu.dma_semaphore, #tpu.memory_space<semaphore_mem>>) attributes {dimension_semantics = [#tpu.dimension_semantics<core_parallel>, #tpu.dimension_semantics<subcore_parallel>], iteration_bounds = array<i64: 2, 16>, scalar_prefetch = 0 : i64, scratch_operands = 5 : i64, tpu.core_type = #tpu.core_type<sc_vector_subcore>, window_params = [{transform_indices = #map}, {transform_indices = #map1}, {transform_indices = #map1}, {transform_indices = #map1}]} {
    %mul3A = arith.constant 2 : i32
    %mul3A_0 = arith.muli %arg1, %mul3A : i32
    %add3A = arith.addi %mul3A_0, %arg0 : i32
    %jit3A = arith.constant 8 : i32
    %div3A = arith.divsi %add3A, %jit3A : i32
    %sign3A = arith.constant 0 : i32
    %sign3A_1 = arith.cmpi sgt, %add3A, %sign3A : i32
    %sign3A_2 = arith.extui %sign3A_1 : i1 to i32
    %sign3A_3 = arith.constant 0 : i32
    %sign3A_4 = arith.cmpi slt, %add3A, %sign3A_3 : i32
    %sign3A_5 = arith.extui %sign3A_4 : i1 to i32
    %sign3A_6 = arith.subi %sign3A_2, %sign3A_5 : i32
    %sign3A_7 = arith.constant 0 : i32
    %sign3A_8 = arith.cmpi sgt, %jit3A, %sign3A_7 : i32
    %sign3A_9 = arith.extui %sign3A_8 : i1 to i32
    %sign3A_10 = arith.constant 0 : i32
    %sign3A_11 = arith.cmpi slt, %jit3A, %sign3A_10 : i32
    %sign3A_12 = arith.extui %sign3A_11 : i1 to i32
    %sign3A_13 = arith.subi %sign3A_9, %sign3A_12 : i32
    %ne3A = arith.cmpi ne, %sign3A_6, %sign3A_13 : i32
    %rem3A = arith.remsi %add3A, %jit3A : i32
    %ne3A_14 = arith.constant 0 : i32
    %ne3A_15 = arith.cmpi ne, %rem3A, %ne3A_14 : i32
    %and3A = arith.andi %ne3A, %ne3A_15 : i1
    %sub3A = arith.constant 1 : i32
    %sub3A_16 = arith.subi %div3A, %sub3A : i32
    %select_n3A = arith.select %and3A, %sub3A_16, %div3A : i32
    %jit3A_17 = arith.constant 8 : i32
    %eq3A = arith.constant 0 : i32
    %eq3A_18 = arith.cmpi eq, %jit3A_17, %eq3A : i32
    %jit3A_19 = arith.constant 1 : i32
    %select_n3A_20 = arith.select %eq3A_18, %jit3A_19, %jit3A_17 : i32
    %rem3A_21 = arith.remsi %add3A, %select_n3A_20 : i32
    %ne3A_22 = arith.constant 0 : i32
    %ne3A_23 = arith.cmpi ne, %rem3A_21, %ne3A_22 : i32
    %lt3A = arith.constant 0 : i32
    %lt3A_24 = arith.cmpi slt, %rem3A_21, %lt3A : i32
    %lt3A_25 = arith.constant 0 : i32
    %lt3A_26 = arith.cmpi slt, %select_n3A_20, %lt3A_25 : i32
    %ne3A_27 = arith.xori %lt3A_24, %lt3A_26 : i1
    %and3A_28 = arith.andi %ne3A_27, %ne3A_23 : i1
    %add3A_29 = arith.addi %rem3A_21, %select_n3A_20 : i32
    %select_n3A_30 = arith.select %and3A_28, %add3A_29, %rem3A_21 : i32
    %mul3A_31 = arith.constant 65536 : i32
    %mul3A_32 = arith.muli %select_n3A_30, %mul3A_31 : i32
    %mul3A_33 = arith.constant 8 : i32
    %mul3A_34 = arith.muli %select_n3A, %mul3A_33 : i32
    %dma_start3A = tpu.memref_slice %arg2[%mul3A_34, %mul3A_32] : memref<32x1000000xf32, #tpu.memory_space<hbm>> -> memref<8x4096xf32, #tpu.memory_space<hbm>>
    %dma_start3A_35 = tpu.memref_slice %arg2[%mul3A_34, %mul3A_32] : memref<32x1000000xf32, #tpu.memory_space<hbm>> -> memref<8x4096xf32, #tpu.memory_space<hbm>>
    tpu.enqueue_dma source(%dma_start3A_35 : memref<8x4096xf32, #tpu.memory_space<hbm>>) target(%arg6 : memref<8x4096xf32, #tpu.memory_space<vmem>>) target_semaphore(%arg9 : memref<!tpu.dma_semaphore, #tpu.memory_space<semaphore_mem>>)
    %iota3A = tpu.iota {dimensions = array<i32: 0>} : vector<16xi32>
    %broadcast_in_dim3A = arith.constant 0xFF800000 : f32
    %broadcast_in_dim3A_36 = vector.broadcast %broadcast_in_dim3A : f32 to vector<16xf32>
    %broadcast_in_dim3A_37 = arith.constant 0xFF800000 : f32
    %broadcast_in_dim3A_38 = vector.broadcast %broadcast_in_dim3A_37 : f32 to vector<16xf32>
    %broadcast_in_dim3A_39 = arith.constant 0xFF800000 : f32
    %broadcast_in_dim3A_40 = vector.broadcast %broadcast_in_dim3A_39 : f32 to vector<16xf32>
    %broadcast_in_dim3A_41 = arith.constant 0xFF800000 : f32
    %broadcast_in_dim3A_42 = vector.broadcast %broadcast_in_dim3A_41 : f32 to vector<16xf32>
    %broadcast_in_dim3A_43 = arith.constant 0xFF800000 : f32
    %broadcast_in_dim3A_44 = vector.broadcast %broadcast_in_dim3A_43 : f32 to vector<16xf32>
    %broadcast_in_dim3A_45 = arith.constant 0xFF800000 : f32
    %broadcast_in_dim3A_46 = vector.broadcast %broadcast_in_dim3A_45 : f32 to vector<16xf32>
    %broadcast_in_dim3A_47 = arith.constant 0xFF800000 : f32
    %broadcast_in_dim3A_48 = vector.broadcast %broadcast_in_dim3A_47 : f32 to vector<16xf32>
    %broadcast_in_dim3A_49 = arith.constant 0xFF800000 : f32
    %broadcast_in_dim3A_50 = vector.broadcast %broadcast_in_dim3A_49 : f32 to vector<16xf32>
    %broadcast_in_dim3A_51 = arith.constant 0.000000e+00 : f32
    %broadcast_in_dim3A_52 = vector.broadcast %broadcast_in_dim3A_51 : f32 to vector<16xf32>
    %broadcast_in_dim3A_53 = arith.constant 0.000000e+00 : f32
    %broadcast_in_dim3A_54 = vector.broadcast %broadcast_in_dim3A_53 : f32 to vector<16xf32>
    %broadcast_in_dim3A_55 = arith.constant 0.000000e+00 : f32
    %broadcast_in_dim3A_56 = vector.broadcast %broadcast_in_dim3A_55 : f32 to vector<16xf32>
    %broadcast_in_dim3A_57 = arith.constant 0.000000e+00 : f32
    %broadcast_in_dim3A_58 = vector.broadcast %broadcast_in_dim3A_57 : f32 to vector<16xf32>
    %broadcast_in_dim3A_59 = arith.constant 0.000000e+00 : f32
    %broadcast_in_dim3A_60 = vector.broadcast %broadcast_in_dim3A_59 : f32 to vector<16xf32>
    %broadcast_in_dim3A_61 = arith.constant 0.000000e+00 : f32
    %broadcast_in_dim3A_62 = vector.broadcast %broadcast_in_dim3A_61 : f32 to vector<16xf32>
    %broadcast_in_dim3A_63 = arith.constant 0.000000e+00 : f32
    %broadcast_in_dim3A_64 = vector.broadcast %broadcast_in_dim3A_63 : f32 to vector<16xf32>
    %broadcast_in_dim3A_65 = arith.constant 0.000000e+00 : f32
    %broadcast_in_dim3A_66 = vector.broadcast %broadcast_in_dim3A_65 : f32 to vector<16xf32>
    %broadcast_in_dim3A_67 = arith.constant 0 : i32
    %broadcast_in_dim3A_68 = vector.broadcast %broadcast_in_dim3A_67 : i32 to vector<16xi32>
    %broadcast_in_dim3A_69 = arith.constant 0 : i32
    %broadcast_in_dim3A_70 = vector.broadcast %broadcast_in_dim3A_69 : i32 to vector<16xi32>
    %broadcast_in_dim3A_71 = arith.constant 0 : i32
    %broadcast_in_dim3A_72 = vector.broadcast %broadcast_in_dim3A_71 : i32 to vector<16xi32>
    %broadcast_in_dim3A_73 = arith.constant 0 : i32
    %broadcast_in_dim3A_74 = vector.broadcast %broadcast_in_dim3A_73 : i32 to vector<16xi32>
    %broadcast_in_dim3A_75 = arith.constant 0 : i32
    %broadcast_in_dim3A_76 = vector.broadcast %broadcast_in_dim3A_75 : i32 to vector<16xi32>
    %broadcast_in_dim3A_77 = arith.constant 0 : i32
    %broadcast_in_dim3A_78 = vector.broadcast %broadcast_in_dim3A_77 : i32 to vector<16xi32>
    %broadcast_in_dim3A_79 = arith.constant 0 : i32
    %broadcast_in_dim3A_80 = vector.broadcast %broadcast_in_dim3A_79 : i32 to vector<16xi32>
    %broadcast_in_dim3A_81 = arith.constant 0 : i32
    %broadcast_in_dim3A_82 = vector.broadcast %broadcast_in_dim3A_81 : i32 to vector<16xi32>
    %mul3A_83 = arith.constant 8 : i32
    %mul3A_84 = arith.muli %select_n3A, %mul3A_83 : i32
    %add3A_85 = arith.constant 4096 : i32
    %add3A_86 = arith.addi %mul3A_32, %add3A_85 : i32
    %dma_start3A_87 = tpu.memref_slice %arg2[%mul3A_84, %add3A_86] : memref<32x1000000xf32, #tpu.memory_space<hbm>> -> memref<8x4096xf32, #tpu.memory_space<hbm>>
    %dma_start3A_88 = tpu.memref_slice %arg2[%mul3A_84, %add3A_86] : memref<32x1000000xf32, #tpu.memory_space<hbm>> -> memref<8x4096xf32, #tpu.memory_space<hbm>>
    tpu.enqueue_dma source(%dma_start3A_88 : memref<8x4096xf32, #tpu.memory_space<hbm>>) target(%arg7 : memref<8x4096xf32, #tpu.memory_space<vmem>>) target_semaphore(%arg10 : memref<!tpu.dma_semaphore, #tpu.memory_space<semaphore_mem>>)
    %dma_wait3A = tpu.memref_slice %arg2[%mul3A_34, %mul3A_32] : memref<32x1000000xf32, #tpu.memory_space<hbm>> -> memref<8x4096xf32, #tpu.memory_space<hbm>>
    %dma_wait3A_89 = tpu.memref_slice %arg2[%mul3A_34, %mul3A_32] : memref<32x1000000xf32, #tpu.memory_space<hbm>> -> memref<8x4096xf32, #tpu.memory_space<hbm>>
    tpu.wait_dma2 semaphore(%arg9 : memref<!tpu.dma_semaphore, #tpu.memory_space<semaphore_mem>>) src(%dma_wait3A_89 : memref<8x4096xf32, #tpu.memory_space<hbm>>) dst(%arg6 : memref<8x4096xf32, #tpu.memory_space<vmem>>)
    %add3A_90 = arith.constant 0 : i32
    %add3A_91 = arith.addi %mul3A_32, %add3A_90 : i32
    %parallel_loop3A = arith.constant 0 : i32
    %parallel_loop3A_92 = arith.constant 256 : i32
    %parallel_loop3A_93 = arith.constant 1 : i32
    %parallel_loop3A_94:24 = scf.for %parallel_loop3A_473 = %parallel_loop3A to %parallel_loop3A_92 step %parallel_loop3A_93 iter_args(%parallel_loop3A_474 = %broadcast_in_dim3A_36, %parallel_loop3A_475 = %broadcast_in_dim3A_38, %parallel_loop3A_476 = %broadcast_in_dim3A_40, %parallel_loop3A_477 = %broadcast_in_dim3A_42, %parallel_loop3A_478 = %broadcast_in_dim3A_44, %parallel_loop3A_479 = %broadcast_in_dim3A_46, %parallel_loop3A_480 = %broadcast_in_dim3A_48, %parallel_loop3A_481 = %broadcast_in_dim3A_50, %parallel_loop3A_482 = %broadcast_in_dim3A_52, %parallel_loop3A_483 = %broadcast_in_dim3A_54, %parallel_loop3A_484 = %broadcast_in_dim3A_56, %parallel_loop3A_485 = %broadcast_in_dim3A_58, %parallel_loop3A_486 = %broadcast_in_dim3A_60, %parallel_loop3A_487 = %broadcast_in_dim3A_62, %parallel_loop3A_488 = %broadcast_in_dim3A_64, %parallel_loop3A_489 = %broadcast_in_dim3A_66, %parallel_loop3A_490 = %broadcast_in_dim3A_68, %parallel_loop3A_491 = %broadcast_in_dim3A_70, %parallel_loop3A_492 = %broadcast_in_dim3A_72, %parallel_loop3A_493 = %broadcast_in_dim3A_74, %parallel_loop3A_494 = %broadcast_in_dim3A_76, %parallel_loop3A_495 = %broadcast_in_dim3A_78, %parallel_loop3A_496 = %broadcast_in_dim3A_80, %parallel_loop3A_497 = %broadcast_in_dim3A_82) -> (vector<16xf32>, vector<16xf32>, vector<16xf32>, vector<16xf32>, vector<16xf32>, vector<16xf32>, vector<16xf32>, vector<16xf32>, vector<16xf32>, vector<16xf32>, vector<16xf32>, vector<16xf32>, vector<16xf32>, vector<16xf32>, vector<16xf32>, vector<16xf32>, vector<16xi32>, vector<16xi32>, vector<16xi32>, vector<16xi32>, vector<16xi32>, vector<16xi32>, vector<16xi32>, vector<16xi32>)  : i32 {
      %parallel_loop3A_498 = arith.constant 16 : i32
      %parallel_loop3A_499 = arith.muli %parallel_loop3A_473, %parallel_loop3A_498 : i32
      %parallel_loop3A_500 = arith.addi %add3A_91, %parallel_loop3A_499 : i32
      %parallel_loop3A_501 = vector.broadcast %parallel_loop3A_500 : i32 to vector<16xi32>
      %parallel_loop3A_502 = arith.addi %iota3A, %parallel_loop3A_501 : vector<16xi32>
      %parallel_loop3A_503 = arith.constant 16 : i32
      %parallel_loop3A_504 = arith.muli %parallel_loop3A_473, %parallel_loop3A_503 : i32
      %parallel_loop3A_505 = arith.constant 0 : i32
      %parallel_loop3A_506 = arith.index_cast %parallel_loop3A_505 : i32 to index
      %parallel_loop3A_507 = arith.index_cast %parallel_loop3A_504 : i32 to index
      %parallel_loop3A_508 = tpu.vector_load %arg6[%parallel_loop3A_506, %parallel_loop3A_507] {strides = array<i32>} : memref<8x4096xf32, #tpu.memory_space<vmem>>, vector<1x16xf32>,
      %parallel_loop3A_509 = vector.shape_cast %parallel_loop3A_508 : vector<1x16xf32> to vector<16xf32>
      %parallel_loop3A_510 = arith.cmpf ogt, %parallel_loop3A_509, %parallel_loop3A_474 : vector<16xf32>
      %parallel_loop3A_511 = arith.maximumf %parallel_loop3A_474, %parallel_loop3A_509 : vector<16xf32>
      %parallel_loop3A_512 = arith.select %parallel_loop3A_510, %parallel_loop3A_502, %parallel_loop3A_490 : vector<16xi1>, vector<16xi32>
      %parallel_loop3A_513 = math.exp %parallel_loop3A_509 : vector<16xf32>
      %parallel_loop3A_514 = arith.addf %parallel_loop3A_482, %parallel_loop3A_513 : vector<16xf32>
      %parallel_loop3A_515 = arith.constant 16 : i32
      %parallel_loop3A_516 = arith.muli %parallel_loop3A_473, %parallel_loop3A_515 : i32
      %parallel_loop3A_517 = arith.constant 1 : i32
      %parallel_loop3A_518 = arith.index_cast %parallel_loop3A_517 : i32 to index
      %parallel_loop3A_519 = arith.index_cast %parallel_loop3A_516 : i32 to index
      %parallel_loop3A_520 = tpu.vector_load %arg6[%parallel_loop3A_518, %parallel_loop3A_519] {strides = array<i32>} : memref<8x4096xf32, #tpu.memory_space<vmem>>, vector<1x16xf32>,
      %parallel_loop3A_521 = vector.shape_cast %parallel_loop3A_520 : vector<1x16xf32> to vector<16xf32>
      %parallel_loop3A_522 = arith.cmpf ogt, %parallel_loop3A_521, %parallel_loop3A_475 : vector<16xf32>
      %parallel_loop3A_523 = arith.maximumf %parallel_loop3A_475, %parallel_loop3A_521 : vector<16xf32>
      %parallel_loop3A_524 = arith.select %parallel_loop3A_522, %parallel_loop3A_502, %parallel_loop3A_491 : vector<16xi1>, vector<16xi32>
      %parallel_loop3A_525 = math.exp %parallel_loop3A_521 : vector<16xf32>
      %parallel_loop3A_526 = arith.addf %parallel_loop3A_483, %parallel_loop3A_525 : vector<16xf32>
      %parallel_loop3A_527 = arith.constant 16 : i32
      %parallel_loop3A_528 = arith.muli %parallel_loop3A_473, %parallel_loop3A_527 : i32
      %parallel_loop3A_529 = arith.constant 2 : i32
      %parallel_loop3A_530 = arith.index_cast %parallel_loop3A_529 : i32 to index
      %parallel_loop3A_531 = arith.index_cast %parallel_loop3A_528 : i32 to index
      %parallel_loop3A_532 = tpu.vector_load %arg6[%parallel_loop3A_530, %parallel_loop3A_531] {strides = array<i32>} : memref<8x4096xf32, #tpu.memory_space<vmem>>, vector<1x16xf32>,
      %parallel_loop3A_533 = vector.shape_cast %parallel_loop3A_532 : vector<1x16xf32> to vector<16xf32>
      %parallel_loop3A_534 = arith.cmpf ogt, %parallel_loop3A_533, %parallel_loop3A_476 : vector<16xf32>
      %parallel_loop3A_535 = arith.maximumf %parallel_loop3A_476, %parallel_loop3A_533 : vector<16xf32>
      %parallel_loop3A_536 = arith.select %parallel_loop3A_534, %parallel_loop3A_502, %parallel_loop3A_492 : vector<16xi1>, vector<16xi32>
      %parallel_loop3A_537 = math.exp %parallel_loop3A_533 : vector<16xf32>
      %parallel_loop3A_538 = arith.addf %parallel_loop3A_484, %parallel_loop3A_537 : vector<16xf32>
      %parallel_loop3A_539 = arith.constant 16 : i32
      %parallel_loop3A_540 = arith.muli %parallel_loop3A_473, %parallel_loop3A_539 : i32
      %parallel_loop3A_541 = arith.constant 3 : i32
      %parallel_loop3A_542 = arith.index_cast %parallel_loop3A_541 : i32 to index
      %parallel_loop3A_543 = arith.index_cast %parallel_loop3A_540 : i32 to index
      %parallel_loop3A_544 = tpu.vector_load %arg6[%parallel_loop3A_542, %parallel_loop3A_543] {strides = array<i32>} : memref<8x4096xf32, #tpu.memory_space<vmem>>, vector<1x16xf32>,
      %parallel_loop3A_545 = vector.shape_cast %parallel_loop3A_544 : vector<1x16xf32> to vector<16xf32>
      %parallel_loop3A_546 = arith.cmpf ogt, %parallel_loop3A_545, %parallel_loop3A_477 : vector<16xf32>
      %parallel_loop3A_547 = arith.maximumf %parallel_loop3A_477, %parallel_loop3A_545 : vector<16xf32>
      %parallel_loop3A_548 = arith.select %parallel_loop3A_546, %parallel_loop3A_502, %parallel_loop3A_493 : vector<16xi1>, vector<16xi32>
      %parallel_loop3A_549 = math.exp %parallel_loop3A_545 : vector<16xf32>
      %parallel_loop3A_550 = arith.addf %parallel_loop3A_485, %parallel_loop3A_549 : vector<16xf32>
      %parallel_loop3A_551 = arith.constant 16 : i32
      %parallel_loop3A_552 = arith.muli %parallel_loop3A_473, %parallel_loop3A_551 : i32
      %parallel_loop3A_553 = arith.constant 4 : i32
      %parallel_loop3A_554 = arith.index_cast %parallel_loop3A_553 : i32 to index
      %parallel_loop3A_555 = arith.index_cast %parallel_loop3A_552 : i32 to index
      %parallel_loop3A_556 = tpu.vector_load %arg6[%parallel_loop3A_554, %parallel_loop3A_555] {strides = array<i32>} : memref<8x4096xf32, #tpu.memory_space<vmem>>, vector<1x16xf32>,
      %parallel_loop3A_557 = vector.shape_cast %parallel_loop3A_556 : vector<1x16xf32> to vector<16xf32>
      %parallel_loop3A_558 = arith.cmpf ogt, %parallel_loop3A_557, %parallel_loop3A_478 : vector<16xf32>
      %parallel_loop3A_559 = arith.maximumf %parallel_loop3A_478, %parallel_loop3A_557 : vector<16xf32>
      %parallel_loop3A_560 = arith.select %parallel_loop3A_558, %parallel_loop3A_502, %parallel_loop3A_494 : vector<16xi1>, vector<16xi32>
      %parallel_loop3A_561 = math.exp %parallel_loop3A_557 : vector<16xf32>
      %parallel_loop3A_562 = arith.addf %parallel_loop3A_486, %parallel_loop3A_561 : vector<16xf32>
      %parallel_loop3A_563 = arith.constant 16 : i32
      %parallel_loop3A_564 = arith.muli %parallel_loop3A_473, %parallel_loop3A_563 : i32
      %parallel_loop3A_565 = arith.constant 5 : i32
      %parallel_loop3A_566 = arith.index_cast %parallel_loop3A_565 : i32 to index
      %parallel_loop3A_567 = arith.index_cast %parallel_loop3A_564 : i32 to index
      %parallel_loop3A_568 = tpu.vector_load %arg6[%parallel_loop3A_566, %parallel_loop3A_567] {strides = array<i32>} : memref<8x4096xf32, #tpu.memory_space<vmem>>, vector<1x16xf32>,
      %parallel_loop3A_569 = vector.shape_cast %parallel_loop3A_568 : vector<1x16xf32> to vector<16xf32>
      %parallel_loop3A_570 = arith.cmpf ogt, %parallel_loop3A_569, %parallel_loop3A_479 : vector<16xf32>
      %parallel_loop3A_571 = arith.maximumf %parallel_loop3A_479, %parallel_loop3A_569 : vector<16xf32>
      %parallel_loop3A_572 = arith.select %parallel_loop3A_570, %parallel_loop3A_502, %parallel_loop3A_495 : vector<16xi1>, vector<16xi32>
      %parallel_loop3A_573 = math.exp %parallel_loop3A_569 : vector<16xf32>
      %parallel_loop3A_574 = arith.addf %parallel_loop3A_487, %parallel_loop3A_573 : vector<16xf32>
      %parallel_loop3A_575 = arith.constant 16 : i32
      %parallel_loop3A_576 = arith.muli %parallel_loop3A_473, %parallel_loop3A_575 : i32
      %parallel_loop3A_577 = arith.constant 6 : i32
      %parallel_loop3A_578 = arith.index_cast %parallel_loop3A_577 : i32 to index
      %parallel_loop3A_579 = arith.index_cast %parallel_loop3A_576 : i32 to index
      %parallel_loop3A_580 = tpu.vector_load %arg6[%parallel_loop3A_578, %parallel_loop3A_579] {strides = array<i32>} : memref<8x4096xf32, #tpu.memory_space<vmem>>, vector<1x16xf32>,
      %parallel_loop3A_581 = vector.shape_cast %parallel_loop3A_580 : vector<1x16xf32> to vector<16xf32>
      %parallel_loop3A_582 = arith.cmpf ogt, %parallel_loop3A_581, %parallel_loop3A_480 : vector<16xf32>
      %parallel_loop3A_583 = arith.maximumf %parallel_loop3A_480, %parallel_loop3A_581 : vector<16xf32>
      %parallel_loop3A_584 = arith.select %parallel_loop3A_582, %parallel_loop3A_502, %parallel_loop3A_496 : vector<16xi1>, vector<16xi32>
      %parallel_loop3A_585 = math.exp %parallel_loop3A_581 : vector<16xf32>
      %parallel_loop3A_586 = arith.addf %parallel_loop3A_488, %parallel_loop3A_585 : vector<16xf32>
      %parallel_loop3A_587 = arith.constant 16 : i32
      %parallel_loop3A_588 = arith.muli %parallel_loop3A_473, %parallel_loop3A_587 : i32
      %parallel_loop3A_589 = arith.constant 7 : i32
      %parallel_loop3A_590 = arith.index_cast %parallel_loop3A_589 : i32 to index
      %parallel_loop3A_591 = arith.index_cast %parallel_loop3A_588 : i32 to index
      %parallel_loop3A_592 = tpu.vector_load %arg6[%parallel_loop3A_590, %parallel_loop3A_591] {strides = array<i32>} : memref<8x4096xf32, #tpu.memory_space<vmem>>, vector<1x16xf32>,
      %parallel_loop3A_593 = vector.shape_cast %parallel_loop3A_592 : vector<1x16xf32> to vector<16xf32>
      %parallel_loop3A_594 = arith.cmpf ogt, %parallel_loop3A_593, %parallel_loop3A_481 : vector<16xf32>
      %parallel_loop3A_595 = arith.maximumf %parallel_loop3A_481, %parallel_loop3A_593 : vector<16xf32>
      %parallel_loop3A_596 = arith.select %parallel_loop3A_594, %parallel_loop3A_502, %parallel_loop3A_497 : vector<16xi1>, vector<16xi32>
      %parallel_loop3A_597 = math.exp %parallel_loop3A_593 : vector<16xf32>
      %parallel_loop3A_598 = arith.addf %parallel_loop3A_489, %parallel_loop3A_597 : vector<16xf32>
      scf.yield %parallel_loop3A_511, %parallel_loop3A_523, %parallel_loop3A_535, %parallel_loop3A_547, %parallel_loop3A_559, %parallel_loop3A_571, %parallel_loop3A_583, %parallel_loop3A_595, %parallel_loop3A_514, %parallel_loop3A_526, %parallel_loop3A_538, %parallel_loop3A_550, %parallel_loop3A_562, %parallel_loop3A_574, %parallel_loop3A_586, %parallel_loop3A_598, %parallel_loop3A_512, %parallel_loop3A_524, %parallel_loop3A_536, %parallel_loop3A_548, %parallel_loop3A_560, %parallel_loop3A_572, %parallel_loop3A_584, %parallel_loop3A_596 : vector<16xf32>, vector<16xf32>, vector<16xf32>, vector<16xf32>, vector<16xf32>, vector<16xf32>, vector<16xf32>, vector<16xf32>, vector<16xf32>, vector<16xf32>, vector<16xf32>, vector<16xf32>, vector<16xf32>, vector<16xf32>, vector<16xf32>, vector<16xf32>, vector<16xi32>, vector<16xi32>, vector<16xi32>, vector<16xi32>, vector<16xi32>, vector<16xi32>, vector<16xi32>, vector<16xi32>
    } {sc.loop_unroll_factor = 4 : i64, sc.parallel_access}
    %mul3A_95 = arith.constant 8 : i32
    %mul3A_96 = arith.muli %select_n3A, %mul3A_95 : i32
    %add3A_97 = arith.constant 8192 : i32
    %add3A_98 = arith.addi %mul3A_32, %add3A_97 : i32
    %dma_start3A_99 = tpu.memref_slice %arg2[%mul3A_96, %add3A_98] : memref<32x1000000xf32, #tpu.memory_space<hbm>> -> memref<8x4096xf32, #tpu.memory_space<hbm>>
    %dma_start3A_100 = tpu.memref_slice %arg2[%mul3A_96, %add3A_98] : memref<32x1000000xf32, #tpu.memory_space<hbm>> -> memref<8x4096xf32, #tpu.memory_space<hbm>>
    tpu.enqueue_dma source(%dma_start3A_100 : memref<8x4096xf32, #tpu.memory_space<hbm>>) target(%arg6 : memref<8x4096xf32, #tpu.memory_space<vmem>>) target_semaphore(%arg9 : memref<!tpu.dma_semaphore, #tpu.memory_space<semaphore_mem>>)
    %dma_wait3A_101 = tpu.memref_slice %arg2[%mul3A_84, %add3A_86] : memref<32x1000000xf32, #tpu.memory_space<hbm>> -> memref<8x4096xf32, #tpu.memory_space<hbm>>
    %dma_wait3A_102 = tpu.memref_slice %arg2[%mul3A_84, %add3A_86] : memref<32x1000000xf32, #tpu.memory_space<hbm>> -> memref<8x4096xf32, #tpu.memory_space<hbm>>
    tpu.wait_dma2 semaphore(%arg10 : memref<!tpu.dma_semaphore, #tpu.memory_space<semaphore_mem>>) src(%dma_wait3A_102 : memref<8x4096xf32, #tpu.memory_space<hbm>>) dst(%arg7 : memref<8x4096xf32, #tpu.memory_space<vmem>>)
    %add3A_103 = arith.constant 4096 : i32
    %add3A_104 = arith.addi %mul3A_32, %add3A_103 : i32
    %parallel_loop3A_105 = arith.constant 0 : i32
    %parallel_loop3A_106 = arith.constant 256 : i32
    %parallel_loop3A_107 = arith.constant 1 : i32
    %parallel_loop3A_108:24 = scf.for %parallel_loop3A_473 = %parallel_loop3A_105 to %parallel_loop3A_106 step %parallel_loop3A_107 iter_args(%parallel_loop3A_474 = %parallel_loop3A_94#0, %parallel_loop3A_475 = %parallel_loop3A_94#1, %parallel_loop3A_476 = %parallel_loop3A_94#2, %parallel_loop3A_477 = %parallel_loop3A_94#3, %parallel_loop3A_478 = %parallel_loop3A_94#4, %parallel_loop3A_479 = %parallel_loop3A_94#5, %parallel_loop3A_480 = %parallel_loop3A_94#6, %parallel_loop3A_481 = %parallel_loop3A_94#7, %parallel_loop3A_482 = %parallel_loop3A_94#8, %parallel_loop3A_483 = %parallel_loop3A_94#9, %parallel_loop3A_484 = %parallel_loop3A_94#10, %parallel_loop3A_485 = %parallel_loop3A_94#11, %parallel_loop3A_486 = %parallel_loop3A_94#12, %parallel_loop3A_487 = %parallel_loop3A_94#13, %parallel_loop3A_488 = %parallel_loop3A_94#14, %parallel_loop3A_489 = %parallel_loop3A_94#15, %parallel_loop3A_490 = %parallel_loop3A_94#16, %parallel_loop3A_491 = %parallel_loop3A_94#17, %parallel_loop3A_492 = %parallel_loop3A_94#18, %parallel_loop3A_493 = %parallel_loop3A_94#19, %parallel_loop3A_494 = %parallel_loop3A_94#20, %parallel_loop3A_495 = %parallel_loop3A_94#21, %parallel_loop3A_496 = %parallel_loop3A_94#22, %parallel_loop3A_497 = %parallel_loop3A_94#23) -> (vector<16xf32>, vector<16xf32>, vector<16xf32>, vector<16xf32>, vector<16xf32>, vector<16xf32>, vector<16xf32>, vector<16xf32>, vector<16xf32>, vector<16xf32>, vector<16xf32>, vector<16xf32>, vector<16xf32>, vector<16xf32>, vector<16xf32>, vector<16xf32>, vector<16xi32>, vector<16xi32>, vector<16xi32>, vector<16xi32>, vector<16xi32>, vector<16xi32>, vector<16xi32>, vector<16xi32>)  : i32 {
      %parallel_loop3A_498 = arith.constant 16 : i32
      %parallel_loop3A_499 = arith.muli %parallel_loop3A_473, %parallel_loop3A_498 : i32
      %parallel_loop3A_500 = arith.addi %add3A_104, %parallel_loop3A_499 : i32
      %parallel_loop3A_501 = vector.broadcast %parallel_loop3A_500 : i32 to vector<16xi32>
      %parallel_loop3A_502 = arith.addi %iota3A, %parallel_loop3A_501 : vector<16xi32>
      %parallel_loop3A_503 = arith.constant 16 : i32
      %parallel_loop3A_504 = arith.muli %parallel_loop3A_473, %parallel_loop3A_503 : i32
      %parallel_loop3A_505 = arith.constant 0 : i32
      %parallel_loop3A_506 = arith.index_cast %parallel_loop3A_505 : i32 to index
      %parallel_loop3A_507 = arith.index_cast %parallel_loop3A_504 : i32 to index
      %parallel_loop3A_508 = tpu.vector_load %arg7[%parallel_loop3A_506, %parallel_loop3A_507] {strides = array<i32>} : memref<8x4096xf32, #tpu.memory_space<vmem>>, vector<1x16xf32>,
      %parallel_loop3A_509 = vector.shape_cast %parallel_loop3A_508 : vector<1x16xf32> to vector<16xf32>
      %parallel_loop3A_510 = arith.cmpf ogt, %parallel_loop3A_509, %parallel_loop3A_474 : vector<16xf32>
      %parallel_loop3A_511 = arith.maximumf %parallel_loop3A_474, %parallel_loop3A_509 : vector<16xf32>
      %parallel_loop3A_512 = arith.select %parallel_loop3A_510, %parallel_loop3A_502, %parallel_loop3A_490 : vector<16xi1>, vector<16xi32>
      %parallel_loop3A_513 = math.exp %parallel_loop3A_509 : vector<16xf32>
      %parallel_loop3A_514 = arith.addf %parallel_loop3A_482, %parallel_loop3A_513 : vector<16xf32>
      %parallel_loop3A_515 = arith.constant 16 : i32
      %parallel_loop3A_516 = arith.muli %parallel_loop3A_473, %parallel_loop3A_515 : i32
      %parallel_loop3A_517 = arith.constant 1 : i32
      %parallel_loop3A_518 = arith.index_cast %parallel_loop3A_517 : i32 to index
      %parallel_loop3A_519 = arith.index_cast %parallel_loop3A_516 : i32 to index
      %parallel_loop3A_520 = tpu.vector_load %arg7[%parallel_loop3A_518, %parallel_loop3A_519] {strides = array<i32>} : memref<8x4096xf32, #tpu.memory_space<vmem>>, vector<1x16xf32>,
      %parallel_loop3A_521 = vector.shape_cast %parallel_loop3A_520 : vector<1x16xf32> to vector<16xf32>
      %parallel_loop3A_522 = arith.cmpf ogt, %parallel_loop3A_521, %parallel_loop3A_475 : vector<16xf32>
      %parallel_loop3A_523 = arith.maximumf %parallel_loop3A_475, %parallel_loop3A_521 : vector<16xf32>
      %parallel_loop3A_524 = arith.select %parallel_loop3A_522, %parallel_loop3A_502, %parallel_loop3A_491 : vector<16xi1>, vector<16xi32>
      %parallel_loop3A_525 = math.exp %parallel_loop3A_521 : vector<16xf32>
      %parallel_loop3A_526 = arith.addf %parallel_loop3A_483, %parallel_loop3A_525 : vector<16xf32>
      %parallel_loop3A_527 = arith.constant 16 : i32
      %parallel_loop3A_528 = arith.muli %parallel_loop3A_473, %parallel_loop3A_527 : i32
      %parallel_loop3A_529 = arith.constant 2 : i32
      %parallel_loop3A_530 = arith.index_cast %parallel_loop3A_529 : i32 to index
      %parallel_loop3A_531 = arith.index_cast %parallel_loop3A_528 : i32 to index
      %parallel_loop3A_532 = tpu.vector_load %arg7[%parallel_loop3A_530, %parallel_loop3A_531] {strides = array<i32>} : memref<8x4096xf32, #tpu.memory_space<vmem>>, vector<1x16xf32>,
      %parallel_loop3A_533 = vector.shape_cast %parallel_loop3A_532 : vector<1x16xf32> to vector<16xf32>
      %parallel_loop3A_534 = arith.cmpf ogt, %parallel_loop3A_533, %parallel_loop3A_476 : vector<16xf32>
      %parallel_loop3A_535 = arith.maximumf %parallel_loop3A_476, %parallel_loop3A_533 : vector<16xf32>
      %parallel_loop3A_536 = arith.select %parallel_loop3A_534, %parallel_loop3A_502, %parallel_loop3A_492 : vector<16xi1>, vector<16xi32>
      %parallel_loop3A_537 = math.exp %parallel_loop3A_533 : vector<16xf32>
      %parallel_loop3A_538 = arith.addf %parallel_loop3A_484, %parallel_loop3A_537 : vector<16xf32>
      %parallel_loop3A_539 = arith.constant 16 : i32
      %parallel_loop3A_540 = arith.muli %parallel_loop3A_473, %parallel_loop3A_539 : i32
      %parallel_loop3A_541 = arith.constant 3 : i32
      %parallel_loop3A_542 = arith.index_cast %parallel_loop3A_541 : i32 to index
      %parallel_loop3A_543 = arith.index_cast %parallel_loop3A_540 : i32 to index
      %parallel_loop3A_544 = tpu.vector_load %arg7[%parallel_loop3A_542, %parallel_loop3A_543] {strides = array<i32>} : memref<8x4096xf32, #tpu.memory_space<vmem>>, vector<1x16xf32>,
      %parallel_loop3A_545 = vector.shape_cast %parallel_loop3A_544 : vector<1x16xf32> to vector<16xf32>
      %parallel_loop3A_546 = arith.cmpf ogt, %parallel_loop3A_545, %parallel_loop3A_477 : vector<16xf32>
      %parallel_loop3A_547 = arith.maximumf %parallel_loop3A_477, %parallel_loop3A_545 : vector<16xf32>
      %parallel_loop3A_548 = arith.select %parallel_loop3A_546, %parallel_loop3A_502, %parallel_loop3A_493 : vector<16xi1>, vector<16xi32>
      %parallel_loop3A_549 = math.exp %parallel_loop3A_545 : vector<16xf32>
      %parallel_loop3A_550 = arith.addf %parallel_loop3A_485, %parallel_loop3A_549 : vector<16xf32>
      %parallel_loop3A_551 = arith.constant 16 : i32
      %parallel_loop3A_552 = arith.muli %parallel_loop3A_473, %parallel_loop3A_551 : i32
      %parallel_loop3A_553 = arith.constant 4 : i32
      %parallel_loop3A_554 = arith.index_cast %parallel_loop3A_553 : i32 to index
      %parallel_loop3A_555 = arith.index_cast %parallel_loop3A_552 : i32 to index
      %parallel_loop3A_556 = tpu.vector_load %arg7[%parallel_loop3A_554, %parallel_loop3A_555] {strides = array<i32>} : memref<8x4096xf32, #tpu.memory_space<vmem>>, vector<1x16xf32>,
      %parallel_loop3A_557 = vector.shape_cast %parallel_loop3A_556 : vector<1x16xf32> to vector<16xf32>
      %parallel_loop3A_558 = arith.cmpf ogt, %parallel_loop3A_557, %parallel_loop3A_478 : vector<16xf32>
      %parallel_loop3A_559 = arith.maximumf %parallel_loop3A_478, %parallel_loop3A_557 : vector<16xf32>
      %parallel_loop3A_560 = arith.select %parallel_loop3A_558, %parallel_loop3A_502, %parallel_loop3A_494 : vector<16xi1>, vector<16xi32>
      %parallel_loop3A_561 = math.exp %parallel_loop3A_557 : vector<16xf32>
      %parallel_loop3A_562 = arith.addf %parallel_loop3A_486, %parallel_loop3A_561 : vector<16xf32>
      %parallel_loop3A_563 = arith.constant 16 : i32
      %parallel_loop3A_564 = arith.muli %parallel_loop3A_473, %parallel_loop3A_563 : i32
      %parallel_loop3A_565 = arith.constant 5 : i32
      %parallel_loop3A_566 = arith.index_cast %parallel_loop3A_565 : i32 to index
      %parallel_loop3A_567 = arith.index_cast %parallel_loop3A_564 : i32 to index
      %parallel_loop3A_568 = tpu.vector_load %arg7[%parallel_loop3A_566, %parallel_loop3A_567] {strides = array<i32>} : memref<8x4096xf32, #tpu.memory_space<vmem>>, vector<1x16xf32>,
      %parallel_loop3A_569 = vector.shape_cast %parallel_loop3A_568 : vector<1x16xf32> to vector<16xf32>
      %parallel_loop3A_570 = arith.cmpf ogt, %parallel_loop3A_569, %parallel_loop3A_479 : vector<16xf32>
      %parallel_loop3A_571 = arith.maximumf %parallel_loop3A_479, %parallel_loop3A_569 : vector<16xf32>
      %parallel_loop3A_572 = arith.select %parallel_loop3A_570, %parallel_loop3A_502, %parallel_loop3A_495 : vector<16xi1>, vector<16xi32>
      %parallel_loop3A_573 = math.exp %parallel_loop3A_569 : vector<16xf32>
      %parallel_loop3A_574 = arith.addf %parallel_loop3A_487, %parallel_loop3A_573 : vector<16xf32>
      %parallel_loop3A_575 = arith.constant 16 : i32
      %parallel_loop3A_576 = arith.muli %parallel_loop3A_473, %parallel_loop3A_575 : i32
      %parallel_loop3A_577 = arith.constant 6 : i32
      %parallel_loop3A_578 = arith.index_cast %parallel_loop3A_577 : i32 to index
      %parallel_loop3A_579 = arith.index_cast %parallel_loop3A_576 : i32 to index
      %parallel_loop3A_580 = tpu.vector_load %arg7[%parallel_loop3A_578, %parallel_loop3A_579] {strides = array<i32>} : memref<8x4096xf32, #tpu.memory_space<vmem>>, vector<1x16xf32>,
      %parallel_loop3A_581 = vector.shape_cast %parallel_loop3A_580 : vector<1x16xf32> to vector<16xf32>
      %parallel_loop3A_582 = arith.cmpf ogt, %parallel_loop3A_581, %parallel_loop3A_480 : vector<16xf32>
      %parallel_loop3A_583 = arith.maximumf %parallel_loop3A_480, %parallel_loop3A_581 : vector<16xf32>
      %parallel_loop3A_584 = arith.select %parallel_loop3A_582, %parallel_loop3A_502, %parallel_loop3A_496 : vector<16xi1>, vector<16xi32>
      %parallel_loop3A_585 = math.exp %parallel_loop3A_581 : vector<16xf32>
      %parallel_loop3A_586 = arith.addf %parallel_loop3A_488, %parallel_loop3A_585 : vector<16xf32>
      %parallel_loop3A_587 = arith.constant 16 : i32
      %parallel_loop3A_588 = arith.muli %parallel_loop3A_473, %parallel_loop3A_587 : i32
      %parallel_loop3A_589 = arith.constant 7 : i32
      %parallel_loop3A_590 = arith.index_cast %parallel_loop3A_589 : i32 to index
      %parallel_loop3A_591 = arith.index_cast %parallel_loop3A_588 : i32 to index
      %parallel_loop3A_592 = tpu.vector_load %arg7[%parallel_loop3A_590, %parallel_loop3A_591] {strides = array<i32>} : memref<8x4096xf32, #tpu.memory_space<vmem>>, vector<1x16xf32>,
      %parallel_loop3A_593 = vector.shape_cast %parallel_loop3A_592 : vector<1x16xf32> to vector<16xf32>
      %parallel_loop3A_594 = arith.cmpf ogt, %parallel_loop3A_593, %parallel_loop3A_481 : vector<16xf32>
      %parallel_loop3A_595 = arith.maximumf %parallel_loop3A_481, %parallel_loop3A_593 : vector<16xf32>
      %parallel_loop3A_596 = arith.select %parallel_loop3A_594, %parallel_loop3A_502, %parallel_loop3A_497 : vector<16xi1>, vector<16xi32>
      %parallel_loop3A_597 = math.exp %parallel_loop3A_593 : vector<16xf32>
      %parallel_loop3A_598 = arith.addf %parallel_loop3A_489, %parallel_loop3A_597 : vector<16xf32>
      scf.yield %parallel_loop3A_511, %parallel_loop3A_523, %parallel_loop3A_535, %parallel_loop3A_547, %parallel_loop3A_559, %parallel_loop3A_571, %parallel_loop3A_583, %parallel_loop3A_595, %parallel_loop3A_514, %parallel_loop3A_526, %parallel_loop3A_538, %parallel_loop3A_550, %parallel_loop3A_562, %parallel_loop3A_574, %parallel_loop3A_586, %parallel_loop3A_598, %parallel_loop3A_512, %parallel_loop3A_524, %parallel_loop3A_536, %parallel_loop3A_548, %parallel_loop3A_560, %parallel_loop3A_572, %parallel_loop3A_584, %parallel_loop3A_596 : vector<16xf32>, vector<16xf32>, vector<16xf32>, vector<16xf32>, vector<16xf32>, vector<16xf32>, vector<16xf32>, vector<16xf32>, vector<16xf32>, vector<16xf32>, vector<16xf32>, vector<16xf32>, vector<16xf32>, vector<16xf32>, vector<16xf32>, vector<16xf32>, vector<16xi32>, vector<16xi32>, vector<16xi32>, vector<16xi32>, vector<16xi32>, vector<16xi32>, vector<16xi32>, vector<16xi32>
    } {sc.loop_unroll_factor = 4 : i64, sc.parallel_access}
    %mul3A_109 = arith.constant 8 : i32
    %mul3A_110 = arith.muli %select_n3A, %mul3A_109 : i32
    %add3A_111 = arith.constant 12288 : i32
    %add3A_112 = arith.addi %mul3A_32, %add3A_111 : i32
    %dma_start3A_113 = tpu.memref_slice %arg2[%mul3A_110, %add3A_112] : memref<32x1000000xf32, #tpu.memory_space<hbm>> -> memref<8x4096xf32, #tpu.memory_space<hbm>>
    %dma_start3A_114 = tpu.memref_slice %arg2[%mul3A_110, %add3A_112] : memref<32x1000000xf32, #tpu.memory_space<hbm>> -> memref<8x4096xf32, #tpu.memory_space<hbm>>
    tpu.enqueue_dma source(%dma_start3A_114 : memref<8x4096xf32, #tpu.memory_space<hbm>>) target(%arg7 : memref<8x4096xf32, #tpu.memory_space<vmem>>) target_semaphore(%arg10 : memref<!tpu.dma_semaphore, #tpu.memory_space<semaphore_mem>>)
    %dma_wait3A_115 = tpu.memref_slice %arg2[%mul3A_96, %add3A_98] : memref<32x1000000xf32, #tpu.memory_space<hbm>> -> memref<8x4096xf32, #tpu.memory_space<hbm>>
    %dma_wait3A_116 = tpu.memref_slice %arg2[%mul3A_96, %add3A_98] : memref<32x1000000xf32, #tpu.memory_space<hbm>> -> memref<8x4096xf32, #tpu.memory_space<hbm>>
    tpu.wait_dma2 semaphore(%arg9 : memref<!tpu.dma_semaphore, #tpu.memory_space<semaphore_mem>>) src(%dma_wait3A_116 : memref<8x4096xf32, #tpu.memory_space<hbm>>) dst(%arg6 : memref<8x4096xf32, #tpu.memory_space<vmem>>)
    %add3A_117 = arith.constant 8192 : i32
    %add3A_118 = arith.addi %mul3A_32, %add3A_117 : i32
    %parallel_loop3A_119 = arith.constant 0 : i32
    %parallel_loop3A_120 = arith.constant 256 : i32
    %parallel_loop3A_121 = arith.constant 1 : i32
    %parallel_loop3A_122:24 = scf.for %parallel_loop3A_473 = %parallel_loop3A_119 to %parallel_loop3A_120 step %parallel_loop3A_121 iter_args(%parallel_loop3A_474 = %parallel_loop3A_108#0, %parallel_loop3A_475 = %parallel_loop3A_108#1, %parallel_loop3A_476 = %parallel_loop3A_108#2, %parallel_loop3A_477 = %parallel_loop3A_108#3, %parallel_loop3A_478 = %parallel_loop3A_108#4, %parallel_loop3A_479 = %parallel_loop3A_108#5, %parallel_loop3A_480 = %parallel_loop3A_108#6, %parallel_loop3A_481 = %parallel_loop3A_108#7, %parallel_loop3A_482 = %parallel_loop3A_108#8, %parallel_loop3A_483 = %parallel_loop3A_108#9, %parallel_loop3A_484 = %parallel_loop3A_108#10, %parallel_loop3A_485 = %parallel_loop3A_108#11, %parallel_loop3A_486 = %parallel_loop3A_108#12, %parallel_loop3A_487 = %parallel_loop3A_108#13, %parallel_loop3A_488 = %parallel_loop3A_108#14, %parallel_loop3A_489 = %parallel_loop3A_108#15, %parallel_loop3A_490 = %parallel_loop3A_108#16, %parallel_loop3A_491 = %parallel_loop3A_108#17, %parallel_loop3A_492 = %parallel_loop3A_108#18, %parallel_loop3A_493 = %parallel_loop3A_108#19, %parallel_loop3A_494 = %parallel_loop3A_108#20, %parallel_loop3A_495 = %parallel_loop3A_108#21, %parallel_loop3A_496 = %parallel_loop3A_108#22, %parallel_loop3A_497 = %parallel_loop3A_108#23) -> (vector<16xf32>, vector<16xf32>, vector<16xf32>, vector<16xf32>, vector<16xf32>, vector<16xf32>, vector<16xf32>, vector<16xf32>, vector<16xf32>, vector<16xf32>, vector<16xf32>, vector<16xf32>, vector<16xf32>, vector<16xf32>, vector<16xf32>, vector<16xf32>, vector<16xi32>, vector<16xi32>, vector<16xi32>, vector<16xi32>, vector<16xi32>, vector<16xi32>, vector<16xi32>, vector<16xi32>)  : i32 {
      %parallel_loop3A_498 = arith.constant 16 : i32
      %parallel_loop3A_499 = arith.muli %parallel_loop3A_473, %parallel_loop3A_498 : i32
      %parallel_loop3A_500 = arith.addi %add3A_118, %parallel_loop3A_499 : i32
      %parallel_loop3A_501 = vector.broadcast %parallel_loop3A_500 : i32 to vector<16xi32>
      %parallel_loop3A_502 = arith.addi %iota3A, %parallel_loop3A_501 : vector<16xi32>
      %parallel_loop3A_503 = arith.constant 16 : i32
      %parallel_loop3A_504 = arith.muli %parallel_loop3A_473, %parallel_loop3A_503 : i32
      %parallel_loop3A_505 = arith.constant 0 : i32
      %parallel_loop3A_506 = arith.index_cast %parallel_loop3A_505 : i32 to index
      %parallel_loop3A_507 = arith.index_cast %parallel_loop3A_504 : i32 to index
      %parallel_loop3A_508 = tpu.vector_load %arg6[%parallel_loop3A_506, %parallel_loop3A_507] {strides = array<i32>} : memref<8x4096xf32, #tpu.memory_space<vmem>>, vector<1x16xf32>,
      %parallel_loop3A_509 = vector.shape_cast %parallel_loop3A_508 : vector<1x16xf32> to vector<16xf32>
      %parallel_loop3A_510 = arith.cmpf ogt, %parallel_loop3A_509, %parallel_loop3A_474 : vector<16xf32>
      %parallel_loop3A_511 = arith.maximumf %parallel_loop3A_474, %parallel_loop3A_509 : vector<16xf32>
      %parallel_loop3A_512 = arith.select %parallel_loop3A_510, %parallel_loop3A_502, %parallel_loop3A_490 : vector<16xi1>, vector<16xi32>
      %parallel_loop3A_513 = math.exp %parallel_loop3A_509 : vector<16xf32>
      %parallel_loop3A_514 = arith.addf %parallel_loop3A_482, %parallel_loop3A_513 : vector<16xf32>
      %parallel_loop3A_515 = arith.constant 16 : i32
      %parallel_loop3A_516 = arith.muli %parallel_loop3A_473, %parallel_loop3A_515 : i32
      %parallel_loop3A_517 = arith.constant 1 : i32
      %parallel_loop3A_518 = arith.index_cast %parallel_loop3A_517 : i32 to index
      %parallel_loop3A_519 = arith.index_cast %parallel_loop3A_516 : i32 to index
      %parallel_loop3A_520 = tpu.vector_load %arg6[%parallel_loop3A_518, %parallel_loop3A_519] {strides = array<i32>} : memref<8x4096xf32, #tpu.memory_space<vmem>>, vector<1x16xf32>,
      %parallel_loop3A_521 = vector.shape_cast %parallel_loop3A_520 : vector<1x16xf32> to vector<16xf32>
      %parallel_loop3A_522 = arith.cmpf ogt, %parallel_loop3A_521, %parallel_loop3A_475 : vector<16xf32>
      %parallel_loop3A_523 = arith.maximumf %parallel_loop3A_475, %parallel_loop3A_521 : vector<16xf32>
      %parallel_loop3A_524 = arith.select %parallel_loop3A_522, %parallel_loop3A_502, %parallel_loop3A_491 : vector<16xi1>, vector<16xi32>
      %parallel_loop3A_525 = math.exp %parallel_loop3A_521 : vector<16xf32>
      %parallel_loop3A_526 = arith.addf %parallel_loop3A_483, %parallel_loop3A_525 : vector<16xf32>
      %parallel_loop3A_527 = arith.constant 16 : i32
      %parallel_loop3A_528 = arith.muli %parallel_loop3A_473, %parallel_loop3A_527 : i32
      %parallel_loop3A_529 = arith.constant 2 : i32
      %parallel_loop3A_530 = arith.index_cast %parallel_loop3A_529 : i32 to index
      %parallel_loop3A_531 = arith.index_cast %parallel_loop3A_528 : i32 to index
      %parallel_loop3A_532 = tpu.vector_load %arg6[%parallel_loop3A_530, %parallel_loop3A_531] {strides = array<i32>} : memref<8x4096xf32, #tpu.memory_space<vmem>>, vector<1x16xf32>,
      %parallel_loop3A_533 = vector.shape_cast %parallel_loop3A_532 : vector<1x16xf32> to vector<16xf32>
      %parallel_loop3A_534 = arith.cmpf ogt, %parallel_loop3A_533, %parallel_loop3A_476 : vector<16xf32>
      %parallel_loop3A_535 = arith.maximumf %parallel_loop3A_476, %parallel_loop3A_533 : vector<16xf32>
      %parallel_loop3A_536 = arith.select %parallel_loop3A_534, %parallel_loop3A_502, %parallel_loop3A_492 : vector<16xi1>, vector<16xi32>
      %parallel_loop3A_537 = math.exp %parallel_loop3A_533 : vector<16xf32>
      %parallel_loop3A_538 = arith.addf %parallel_loop3A_484, %parallel_loop3A_537 : vector<16xf32>
      %parallel_loop3A_539 = arith.constant 16 : i32
      %parallel_loop3A_540 = arith.muli %parallel_loop3A_473, %parallel_loop3A_539 : i32
      %parallel_loop3A_541 = arith.constant 3 : i32
      %parallel_loop3A_542 = arith.index_cast %parallel_loop3A_541 : i32 to index
      %parallel_loop3A_543 = arith.index_cast %parallel_loop3A_540 : i32 to index
      %parallel_loop3A_544 = tpu.vector_load %arg6[%parallel_loop3A_542, %parallel_loop3A_543] {strides = array<i32>} : memref<8x4096xf32, #tpu.memory_space<vmem>>, vector<1x16xf32>,
      %parallel_loop3A_545 = vector.shape_cast %parallel_loop3A_544 : vector<1x16xf32> to vector<16xf32>
      %parallel_loop3A_546 = arith.cmpf ogt, %parallel_loop3A_545, %parallel_loop3A_477 : vector<16xf32>
      %parallel_loop3A_547 = arith.maximumf %parallel_loop3A_477, %parallel_loop3A_545 : vector<16xf32>
      %parallel_loop3A_548 = arith.select %parallel_loop3A_546, %parallel_loop3A_502, %parallel_loop3A_493 : vector<16xi1>, vector<16xi32>
      %parallel_loop3A_549 = math.exp %parallel_loop3A_545 : vector<16xf32>
      %parallel_loop3A_550 = arith.addf %parallel_loop3A_485, %parallel_loop3A_549 : vector<16xf32>
      %parallel_loop3A_551 = arith.constant 16 : i32
      %parallel_loop3A_552 = arith.muli %parallel_loop3A_473, %parallel_loop3A_551 : i32
      %parallel_loop3A_553 = arith.constant 4 : i32
      %parallel_loop3A_554 = arith.index_cast %parallel_loop3A_553 : i32 to index
      %parallel_loop3A_555 = arith.index_cast %parallel_loop3A_552 : i32 to index
      %parallel_loop3A_556 = tpu.vector_load %arg6[%parallel_loop3A_554, %parallel_loop3A_555] {strides = array<i32>} : memref<8x4096xf32, #tpu.memory_space<vmem>>, vector<1x16xf32>,
      %parallel_loop3A_557 = vector.shape_cast %parallel_loop3A_556 : vector<1x16xf32> to vector<16xf32>
      %parallel_loop3A_558 = arith.cmpf ogt, %parallel_loop3A_557, %parallel_loop3A_478 : vector<16xf32>
      %parallel_loop3A_559 = arith.maximumf %parallel_loop3A_478, %parallel_loop3A_557 : vector<16xf32>
      %parallel_loop3A_560 = arith.select %parallel_loop3A_558, %parallel_loop3A_502, %parallel_loop3A_494 : vector<16xi1>, vector<16xi32>
      %parallel_loop3A_561 = math.exp %parallel_loop3A_557 : vector<16xf32>
      %parallel_loop3A_562 = arith.addf %parallel_loop3A_486, %parallel_loop3A_561 : vector<16xf32>
      %parallel_loop3A_563 = arith.constant 16 : i32
      %parallel_loop3A_564 = arith.muli %parallel_loop3A_473, %parallel_loop3A_563 : i32
      %parallel_loop3A_565 = arith.constant 5 : i32
      %parallel_loop3A_566 = arith.index_cast %parallel_loop3A_565 : i32 to index
      %parallel_loop3A_567 = arith.index_cast %parallel_loop3A_564 : i32 to index
      %parallel_loop3A_568 = tpu.vector_load %arg6[%parallel_loop3A_566, %parallel_loop3A_567] {strides = array<i32>} : memref<8x4096xf32, #tpu.memory_space<vmem>>, vector<1x16xf32>,
      %parallel_loop3A_569 = vector.shape_cast %parallel_loop3A_568 : vector<1x16xf32> to vector<16xf32>
      %parallel_loop3A_570 = arith.cmpf ogt, %parallel_loop3A_569, %parallel_loop3A_479 : vector<16xf32>
      %parallel_loop3A_571 = arith.maximumf %parallel_loop3A_479, %parallel_loop3A_569 : vector<16xf32>
      %parallel_loop3A_572 = arith.select %parallel_loop3A_570, %parallel_loop3A_502, %parallel_loop3A_495 : vector<16xi1>, vector<16xi32>
      %parallel_loop3A_573 = math.exp %parallel_loop3A_569 : vector<16xf32>
      %parallel_loop3A_574 = arith.addf %parallel_loop3A_487, %parallel_loop3A_573 : vector<16xf32>
      %parallel_loop3A_575 = arith.constant 16 : i32
      %parallel_loop3A_576 = arith.muli %parallel_loop3A_473, %parallel_loop3A_575 : i32
      %parallel_loop3A_577 = arith.constant 6 : i32
      %parallel_loop3A_578 = arith.index_cast %parallel_loop3A_577 : i32 to index
      %parallel_loop3A_579 = arith.index_cast %parallel_loop3A_576 : i32 to index
      %parallel_loop3A_580 = tpu.vector_load %arg6[%parallel_loop3A_578, %parallel_loop3A_579] {strides = array<i32>} : memref<8x4096xf32, #tpu.memory_space<vmem>>, vector<1x16xf32>,
      %parallel_loop3A_581 = vector.shape_cast %parallel_loop3A_580 : vector<1x16xf32> to vector<16xf32>
      %parallel_loop3A_582 = arith.cmpf ogt, %parallel_loop3A_581, %parallel_loop3A_480 : vector<16xf32>
      %parallel_loop3A_583 = arith.maximumf %parallel_loop3A_480, %parallel_loop3A_581 : vector<16xf32>
      %parallel_loop3A_584 = arith.select %parallel_loop3A_582, %parallel_loop3A_502, %parallel_loop3A_496 : vector<16xi1>, vector<16xi32>
      %parallel_loop3A_585 = math.exp %parallel_loop3A_581 : vector<16xf32>
      %parallel_loop3A_586 = arith.addf %parallel_loop3A_488, %parallel_loop3A_585 : vector<16xf32>
      %parallel_loop3A_587 = arith.constant 16 : i32
      %parallel_loop3A_588 = arith.muli %parallel_loop3A_473, %parallel_loop3A_587 : i32
      %parallel_loop3A_589 = arith.constant 7 : i32
      %parallel_loop3A_590 = arith.index_cast %parallel_loop3A_589 : i32 to index
      %parallel_loop3A_591 = arith.index_cast %parallel_loop3A_588 : i32 to index
      %parallel_loop3A_592 = tpu.vector_load %arg6[%parallel_loop3A_590, %parallel_loop3A_591] {strides = array<i32>} : memref<8x4096xf32, #tpu.memory_space<vmem>>, vector<1x16xf32>,
      %parallel_loop3A_593 = vector.shape_cast %parallel_loop3A_592 : vector<1x16xf32> to vector<16xf32>
      %parallel_loop3A_594 = arith.cmpf ogt, %parallel_loop3A_593, %parallel_loop3A_481 : vector<16xf32>
      %parallel_loop3A_595 = arith.maximumf %parallel_loop3A_481, %parallel_loop3A_593 : vector<16xf32>
      %parallel_loop3A_596 = arith.select %parallel_loop3A_594, %parallel_loop3A_502, %parallel_loop3A_497 : vector<16xi1>, vector<16xi32>
      %parallel_loop3A_597 = math.exp %parallel_loop3A_593 : vector<16xf32>
      %parallel_loop3A_598 = arith.addf %parallel_loop3A_489, %parallel_loop3A_597 : vector<16xf32>
      scf.yield %parallel_loop3A_511, %parallel_loop3A_523, %parallel_loop3A_535, %parallel_loop3A_547, %parallel_loop3A_559, %parallel_loop3A_571, %parallel_loop3A_583, %parallel_loop3A_595, %parallel_loop3A_514, %parallel_loop3A_526, %parallel_loop3A_538, %parallel_loop3A_550, %parallel_loop3A_562, %parallel_loop3A_574, %parallel_loop3A_586, %parallel_loop3A_598, %parallel_loop3A_512, %parallel_loop3A_524, %parallel_loop3A_536, %parallel_loop3A_548, %parallel_loop3A_560, %parallel_loop3A_572, %parallel_loop3A_584, %parallel_loop3A_596 : vector<16xf32>, vector<16xf32>, vector<16xf32>, vector<16xf32>, vector<16xf32>, vector<16xf32>, vector<16xf32>, vector<16xf32>, vector<16xf32>, vector<16xf32>, vector<16xf32>, vector<16xf32>, vector<16xf32>, vector<16xf32>, vector<16xf32>, vector<16xf32>, vector<16xi32>, vector<16xi32>, vector<16xi32>, vector<16xi32>, vector<16xi32>, vector<16xi32>, vector<16xi32>, vector<16xi32>
    } {sc.loop_unroll_factor = 4 : i64, sc.parallel_access}
    %mul3A_123 = arith.constant 8 : i32
    %mul3A_124 = arith.muli %select_n3A, %mul3A_123 : i32
    %add3A_125 = arith.constant 16384 : i32
    %add3A_126 = arith.addi %mul3A_32, %add3A_125 : i32
    %dma_start3A_127 = tpu.memref_slice %arg2[%mul3A_124, %add3A_126] : memref<32x1000000xf32, #tpu.memory_space<hbm>> -> memref<8x4096xf32, #tpu.memory_space<hbm>>
    %dma_start3A_128 = tpu.memref_slice %arg2[%mul3A_124, %add3A_126] : memref<32x1000000xf32, #tpu.memory_space<hbm>> -> memref<8x4096xf32, #tpu.memory_space<hbm>>
    tpu.enqueue_dma source(%dma_start3A_128 : memref<8x4096xf32, #tpu.memory_space<hbm>>) target(%arg6 : memref<8x4096xf32, #tpu.memory_space<vmem>>) target_semaphore(%arg9 : memref<!tpu.dma_semaphore, #tpu.memory_space<semaphore_mem>>)
    %dma_wait3A_129 = tpu.memref_slice %arg2[%mul3A_110, %add3A_112] : memref<32x1000000xf32, #tpu.memory_space<hbm>> -> memref<8x4096xf32, #tpu.memory_space<hbm>>
    %dma_wait3A_130 = tpu.memref_slice %arg2[%mul3A_110, %add3A_112] : memref<32x1000000xf32, #tpu.memory_space<hbm>> -> memref<8x4096xf32, #tpu.memory_space<hbm>>
    tpu.wait_dma2 semaphore(%arg10 : memref<!tpu.dma_semaphore, #tpu.memory_space<semaphore_mem>>) src(%dma_wait3A_130 : memref<8x4096xf32, #tpu.memory_space<hbm>>) dst(%arg7 : memref<8x4096xf32, #tpu.memory_space<vmem>>)
    %add3A_131 = arith.constant 12288 : i32
    %add3A_132 = arith.addi %mul3A_32, %add3A_131 : i32
    %parallel_loop3A_133 = arith.constant 0 : i32
    %parallel_loop3A_134 = arith.constant 256 : i32
    %parallel_loop3A_135 = arith.constant 1 : i32
    %parallel_loop3A_136:24 = scf.for %parallel_loop3A_473 = %parallel_loop3A_133 to %parallel_loop3A_134 step %parallel_loop3A_135 iter_args(%parallel_loop3A_474 = %parallel_loop3A_122#0, %parallel_loop3A_475 = %parallel_loop3A_122#1, %parallel_loop3A_476 = %parallel_loop3A_122#2, %parallel_loop3A_477 = %parallel_loop3A_122#3, %parallel_loop3A_478 = %parallel_loop3A_122#4, %parallel_loop3A_479 = %parallel_loop3A_122#5, %parallel_loop3A_480 = %parallel_loop3A_122#6, %parallel_loop3A_481 = %parallel_loop3A_122#7, %parallel_loop3A_482 = %parallel_loop3A_122#8, %parallel_loop3A_483 = %parallel_loop3A_122#9, %parallel_loop3A_484 = %parallel_loop3A_122#10, %parallel_loop3A_485 = %parallel_loop3A_122#11, %parallel_loop3A_486 = %parallel_loop3A_122#12, %parallel_loop3A_487 = %parallel_loop3A_122#13, %parallel_loop3A_488 = %parallel_loop3A_122#14, %parallel_loop3A_489 = %parallel_loop3A_122#15, %parallel_loop3A_490 = %parallel_loop3A_122#16, %parallel_loop3A_491 = %parallel_loop3A_122#17, %parallel_loop3A_492 = %parallel_loop3A_122#18, %parallel_loop3A_493 = %parallel_loop3A_122#19, %parallel_loop3A_494 = %parallel_loop3A_122#20, %parallel_loop3A_495 = %parallel_loop3A_122#21, %parallel_loop3A_496 = %parallel_loop3A_122#22, %parallel_loop3A_497 = %parallel_loop3A_122#23) -> (vector<16xf32>, vector<16xf32>, vector<16xf32>, vector<16xf32>, vector<16xf32>, vector<16xf32>, vector<16xf32>, vector<16xf32>, vector<16xf32>, vector<16xf32>, vector<16xf32>, vector<16xf32>, vector<16xf32>, vector<16xf32>, vector<16xf32>, vector<16xf32>, vector<16xi32>, vector<16xi32>, vector<16xi32>, vector<16xi32>, vector<16xi32>, vector<16xi32>, vector<16xi32>, vector<16xi32>)  : i32 {
      %parallel_loop3A_498 = arith.constant 16 : i32
      %parallel_loop3A_499 = arith.muli %parallel_loop3A_473, %parallel_loop3A_498 : i32
      %parallel_loop3A_500 = arith.addi %add3A_132, %parallel_loop3A_499 : i32
      %parallel_loop3A_501 = vector.broadcast %parallel_loop3A_500 : i32 to vector<16xi32>
      %parallel_loop3A_502 = arith.addi %iota3A, %parallel_loop3A_501 : vector<16xi32>
      %parallel_loop3A_503 = arith.constant 16 : i32
      %parallel_loop3A_504 = arith.muli %parallel_loop3A_473, %parallel_loop3A_503 : i32
      %parallel_loop3A_505 = arith.constant 0 : i32
      %parallel_loop3A_506 = arith.index_cast %parallel_loop3A_505 : i32 to index
      %parallel_loop3A_507 = arith.index_cast %parallel_loop3A_504 : i32 to index
      %parallel_loop3A_508 = tpu.vector_load %arg7[%parallel_loop3A_506, %parallel_loop3A_507] {strides = array<i32>} : memref<8x4096xf32, #tpu.memory_space<vmem>>, vector<1x16xf32>,
      %parallel_loop3A_509 = vector.shape_cast %parallel_loop3A_508 : vector<1x16xf32> to vector<16xf32>
      %parallel_loop3A_510 = arith.cmpf ogt, %parallel_loop3A_509, %parallel_loop3A_474 : vector<16xf32>
      %parallel_loop3A_511 = arith.maximumf %parallel_loop3A_474, %parallel_loop3A_509 : vector<16xf32>
      %parallel_loop3A_512 = arith.select %parallel_loop3A_510, %parallel_loop3A_502, %parallel_loop3A_490 : vector<16xi1>, vector<16xi32>
      %parallel_loop3A_513 = math.exp %parallel_loop3A_509 : vector<16xf32>
      %parallel_loop3A_514 = arith.addf %parallel_loop3A_482, %parallel_loop3A_513 : vector<16xf32>
      %parallel_loop3A_515 = arith.constant 16 : i32
      %parallel_loop3A_516 = arith.muli %parallel_loop3A_473, %parallel_loop3A_515 : i32
      %parallel_loop3A_517 = arith.constant 1 : i32
      %parallel_loop3A_518 = arith.index_cast %parallel_loop3A_517 : i32 to index
      %parallel_loop3A_519 = arith.index_cast %parallel_loop3A_516 : i32 to index
      %parallel_loop3A_520 = tpu.vector_load %arg7[%parallel_loop3A_518, %parallel_loop3A_519] {strides = array<i32>} : memref<8x4096xf32, #tpu.memory_space<vmem>>, vector<1x16xf32>,
      %parallel_loop3A_521 = vector.shape_cast %parallel_loop3A_520 : vector<1x16xf32> to vector<16xf32>
      %parallel_loop3A_522 = arith.cmpf ogt, %parallel_loop3A_521, %parallel_loop3A_475 : vector<16xf32>
      %parallel_loop3A_523 = arith.maximumf %parallel_loop3A_475, %parallel_loop3A_521 : vector<16xf32>
      %parallel_loop3A_524 = arith.select %parallel_loop3A_522, %parallel_loop3A_502, %parallel_loop3A_491 : vector<16xi1>, vector<16xi32>
      %parallel_loop3A_525 = math.exp %parallel_loop3A_521 : vector<16xf32>
      %parallel_loop3A_526 = arith.addf %parallel_loop3A_483, %parallel_loop3A_525 : vector<16xf32>
      %parallel_loop3A_527 = arith.constant 16 : i32
      %parallel_loop3A_528 = arith.muli %parallel_loop3A_473, %parallel_loop3A_527 : i32
      %parallel_loop3A_529 = arith.constant 2 : i32
      %parallel_loop3A_530 = arith.index_cast %parallel_loop3A_529 : i32 to index
      %parallel_loop3A_531 = arith.index_cast %parallel_loop3A_528 : i32 to index
      %parallel_loop3A_532 = tpu.vector_load %arg7[%parallel_loop3A_530, %parallel_loop3A_531] {strides = array<i32>} : memref<8x4096xf32, #tpu.memory_space<vmem>>, vector<1x16xf32>,
      %parallel_loop3A_533 = vector.shape_cast %parallel_loop3A_532 : vector<1x16xf32> to vector<16xf32>
      %parallel_loop3A_534 = arith.cmpf ogt, %parallel_loop3A_533, %parallel_loop3A_476 : vector<16xf32>
      %parallel_loop3A_535 = arith.maximumf %parallel_loop3A_476, %parallel_loop3A_533 : vector<16xf32>
      %parallel_loop3A_536 = arith.select %parallel_loop3A_534, %parallel_loop3A_502, %parallel_loop3A_492 : vector<16xi1>, vector<16xi32>
      %parallel_loop3A_537 = math.exp %parallel_loop3A_533 : vector<16xf32>
      %parallel_loop3A_538 = arith.addf %parallel_loop3A_484, %parallel_loop3A_537 : vector<16xf32>
      %parallel_loop3A_539 = arith.constant 16 : i32
      %parallel_loop3A_540 = arith.muli %parallel_loop3A_473, %parallel_loop3A_539 : i32
      %parallel_loop3A_541 = arith.constant 3 : i32
      %parallel_loop3A_542 = arith.index_cast %parallel_loop3A_541 : i32 to index
      %parallel_loop3A_543 = arith.index_cast %parallel_loop3A_540 : i32 to index
      %parallel_loop3A_544 = tpu.vector_load %arg7[%parallel_loop3A_542, %parallel_loop3A_543] {strides = array<i32>} : memref<8x4096xf32, #tpu.memory_space<vmem>>, vector<1x16xf32>,
      %parallel_loop3A_545 = vector.shape_cast %parallel_loop3A_544 : vector<1x16xf32> to vector<16xf32>
      %parallel_loop3A_546 = arith.cmpf ogt, %parallel_loop3A_545, %parallel_loop3A_477 : vector<16xf32>
      %parallel_loop3A_547 = arith.maximumf %parallel_loop3A_477, %parallel_loop3A_545 : vector<16xf32>
      %parallel_loop3A_548 = arith.select %parallel_loop3A_546, %parallel_loop3A_502, %parallel_loop3A_493 : vector<16xi1>, vector<16xi32>
      %parallel_loop3A_549 = math.exp %parallel_loop3A_545 : vector<16xf32>
      %parallel_loop3A_550 = arith.addf %parallel_loop3A_485, %parallel_loop3A_549 : vector<16xf32>
      %parallel_loop3A_551 = arith.constant 16 : i32
      %parallel_loop3A_552 = arith.muli %parallel_loop3A_473, %parallel_loop3A_551 : i32
      %parallel_loop3A_553 = arith.constant 4 : i32
      %parallel_loop3A_554 = arith.index_cast %parallel_loop3A_553 : i32 to index
      %parallel_loop3A_555 = arith.index_cast %parallel_loop3A_552 : i32 to index
      %parallel_loop3A_556 = tpu.vector_load %arg7[%parallel_loop3A_554, %parallel_loop3A_555] {strides = array<i32>} : memref<8x4096xf32, #tpu.memory_space<vmem>>, vector<1x16xf32>,
      %parallel_loop3A_557 = vector.shape_cast %parallel_loop3A_556 : vector<1x16xf32> to vector<16xf32>
      %parallel_loop3A_558 = arith.cmpf ogt, %parallel_loop3A_557, %parallel_loop3A_478 : vector<16xf32>
      %parallel_loop3A_559 = arith.maximumf %parallel_loop3A_478, %parallel_loop3A_557 : vector<16xf32>
      %parallel_loop3A_560 = arith.select %parallel_loop3A_558, %parallel_loop3A_502, %parallel_loop3A_494 : vector<16xi1>, vector<16xi32>
      %parallel_loop3A_561 = math.exp %parallel_loop3A_557 : vector<16xf32>
      %parallel_loop3A_562 = arith.addf %parallel_loop3A_486, %parallel_loop3A_561 : vector<16xf32>
      %parallel_loop3A_563 = arith.constant 16 : i32
      %parallel_loop3A_564 = arith.muli %parallel_loop3A_473, %parallel_loop3A_563 : i32
      %parallel_loop3A_565 = arith.constant 5 : i32
      %parallel_loop3A_566 = arith.index_cast %parallel_loop3A_565 : i32 to index
      %parallel_loop3A_567 = arith.index_cast %parallel_loop3A_564 : i32 to index
      %parallel_loop3A_568 = tpu.vector_load %arg7[%parallel_loop3A_566, %parallel_loop3A_567] {strides = array<i32>} : memref<8x4096xf32, #tpu.memory_space<vmem>>, vector<1x16xf32>,
      %parallel_loop3A_569 = vector.shape_cast %parallel_loop3A_568 : vector<1x16xf32> to vector<16xf32>
      %parallel_loop3A_570 = arith.cmpf ogt, %parallel_loop3A_569, %parallel_loop3A_479 : vector<16xf32>
      %parallel_loop3A_571 = arith.maximumf %parallel_loop3A_479, %parallel_loop3A_569 : vector<16xf32>
      %parallel_loop3A_572 = arith.select %parallel_loop3A_570, %parallel_loop3A_502, %parallel_loop3A_495 : vector<16xi1>, vector<16xi32>
      %parallel_loop3A_573 = math.exp %parallel_loop3A_569 : vector<16xf32>
      %parallel_loop3A_574 = arith.addf %parallel_loop3A_487, %parallel_loop3A_573 : vector<16xf32>
      %parallel_loop3A_575 = arith.constant 16 : i32
      %parallel_loop3A_576 = arith.muli %parallel_loop3A_473, %parallel_loop3A_575 : i32
      %parallel_loop3A_577 = arith.constant 6 : i32
      %parallel_loop3A_578 = arith.index_cast %parallel_loop3A_577 : i32 to index
      %parallel_loop3A_579 = arith.index_cast %parallel_loop3A_576 : i32 to index
      %parallel_loop3A_580 = tpu.vector_load %arg7[%parallel_loop3A_578, %parallel_loop3A_579] {strides = array<i32>} : memref<8x4096xf32, #tpu.memory_space<vmem>>, vector<1x16xf32>,
      %parallel_loop3A_581 = vector.shape_cast %parallel_loop3A_580 : vector<1x16xf32> to vector<16xf32>
      %parallel_loop3A_582 = arith.cmpf ogt, %parallel_loop3A_581, %parallel_loop3A_480 : vector<16xf32>
      %parallel_loop3A_583 = arith.maximumf %parallel_loop3A_480, %parallel_loop3A_581 : vector<16xf32>
      %parallel_loop3A_584 = arith.select %parallel_loop3A_582, %parallel_loop3A_502, %parallel_loop3A_496 : vector<16xi1>, vector<16xi32>
      %parallel_loop3A_585 = math.exp %parallel_loop3A_581 : vector<16xf32>
      %parallel_loop3A_586 = arith.addf %parallel_loop3A_488, %parallel_loop3A_585 : vector<16xf32>
      %parallel_loop3A_587 = arith.constant 16 : i32
      %parallel_loop3A_588 = arith.muli %parallel_loop3A_473, %parallel_loop3A_587 : i32
      %parallel_loop3A_589 = arith.constant 7 : i32
      %parallel_loop3A_590 = arith.index_cast %parallel_loop3A_589 : i32 to index
      %parallel_loop3A_591 = arith.index_cast %parallel_loop3A_588 : i32 to index
      %parallel_loop3A_592 = tpu.vector_load %arg7[%parallel_loop3A_590, %parallel_loop3A_591] {strides = array<i32>} : memref<8x4096xf32, #tpu.memory_space<vmem>>, vector<1x16xf32>,
      %parallel_loop3A_593 = vector.shape_cast %parallel_loop3A_592 : vector<1x16xf32> to vector<16xf32>
      %parallel_loop3A_594 = arith.cmpf ogt, %parallel_loop3A_593, %parallel_loop3A_481 : vector<16xf32>
      %parallel_loop3A_595 = arith.maximumf %parallel_loop3A_481, %parallel_loop3A_593 : vector<16xf32>
      %parallel_loop3A_596 = arith.select %parallel_loop3A_594, %parallel_loop3A_502, %parallel_loop3A_497 : vector<16xi1>, vector<16xi32>
      %parallel_loop3A_597 = math.exp %parallel_loop3A_593 : vector<16xf32>
      %parallel_loop3A_598 = arith.addf %parallel_loop3A_489, %parallel_loop3A_597 : vector<16xf32>
      scf.yield %parallel_loop3A_511, %parallel_loop3A_523, %parallel_loop3A_535, %parallel_loop3A_547, %parallel_loop3A_559, %parallel_loop3A_571, %parallel_loop3A_583, %parallel_loop3A_595, %parallel_loop3A_514, %parallel_loop3A_526, %parallel_loop3A_538, %parallel_loop3A_550, %parallel_loop3A_562, %parallel_loop3A_574, %parallel_loop3A_586, %parallel_loop3A_598, %parallel_loop3A_512, %parallel_loop3A_524, %parallel_loop3A_536, %parallel_loop3A_548, %parallel_loop3A_560, %parallel_loop3A_572, %parallel_loop3A_584, %parallel_loop3A_596 : vector<16xf32>, vector<16xf32>, vector<16xf32>, vector<16xf32>, vector<16xf32>, vector<16xf32>, vector<16xf32>, vector<16xf32>, vector<16xf32>, vector<16xf32>, vector<16xf32>, vector<16xf32>, vector<16xf32>, vector<16xf32>, vector<16xf32>, vector<16xf32>, vector<16xi32>, vector<16xi32>, vector<16xi32>, vector<16xi32>, vector<16xi32>, vector<16xi32>, vector<16xi32>, vector<16xi32>
    } {sc.loop_unroll_factor = 4 : i64, sc.parallel_access}
    %mul3A_137 = arith.constant 8 : i32
    %mul3A_138 = arith.muli %select_n3A, %mul3A_137 : i32
    %add3A_139 = arith.constant 20480 : i32
    %add3A_140 = arith.addi %mul3A_32, %add3A_139 : i32
    %dma_start3A_141 = tpu.memref_slice %arg2[%mul3A_138, %add3A_140] : memref<32x1000000xf32, #tpu.memory_space<hbm>> -> memref<8x4096xf32, #tpu.memory_space<hbm>>
    %dma_start3A_142 = tpu.memref_slice %arg2[%mul3A_138, %add3A_140] : memref<32x1000000xf32, #tpu.memory_space<hbm>> -> memref<8x4096xf32, #tpu.memory_space<hbm>>
    tpu.enqueue_dma source(%dma_start3A_142 : memref<8x4096xf32, #tpu.memory_space<hbm>>) target(%arg7 : memref<8x4096xf32, #tpu.memory_space<vmem>>) target_semaphore(%arg10 : memref<!tpu.dma_semaphore, #tpu.memory_space<semaphore_mem>>)
    %dma_wait3A_143 = tpu.memref_slice %arg2[%mul3A_124, %add3A_126] : memref<32x1000000xf32, #tpu.memory_space<hbm>> -> memref<8x4096xf32, #tpu.memory_space<hbm>>
    %dma_wait3A_144 = tpu.memref_slice %arg2[%mul3A_124, %add3A_126] : memref<32x1000000xf32, #tpu.memory_space<hbm>> -> memref<8x4096xf32, #tpu.memory_space<hbm>>
    tpu.wait_dma2 semaphore(%arg9 : memref<!tpu.dma_semaphore, #tpu.memory_space<semaphore_mem>>) src(%dma_wait3A_144 : memref<8x4096xf32, #tpu.memory_space<hbm>>) dst(%arg6 : memref<8x4096xf32, #tpu.memory_space<vmem>>)
    %add3A_145 = arith.constant 16384 : i32
    %add3A_146 = arith.addi %mul3A_32, %add3A_145 : i32
    %parallel_loop3A_147 = arith.constant 0 : i32
    %parallel_loop3A_148 = arith.constant 256 : i32
    %parallel_loop3A_149 = arith.constant 1 : i32
    %parallel_loop3A_150:24 = scf.for %parallel_loop3A_473 = %parallel_loop3A_147 to %parallel_loop3A_148 step %parallel_loop3A_149 iter_args(%parallel_loop3A_474 = %parallel_loop3A_136#0, %parallel_loop3A_475 = %parallel_loop3A_136#1, %parallel_loop3A_476 = %parallel_loop3A_136#2, %parallel_loop3A_477 = %parallel_loop3A_136#3, %parallel_loop3A_478 = %parallel_loop3A_136#4, %parallel_loop3A_479 = %parallel_loop3A_136#5, %parallel_loop3A_480 = %parallel_loop3A_136#6, %parallel_loop3A_481 = %parallel_loop3A_136#7, %parallel_loop3A_482 = %parallel_loop3A_136#8, %parallel_loop3A_483 = %parallel_loop3A_136#9, %parallel_loop3A_484 = %parallel_loop3A_136#10, %parallel_loop3A_485 = %parallel_loop3A_136#11, %parallel_loop3A_486 = %parallel_loop3A_136#12, %parallel_loop3A_487 = %parallel_loop3A_136#13, %parallel_loop3A_488 = %parallel_loop3A_136#14, %parallel_loop3A_489 = %parallel_loop3A_136#15, %parallel_loop3A_490 = %parallel_loop3A_136#16, %parallel_loop3A_491 = %parallel_loop3A_136#17, %parallel_loop3A_492 = %parallel_loop3A_136#18, %parallel_loop3A_493 = %parallel_loop3A_136#19, %parallel_loop3A_494 = %parallel_loop3A_136#20, %parallel_loop3A_495 = %parallel_loop3A_136#21, %parallel_loop3A_496 = %parallel_loop3A_136#22, %parallel_loop3A_497 = %parallel_loop3A_136#23) -> (vector<16xf32>, vector<16xf32>, vector<16xf32>, vector<16xf32>, vector<16xf32>, vector<16xf32>, vector<16xf32>, vector<16xf32>, vector<16xf32>, vector<16xf32>, vector<16xf32>, vector<16xf32>, vector<16xf32>, vector<16xf32>, vector<16xf32>, vector<16xf32>, vector<16xi32>, vector<16xi32>, vector<16xi32>, vector<16xi32>, vector<16xi32>, vector<16xi32>, vector<16xi32>, vector<16xi32>)  : i32 {
      %parallel_loop3A_498 = arith.constant 16 : i32
      %parallel_loop3A_499 = arith.muli %parallel_loop3A_473, %parallel_loop3A_498 : i32
      %parallel_loop3A_500 = arith.addi %add3A_146, %parallel_loop3A_499 : i32
      %parallel_loop3A_501 = vector.broadcast %parallel_loop3A_500 : i32 to vector<16xi32>
      %parallel_loop3A_502 = arith.addi %iota3A, %parallel_loop3A_501 : vector<16xi32>
      %parallel_loop3A_503 = arith.constant 16 : i32
      %parallel_loop3A_504 = arith.muli %parallel_loop3A_473, %parallel_loop3A_503 : i32
      %parallel_loop3A_505 = arith.constant 0 : i32
      %parallel_loop3A_506 = arith.index_cast %parallel_loop3A_505 : i32 to index
      %parallel_loop3A_507 = arith.index_cast %parallel_loop3A_504 : i32 to index
      %parallel_loop3A_508 = tpu.vector_load %arg6[%parallel_loop3A_506, %parallel_loop3A_507] {strides = array<i32>} : memref<8x4096xf32, #tpu.memory_space<vmem>>, vector<1x16xf32>,
      %parallel_loop3A_509 = vector.shape_cast %parallel_loop3A_508 : vector<1x16xf32> to vector<16xf32>
      %parallel_loop3A_510 = arith.cmpf ogt, %parallel_loop3A_509, %parallel_loop3A_474 : vector<16xf32>
      %parallel_loop3A_511 = arith.maximumf %parallel_loop3A_474, %parallel_loop3A_509 : vector<16xf32>
      %parallel_loop3A_512 = arith.select %parallel_loop3A_510, %parallel_loop3A_502, %parallel_loop3A_490 : vector<16xi1>, vector<16xi32>
      %parallel_loop3A_513 = math.exp %parallel_loop3A_509 : vector<16xf32>
      %parallel_loop3A_514 = arith.addf %parallel_loop3A_482, %parallel_loop3A_513 : vector<16xf32>
      %parallel_loop3A_515 = arith.constant 16 : i32
      %parallel_loop3A_516 = arith.muli %parallel_loop3A_473, %parallel_loop3A_515 : i32
      %parallel_loop3A_517 = arith.constant 1 : i32
      %parallel_loop3A_518 = arith.index_cast %parallel_loop3A_517 : i32 to index
      %parallel_loop3A_519 = arith.index_cast %parallel_loop3A_516 : i32 to index
      %parallel_loop3A_520 = tpu.vector_load %arg6[%parallel_loop3A_518, %parallel_loop3A_519] {strides = array<i32>} : memref<8x4096xf32, #tpu.memory_space<vmem>>, vector<1x16xf32>,
      %parallel_loop3A_521 = vector.shape_cast %parallel_loop3A_520 : vector<1x16xf32> to vector<16xf32>
      %parallel_loop3A_522 = arith.cmpf ogt, %parallel_loop3A_521, %parallel_loop3A_475 : vector<16xf32>
      %parallel_loop3A_523 = arith.maximumf %parallel_loop3A_475, %parallel_loop3A_521 : vector<16xf32>
      %parallel_loop3A_524 = arith.select %parallel_loop3A_522, %parallel_loop3A_502, %parallel_loop3A_491 : vector<16xi1>, vector<16xi32>
      %parallel_loop3A_525 = math.exp %parallel_loop3A_521 : vector<16xf32>
      %parallel_loop3A_526 = arith.addf %parallel_loop3A_483, %parallel_loop3A_525 : vector<16xf32>
      %parallel_loop3A_527 = arith.constant 16 : i32
      %parallel_loop3A_528 = arith.muli %parallel_loop3A_473, %parallel_loop3A_527 : i32
      %parallel_loop3A_529 = arith.constant 2 : i32
      %parallel_loop3A_530 = arith.index_cast %parallel_loop3A_529 : i32 to index
      %parallel_loop3A_531 = arith.index_cast %parallel_loop3A_528 : i32 to index
      %parallel_loop3A_532 = tpu.vector_load %arg6[%parallel_loop3A_530, %parallel_loop3A_531] {strides = array<i32>} : memref<8x4096xf32, #tpu.memory_space<vmem>>, vector<1x16xf32>,
      %parallel_loop3A_533 = vector.shape_cast %parallel_loop3A_532 : vector<1x16xf32> to vector<16xf32>
      %parallel_loop3A_534 = arith.cmpf ogt, %parallel_loop3A_533, %parallel_loop3A_476 : vector<16xf32>
      %parallel_loop3A_535 = arith.maximumf %parallel_loop3A_476, %parallel_loop3A_533 : vector<16xf32>
      %parallel_loop3A_536 = arith.select %parallel_loop3A_534, %parallel_loop3A_502, %parallel_loop3A_492 : vector<16xi1>, vector<16xi32>
      %parallel_loop3A_537 = math.exp %parallel_loop3A_533 : vector<16xf32>
      %parallel_loop3A_538 = arith.addf %parallel_loop3A_484, %parallel_loop3A_537 : vector<16xf32>
      %parallel_loop3A_539 = arith.constant 16 : i32
      %parallel_loop3A_540 = arith.muli %parallel_loop3A_473, %parallel_loop3A_539 : i32
      %parallel_loop3A_541 = arith.constant 3 : i32
      %parallel_loop3A_542 = arith.index_cast %parallel_loop3A_541 : i32 to index
      %parallel_loop3A_543 = arith.index_cast %parallel_loop3A_540 : i32 to index
      %parallel_loop3A_544 = tpu.vector_load %arg6[%parallel_loop3A_542, %parallel_loop3A_543] {strides = array<i32>} : memref<8x4096xf32, #tpu.memory_space<vmem>>, vector<1x16xf32>,
      %parallel_loop3A_545 = vector.shape_cast %parallel_loop3A_544 : vector<1x16xf32> to vector<16xf32>
      %parallel_loop3A_546 = arith.cmpf ogt, %parallel_loop3A_545, %parallel_loop3A_477 : vector<16xf32>
      %parallel_loop3A_547 = arith.maximumf %parallel_loop3A_477, %parallel_loop3A_545 : vector<16xf32>
      %parallel_loop3A_548 = arith.select %parallel_loop3A_546, %parallel_loop3A_502, %parallel_loop3A_493 : vector<16xi1>, vector<16xi32>
      %parallel_loop3A_549 = math.exp %parallel_loop3A_545 : vector<16xf32>
      %parallel_loop3A_550 = arith.addf %parallel_loop3A_485, %parallel_loop3A_549 : vector<16xf32>
      %parallel_loop3A_551 = arith.constant 16 : i32
      %parallel_loop3A_552 = arith.muli %parallel_loop3A_473, %parallel_loop3A_551 : i32
      %parallel_loop3A_553 = arith.constant 4 : i32
      %parallel_loop3A_554 = arith.index_cast %parallel_loop3A_553 : i32 to index
      %parallel_loop3A_555 = arith.index_cast %parallel_loop3A_552 : i32 to index
      %parallel_loop3A_556 = tpu.vector_load %arg6[%parallel_loop3A_554, %parallel_loop3A_555] {strides = array<i32>} : memref<8x4096xf32, #tpu.memory_space<vmem>>, vector<1x16xf32>,
      %parallel_loop3A_557 = vector.shape_cast %parallel_loop3A_556 : vector<1x16xf32> to vector<16xf32>
      %parallel_loop3A_558 = arith.cmpf ogt, %parallel_loop3A_557, %parallel_loop3A_478 : vector<16xf32>
      %parallel_loop3A_559 = arith.maximumf %parallel_loop3A_478, %parallel_loop3A_557 : vector<16xf32>
      %parallel_loop3A_560 = arith.select %parallel_loop3A_558, %parallel_loop3A_502, %parallel_loop3A_494 : vector<16xi1>, vector<16xi32>
      %parallel_loop3A_561 = math.exp %parallel_loop3A_557 : vector<16xf32>
      %parallel_loop3A_562 = arith.addf %parallel_loop3A_486, %parallel_loop3A_561 : vector<16xf32>
      %parallel_loop3A_563 = arith.constant 16 : i32
      %parallel_loop3A_564 = arith.muli %parallel_loop3A_473, %parallel_loop3A_563 : i32
      %parallel_loop3A_565 = arith.constant 5 : i32
      %parallel_loop3A_566 = arith.index_cast %parallel_loop3A_565 : i32 to index
      %parallel_loop3A_567 = arith.index_cast %parallel_loop3A_564 : i32 to index
      %parallel_loop3A_568 = tpu.vector_load %arg6[%parallel_loop3A_566, %parallel_loop3A_567] {strides = array<i32>} : memref<8x4096xf32, #tpu.memory_space<vmem>>, vector<1x16xf32>,
      %parallel_loop3A_569 = vector.shape_cast %parallel_loop3A_568 : vector<1x16xf32> to vector<16xf32>
      %parallel_loop3A_570 = arith.cmpf ogt, %parallel_loop3A_569, %parallel_loop3A_479 : vector<16xf32>
      %parallel_loop3A_571 = arith.maximumf %parallel_loop3A_479, %parallel_loop3A_569 : vector<16xf32>
      %parallel_loop3A_572 = arith.select %parallel_loop3A_570, %parallel_loop3A_502, %parallel_loop3A_495 : vector<16xi1>, vector<16xi32>
      %parallel_loop3A_573 = math.exp %parallel_loop3A_569 : vector<16xf32>
      %parallel_loop3A_574 = arith.addf %parallel_loop3A_487, %parallel_loop3A_573 : vector<16xf32>
      %parallel_loop3A_575 = arith.constant 16 : i32
      %parallel_loop3A_576 = arith.muli %parallel_loop3A_473, %parallel_loop3A_575 : i32
      %parallel_loop3A_577 = arith.constant 6 : i32
      %parallel_loop3A_578 = arith.index_cast %parallel_loop3A_577 : i32 to index
      %parallel_loop3A_579 = arith.index_cast %parallel_loop3A_576 : i32 to index
      %parallel_loop3A_580 = tpu.vector_load %arg6[%parallel_loop3A_578, %parallel_loop3A_579] {strides = array<i32>} : memref<8x4096xf32, #tpu.memory_space<vmem>>, vector<1x16xf32>,
      %parallel_loop3A_581 = vector.shape_cast %parallel_loop3A_580 : vector<1x16xf32> to vector<16xf32>
      %parallel_loop3A_582 = arith.cmpf ogt, %parallel_loop3A_581, %parallel_loop3A_480 : vector<16xf32>
      %parallel_loop3A_583 = arith.maximumf %parallel_loop3A_480, %parallel_loop3A_581 : vector<16xf32>
      %parallel_loop3A_584 = arith.select %parallel_loop3A_582, %parallel_loop3A_502, %parallel_loop3A_496 : vector<16xi1>, vector<16xi32>
      %parallel_loop3A_585 = math.exp %parallel_loop3A_581 : vector<16xf32>
      %parallel_loop3A_586 = arith.addf %parallel_loop3A_488, %parallel_loop3A_585 : vector<16xf32>
      %parallel_loop3A_587 = arith.constant 16 : i32
      %parallel_loop3A_588 = arith.muli %parallel_loop3A_473, %parallel_loop3A_587 : i32
      %parallel_loop3A_589 = arith.constant 7 : i32
      %parallel_loop3A_590 = arith.index_cast %parallel_loop3A_589 : i32 to index
      %parallel_loop3A_591 = arith.index_cast %parallel_loop3A_588 : i32 to index
      %parallel_loop3A_592 = tpu.vector_load %arg6[%parallel_loop3A_590, %parallel_loop3A_591] {strides = array<i32>} : memref<8x4096xf32, #tpu.memory_space<vmem>>, vector<1x16xf32>,
      %parallel_loop3A_593 = vector.shape_cast %parallel_loop3A_592 : vector<1x16xf32> to vector<16xf32>
      %parallel_loop3A_594 = arith.cmpf ogt, %parallel_loop3A_593, %parallel_loop3A_481 : vector<16xf32>
      %parallel_loop3A_595 = arith.maximumf %parallel_loop3A_481, %parallel_loop3A_593 : vector<16xf32>
      %parallel_loop3A_596 = arith.select %parallel_loop3A_594, %parallel_loop3A_502, %parallel_loop3A_497 : vector<16xi1>, vector<16xi32>
      %parallel_loop3A_597 = math.exp %parallel_loop3A_593 : vector<16xf32>
      %parallel_loop3A_598 = arith.addf %parallel_loop3A_489, %parallel_loop3A_597 : vector<16xf32>
      scf.yield %parallel_loop3A_511, %parallel_loop3A_523, %parallel_loop3A_535, %parallel_loop3A_547, %parallel_loop3A_559, %parallel_loop3A_571, %parallel_loop3A_583, %parallel_loop3A_595, %parallel_loop3A_514, %parallel_loop3A_526, %parallel_loop3A_538, %parallel_loop3A_550, %parallel_loop3A_562, %parallel_loop3A_574, %parallel_loop3A_586, %parallel_loop3A_598, %parallel_loop3A_512, %parallel_loop3A_524, %parallel_loop3A_536, %parallel_loop3A_548, %parallel_loop3A_560, %parallel_loop3A_572, %parallel_loop3A_584, %parallel_loop3A_596 : vector<16xf32>, vector<16xf32>, vector<16xf32>, vector<16xf32>, vector<16xf32>, vector<16xf32>, vector<16xf32>, vector<16xf32>, vector<16xf32>, vector<16xf32>, vector<16xf32>, vector<16xf32>, vector<16xf32>, vector<16xf32>, vector<16xf32>, vector<16xf32>, vector<16xi32>, vector<16xi32>, vector<16xi32>, vector<16xi32>, vector<16xi32>, vector<16xi32>, vector<16xi32>, vector<16xi32>
    } {sc.loop_unroll_factor = 4 : i64, sc.parallel_access}
    %mul3A_151 = arith.constant 8 : i32
    %mul3A_152 = arith.muli %select_n3A, %mul3A_151 : i32
    %add3A_153 = arith.constant 24576 : i32
    %add3A_154 = arith.addi %mul3A_32, %add3A_153 : i32
    %dma_start3A_155 = tpu.memref_slice %arg2[%mul3A_152, %add3A_154] : memref<32x1000000xf32, #tpu.memory_space<hbm>> -> memref<8x4096xf32, #tpu.memory_space<hbm>>
    %dma_start3A_156 = tpu.memref_slice %arg2[%mul3A_152, %add3A_154] : memref<32x1000000xf32, #tpu.memory_space<hbm>> -> memref<8x4096xf32, #tpu.memory_space<hbm>>
    tpu.enqueue_dma source(%dma_start3A_156 : memref<8x4096xf32, #tpu.memory_space<hbm>>) target(%arg6 : memref<8x4096xf32, #tpu.memory_space<vmem>>) target_semaphore(%arg9 : memref<!tpu.dma_semaphore, #tpu.memory_space<semaphore_mem>>)
    %dma_wait3A_157 = tpu.memref_slice %arg2[%mul3A_138, %add3A_140] : memref<32x1000000xf32, #tpu.memory_space<hbm>> -> memref<8x4096xf32, #tpu.memory_space<hbm>>
    %dma_wait3A_158 = tpu.memref_slice %arg2[%mul3A_138, %add3A_140] : memref<32x1000000xf32, #tpu.memory_space<hbm>> -> memref<8x4096xf32, #tpu.memory_space<hbm>>
    tpu.wait_dma2 semaphore(%arg10 : memref<!tpu.dma_semaphore, #tpu.memory_space<semaphore_mem>>) src(%dma_wait3A_158 : memref<8x4096xf32, #tpu.memory_space<hbm>>) dst(%arg7 : memref<8x4096xf32, #tpu.memory_space<vmem>>)
    %add3A_159 = arith.constant 20480 : i32
    %add3A_160 = arith.addi %mul3A_32, %add3A_159 : i32
    %parallel_loop3A_161 = arith.constant 0 : i32
    %parallel_loop3A_162 = arith.constant 256 : i32
    %parallel_loop3A_163 = arith.constant 1 : i32
    %parallel_loop3A_164:24 = scf.for %parallel_loop3A_473 = %parallel_loop3A_161 to %parallel_loop3A_162 step %parallel_loop3A_163 iter_args(%parallel_loop3A_474 = %parallel_loop3A_150#0, %parallel_loop3A_475 = %parallel_loop3A_150#1, %parallel_loop3A_476 = %parallel_loop3A_150#2, %parallel_loop3A_477 = %parallel_loop3A_150#3, %parallel_loop3A_478 = %parallel_loop3A_150#4, %parallel_loop3A_479 = %parallel_loop3A_150#5, %parallel_loop3A_480 = %parallel_loop3A_150#6, %parallel_loop3A_481 = %parallel_loop3A_150#7, %parallel_loop3A_482 = %parallel_loop3A_150#8, %parallel_loop3A_483 = %parallel_loop3A_150#9, %parallel_loop3A_484 = %parallel_loop3A_150#10, %parallel_loop3A_485 = %parallel_loop3A_150#11, %parallel_loop3A_486 = %parallel_loop3A_150#12, %parallel_loop3A_487 = %parallel_loop3A_150#13, %parallel_loop3A_488 = %parallel_loop3A_150#14, %parallel_loop3A_489 = %parallel_loop3A_150#15, %parallel_loop3A_490 = %parallel_loop3A_150#16, %parallel_loop3A_491 = %parallel_loop3A_150#17, %parallel_loop3A_492 = %parallel_loop3A_150#18, %parallel_loop3A_493 = %parallel_loop3A_150#19, %parallel_loop3A_494 = %parallel_loop3A_150#20, %parallel_loop3A_495 = %parallel_loop3A_150#21, %parallel_loop3A_496 = %parallel_loop3A_150#22, %parallel_loop3A_497 = %parallel_loop3A_150#23) -> (vector<16xf32>, vector<16xf32>, vector<16xf32>, vector<16xf32>, vector<16xf32>, vector<16xf32>, vector<16xf32>, vector<16xf32>, vector<16xf32>, vector<16xf32>, vector<16xf32>, vector<16xf32>, vector<16xf32>, vector<16xf32>, vector<16xf32>, vector<16xf32>, vector<16xi32>, vector<16xi32>, vector<16xi32>, vector<16xi32>, vector<16xi32>, vector<16xi32>, vector<16xi32>, vector<16xi32>)  : i32 {
      %parallel_loop3A_498 = arith.constant 16 : i32
      %parallel_loop3A_499 = arith.muli %parallel_loop3A_473, %parallel_loop3A_498 : i32
      %parallel_loop3A_500 = arith.addi %add3A_160, %parallel_loop3A_499 : i32
      %parallel_loop3A_501 = vector.broadcast %parallel_loop3A_500 : i32 to vector<16xi32>
      %parallel_loop3A_502 = arith.addi %iota3A, %parallel_loop3A_501 : vector<16xi32>
      %parallel_loop3A_503 = arith.constant 16 : i32
      %parallel_loop3A_504 = arith.muli %parallel_loop3A_473, %parallel_loop3A_503 : i32
      %parallel_loop3A_505 = arith.constant 0 : i32
      %parallel_loop3A_506 = arith.index_cast %parallel_loop3A_505 : i32 to index
      %parallel_loop3A_507 = arith.index_cast %parallel_loop3A_504 : i32 to index
      %parallel_loop3A_508 = tpu.vector_load %arg7[%parallel_loop3A_506, %parallel_loop3A_507] {strides = array<i32>} : memref<8x4096xf32, #tpu.memory_space<vmem>>, vector<1x16xf32>,
      %parallel_loop3A_509 = vector.shape_cast %parallel_loop3A_508 : vector<1x16xf32> to vector<16xf32>
      %parallel_loop3A_510 = arith.cmpf ogt, %parallel_loop3A_509, %parallel_loop3A_474 : vector<16xf32>
      %parallel_loop3A_511 = arith.maximumf %parallel_loop3A_474, %parallel_loop3A_509 : vector<16xf32>
      %parallel_loop3A_512 = arith.select %parallel_loop3A_510, %parallel_loop3A_502, %parallel_loop3A_490 : vector<16xi1>, vector<16xi32>
      %parallel_loop3A_513 = math.exp %parallel_loop3A_509 : vector<16xf32>
      %parallel_loop3A_514 = arith.addf %parallel_loop3A_482, %parallel_loop3A_513 : vector<16xf32>
      %parallel_loop3A_515 = arith.constant 16 : i32
      %parallel_loop3A_516 = arith.muli %parallel_loop3A_473, %parallel_loop3A_515 : i32
      %parallel_loop3A_517 = arith.constant 1 : i32
      %parallel_loop3A_518 = arith.index_cast %parallel_loop3A_517 : i32 to index
      %parallel_loop3A_519 = arith.index_cast %parallel_loop3A_516 : i32 to index
      %parallel_loop3A_520 = tpu.vector_load %arg7[%parallel_loop3A_518, %parallel_loop3A_519] {strides = array<i32>} : memref<8x4096xf32, #tpu.memory_space<vmem>>, vector<1x16xf32>,
      %parallel_loop3A_521 = vector.shape_cast %parallel_loop3A_520 : vector<1x16xf32> to vector<16xf32>
      %parallel_loop3A_522 = arith.cmpf ogt, %parallel_loop3A_521, %parallel_loop3A_475 : vector<16xf32>
      %parallel_loop3A_523 = arith.maximumf %parallel_loop3A_475, %parallel_loop3A_521 : vector<16xf32>
      %parallel_loop3A_524 = arith.select %parallel_loop3A_522, %parallel_loop3A_502, %parallel_loop3A_491 : vector<16xi1>, vector<16xi32>
      %parallel_loop3A_525 = math.exp %parallel_loop3A_521 : vector<16xf32>
      %parallel_loop3A_526 = arith.addf %parallel_loop3A_483, %parallel_loop3A_525 : vector<16xf32>
      %parallel_loop3A_527 = arith.constant 16 : i32
      %parallel_loop3A_528 = arith.muli %parallel_loop3A_473, %parallel_loop3A_527 : i32
      %parallel_loop3A_529 = arith.constant 2 : i32
      %parallel_loop3A_530 = arith.index_cast %parallel_loop3A_529 : i32 to index
      %parallel_loop3A_531 = arith.index_cast %parallel_loop3A_528 : i32 to index
      %parallel_loop3A_532 = tpu.vector_load %arg7[%parallel_loop3A_530, %parallel_loop3A_531] {strides = array<i32>} : memref<8x4096xf32, #tpu.memory_space<vmem>>, vector<1x16xf32>,
      %parallel_loop3A_533 = vector.shape_cast %parallel_loop3A_532 : vector<1x16xf32> to vector<16xf32>
      %parallel_loop3A_534 = arith.cmpf ogt, %parallel_loop3A_533, %parallel_loop3A_476 : vector<16xf32>
      %parallel_loop3A_535 = arith.maximumf %parallel_loop3A_476, %parallel_loop3A_533 : vector<16xf32>
      %parallel_loop3A_536 = arith.select %parallel_loop3A_534, %parallel_loop3A_502, %parallel_loop3A_492 : vector<16xi1>, vector<16xi32>
      %parallel_loop3A_537 = math.exp %parallel_loop3A_533 : vector<16xf32>
      %parallel_loop3A_538 = arith.addf %parallel_loop3A_484, %parallel_loop3A_537 : vector<16xf32>
      %parallel_loop3A_539 = arith.constant 16 : i32
      %parallel_loop3A_540 = arith.muli %parallel_loop3A_473, %parallel_loop3A_539 : i32
      %parallel_loop3A_541 = arith.constant 3 : i32
      %parallel_loop3A_542 = arith.index_cast %parallel_loop3A_541 : i32 to index
      %parallel_loop3A_543 = arith.index_cast %parallel_loop3A_540 : i32 to index
      %parallel_loop3A_544 = tpu.vector_load %arg7[%parallel_loop3A_542, %parallel_loop3A_543] {strides = array<i32>} : memref<8x4096xf32, #tpu.memory_space<vmem>>, vector<1x16xf32>,
      %parallel_loop3A_545 = vector.shape_cast %parallel_loop3A_544 : vector<1x16xf32> to vector<16xf32>
      %parallel_loop3A_546 = arith.cmpf ogt, %parallel_loop3A_545, %parallel_loop3A_477 : vector<16xf32>
      %parallel_loop3A_547 = arith.maximumf %parallel_loop3A_477, %parallel_loop3A_545 : vector<16xf32>
      %parallel_loop3A_548 = arith.select %parallel_loop3A_546, %parallel_loop3A_502, %parallel_loop3A_493 : vector<16xi1>, vector<16xi32>
      %parallel_loop3A_549 = math.exp %parallel_loop3A_545 : vector<16xf32>
      %parallel_loop3A_550 = arith.addf %parallel_loop3A_485, %parallel_loop3A_549 : vector<16xf32>
      %parallel_loop3A_551 = arith.constant 16 : i32
      %parallel_loop3A_552 = arith.muli %parallel_loop3A_473, %parallel_loop3A_551 : i32
      %parallel_loop3A_553 = arith.constant 4 : i32
      %parallel_loop3A_554 = arith.index_cast %parallel_loop3A_553 : i32 to index
      %parallel_loop3A_555 = arith.index_cast %parallel_loop3A_552 : i32 to index
      %parallel_loop3A_556 = tpu.vector_load %arg7[%parallel_loop3A_554, %parallel_loop3A_555] {strides = array<i32>} : memref<8x4096xf32, #tpu.memory_space<vmem>>, vector<1x16xf32>,
      %parallel_loop3A_557 = vector.shape_cast %parallel_loop3A_556 : vector<1x16xf32> to vector<16xf32>
      %parallel_loop3A_558 = arith.cmpf ogt, %parallel_loop3A_557, %parallel_loop3A_478 : vector<16xf32>
      %parallel_loop3A_559 = arith.maximumf %parallel_loop3A_478, %parallel_loop3A_557 : vector<16xf32>
      %parallel_loop3A_560 = arith.select %parallel_loop3A_558, %parallel_loop3A_502, %parallel_loop3A_494 : vector<16xi1>, vector<16xi32>
      %parallel_loop3A_561 = math.exp %parallel_loop3A_557 : vector<16xf32>
      %parallel_loop3A_562 = arith.addf %parallel_loop3A_486, %parallel_loop3A_561 : vector<16xf32>
      %parallel_loop3A_563 = arith.constant 16 : i32
      %parallel_loop3A_564 = arith.muli %parallel_loop3A_473, %parallel_loop3A_563 : i32
      %parallel_loop3A_565 = arith.constant 5 : i32
      %parallel_loop3A_566 = arith.index_cast %parallel_loop3A_565 : i32 to index
      %parallel_loop3A_567 = arith.index_cast %parallel_loop3A_564 : i32 to index
      %parallel_loop3A_568 = tpu.vector_load %arg7[%parallel_loop3A_566, %parallel_loop3A_567] {strides = array<i32>} : memref<8x4096xf32, #tpu.memory_space<vmem>>, vector<1x16xf32>,
      %parallel_loop3A_569 = vector.shape_cast %parallel_loop3A_568 : vector<1x16xf32> to vector<16xf32>
      %parallel_loop3A_570 = arith.cmpf ogt, %parallel_loop3A_569, %parallel_loop3A_479 : vector<16xf32>
      %parallel_loop3A_571 = arith.maximumf %parallel_loop3A_479, %parallel_loop3A_569 : vector<16xf32>
      %parallel_loop3A_572 = arith.select %parallel_loop3A_570, %parallel_loop3A_502, %parallel_loop3A_495 : vector<16xi1>, vector<16xi32>
      %parallel_loop3A_573 = math.exp %parallel_loop3A_569 : vector<16xf32>
      %parallel_loop3A_574 = arith.addf %parallel_loop3A_487, %parallel_loop3A_573 : vector<16xf32>
      %parallel_loop3A_575 = arith.constant 16 : i32
      %parallel_loop3A_576 = arith.muli %parallel_loop3A_473, %parallel_loop3A_575 : i32
      %parallel_loop3A_577 = arith.constant 6 : i32
      %parallel_loop3A_578 = arith.index_cast %parallel_loop3A_577 : i32 to index
      %parallel_loop3A_579 = arith.index_cast %parallel_loop3A_576 : i32 to index
      %parallel_loop3A_580 = tpu.vector_load %arg7[%parallel_loop3A_578, %parallel_loop3A_579] {strides = array<i32>} : memref<8x4096xf32, #tpu.memory_space<vmem>>, vector<1x16xf32>,
      %parallel_loop3A_581 = vector.shape_cast %parallel_loop3A_580 : vector<1x16xf32> to vector<16xf32>
      %parallel_loop3A_582 = arith.cmpf ogt, %parallel_loop3A_581, %parallel_loop3A_480 : vector<16xf32>
      %parallel_loop3A_583 = arith.maximumf %parallel_loop3A_480, %parallel_loop3A_581 : vector<16xf32>
      %parallel_loop3A_584 = arith.select %parallel_loop3A_582, %parallel_loop3A_502, %parallel_loop3A_496 : vector<16xi1>, vector<16xi32>
      %parallel_loop3A_585 = math.exp %parallel_loop3A_581 : vector<16xf32>
      %parallel_loop3A_586 = arith.addf %parallel_loop3A_488, %parallel_loop3A_585 : vector<16xf32>
      %parallel_loop3A_587 = arith.constant 16 : i32
      %parallel_loop3A_588 = arith.muli %parallel_loop3A_473, %parallel_loop3A_587 : i32
      %parallel_loop3A_589 = arith.constant 7 : i32
      %parallel_loop3A_590 = arith.index_cast %parallel_loop3A_589 : i32 to index
      %parallel_loop3A_591 = arith.index_cast %parallel_loop3A_588 : i32 to index
      %parallel_loop3A_592 = tpu.vector_load %arg7[%parallel_loop3A_590, %parallel_loop3A_591] {strides = array<i32>} : memref<8x4096xf32, #tpu.memory_space<vmem>>, vector<1x16xf32>,
      %parallel_loop3A_593 = vector.shape_cast %parallel_loop3A_592 : vector<1x16xf32> to vector<16xf32>
      %parallel_loop3A_594 = arith.cmpf ogt, %parallel_loop3A_593, %parallel_loop3A_481 : vector<16xf32>
      %parallel_loop3A_595 = arith.maximumf %parallel_loop3A_481, %parallel_loop3A_593 : vector<16xf32>
      %parallel_loop3A_596 = arith.select %parallel_loop3A_594, %parallel_loop3A_502, %parallel_loop3A_497 : vector<16xi1>, vector<16xi32>
      %parallel_loop3A_597 = math.exp %parallel_loop3A_593 : vector<16xf32>
      %parallel_loop3A_598 = arith.addf %parallel_loop3A_489, %parallel_loop3A_597 : vector<16xf32>
      scf.yield %parallel_loop3A_511, %parallel_loop3A_523, %parallel_loop3A_535, %parallel_loop3A_547, %parallel_loop3A_559, %parallel_loop3A_571, %parallel_loop3A_583, %parallel_loop3A_595, %parallel_loop3A_514, %parallel_loop3A_526, %parallel_loop3A_538, %parallel_loop3A_550, %parallel_loop3A_562, %parallel_loop3A_574, %parallel_loop3A_586, %parallel_loop3A_598, %parallel_loop3A_512, %parallel_loop3A_524, %parallel_loop3A_536, %parallel_loop3A_548, %parallel_loop3A_560, %parallel_loop3A_572, %parallel_loop3A_584, %parallel_loop3A_596 : vector<16xf32>, vector<16xf32>, vector<16xf32>, vector<16xf32>, vector<16xf32>, vector<16xf32>, vector<16xf32>, vector<16xf32>, vector<16xf32>, vector<16xf32>, vector<16xf32>, vector<16xf32>, vector<16xf32>, vector<16xf32>, vector<16xf32>, vector<16xf32>, vector<16xi32>, vector<16xi32>, vector<16xi32>, vector<16xi32>, vector<16xi32>, vector<16xi32>, vector<16xi32>, vector<16xi32>
    } {sc.loop_unroll_factor = 4 : i64, sc.parallel_access}
    %mul3A_165 = arith.constant 8 : i32
    %mul3A_166 = arith.muli %select_n3A, %mul3A_165 : i32
    %add3A_167 = arith.constant 28672 : i32
    %add3A_168 = arith.addi %mul3A_32, %add3A_167 : i32
    %dma_start3A_169 = tpu.memref_slice %arg2[%mul3A_166, %add3A_168] : memref<32x1000000xf32, #tpu.memory_space<hbm>> -> memref<8x4096xf32, #tpu.memory_space<hbm>>
    %dma_start3A_170 = tpu.memref_slice %arg2[%mul3A_166, %add3A_168] : memref<32x1000000xf32, #tpu.memory_space<hbm>> -> memref<8x4096xf32, #tpu.memory_space<hbm>>
    tpu.enqueue_dma source(%dma_start3A_170 : memref<8x4096xf32, #tpu.memory_space<hbm>>) target(%arg7 : memref<8x4096xf32, #tpu.memory_space<vmem>>) target_semaphore(%arg10 : memref<!tpu.dma_semaphore, #tpu.memory_space<semaphore_mem>>)
    %dma_wait3A_171 = tpu.memref_slice %arg2[%mul3A_152, %add3A_154] : memref<32x1000000xf32, #tpu.memory_space<hbm>> -> memref<8x4096xf32, #tpu.memory_space<hbm>>
    %dma_wait3A_172 = tpu.memref_slice %arg2[%mul3A_152, %add3A_154] : memref<32x1000000xf32, #tpu.memory_space<hbm>> -> memref<8x4096xf32, #tpu.memory_space<hbm>>
    tpu.wait_dma2 semaphore(%arg9 : memref<!tpu.dma_semaphore, #tpu.memory_space<semaphore_mem>>) src(%dma_wait3A_172 : memref<8x4096xf32, #tpu.memory_space<hbm>>) dst(%arg6 : memref<8x4096xf32, #tpu.memory_space<vmem>>)
    %add3A_173 = arith.constant 24576 : i32
    %add3A_174 = arith.addi %mul3A_32, %add3A_173 : i32
    %parallel_loop3A_175 = arith.constant 0 : i32
    %parallel_loop3A_176 = arith.constant 256 : i32
    %parallel_loop3A_177 = arith.constant 1 : i32
    %parallel_loop3A_178:24 = scf.for %parallel_loop3A_473 = %parallel_loop3A_175 to %parallel_loop3A_176 step %parallel_loop3A_177 iter_args(%parallel_loop3A_474 = %parallel_loop3A_164#0, %parallel_loop3A_475 = %parallel_loop3A_164#1, %parallel_loop3A_476 = %parallel_loop3A_164#2, %parallel_loop3A_477 = %parallel_loop3A_164#3, %parallel_loop3A_478 = %parallel_loop3A_164#4, %parallel_loop3A_479 = %parallel_loop3A_164#5, %parallel_loop3A_480 = %parallel_loop3A_164#6, %parallel_loop3A_481 = %parallel_loop3A_164#7, %parallel_loop3A_482 = %parallel_loop3A_164#8, %parallel_loop3A_483 = %parallel_loop3A_164#9, %parallel_loop3A_484 = %parallel_loop3A_164#10, %parallel_loop3A_485 = %parallel_loop3A_164#11, %parallel_loop3A_486 = %parallel_loop3A_164#12, %parallel_loop3A_487 = %parallel_loop3A_164#13, %parallel_loop3A_488 = %parallel_loop3A_164#14, %parallel_loop3A_489 = %parallel_loop3A_164#15, %parallel_loop3A_490 = %parallel_loop3A_164#16, %parallel_loop3A_491 = %parallel_loop3A_164#17, %parallel_loop3A_492 = %parallel_loop3A_164#18, %parallel_loop3A_493 = %parallel_loop3A_164#19, %parallel_loop3A_494 = %parallel_loop3A_164#20, %parallel_loop3A_495 = %parallel_loop3A_164#21, %parallel_loop3A_496 = %parallel_loop3A_164#22, %parallel_loop3A_497 = %parallel_loop3A_164#23) -> (vector<16xf32>, vector<16xf32>, vector<16xf32>, vector<16xf32>, vector<16xf32>, vector<16xf32>, vector<16xf32>, vector<16xf32>, vector<16xf32>, vector<16xf32>, vector<16xf32>, vector<16xf32>, vector<16xf32>, vector<16xf32>, vector<16xf32>, vector<16xf32>, vector<16xi32>, vector<16xi32>, vector<16xi32>, vector<16xi32>, vector<16xi32>, vector<16xi32>, vector<16xi32>, vector<16xi32>)  : i32 {
      %parallel_loop3A_498 = arith.constant 16 : i32
      %parallel_loop3A_499 = arith.muli %parallel_loop3A_473, %parallel_loop3A_498 : i32
      %parallel_loop3A_500 = arith.addi %add3A_174, %parallel_loop3A_499 : i32
      %parallel_loop3A_501 = vector.broadcast %parallel_loop3A_500 : i32 to vector<16xi32>
      %parallel_loop3A_502 = arith.addi %iota3A, %parallel_loop3A_501 : vector<16xi32>
      %parallel_loop3A_503 = arith.constant 16 : i32
      %parallel_loop3A_504 = arith.muli %parallel_loop3A_473, %parallel_loop3A_503 : i32
      %parallel_loop3A_505 = arith.constant 0 : i32
      %parallel_loop3A_506 = arith.index_cast %parallel_loop3A_505 : i32 to index
      %parallel_loop3A_507 = arith.index_cast %parallel_loop3A_504 : i32 to index
      %parallel_loop3A_508 = tpu.vector_load %arg6[%parallel_loop3A_506, %parallel_loop3A_507] {strides = array<i32>} : memref<8x4096xf32, #tpu.memory_space<vmem>>, vector<1x16xf32>,
      %parallel_loop3A_509 = vector.shape_cast %parallel_loop3A_508 : vector<1x16xf32> to vector<16xf32>
      %parallel_loop3A_510 = arith.cmpf ogt, %parallel_loop3A_509, %parallel_loop3A_474 : vector<16xf32>
      %parallel_loop3A_511 = arith.maximumf %parallel_loop3A_474, %parallel_loop3A_509 : vector<16xf32>
      %parallel_loop3A_512 = arith.select %parallel_loop3A_510, %parallel_loop3A_502, %parallel_loop3A_490 : vector<16xi1>, vector<16xi32>
      %parallel_loop3A_513 = math.exp %parallel_loop3A_509 : vector<16xf32>
      %parallel_loop3A_514 = arith.addf %parallel_loop3A_482, %parallel_loop3A_513 : vector<16xf32>
      %parallel_loop3A_515 = arith.constant 16 : i32
      %parallel_loop3A_516 = arith.muli %parallel_loop3A_473, %parallel_loop3A_515 : i32
      %parallel_loop3A_517 = arith.constant 1 : i32
      %parallel_loop3A_518 = arith.index_cast %parallel_loop3A_517 : i32 to index
      %parallel_loop3A_519 = arith.index_cast %parallel_loop3A_516 : i32 to index
      %parallel_loop3A_520 = tpu.vector_load %arg6[%parallel_loop3A_518, %parallel_loop3A_519] {strides = array<i32>} : memref<8x4096xf32, #tpu.memory_space<vmem>>, vector<1x16xf32>,
      %parallel_loop3A_521 = vector.shape_cast %parallel_loop3A_520 : vector<1x16xf32> to vector<16xf32>
      %parallel_loop3A_522 = arith.cmpf ogt, %parallel_loop3A_521, %parallel_loop3A_475 : vector<16xf32>
      %parallel_loop3A_523 = arith.maximumf %parallel_loop3A_475, %parallel_loop3A_521 : vector<16xf32>
      %parallel_loop3A_524 = arith.select %parallel_loop3A_522, %parallel_loop3A_502, %parallel_loop3A_491 : vector<16xi1>, vector<16xi32>
      %parallel_loop3A_525 = math.exp %parallel_loop3A_521 : vector<16xf32>
      %parallel_loop3A_526 = arith.addf %parallel_loop3A_483, %parallel_loop3A_525 : vector<16xf32>
      %parallel_loop3A_527 = arith.constant 16 : i32
      %parallel_loop3A_528 = arith.muli %parallel_loop3A_473, %parallel_loop3A_527 : i32
      %parallel_loop3A_529 = arith.constant 2 : i32
      %parallel_loop3A_530 = arith.index_cast %parallel_loop3A_529 : i32 to index
      %parallel_loop3A_531 = arith.index_cast %parallel_loop3A_528 : i32 to index
      %parallel_loop3A_532 = tpu.vector_load %arg6[%parallel_loop3A_530, %parallel_loop3A_531] {strides = array<i32>} : memref<8x4096xf32, #tpu.memory_space<vmem>>, vector<1x16xf32>,
      %parallel_loop3A_533 = vector.shape_cast %parallel_loop3A_532 : vector<1x16xf32> to vector<16xf32>
      %parallel_loop3A_534 = arith.cmpf ogt, %parallel_loop3A_533, %parallel_loop3A_476 : vector<16xf32>
      %parallel_loop3A_535 = arith.maximumf %parallel_loop3A_476, %parallel_loop3A_533 : vector<16xf32>
      %parallel_loop3A_536 = arith.select %parallel_loop3A_534, %parallel_loop3A_502, %parallel_loop3A_492 : vector<16xi1>, vector<16xi32>
      %parallel_loop3A_537 = math.exp %parallel_loop3A_533 : vector<16xf32>
      %parallel_loop3A_538 = arith.addf %parallel_loop3A_484, %parallel_loop3A_537 : vector<16xf32>
      %parallel_loop3A_539 = arith.constant 16 : i32
      %parallel_loop3A_540 = arith.muli %parallel_loop3A_473, %parallel_loop3A_539 : i32
      %parallel_loop3A_541 = arith.constant 3 : i32
      %parallel_loop3A_542 = arith.index_cast %parallel_loop3A_541 : i32 to index
      %parallel_loop3A_543 = arith.index_cast %parallel_loop3A_540 : i32 to index
      %parallel_loop3A_544 = tpu.vector_load %arg6[%parallel_loop3A_542, %parallel_loop3A_543] {strides = array<i32>} : memref<8x4096xf32, #tpu.memory_space<vmem>>, vector<1x16xf32>,
      %parallel_loop3A_545 = vector.shape_cast %parallel_loop3A_544 : vector<1x16xf32> to vector<16xf32>
      %parallel_loop3A_546 = arith.cmpf ogt, %parallel_loop3A_545, %parallel_loop3A_477 : vector<16xf32>
      %parallel_loop3A_547 = arith.maximumf %parallel_loop3A_477, %parallel_loop3A_545 : vector<16xf32>
      %parallel_loop3A_548 = arith.select %parallel_loop3A_546, %parallel_loop3A_502, %parallel_loop3A_493 : vector<16xi1>, vector<16xi32>
      %parallel_loop3A_549 = math.exp %parallel_loop3A_545 : vector<16xf32>
      %parallel_loop3A_550 = arith.addf %parallel_loop3A_485, %parallel_loop3A_549 : vector<16xf32>
      %parallel_loop3A_551 = arith.constant 16 : i32
      %parallel_loop3A_552 = arith.muli %parallel_loop3A_473, %parallel_loop3A_551 : i32
      %parallel_loop3A_553 = arith.constant 4 : i32
      %parallel_loop3A_554 = arith.index_cast %parallel_loop3A_553 : i32 to index
      %parallel_loop3A_555 = arith.index_cast %parallel_loop3A_552 : i32 to index
      %parallel_loop3A_556 = tpu.vector_load %arg6[%parallel_loop3A_554, %parallel_loop3A_555] {strides = array<i32>} : memref<8x4096xf32, #tpu.memory_space<vmem>>, vector<1x16xf32>,
      %parallel_loop3A_557 = vector.shape_cast %parallel_loop3A_556 : vector<1x16xf32> to vector<16xf32>
      %parallel_loop3A_558 = arith.cmpf ogt, %parallel_loop3A_557, %parallel_loop3A_478 : vector<16xf32>
      %parallel_loop3A_559 = arith.maximumf %parallel_loop3A_478, %parallel_loop3A_557 : vector<16xf32>
      %parallel_loop3A_560 = arith.select %parallel_loop3A_558, %parallel_loop3A_502, %parallel_loop3A_494 : vector<16xi1>, vector<16xi32>
      %parallel_loop3A_561 = math.exp %parallel_loop3A_557 : vector<16xf32>
      %parallel_loop3A_562 = arith.addf %parallel_loop3A_486, %parallel_loop3A_561 : vector<16xf32>
      %parallel_loop3A_563 = arith.constant 16 : i32
      %parallel_loop3A_564 = arith.muli %parallel_loop3A_473, %parallel_loop3A_563 : i32
      %parallel_loop3A_565 = arith.constant 5 : i32
      %parallel_loop3A_566 = arith.index_cast %parallel_loop3A_565 : i32 to index
      %parallel_loop3A_567 = arith.index_cast %parallel_loop3A_564 : i32 to index
      %parallel_loop3A_568 = tpu.vector_load %arg6[%parallel_loop3A_566, %parallel_loop3A_567] {strides = array<i32>} : memref<8x4096xf32, #tpu.memory_space<vmem>>, vector<1x16xf32>,
      %parallel_loop3A_569 = vector.shape_cast %parallel_loop3A_568 : vector<1x16xf32> to vector<16xf32>
      %parallel_loop3A_570 = arith.cmpf ogt, %parallel_loop3A_569, %parallel_loop3A_479 : vector<16xf32>
      %parallel_loop3A_571 = arith.maximumf %parallel_loop3A_479, %parallel_loop3A_569 : vector<16xf32>
      %parallel_loop3A_572 = arith.select %parallel_loop3A_570, %parallel_loop3A_502, %parallel_loop3A_495 : vector<16xi1>, vector<16xi32>
      %parallel_loop3A_573 = math.exp %parallel_loop3A_569 : vector<16xf32>
      %parallel_loop3A_574 = arith.addf %parallel_loop3A_487, %parallel_loop3A_573 : vector<16xf32>
      %parallel_loop3A_575 = arith.constant 16 : i32
      %parallel_loop3A_576 = arith.muli %parallel_loop3A_473, %parallel_loop3A_575 : i32
      %parallel_loop3A_577 = arith.constant 6 : i32
      %parallel_loop3A_578 = arith.index_cast %parallel_loop3A_577 : i32 to index
      %parallel_loop3A_579 = arith.index_cast %parallel_loop3A_576 : i32 to index
      %parallel_loop3A_580 = tpu.vector_load %arg6[%parallel_loop3A_578, %parallel_loop3A_579] {strides = array<i32>} : memref<8x4096xf32, #tpu.memory_space<vmem>>, vector<1x16xf32>,
      %parallel_loop3A_581 = vector.shape_cast %parallel_loop3A_580 : vector<1x16xf32> to vector<16xf32>
      %parallel_loop3A_582 = arith.cmpf ogt, %parallel_loop3A_581, %parallel_loop3A_480 : vector<16xf32>
      %parallel_loop3A_583 = arith.maximumf %parallel_loop3A_480, %parallel_loop3A_581 : vector<16xf32>
      %parallel_loop3A_584 = arith.select %parallel_loop3A_582, %parallel_loop3A_502, %parallel_loop3A_496 : vector<16xi1>, vector<16xi32>
      %parallel_loop3A_585 = math.exp %parallel_loop3A_581 : vector<16xf32>
      %parallel_loop3A_586 = arith.addf %parallel_loop3A_488, %parallel_loop3A_585 : vector<16xf32>
      %parallel_loop3A_587 = arith.constant 16 : i32
      %parallel_loop3A_588 = arith.muli %parallel_loop3A_473, %parallel_loop3A_587 : i32
      %parallel_loop3A_589 = arith.constant 7 : i32
      %parallel_loop3A_590 = arith.index_cast %parallel_loop3A_589 : i32 to index
      %parallel_loop3A_591 = arith.index_cast %parallel_loop3A_588 : i32 to index
      %parallel_loop3A_592 = tpu.vector_load %arg6[%parallel_loop3A_590, %parallel_loop3A_591] {strides = array<i32>} : memref<8x4096xf32, #tpu.memory_space<vmem>>, vector<1x16xf32>,
      %parallel_loop3A_593 = vector.shape_cast %parallel_loop3A_592 : vector<1x16xf32> to vector<16xf32>
      %parallel_loop3A_594 = arith.cmpf ogt, %parallel_loop3A_593, %parallel_loop3A_481 : vector<16xf32>
      %parallel_loop3A_595 = arith.maximumf %parallel_loop3A_481, %parallel_loop3A_593 : vector<16xf32>
      %parallel_loop3A_596 = arith.select %parallel_loop3A_594, %parallel_loop3A_502, %parallel_loop3A_497 : vector<16xi1>, vector<16xi32>
      %parallel_loop3A_597 = math.exp %parallel_loop3A_593 : vector<16xf32>
      %parallel_loop3A_598 = arith.addf %parallel_loop3A_489, %parallel_loop3A_597 : vector<16xf32>
      scf.yield %parallel_loop3A_511, %parallel_loop3A_523, %parallel_loop3A_535, %parallel_loop3A_547, %parallel_loop3A_559, %parallel_loop3A_571, %parallel_loop3A_583, %parallel_loop3A_595, %parallel_loop3A_514, %parallel_loop3A_526, %parallel_loop3A_538, %parallel_loop3A_550, %parallel_loop3A_562, %parallel_loop3A_574, %parallel_loop3A_586, %parallel_loop3A_598, %parallel_loop3A_512, %parallel_loop3A_524, %parallel_loop3A_536, %parallel_loop3A_548, %parallel_loop3A_560, %parallel_loop3A_572, %parallel_loop3A_584, %parallel_loop3A_596 : vector<16xf32>, vector<16xf32>, vector<16xf32>, vector<16xf32>, vector<16xf32>, vector<16xf32>, vector<16xf32>, vector<16xf32>, vector<16xf32>, vector<16xf32>, vector<16xf32>, vector<16xf32>, vector<16xf32>, vector<16xf32>, vector<16xf32>, vector<16xf32>, vector<16xi32>, vector<16xi32>, vector<16xi32>, vector<16xi32>, vector<16xi32>, vector<16xi32>, vector<16xi32>, vector<16xi32>
    } {sc.loop_unroll_factor = 4 : i64, sc.parallel_access}
    %mul3A_179 = arith.constant 8 : i32
    %mul3A_180 = arith.muli %select_n3A, %mul3A_179 : i32
    %add3A_181 = arith.constant 32768 : i32
    %add3A_182 = arith.addi %mul3A_32, %add3A_181 : i32
    %dma_start3A_183 = tpu.memref_slice %arg2[%mul3A_180, %add3A_182] : memref<32x1000000xf32, #tpu.memory_space<hbm>> -> memref<8x4096xf32, #tpu.memory_space<hbm>>
    %dma_start3A_184 = tpu.memref_slice %arg2[%mul3A_180, %add3A_182] : memref<32x1000000xf32, #tpu.memory_space<hbm>> -> memref<8x4096xf32, #tpu.memory_space<hbm>>
    tpu.enqueue_dma source(%dma_start3A_184 : memref<8x4096xf32, #tpu.memory_space<hbm>>) target(%arg6 : memref<8x4096xf32, #tpu.memory_space<vmem>>) target_semaphore(%arg9 : memref<!tpu.dma_semaphore, #tpu.memory_space<semaphore_mem>>)
    %dma_wait3A_185 = tpu.memref_slice %arg2[%mul3A_166, %add3A_168] : memref<32x1000000xf32, #tpu.memory_space<hbm>> -> memref<8x4096xf32, #tpu.memory_space<hbm>>
    %dma_wait3A_186 = tpu.memref_slice %arg2[%mul3A_166, %add3A_168] : memref<32x1000000xf32, #tpu.memory_space<hbm>> -> memref<8x4096xf32, #tpu.memory_space<hbm>>
    tpu.wait_dma2 semaphore(%arg10 : memref<!tpu.dma_semaphore, #tpu.memory_space<semaphore_mem>>) src(%dma_wait3A_186 : memref<8x4096xf32, #tpu.memory_space<hbm>>) dst(%arg7 : memref<8x4096xf32, #tpu.memory_space<vmem>>)
    %add3A_187 = arith.constant 28672 : i32
    %add3A_188 = arith.addi %mul3A_32, %add3A_187 : i32
    %parallel_loop3A_189 = arith.constant 0 : i32
    %parallel_loop3A_190 = arith.constant 256 : i32
    %parallel_loop3A_191 = arith.constant 1 : i32
    %parallel_loop3A_192:24 = scf.for %parallel_loop3A_473 = %parallel_loop3A_189 to %parallel_loop3A_190 step %parallel_loop3A_191 iter_args(%parallel_loop3A_474 = %parallel_loop3A_178#0, %parallel_loop3A_475 = %parallel_loop3A_178#1, %parallel_loop3A_476 = %parallel_loop3A_178#2, %parallel_loop3A_477 = %parallel_loop3A_178#3, %parallel_loop3A_478 = %parallel_loop3A_178#4, %parallel_loop3A_479 = %parallel_loop3A_178#5, %parallel_loop3A_480 = %parallel_loop3A_178#6, %parallel_loop3A_481 = %parallel_loop3A_178#7, %parallel_loop3A_482 = %parallel_loop3A_178#8, %parallel_loop3A_483 = %parallel_loop3A_178#9, %parallel_loop3A_484 = %parallel_loop3A_178#10, %parallel_loop3A_485 = %parallel_loop3A_178#11, %parallel_loop3A_486 = %parallel_loop3A_178#12, %parallel_loop3A_487 = %parallel_loop3A_178#13, %parallel_loop3A_488 = %parallel_loop3A_178#14, %parallel_loop3A_489 = %parallel_loop3A_178#15, %parallel_loop3A_490 = %parallel_loop3A_178#16, %parallel_loop3A_491 = %parallel_loop3A_178#17, %parallel_loop3A_492 = %parallel_loop3A_178#18, %parallel_loop3A_493 = %parallel_loop3A_178#19, %parallel_loop3A_494 = %parallel_loop3A_178#20, %parallel_loop3A_495 = %parallel_loop3A_178#21, %parallel_loop3A_496 = %parallel_loop3A_178#22, %parallel_loop3A_497 = %parallel_loop3A_178#23) -> (vector<16xf32>, vector<16xf32>, vector<16xf32>, vector<16xf32>, vector<16xf32>, vector<16xf32>, vector<16xf32>, vector<16xf32>, vector<16xf32>, vector<16xf32>, vector<16xf32>, vector<16xf32>, vector<16xf32>, vector<16xf32>, vector<16xf32>, vector<16xf32>, vector<16xi32>, vector<16xi32>, vector<16xi32>, vector<16xi32>, vector<16xi32>, vector<16xi32>, vector<16xi32>, vector<16xi32>)  : i32 {
      %parallel_loop3A_498 = arith.constant 16 : i32
      %parallel_loop3A_499 = arith.muli %parallel_loop3A_473, %parallel_loop3A_498 : i32
      %parallel_loop3A_500 = arith.addi %add3A_188, %parallel_loop3A_499 : i32
      %parallel_loop3A_501 = vector.broadcast %parallel_loop3A_500 : i32 to vector<16xi32>
      %parallel_loop3A_502 = arith.addi %iota3A, %parallel_loop3A_501 : vector<16xi32>
      %parallel_loop3A_503 = arith.constant 16 : i32
      %parallel_loop3A_504 = arith.muli %parallel_loop3A_473, %parallel_loop3A_503 : i32
      %parallel_loop3A_505 = arith.constant 0 : i32
      %parallel_loop3A_506 = arith.index_cast %parallel_loop3A_505 : i32 to index
      %parallel_loop3A_507 = arith.index_cast %parallel_loop3A_504 : i32 to index
      %parallel_loop3A_508 = tpu.vector_load %arg7[%parallel_loop3A_506, %parallel_loop3A_507] {strides = array<i32>} : memref<8x4096xf32, #tpu.memory_space<vmem>>, vector<1x16xf32>,
      %parallel_loop3A_509 = vector.shape_cast %parallel_loop3A_508 : vector<1x16xf32> to vector<16xf32>
      %parallel_loop3A_510 = arith.cmpf ogt, %parallel_loop3A_509, %parallel_loop3A_474 : vector<16xf32>
      %parallel_loop3A_511 = arith.maximumf %parallel_loop3A_474, %parallel_loop3A_509 : vector<16xf32>
      %parallel_loop3A_512 = arith.select %parallel_loop3A_510, %parallel_loop3A_502, %parallel_loop3A_490 : vector<16xi1>, vector<16xi32>
      %parallel_loop3A_513 = math.exp %parallel_loop3A_509 : vector<16xf32>
      %parallel_loop3A_514 = arith.addf %parallel_loop3A_482, %parallel_loop3A_513 : vector<16xf32>
      %parallel_loop3A_515 = arith.constant 16 : i32
      %parallel_loop3A_516 = arith.muli %parallel_loop3A_473, %parallel_loop3A_515 : i32
      %parallel_loop3A_517 = arith.constant 1 : i32
      %parallel_loop3A_518 = arith.index_cast %parallel_loop3A_517 : i32 to index
      %parallel_loop3A_519 = arith.index_cast %parallel_loop3A_516 : i32 to index
      %parallel_loop3A_520 = tpu.vector_load %arg7[%parallel_loop3A_518, %parallel_loop3A_519] {strides = array<i32>} : memref<8x4096xf32, #tpu.memory_space<vmem>>, vector<1x16xf32>,
      %parallel_loop3A_521 = vector.shape_cast %parallel_loop3A_520 : vector<1x16xf32> to vector<16xf32>
      %parallel_loop3A_522 = arith.cmpf ogt, %parallel_loop3A_521, %parallel_loop3A_475 : vector<16xf32>
      %parallel_loop3A_523 = arith.maximumf %parallel_loop3A_475, %parallel_loop3A_521 : vector<16xf32>
      %parallel_loop3A_524 = arith.select %parallel_loop3A_522, %parallel_loop3A_502, %parallel_loop3A_491 : vector<16xi1>, vector<16xi32>
      %parallel_loop3A_525 = math.exp %parallel_loop3A_521 : vector<16xf32>
      %parallel_loop3A_526 = arith.addf %parallel_loop3A_483, %parallel_loop3A_525 : vector<16xf32>
      %parallel_loop3A_527 = arith.constant 16 : i32
      %parallel_loop3A_528 = arith.muli %parallel_loop3A_473, %parallel_loop3A_527 : i32
      %parallel_loop3A_529 = arith.constant 2 : i32
      %parallel_loop3A_530 = arith.index_cast %parallel_loop3A_529 : i32 to index
      %parallel_loop3A_531 = arith.index_cast %parallel_loop3A_528 : i32 to index
      %parallel_loop3A_532 = tpu.vector_load %arg7[%parallel_loop3A_530, %parallel_loop3A_531] {strides = array<i32>} : memref<8x4096xf32, #tpu.memory_space<vmem>>, vector<1x16xf32>,
      %parallel_loop3A_533 = vector.shape_cast %parallel_loop3A_532 : vector<1x16xf32> to vector<16xf32>
      %parallel_loop3A_534 = arith.cmpf ogt, %parallel_loop3A_533, %parallel_loop3A_476 : vector<16xf32>
      %parallel_loop3A_535 = arith.maximumf %parallel_loop3A_476, %parallel_loop3A_533 : vector<16xf32>
      %parallel_loop3A_536 = arith.select %parallel_loop3A_534, %parallel_loop3A_502, %parallel_loop3A_492 : vector<16xi1>, vector<16xi32>
      %parallel_loop3A_537 = math.exp %parallel_loop3A_533 : vector<16xf32>
      %parallel_loop3A_538 = arith.addf %parallel_loop3A_484, %parallel_loop3A_537 : vector<16xf32>
      %parallel_loop3A_539 = arith.constant 16 : i32
      %parallel_loop3A_540 = arith.muli %parallel_loop3A_473, %parallel_loop3A_539 : i32
      %parallel_loop3A_541 = arith.constant 3 : i32
      %parallel_loop3A_542 = arith.index_cast %parallel_loop3A_541 : i32 to index
      %parallel_loop3A_543 = arith.index_cast %parallel_loop3A_540 : i32 to index
      %parallel_loop3A_544 = tpu.vector_load %arg7[%parallel_loop3A_542, %parallel_loop3A_543] {strides = array<i32>} : memref<8x4096xf32, #tpu.memory_space<vmem>>, vector<1x16xf32>,
      %parallel_loop3A_545 = vector.shape_cast %parallel_loop3A_544 : vector<1x16xf32> to vector<16xf32>
      %parallel_loop3A_546 = arith.cmpf ogt, %parallel_loop3A_545, %parallel_loop3A_477 : vector<16xf32>
      %parallel_loop3A_547 = arith.maximumf %parallel_loop3A_477, %parallel_loop3A_545 : vector<16xf32>
      %parallel_loop3A_548 = arith.select %parallel_loop3A_546, %parallel_loop3A_502, %parallel_loop3A_493 : vector<16xi1>, vector<16xi32>
      %parallel_loop3A_549 = math.exp %parallel_loop3A_545 : vector<16xf32>
      %parallel_loop3A_550 = arith.addf %parallel_loop3A_485, %parallel_loop3A_549 : vector<16xf32>
      %parallel_loop3A_551 = arith.constant 16 : i32
      %parallel_loop3A_552 = arith.muli %parallel_loop3A_473, %parallel_loop3A_551 : i32
      %parallel_loop3A_553 = arith.constant 4 : i32
      %parallel_loop3A_554 = arith.index_cast %parallel_loop3A_553 : i32 to index
      %parallel_loop3A_555 = arith.index_cast %parallel_loop3A_552 : i32 to index
      %parallel_loop3A_556 = tpu.vector_load %arg7[%parallel_loop3A_554, %parallel_loop3A_555] {strides = array<i32>} : memref<8x4096xf32, #tpu.memory_space<vmem>>, vector<1x16xf32>,
      %parallel_loop3A_557 = vector.shape_cast %parallel_loop3A_556 : vector<1x16xf32> to vector<16xf32>
      %parallel_loop3A_558 = arith.cmpf ogt, %parallel_loop3A_557, %parallel_loop3A_478 : vector<16xf32>
      %parallel_loop3A_559 = arith.maximumf %parallel_loop3A_478, %parallel_loop3A_557 : vector<16xf32>
      %parallel_loop3A_560 = arith.select %parallel_loop3A_558, %parallel_loop3A_502, %parallel_loop3A_494 : vector<16xi1>, vector<16xi32>
      %parallel_loop3A_561 = math.exp %parallel_loop3A_557 : vector<16xf32>
      %parallel_loop3A_562 = arith.addf %parallel_loop3A_486, %parallel_loop3A_561 : vector<16xf32>
      %parallel_loop3A_563 = arith.constant 16 : i32
      %parallel_loop3A_564 = arith.muli %parallel_loop3A_473, %parallel_loop3A_563 : i32
      %parallel_loop3A_565 = arith.constant 5 : i32
      %parallel_loop3A_566 = arith.index_cast %parallel_loop3A_565 : i32 to index
      %parallel_loop3A_567 = arith.index_cast %parallel_loop3A_564 : i32 to index
      %parallel_loop3A_568 = tpu.vector_load %arg7[%parallel_loop3A_566, %parallel_loop3A_567] {strides = array<i32>} : memref<8x4096xf32, #tpu.memory_space<vmem>>, vector<1x16xf32>,
      %parallel_loop3A_569 = vector.shape_cast %parallel_loop3A_568 : vector<1x16xf32> to vector<16xf32>
      %parallel_loop3A_570 = arith.cmpf ogt, %parallel_loop3A_569, %parallel_loop3A_479 : vector<16xf32>
      %parallel_loop3A_571 = arith.maximumf %parallel_loop3A_479, %parallel_loop3A_569 : vector<16xf32>
      %parallel_loop3A_572 = arith.select %parallel_loop3A_570, %parallel_loop3A_502, %parallel_loop3A_495 : vector<16xi1>, vector<16xi32>
      %parallel_loop3A_573 = math.exp %parallel_loop3A_569 : vector<16xf32>
      %parallel_loop3A_574 = arith.addf %parallel_loop3A_487, %parallel_loop3A_573 : vector<16xf32>
      %parallel_loop3A_575 = arith.constant 16 : i32
      %parallel_loop3A_576 = arith.muli %parallel_loop3A_473, %parallel_loop3A_575 : i32
      %parallel_loop3A_577 = arith.constant 6 : i32
      %parallel_loop3A_578 = arith.index_cast %parallel_loop3A_577 : i32 to index
      %parallel_loop3A_579 = arith.index_cast %parallel_loop3A_576 : i32 to index
      %parallel_loop3A_580 = tpu.vector_load %arg7[%parallel_loop3A_578, %parallel_loop3A_579] {strides = array<i32>} : memref<8x4096xf32, #tpu.memory_space<vmem>>, vector<1x16xf32>,
      %parallel_loop3A_581 = vector.shape_cast %parallel_loop3A_580 : vector<1x16xf32> to vector<16xf32>
      %parallel_loop3A_582 = arith.cmpf ogt, %parallel_loop3A_581, %parallel_loop3A_480 : vector<16xf32>
      %parallel_loop3A_583 = arith.maximumf %parallel_loop3A_480, %parallel_loop3A_581 : vector<16xf32>
      %parallel_loop3A_584 = arith.select %parallel_loop3A_582, %parallel_loop3A_502, %parallel_loop3A_496 : vector<16xi1>, vector<16xi32>
      %parallel_loop3A_585 = math.exp %parallel_loop3A_581 : vector<16xf32>
      %parallel_loop3A_586 = arith.addf %parallel_loop3A_488, %parallel_loop3A_585 : vector<16xf32>
      %parallel_loop3A_587 = arith.constant 16 : i32
      %parallel_loop3A_588 = arith.muli %parallel_loop3A_473, %parallel_loop3A_587 : i32
      %parallel_loop3A_589 = arith.constant 7 : i32
      %parallel_loop3A_590 = arith.index_cast %parallel_loop3A_589 : i32 to index
      %parallel_loop3A_591 = arith.index_cast %parallel_loop3A_588 : i32 to index
      %parallel_loop3A_592 = tpu.vector_load %arg7[%parallel_loop3A_590, %parallel_loop3A_591] {strides = array<i32>} : memref<8x4096xf32, #tpu.memory_space<vmem>>, vector<1x16xf32>,
      %parallel_loop3A_593 = vector.shape_cast %parallel_loop3A_592 : vector<1x16xf32> to vector<16xf32>
      %parallel_loop3A_594 = arith.cmpf ogt, %parallel_loop3A_593, %parallel_loop3A_481 : vector<16xf32>
      %parallel_loop3A_595 = arith.maximumf %parallel_loop3A_481, %parallel_loop3A_593 : vector<16xf32>
      %parallel_loop3A_596 = arith.select %parallel_loop3A_594, %parallel_loop3A_502, %parallel_loop3A_497 : vector<16xi1>, vector<16xi32>
      %parallel_loop3A_597 = math.exp %parallel_loop3A_593 : vector<16xf32>
      %parallel_loop3A_598 = arith.addf %parallel_loop3A_489, %parallel_loop3A_597 : vector<16xf32>
      scf.yield %parallel_loop3A_511, %parallel_loop3A_523, %parallel_loop3A_535, %parallel_loop3A_547, %parallel_loop3A_559, %parallel_loop3A_571, %parallel_loop3A_583, %parallel_loop3A_595, %parallel_loop3A_514, %parallel_loop3A_526, %parallel_loop3A_538, %parallel_loop3A_550, %parallel_loop3A_562, %parallel_loop3A_574, %parallel_loop3A_586, %parallel_loop3A_598, %parallel_loop3A_512, %parallel_loop3A_524, %parallel_loop3A_536, %parallel_loop3A_548, %parallel_loop3A_560, %parallel_loop3A_572, %parallel_loop3A_584, %parallel_loop3A_596 : vector<16xf32>, vector<16xf32>, vector<16xf32>, vector<16xf32>, vector<16xf32>, vector<16xf32>, vector<16xf32>, vector<16xf32>, vector<16xf32>, vector<16xf32>, vector<16xf32>, vector<16xf32>, vector<16xf32>, vector<16xf32>, vector<16xf32>, vector<16xf32>, vector<16xi32>, vector<16xi32>, vector<16xi32>, vector<16xi32>, vector<16xi32>, vector<16xi32>, vector<16xi32>, vector<16xi32>
    } {sc.loop_unroll_factor = 4 : i64, sc.parallel_access}
    %mul3A_193 = arith.constant 8 : i32
    %mul3A_194 = arith.muli %select_n3A, %mul3A_193 : i32
    %add3A_195 = arith.constant 36864 : i32
    %add3A_196 = arith.addi %mul3A_32, %add3A_195 : i32
    %dma_start3A_197 = tpu.memref_slice %arg2[%mul3A_194, %add3A_196] : memref<32x1000000xf32, #tpu.memory_space<hbm>> -> memref<8x4096xf32, #tpu.memory_space<hbm>>
    %dma_start3A_198 = tpu.memref_slice %arg2[%mul3A_194, %add3A_196] : memref<32x1000000xf32, #tpu.memory_space<hbm>> -> memref<8x4096xf32, #tpu.memory_space<hbm>>
    tpu.enqueue_dma source(%dma_start3A_198 : memref<8x4096xf32, #tpu.memory_space<hbm>>) target(%arg7 : memref<8x4096xf32, #tpu.memory_space<vmem>>) target_semaphore(%arg10 : memref<!tpu.dma_semaphore, #tpu.memory_space<semaphore_mem>>)
    %dma_wait3A_199 = tpu.memref_slice %arg2[%mul3A_180, %add3A_182] : memref<32x1000000xf32, #tpu.memory_space<hbm>> -> memref<8x4096xf32, #tpu.memory_space<hbm>>
    %dma_wait3A_200 = tpu.memref_slice %arg2[%mul3A_180, %add3A_182] : memref<32x1000000xf32, #tpu.memory_space<hbm>> -> memref<8x4096xf32, #tpu.memory_space<hbm>>
    tpu.wait_dma2 semaphore(%arg9 : memref<!tpu.dma_semaphore, #tpu.memory_space<semaphore_mem>>) src(%dma_wait3A_200 : memref<8x4096xf32, #tpu.memory_space<hbm>>) dst(%arg6 : memref<8x4096xf32, #tpu.memory_space<vmem>>)
    %add3A_201 = arith.constant 32768 : i32
    %add3A_202 = arith.addi %mul3A_32, %add3A_201 : i32
    %parallel_loop3A_203 = arith.constant 0 : i32
    %parallel_loop3A_204 = arith.constant 256 : i32
    %parallel_loop3A_205 = arith.constant 1 : i32
    %parallel_loop3A_206:24 = scf.for %parallel_loop3A_473 = %parallel_loop3A_203 to %parallel_loop3A_204 step %parallel_loop3A_205 iter_args(%parallel_loop3A_474 = %parallel_loop3A_192#0, %parallel_loop3A_475 = %parallel_loop3A_192#1, %parallel_loop3A_476 = %parallel_loop3A_192#2, %parallel_loop3A_477 = %parallel_loop3A_192#3, %parallel_loop3A_478 = %parallel_loop3A_192#4, %parallel_loop3A_479 = %parallel_loop3A_192#5, %parallel_loop3A_480 = %parallel_loop3A_192#6, %parallel_loop3A_481 = %parallel_loop3A_192#7, %parallel_loop3A_482 = %parallel_loop3A_192#8, %parallel_loop3A_483 = %parallel_loop3A_192#9, %parallel_loop3A_484 = %parallel_loop3A_192#10, %parallel_loop3A_485 = %parallel_loop3A_192#11, %parallel_loop3A_486 = %parallel_loop3A_192#12, %parallel_loop3A_487 = %parallel_loop3A_192#13, %parallel_loop3A_488 = %parallel_loop3A_192#14, %parallel_loop3A_489 = %parallel_loop3A_192#15, %parallel_loop3A_490 = %parallel_loop3A_192#16, %parallel_loop3A_491 = %parallel_loop3A_192#17, %parallel_loop3A_492 = %parallel_loop3A_192#18, %parallel_loop3A_493 = %parallel_loop3A_192#19, %parallel_loop3A_494 = %parallel_loop3A_192#20, %parallel_loop3A_495 = %parallel_loop3A_192#21, %parallel_loop3A_496 = %parallel_loop3A_192#22, %parallel_loop3A_497 = %parallel_loop3A_192#23) -> (vector<16xf32>, vector<16xf32>, vector<16xf32>, vector<16xf32>, vector<16xf32>, vector<16xf32>, vector<16xf32>, vector<16xf32>, vector<16xf32>, vector<16xf32>, vector<16xf32>, vector<16xf32>, vector<16xf32>, vector<16xf32>, vector<16xf32>, vector<16xf32>, vector<16xi32>, vector<16xi32>, vector<16xi32>, vector<16xi32>, vector<16xi32>, vector<16xi32>, vector<16xi32>, vector<16xi32>)  : i32 {
      %parallel_loop3A_498 = arith.constant 16 : i32
      %parallel_loop3A_499 = arith.muli %parallel_loop3A_473, %parallel_loop3A_498 : i32
      %parallel_loop3A_500 = arith.addi %add3A_202, %parallel_loop3A_499 : i32
      %parallel_loop3A_501 = vector.broadcast %parallel_loop3A_500 : i32 to vector<16xi32>
      %parallel_loop3A_502 = arith.addi %iota3A, %parallel_loop3A_501 : vector<16xi32>
      %parallel_loop3A_503 = arith.constant 16 : i32
      %parallel_loop3A_504 = arith.muli %parallel_loop3A_473, %parallel_loop3A_503 : i32
      %parallel_loop3A_505 = arith.constant 0 : i32
      %parallel_loop3A_506 = arith.index_cast %parallel_loop3A_505 : i32 to index
      %parallel_loop3A_507 = arith.index_cast %parallel_loop3A_504 : i32 to index
      %parallel_loop3A_508 = tpu.vector_load %arg6[%parallel_loop3A_506, %parallel_loop3A_507] {strides = array<i32>} : memref<8x4096xf32, #tpu.memory_space<vmem>>, vector<1x16xf32>,
      %parallel_loop3A_509 = vector.shape_cast %parallel_loop3A_508 : vector<1x16xf32> to vector<16xf32>
      %parallel_loop3A_510 = arith.cmpf ogt, %parallel_loop3A_509, %parallel_loop3A_474 : vector<16xf32>
      %parallel_loop3A_511 = arith.maximumf %parallel_loop3A_474, %parallel_loop3A_509 : vector<16xf32>
      %parallel_loop3A_512 = arith.select %parallel_loop3A_510, %parallel_loop3A_502, %parallel_loop3A_490 : vector<16xi1>, vector<16xi32>
      %parallel_loop3A_513 = math.exp %parallel_loop3A_509 : vector<16xf32>
      %parallel_loop3A_514 = arith.addf %parallel_loop3A_482, %parallel_loop3A_513 : vector<16xf32>
      %parallel_loop3A_515 = arith.constant 16 : i32
      %parallel_loop3A_516 = arith.muli %parallel_loop3A_473, %parallel_loop3A_515 : i32
      %parallel_loop3A_517 = arith.constant 1 : i32
      %parallel_loop3A_518 = arith.index_cast %parallel_loop3A_517 : i32 to index
      %parallel_loop3A_519 = arith.index_cast %parallel_loop3A_516 : i32 to index
      %parallel_loop3A_520 = tpu.vector_load %arg6[%parallel_loop3A_518, %parallel_loop3A_519] {strides = array<i32>} : memref<8x4096xf32, #tpu.memory_space<vmem>>, vector<1x16xf32>,
      %parallel_loop3A_521 = vector.shape_cast %parallel_loop3A_520 : vector<1x16xf32> to vector<16xf32>
      %parallel_loop3A_522 = arith.cmpf ogt, %parallel_loop3A_521, %parallel_loop3A_475 : vector<16xf32>
      %parallel_loop3A_523 = arith.maximumf %parallel_loop3A_475, %parallel_loop3A_521 : vector<16xf32>
      %parallel_loop3A_524 = arith.select %parallel_loop3A_522, %parallel_loop3A_502, %parallel_loop3A_491 : vector<16xi1>, vector<16xi32>
      %parallel_loop3A_525 = math.exp %parallel_loop3A_521 : vector<16xf32>
      %parallel_loop3A_526 = arith.addf %parallel_loop3A_483, %parallel_loop3A_525 : vector<16xf32>
      %parallel_loop3A_527 = arith.constant 16 : i32
      %parallel_loop3A_528 = arith.muli %parallel_loop3A_473, %parallel_loop3A_527 : i32
      %parallel_loop3A_529 = arith.constant 2 : i32
      %parallel_loop3A_530 = arith.index_cast %parallel_loop3A_529 : i32 to index
      %parallel_loop3A_531 = arith.index_cast %parallel_loop3A_528 : i32 to index
      %parallel_loop3A_532 = tpu.vector_load %arg6[%parallel_loop3A_530, %parallel_loop3A_531] {strides = array<i32>} : memref<8x4096xf32, #tpu.memory_space<vmem>>, vector<1x16xf32>,
      %parallel_loop3A_533 = vector.shape_cast %parallel_loop3A_532 : vector<1x16xf32> to vector<16xf32>
      %parallel_loop3A_534 = arith.cmpf ogt, %parallel_loop3A_533, %parallel_loop3A_476 : vector<16xf32>
      %parallel_loop3A_535 = arith.maximumf %parallel_loop3A_476, %parallel_loop3A_533 : vector<16xf32>
      %parallel_loop3A_536 = arith.select %parallel_loop3A_534, %parallel_loop3A_502, %parallel_loop3A_492 : vector<16xi1>, vector<16xi32>
      %parallel_loop3A_537 = math.exp %parallel_loop3A_533 : vector<16xf32>
      %parallel_loop3A_538 = arith.addf %parallel_loop3A_484, %parallel_loop3A_537 : vector<16xf32>
      %parallel_loop3A_539 = arith.constant 16 : i32
      %parallel_loop3A_540 = arith.muli %parallel_loop3A_473, %parallel_loop3A_539 : i32
      %parallel_loop3A_541 = arith.constant 3 : i32
      %parallel_loop3A_542 = arith.index_cast %parallel_loop3A_541 : i32 to index
      %parallel_loop3A_543 = arith.index_cast %parallel_loop3A_540 : i32 to index
      %parallel_loop3A_544 = tpu.vector_load %arg6[%parallel_loop3A_542, %parallel_loop3A_543] {strides = array<i32>} : memref<8x4096xf32, #tpu.memory_space<vmem>>, vector<1x16xf32>,
      %parallel_loop3A_545 = vector.shape_cast %parallel_loop3A_544 : vector<1x16xf32> to vector<16xf32>
      %parallel_loop3A_546 = arith.cmpf ogt, %parallel_loop3A_545, %parallel_loop3A_477 : vector<16xf32>
      %parallel_loop3A_547 = arith.maximumf %parallel_loop3A_477, %parallel_loop3A_545 : vector<16xf32>
      %parallel_loop3A_548 = arith.select %parallel_loop3A_546, %parallel_loop3A_502, %parallel_loop3A_493 : vector<16xi1>, vector<16xi32>
      %parallel_loop3A_549 = math.exp %parallel_loop3A_545 : vector<16xf32>
      %parallel_loop3A_550 = arith.addf %parallel_loop3A_485, %parallel_loop3A_549 : vector<16xf32>
      %parallel_loop3A_551 = arith.constant 16 : i32
      %parallel_loop3A_552 = arith.muli %parallel_loop3A_473, %parallel_loop3A_551 : i32
      %parallel_loop3A_553 = arith.constant 4 : i32
      %parallel_loop3A_554 = arith.index_cast %parallel_loop3A_553 : i32 to index
      %parallel_loop3A_555 = arith.index_cast %parallel_loop3A_552 : i32 to index
      %parallel_loop3A_556 = tpu.vector_load %arg6[%parallel_loop3A_554, %parallel_loop3A_555] {strides = array<i32>} : memref<8x4096xf32, #tpu.memory_space<vmem>>, vector<1x16xf32>,
      %parallel_loop3A_557 = vector.shape_cast %parallel_loop3A_556 : vector<1x16xf32> to vector<16xf32>
      %parallel_loop3A_558 = arith.cmpf ogt, %parallel_loop3A_557, %parallel_loop3A_478 : vector<16xf32>
      %parallel_loop3A_559 = arith.maximumf %parallel_loop3A_478, %parallel_loop3A_557 : vector<16xf32>
      %parallel_loop3A_560 = arith.select %parallel_loop3A_558, %parallel_loop3A_502, %parallel_loop3A_494 : vector<16xi1>, vector<16xi32>
      %parallel_loop3A_561 = math.exp %parallel_loop3A_557 : vector<16xf32>
      %parallel_loop3A_562 = arith.addf %parallel_loop3A_486, %parallel_loop3A_561 : vector<16xf32>
      %parallel_loop3A_563 = arith.constant 16 : i32
      %parallel_loop3A_564 = arith.muli %parallel_loop3A_473, %parallel_loop3A_563 : i32
      %parallel_loop3A_565 = arith.constant 5 : i32
      %parallel_loop3A_566 = arith.index_cast %parallel_loop3A_565 : i32 to index
      %parallel_loop3A_567 = arith.index_cast %parallel_loop3A_564 : i32 to index
      %parallel_loop3A_568 = tpu.vector_load %arg6[%parallel_loop3A_566, %parallel_loop3A_567] {strides = array<i32>} : memref<8x4096xf32, #tpu.memory_space<vmem>>, vector<1x16xf32>,
      %parallel_loop3A_569 = vector.shape_cast %parallel_loop3A_568 : vector<1x16xf32> to vector<16xf32>
      %parallel_loop3A_570 = arith.cmpf ogt, %parallel_loop3A_569, %parallel_loop3A_479 : vector<16xf32>
      %parallel_loop3A_571 = arith.maximumf %parallel_loop3A_479, %parallel_loop3A_569 : vector<16xf32>
      %parallel_loop3A_572 = arith.select %parallel_loop3A_570, %parallel_loop3A_502, %parallel_loop3A_495 : vector<16xi1>, vector<16xi32>
      %parallel_loop3A_573 = math.exp %parallel_loop3A_569 : vector<16xf32>
      %parallel_loop3A_574 = arith.addf %parallel_loop3A_487, %parallel_loop3A_573 : vector<16xf32>
      %parallel_loop3A_575 = arith.constant 16 : i32
      %parallel_loop3A_576 = arith.muli %parallel_loop3A_473, %parallel_loop3A_575 : i32
      %parallel_loop3A_577 = arith.constant 6 : i32
      %parallel_loop3A_578 = arith.index_cast %parallel_loop3A_577 : i32 to index
      %parallel_loop3A_579 = arith.index_cast %parallel_loop3A_576 : i32 to index
      %parallel_loop3A_580 = tpu.vector_load %arg6[%parallel_loop3A_578, %parallel_loop3A_579] {strides = array<i32>} : memref<8x4096xf32, #tpu.memory_space<vmem>>, vector<1x16xf32>,
      %parallel_loop3A_581 = vector.shape_cast %parallel_loop3A_580 : vector<1x16xf32> to vector<16xf32>
      %parallel_loop3A_582 = arith.cmpf ogt, %parallel_loop3A_581, %parallel_loop3A_480 : vector<16xf32>
      %parallel_loop3A_583 = arith.maximumf %parallel_loop3A_480, %parallel_loop3A_581 : vector<16xf32>
      %parallel_loop3A_584 = arith.select %parallel_loop3A_582, %parallel_loop3A_502, %parallel_loop3A_496 : vector<16xi1>, vector<16xi32>
      %parallel_loop3A_585 = math.exp %parallel_loop3A_581 : vector<16xf32>
      %parallel_loop3A_586 = arith.addf %parallel_loop3A_488, %parallel_loop3A_585 : vector<16xf32>
      %parallel_loop3A_587 = arith.constant 16 : i32
      %parallel_loop3A_588 = arith.muli %parallel_loop3A_473, %parallel_loop3A_587 : i32
      %parallel_loop3A_589 = arith.constant 7 : i32
      %parallel_loop3A_590 = arith.index_cast %parallel_loop3A_589 : i32 to index
      %parallel_loop3A_591 = arith.index_cast %parallel_loop3A_588 : i32 to index
      %parallel_loop3A_592 = tpu.vector_load %arg6[%parallel_loop3A_590, %parallel_loop3A_591] {strides = array<i32>} : memref<8x4096xf32, #tpu.memory_space<vmem>>, vector<1x16xf32>,
      %parallel_loop3A_593 = vector.shape_cast %parallel_loop3A_592 : vector<1x16xf32> to vector<16xf32>
      %parallel_loop3A_594 = arith.cmpf ogt, %parallel_loop3A_593, %parallel_loop3A_481 : vector<16xf32>
      %parallel_loop3A_595 = arith.maximumf %parallel_loop3A_481, %parallel_loop3A_593 : vector<16xf32>
      %parallel_loop3A_596 = arith.select %parallel_loop3A_594, %parallel_loop3A_502, %parallel_loop3A_497 : vector<16xi1>, vector<16xi32>
      %parallel_loop3A_597 = math.exp %parallel_loop3A_593 : vector<16xf32>
      %parallel_loop3A_598 = arith.addf %parallel_loop3A_489, %parallel_loop3A_597 : vector<16xf32>
      scf.yield %parallel_loop3A_511, %parallel_loop3A_523, %parallel_loop3A_535, %parallel_loop3A_547, %parallel_loop3A_559, %parallel_loop3A_571, %parallel_loop3A_583, %parallel_loop3A_595, %parallel_loop3A_514, %parallel_loop3A_526, %parallel_loop3A_538, %parallel_loop3A_550, %parallel_loop3A_562, %parallel_loop3A_574, %parallel_loop3A_586, %parallel_loop3A_598, %parallel_loop3A_512, %parallel_loop3A_524, %parallel_loop3A_536, %parallel_loop3A_548, %parallel_loop3A_560, %parallel_loop3A_572, %parallel_loop3A_584, %parallel_loop3A_596 : vector<16xf32>, vector<16xf32>, vector<16xf32>, vector<16xf32>, vector<16xf32>, vector<16xf32>, vector<16xf32>, vector<16xf32>, vector<16xf32>, vector<16xf32>, vector<16xf32>, vector<16xf32>, vector<16xf32>, vector<16xf32>, vector<16xf32>, vector<16xf32>, vector<16xi32>, vector<16xi32>, vector<16xi32>, vector<16xi32>, vector<16xi32>, vector<16xi32>, vector<16xi32>, vector<16xi32>
    } {sc.loop_unroll_factor = 4 : i64, sc.parallel_access}
    %mul3A_207 = arith.constant 8 : i32
    %mul3A_208 = arith.muli %select_n3A, %mul3A_207 : i32
    %add3A_209 = arith.constant 40960 : i32
    %add3A_210 = arith.addi %mul3A_32, %add3A_209 : i32
    %dma_start3A_211 = tpu.memref_slice %arg2[%mul3A_208, %add3A_210] : memref<32x1000000xf32, #tpu.memory_space<hbm>> -> memref<8x4096xf32, #tpu.memory_space<hbm>>
    %dma_start3A_212 = tpu.memref_slice %arg2[%mul3A_208, %add3A_210] : memref<32x1000000xf32, #tpu.memory_space<hbm>> -> memref<8x4096xf32, #tpu.memory_space<hbm>>
    tpu.enqueue_dma source(%dma_start3A_212 : memref<8x4096xf32, #tpu.memory_space<hbm>>) target(%arg6 : memref<8x4096xf32, #tpu.memory_space<vmem>>) target_semaphore(%arg9 : memref<!tpu.dma_semaphore, #tpu.memory_space<semaphore_mem>>)
    %dma_wait3A_213 = tpu.memref_slice %arg2[%mul3A_194, %add3A_196] : memref<32x1000000xf32, #tpu.memory_space<hbm>> -> memref<8x4096xf32, #tpu.memory_space<hbm>>
    %dma_wait3A_214 = tpu.memref_slice %arg2[%mul3A_194, %add3A_196] : memref<32x1000000xf32, #tpu.memory_space<hbm>> -> memref<8x4096xf32, #tpu.memory_space<hbm>>
    tpu.wait_dma2 semaphore(%arg10 : memref<!tpu.dma_semaphore, #tpu.memory_space<semaphore_mem>>) src(%dma_wait3A_214 : memref<8x4096xf32, #tpu.memory_space<hbm>>) dst(%arg7 : memref<8x4096xf32, #tpu.memory_space<vmem>>)
    %add3A_215 = arith.constant 36864 : i32
    %add3A_216 = arith.addi %mul3A_32, %add3A_215 : i32
    %parallel_loop3A_217 = arith.constant 0 : i32
    %parallel_loop3A_218 = arith.constant 256 : i32
    %parallel_loop3A_219 = arith.constant 1 : i32
    %parallel_loop3A_220:24 = scf.for %parallel_loop3A_473 = %parallel_loop3A_217 to %parallel_loop3A_218 step %parallel_loop3A_219 iter_args(%parallel_loop3A_474 = %parallel_loop3A_206#0, %parallel_loop3A_475 = %parallel_loop3A_206#1, %parallel_loop3A_476 = %parallel_loop3A_206#2, %parallel_loop3A_477 = %parallel_loop3A_206#3, %parallel_loop3A_478 = %parallel_loop3A_206#4, %parallel_loop3A_479 = %parallel_loop3A_206#5, %parallel_loop3A_480 = %parallel_loop3A_206#6, %parallel_loop3A_481 = %parallel_loop3A_206#7, %parallel_loop3A_482 = %parallel_loop3A_206#8, %parallel_loop3A_483 = %parallel_loop3A_206#9, %parallel_loop3A_484 = %parallel_loop3A_206#10, %parallel_loop3A_485 = %parallel_loop3A_206#11, %parallel_loop3A_486 = %parallel_loop3A_206#12, %parallel_loop3A_487 = %parallel_loop3A_206#13, %parallel_loop3A_488 = %parallel_loop3A_206#14, %parallel_loop3A_489 = %parallel_loop3A_206#15, %parallel_loop3A_490 = %parallel_loop3A_206#16, %parallel_loop3A_491 = %parallel_loop3A_206#17, %parallel_loop3A_492 = %parallel_loop3A_206#18, %parallel_loop3A_493 = %parallel_loop3A_206#19, %parallel_loop3A_494 = %parallel_loop3A_206#20, %parallel_loop3A_495 = %parallel_loop3A_206#21, %parallel_loop3A_496 = %parallel_loop3A_206#22, %parallel_loop3A_497 = %parallel_loop3A_206#23) -> (vector<16xf32>, vector<16xf32>, vector<16xf32>, vector<16xf32>, vector<16xf32>, vector<16xf32>, vector<16xf32>, vector<16xf32>, vector<16xf32>, vector<16xf32>, vector<16xf32>, vector<16xf32>, vector<16xf32>, vector<16xf32>, vector<16xf32>, vector<16xf32>, vector<16xi32>, vector<16xi32>, vector<16xi32>, vector<16xi32>, vector<16xi32>, vector<16xi32>, vector<16xi32>, vector<16xi32>)  : i32 {
      %parallel_loop3A_498 = arith.constant 16 : i32
      %parallel_loop3A_499 = arith.muli %parallel_loop3A_473, %parallel_loop3A_498 : i32
      %parallel_loop3A_500 = arith.addi %add3A_216, %parallel_loop3A_499 : i32
      %parallel_loop3A_501 = vector.broadcast %parallel_loop3A_500 : i32 to vector<16xi32>
      %parallel_loop3A_502 = arith.addi %iota3A, %parallel_loop3A_501 : vector<16xi32>
      %parallel_loop3A_503 = arith.constant 16 : i32
      %parallel_loop3A_504 = arith.muli %parallel_loop3A_473, %parallel_loop3A_503 : i32
      %parallel_loop3A_505 = arith.constant 0 : i32
      %parallel_loop3A_506 = arith.index_cast %parallel_loop3A_505 : i32 to index
      %parallel_loop3A_507 = arith.index_cast %parallel_loop3A_504 : i32 to index
      %parallel_loop3A_508 = tpu.vector_load %arg7[%parallel_loop3A_506, %parallel_loop3A_507] {strides = array<i32>} : memref<8x4096xf32, #tpu.memory_space<vmem>>, vector<1x16xf32>,
      %parallel_loop3A_509 = vector.shape_cast %parallel_loop3A_508 : vector<1x16xf32> to vector<16xf32>
      %parallel_loop3A_510 = arith.cmpf ogt, %parallel_loop3A_509, %parallel_loop3A_474 : vector<16xf32>
      %parallel_loop3A_511 = arith.maximumf %parallel_loop3A_474, %parallel_loop3A_509 : vector<16xf32>
      %parallel_loop3A_512 = arith.select %parallel_loop3A_510, %parallel_loop3A_502, %parallel_loop3A_490 : vector<16xi1>, vector<16xi32>
      %parallel_loop3A_513 = math.exp %parallel_loop3A_509 : vector<16xf32>
      %parallel_loop3A_514 = arith.addf %parallel_loop3A_482, %parallel_loop3A_513 : vector<16xf32>
      %parallel_loop3A_515 = arith.constant 16 : i32
      %parallel_loop3A_516 = arith.muli %parallel_loop3A_473, %parallel_loop3A_515 : i32
      %parallel_loop3A_517 = arith.constant 1 : i32
      %parallel_loop3A_518 = arith.index_cast %parallel_loop3A_517 : i32 to index
      %parallel_loop3A_519 = arith.index_cast %parallel_loop3A_516 : i32 to index
      %parallel_loop3A_520 = tpu.vector_load %arg7[%parallel_loop3A_518, %parallel_loop3A_519] {strides = array<i32>} : memref<8x4096xf32, #tpu.memory_space<vmem>>, vector<1x16xf32>,
      %parallel_loop3A_521 = vector.shape_cast %parallel_loop3A_520 : vector<1x16xf32> to vector<16xf32>
      %parallel_loop3A_522 = arith.cmpf ogt, %parallel_loop3A_521, %parallel_loop3A_475 : vector<16xf32>
      %parallel_loop3A_523 = arith.maximumf %parallel_loop3A_475, %parallel_loop3A_521 : vector<16xf32>
      %parallel_loop3A_524 = arith.select %parallel_loop3A_522, %parallel_loop3A_502, %parallel_loop3A_491 : vector<16xi1>, vector<16xi32>
      %parallel_loop3A_525 = math.exp %parallel_loop3A_521 : vector<16xf32>
      %parallel_loop3A_526 = arith.addf %parallel_loop3A_483, %parallel_loop3A_525 : vector<16xf32>
      %parallel_loop3A_527 = arith.constant 16 : i32
      %parallel_loop3A_528 = arith.muli %parallel_loop3A_473, %parallel_loop3A_527 : i32
      %parallel_loop3A_529 = arith.constant 2 : i32
      %parallel_loop3A_530 = arith.index_cast %parallel_loop3A_529 : i32 to index
      %parallel_loop3A_531 = arith.index_cast %parallel_loop3A_528 : i32 to index
      %parallel_loop3A_532 = tpu.vector_load %arg7[%parallel_loop3A_530, %parallel_loop3A_531] {strides = array<i32>} : memref<8x4096xf32, #tpu.memory_space<vmem>>, vector<1x16xf32>,
      %parallel_loop3A_533 = vector.shape_cast %parallel_loop3A_532 : vector<1x16xf32> to vector<16xf32>
      %parallel_loop3A_534 = arith.cmpf ogt, %parallel_loop3A_533, %parallel_loop3A_476 : vector<16xf32>
      %parallel_loop3A_535 = arith.maximumf %parallel_loop3A_476, %parallel_loop3A_533 : vector<16xf32>
      %parallel_loop3A_536 = arith.select %parallel_loop3A_534, %parallel_loop3A_502, %parallel_loop3A_492 : vector<16xi1>, vector<16xi32>
      %parallel_loop3A_537 = math.exp %parallel_loop3A_533 : vector<16xf32>
      %parallel_loop3A_538 = arith.addf %parallel_loop3A_484, %parallel_loop3A_537 : vector<16xf32>
      %parallel_loop3A_539 = arith.constant 16 : i32
      %parallel_loop3A_540 = arith.muli %parallel_loop3A_473, %parallel_loop3A_539 : i32
      %parallel_loop3A_541 = arith.constant 3 : i32
      %parallel_loop3A_542 = arith.index_cast %parallel_loop3A_541 : i32 to index
      %parallel_loop3A_543 = arith.index_cast %parallel_loop3A_540 : i32 to index
      %parallel_loop3A_544 = tpu.vector_load %arg7[%parallel_loop3A_542, %parallel_loop3A_543] {strides = array<i32>} : memref<8x4096xf32, #tpu.memory_space<vmem>>, vector<1x16xf32>,
      %parallel_loop3A_545 = vector.shape_cast %parallel_loop3A_544 : vector<1x16xf32> to vector<16xf32>
      %parallel_loop3A_546 = arith.cmpf ogt, %parallel_loop3A_545, %parallel_loop3A_477 : vector<16xf32>
      %parallel_loop3A_547 = arith.maximumf %parallel_loop3A_477, %parallel_loop3A_545 : vector<16xf32>
      %parallel_loop3A_548 = arith.select %parallel_loop3A_546, %parallel_loop3A_502, %parallel_loop3A_493 : vector<16xi1>, vector<16xi32>
      %parallel_loop3A_549 = math.exp %parallel_loop3A_545 : vector<16xf32>
      %parallel_loop3A_550 = arith.addf %parallel_loop3A_485, %parallel_loop3A_549 : vector<16xf32>
      %parallel_loop3A_551 = arith.constant 16 : i32
      %parallel_loop3A_552 = arith.muli %parallel_loop3A_473, %parallel_loop3A_551 : i32
      %parallel_loop3A_553 = arith.constant 4 : i32
      %parallel_loop3A_554 = arith.index_cast %parallel_loop3A_553 : i32 to index
      %parallel_loop3A_555 = arith.index_cast %parallel_loop3A_552 : i32 to index
      %parallel_loop3A_556 = tpu.vector_load %arg7[%parallel_loop3A_554, %parallel_loop3A_555] {strides = array<i32>} : memref<8x4096xf32, #tpu.memory_space<vmem>>, vector<1x16xf32>,
      %parallel_loop3A_557 = vector.shape_cast %parallel_loop3A_556 : vector<1x16xf32> to vector<16xf32>
      %parallel_loop3A_558 = arith.cmpf ogt, %parallel_loop3A_557, %parallel_loop3A_478 : vector<16xf32>
      %parallel_loop3A_559 = arith.maximumf %parallel_loop3A_478, %parallel_loop3A_557 : vector<16xf32>
      %parallel_loop3A_560 = arith.select %parallel_loop3A_558, %parallel_loop3A_502, %parallel_loop3A_494 : vector<16xi1>, vector<16xi32>
      %parallel_loop3A_561 = math.exp %parallel_loop3A_557 : vector<16xf32>
      %parallel_loop3A_562 = arith.addf %parallel_loop3A_486, %parallel_loop3A_561 : vector<16xf32>
      %parallel_loop3A_563 = arith.constant 16 : i32
      %parallel_loop3A_564 = arith.muli %parallel_loop3A_473, %parallel_loop3A_563 : i32
      %parallel_loop3A_565 = arith.constant 5 : i32
      %parallel_loop3A_566 = arith.index_cast %parallel_loop3A_565 : i32 to index
      %parallel_loop3A_567 = arith.index_cast %parallel_loop3A_564 : i32 to index
      %parallel_loop3A_568 = tpu.vector_load %arg7[%parallel_loop3A_566, %parallel_loop3A_567] {strides = array<i32>} : memref<8x4096xf32, #tpu.memory_space<vmem>>, vector<1x16xf32>,
      %parallel_loop3A_569 = vector.shape_cast %parallel_loop3A_568 : vector<1x16xf32> to vector<16xf32>
      %parallel_loop3A_570 = arith.cmpf ogt, %parallel_loop3A_569, %parallel_loop3A_479 : vector<16xf32>
      %parallel_loop3A_571 = arith.maximumf %parallel_loop3A_479, %parallel_loop3A_569 : vector<16xf32>
      %parallel_loop3A_572 = arith.select %parallel_loop3A_570, %parallel_loop3A_502, %parallel_loop3A_495 : vector<16xi1>, vector<16xi32>
      %parallel_loop3A_573 = math.exp %parallel_loop3A_569 : vector<16xf32>
      %parallel_loop3A_574 = arith.addf %parallel_loop3A_487, %parallel_loop3A_573 : vector<16xf32>
      %parallel_loop3A_575 = arith.constant 16 : i32
      %parallel_loop3A_576 = arith.muli %parallel_loop3A_473, %parallel_loop3A_575 : i32
      %parallel_loop3A_577 = arith.constant 6 : i32
      %parallel_loop3A_578 = arith.index_cast %parallel_loop3A_577 : i32 to index
      %parallel_loop3A_579 = arith.index_cast %parallel_loop3A_576 : i32 to index
      %parallel_loop3A_580 = tpu.vector_load %arg7[%parallel_loop3A_578, %parallel_loop3A_579] {strides = array<i32>} : memref<8x4096xf32, #tpu.memory_space<vmem>>, vector<1x16xf32>,
      %parallel_loop3A_581 = vector.shape_cast %parallel_loop3A_580 : vector<1x16xf32> to vector<16xf32>
      %parallel_loop3A_582 = arith.cmpf ogt, %parallel_loop3A_581, %parallel_loop3A_480 : vector<16xf32>
      %parallel_loop3A_583 = arith.maximumf %parallel_loop3A_480, %parallel_loop3A_581 : vector<16xf32>
      %parallel_loop3A_584 = arith.select %parallel_loop3A_582, %parallel_loop3A_502, %parallel_loop3A_496 : vector<16xi1>, vector<16xi32>
      %parallel_loop3A_585 = math.exp %parallel_loop3A_581 : vector<16xf32>
      %parallel_loop3A_586 = arith.addf %parallel_loop3A_488, %parallel_loop3A_585 : vector<16xf32>
      %parallel_loop3A_587 = arith.constant 16 : i32
      %parallel_loop3A_588 = arith.muli %parallel_loop3A_473, %parallel_loop3A_587 : i32
      %parallel_loop3A_589 = arith.constant 7 : i32
      %parallel_loop3A_590 = arith.index_cast %parallel_loop3A_589 : i32 to index
      %parallel_loop3A_591 = arith.index_cast %parallel_loop3A_588 : i32 to index
      %parallel_loop3A_592 = tpu.vector_load %arg7[%parallel_loop3A_590, %parallel_loop3A_591] {strides = array<i32>} : memref<8x4096xf32, #tpu.memory_space<vmem>>, vector<1x16xf32>,
      %parallel_loop3A_593 = vector.shape_cast %parallel_loop3A_592 : vector<1x16xf32> to vector<16xf32>
      %parallel_loop3A_594 = arith.cmpf ogt, %parallel_loop3A_593, %parallel_loop3A_481 : vector<16xf32>
      %parallel_loop3A_595 = arith.maximumf %parallel_loop3A_481, %parallel_loop3A_593 : vector<16xf32>
      %parallel_loop3A_596 = arith.select %parallel_loop3A_594, %parallel_loop3A_502, %parallel_loop3A_497 : vector<16xi1>, vector<16xi32>
      %parallel_loop3A_597 = math.exp %parallel_loop3A_593 : vector<16xf32>
      %parallel_loop3A_598 = arith.addf %parallel_loop3A_489, %parallel_loop3A_597 : vector<16xf32>
      scf.yield %parallel_loop3A_511, %parallel_loop3A_523, %parallel_loop3A_535, %parallel_loop3A_547, %parallel_loop3A_559, %parallel_loop3A_571, %parallel_loop3A_583, %parallel_loop3A_595, %parallel_loop3A_514, %parallel_loop3A_526, %parallel_loop3A_538, %parallel_loop3A_550, %parallel_loop3A_562, %parallel_loop3A_574, %parallel_loop3A_586, %parallel_loop3A_598, %parallel_loop3A_512, %parallel_loop3A_524, %parallel_loop3A_536, %parallel_loop3A_548, %parallel_loop3A_560, %parallel_loop3A_572, %parallel_loop3A_584, %parallel_loop3A_596 : vector<16xf32>, vector<16xf32>, vector<16xf32>, vector<16xf32>, vector<16xf32>, vector<16xf32>, vector<16xf32>, vector<16xf32>, vector<16xf32>, vector<16xf32>, vector<16xf32>, vector<16xf32>, vector<16xf32>, vector<16xf32>, vector<16xf32>, vector<16xf32>, vector<16xi32>, vector<16xi32>, vector<16xi32>, vector<16xi32>, vector<16xi32>, vector<16xi32>, vector<16xi32>, vector<16xi32>
    } {sc.loop_unroll_factor = 4 : i64, sc.parallel_access}
    %mul3A_221 = arith.constant 8 : i32
    %mul3A_222 = arith.muli %select_n3A, %mul3A_221 : i32
    %add3A_223 = arith.constant 45056 : i32
    %add3A_224 = arith.addi %mul3A_32, %add3A_223 : i32
    %dma_start3A_225 = tpu.memref_slice %arg2[%mul3A_222, %add3A_224] : memref<32x1000000xf32, #tpu.memory_space<hbm>> -> memref<8x4096xf32, #tpu.memory_space<hbm>>
    %dma_start3A_226 = tpu.memref_slice %arg2[%mul3A_222, %add3A_224] : memref<32x1000000xf32, #tpu.memory_space<hbm>> -> memref<8x4096xf32, #tpu.memory_space<hbm>>
    tpu.enqueue_dma source(%dma_start3A_226 : memref<8x4096xf32, #tpu.memory_space<hbm>>) target(%arg7 : memref<8x4096xf32, #tpu.memory_space<vmem>>) target_semaphore(%arg10 : memref<!tpu.dma_semaphore, #tpu.memory_space<semaphore_mem>>)
    %dma_wait3A_227 = tpu.memref_slice %arg2[%mul3A_208, %add3A_210] : memref<32x1000000xf32, #tpu.memory_space<hbm>> -> memref<8x4096xf32, #tpu.memory_space<hbm>>
    %dma_wait3A_228 = tpu.memref_slice %arg2[%mul3A_208, %add3A_210] : memref<32x1000000xf32, #tpu.memory_space<hbm>> -> memref<8x4096xf32, #tpu.memory_space<hbm>>
    tpu.wait_dma2 semaphore(%arg9 : memref<!tpu.dma_semaphore, #tpu.memory_space<semaphore_mem>>) src(%dma_wait3A_228 : memref<8x4096xf32, #tpu.memory_space<hbm>>) dst(%arg6 : memref<8x4096xf32, #tpu.memory_space<vmem>>)
    %add3A_229 = arith.constant 40960 : i32
    %add3A_230 = arith.addi %mul3A_32, %add3A_229 : i32
    %parallel_loop3A_231 = arith.constant 0 : i32
    %parallel_loop3A_232 = arith.constant 256 : i32
    %parallel_loop3A_233 = arith.constant 1 : i32
    %parallel_loop3A_234:24 = scf.for %parallel_loop3A_473 = %parallel_loop3A_231 to %parallel_loop3A_232 step %parallel_loop3A_233 iter_args(%parallel_loop3A_474 = %parallel_loop3A_220#0, %parallel_loop3A_475 = %parallel_loop3A_220#1, %parallel_loop3A_476 = %parallel_loop3A_220#2, %parallel_loop3A_477 = %parallel_loop3A_220#3, %parallel_loop3A_478 = %parallel_loop3A_220#4, %parallel_loop3A_479 = %parallel_loop3A_220#5, %parallel_loop3A_480 = %parallel_loop3A_220#6, %parallel_loop3A_481 = %parallel_loop3A_220#7, %parallel_loop3A_482 = %parallel_loop3A_220#8, %parallel_loop3A_483 = %parallel_loop3A_220#9, %parallel_loop3A_484 = %parallel_loop3A_220#10, %parallel_loop3A_485 = %parallel_loop3A_220#11, %parallel_loop3A_486 = %parallel_loop3A_220#12, %parallel_loop3A_487 = %parallel_loop3A_220#13, %parallel_loop3A_488 = %parallel_loop3A_220#14, %parallel_loop3A_489 = %parallel_loop3A_220#15, %parallel_loop3A_490 = %parallel_loop3A_220#16, %parallel_loop3A_491 = %parallel_loop3A_220#17, %parallel_loop3A_492 = %parallel_loop3A_220#18, %parallel_loop3A_493 = %parallel_loop3A_220#19, %parallel_loop3A_494 = %parallel_loop3A_220#20, %parallel_loop3A_495 = %parallel_loop3A_220#21, %parallel_loop3A_496 = %parallel_loop3A_220#22, %parallel_loop3A_497 = %parallel_loop3A_220#23) -> (vector<16xf32>, vector<16xf32>, vector<16xf32>, vector<16xf32>, vector<16xf32>, vector<16xf32>, vector<16xf32>, vector<16xf32>, vector<16xf32>, vector<16xf32>, vector<16xf32>, vector<16xf32>, vector<16xf32>, vector<16xf32>, vector<16xf32>, vector<16xf32>, vector<16xi32>, vector<16xi32>, vector<16xi32>, vector<16xi32>, vector<16xi32>, vector<16xi32>, vector<16xi32>, vector<16xi32>)  : i32 {
      %parallel_loop3A_498 = arith.constant 16 : i32
      %parallel_loop3A_499 = arith.muli %parallel_loop3A_473, %parallel_loop3A_498 : i32
      %parallel_loop3A_500 = arith.addi %add3A_230, %parallel_loop3A_499 : i32
      %parallel_loop3A_501 = vector.broadcast %parallel_loop3A_500 : i32 to vector<16xi32>
      %parallel_loop3A_502 = arith.addi %iota3A, %parallel_loop3A_501 : vector<16xi32>
      %parallel_loop3A_503 = arith.constant 16 : i32
      %parallel_loop3A_504 = arith.muli %parallel_loop3A_473, %parallel_loop3A_503 : i32
      %parallel_loop3A_505 = arith.constant 0 : i32
      %parallel_loop3A_506 = arith.index_cast %parallel_loop3A_505 : i32 to index
      %parallel_loop3A_507 = arith.index_cast %parallel_loop3A_504 : i32 to index
      %parallel_loop3A_508 = tpu.vector_load %arg6[%parallel_loop3A_506, %parallel_loop3A_507] {strides = array<i32>} : memref<8x4096xf32, #tpu.memory_space<vmem>>, vector<1x16xf32>,
      %parallel_loop3A_509 = vector.shape_cast %parallel_loop3A_508 : vector<1x16xf32> to vector<16xf32>
      %parallel_loop3A_510 = arith.cmpf ogt, %parallel_loop3A_509, %parallel_loop3A_474 : vector<16xf32>
      %parallel_loop3A_511 = arith.maximumf %parallel_loop3A_474, %parallel_loop3A_509 : vector<16xf32>
      %parallel_loop3A_512 = arith.select %parallel_loop3A_510, %parallel_loop3A_502, %parallel_loop3A_490 : vector<16xi1>, vector<16xi32>
      %parallel_loop3A_513 = math.exp %parallel_loop3A_509 : vector<16xf32>
      %parallel_loop3A_514 = arith.addf %parallel_loop3A_482, %parallel_loop3A_513 : vector<16xf32>
      %parallel_loop3A_515 = arith.constant 16 : i32
      %parallel_loop3A_516 = arith.muli %parallel_loop3A_473, %parallel_loop3A_515 : i32
      %parallel_loop3A_517 = arith.constant 1 : i32
      %parallel_loop3A_518 = arith.index_cast %parallel_loop3A_517 : i32 to index
      %parallel_loop3A_519 = arith.index_cast %parallel_loop3A_516 : i32 to index
      %parallel_loop3A_520 = tpu.vector_load %arg6[%parallel_loop3A_518, %parallel_loop3A_519] {strides = array<i32>} : memref<8x4096xf32, #tpu.memory_space<vmem>>, vector<1x16xf32>,
      %parallel_loop3A_521 = vector.shape_cast %parallel_loop3A_520 : vector<1x16xf32> to vector<16xf32>
      %parallel_loop3A_522 = arith.cmpf ogt, %parallel_loop3A_521, %parallel_loop3A_475 : vector<16xf32>
      %parallel_loop3A_523 = arith.maximumf %parallel_loop3A_475, %parallel_loop3A_521 : vector<16xf32>
      %parallel_loop3A_524 = arith.select %parallel_loop3A_522, %parallel_loop3A_502, %parallel_loop3A_491 : vector<16xi1>, vector<16xi32>
      %parallel_loop3A_525 = math.exp %parallel_loop3A_521 : vector<16xf32>
      %parallel_loop3A_526 = arith.addf %parallel_loop3A_483, %parallel_loop3A_525 : vector<16xf32>
      %parallel_loop3A_527 = arith.constant 16 : i32
      %parallel_loop3A_528 = arith.muli %parallel_loop3A_473, %parallel_loop3A_527 : i32
      %parallel_loop3A_529 = arith.constant 2 : i32
      %parallel_loop3A_530 = arith.index_cast %parallel_loop3A_529 : i32 to index
      %parallel_loop3A_531 = arith.index_cast %parallel_loop3A_528 : i32 to index
      %parallel_loop3A_532 = tpu.vector_load %arg6[%parallel_loop3A_530, %parallel_loop3A_531] {strides = array<i32>} : memref<8x4096xf32, #tpu.memory_space<vmem>>, vector<1x16xf32>,
      %parallel_loop3A_533 = vector.shape_cast %parallel_loop3A_532 : vector<1x16xf32> to vector<16xf32>
      %parallel_loop3A_534 = arith.cmpf ogt, %parallel_loop3A_533, %parallel_loop3A_476 : vector<16xf32>
      %parallel_loop3A_535 = arith.maximumf %parallel_loop3A_476, %parallel_loop3A_533 : vector<16xf32>
      %parallel_loop3A_536 = arith.select %parallel_loop3A_534, %parallel_loop3A_502, %parallel_loop3A_492 : vector<16xi1>, vector<16xi32>
      %parallel_loop3A_537 = math.exp %parallel_loop3A_533 : vector<16xf32>
      %parallel_loop3A_538 = arith.addf %parallel_loop3A_484, %parallel_loop3A_537 : vector<16xf32>
      %parallel_loop3A_539 = arith.constant 16 : i32
      %parallel_loop3A_540 = arith.muli %parallel_loop3A_473, %parallel_loop3A_539 : i32
      %parallel_loop3A_541 = arith.constant 3 : i32
      %parallel_loop3A_542 = arith.index_cast %parallel_loop3A_541 : i32 to index
      %parallel_loop3A_543 = arith.index_cast %parallel_loop3A_540 : i32 to index
      %parallel_loop3A_544 = tpu.vector_load %arg6[%parallel_loop3A_542, %parallel_loop3A_543] {strides = array<i32>} : memref<8x4096xf32, #tpu.memory_space<vmem>>, vector<1x16xf32>,
      %parallel_loop3A_545 = vector.shape_cast %parallel_loop3A_544 : vector<1x16xf32> to vector<16xf32>
      %parallel_loop3A_546 = arith.cmpf ogt, %parallel_loop3A_545, %parallel_loop3A_477 : vector<16xf32>
      %parallel_loop3A_547 = arith.maximumf %parallel_loop3A_477, %parallel_loop3A_545 : vector<16xf32>
      %parallel_loop3A_548 = arith.select %parallel_loop3A_546, %parallel_loop3A_502, %parallel_loop3A_493 : vector<16xi1>, vector<16xi32>
      %parallel_loop3A_549 = math.exp %parallel_loop3A_545 : vector<16xf32>
      %parallel_loop3A_550 = arith.addf %parallel_loop3A_485, %parallel_loop3A_549 : vector<16xf32>
      %parallel_loop3A_551 = arith.constant 16 : i32
      %parallel_loop3A_552 = arith.muli %parallel_loop3A_473, %parallel_loop3A_551 : i32
      %parallel_loop3A_553 = arith.constant 4 : i32
      %parallel_loop3A_554 = arith.index_cast %parallel_loop3A_553 : i32 to index
      %parallel_loop3A_555 = arith.index_cast %parallel_loop3A_552 : i32 to index
      %parallel_loop3A_556 = tpu.vector_load %arg6[%parallel_loop3A_554, %parallel_loop3A_555] {strides = array<i32>} : memref<8x4096xf32, #tpu.memory_space<vmem>>, vector<1x16xf32>,
      %parallel_loop3A_557 = vector.shape_cast %parallel_loop3A_556 : vector<1x16xf32> to vector<16xf32>
      %parallel_loop3A_558 = arith.cmpf ogt, %parallel_loop3A_557, %parallel_loop3A_478 : vector<16xf32>
      %parallel_loop3A_559 = arith.maximumf %parallel_loop3A_478, %parallel_loop3A_557 : vector<16xf32>
      %parallel_loop3A_560 = arith.select %parallel_loop3A_558, %parallel_loop3A_502, %parallel_loop3A_494 : vector<16xi1>, vector<16xi32>
      %parallel_loop3A_561 = math.exp %parallel_loop3A_557 : vector<16xf32>
      %parallel_loop3A_562 = arith.addf %parallel_loop3A_486, %parallel_loop3A_561 : vector<16xf32>
      %parallel_loop3A_563 = arith.constant 16 : i32
      %parallel_loop3A_564 = arith.muli %parallel_loop3A_473, %parallel_loop3A_563 : i32
      %parallel_loop3A_565 = arith.constant 5 : i32
      %parallel_loop3A_566 = arith.index_cast %parallel_loop3A_565 : i32 to index
      %parallel_loop3A_567 = arith.index_cast %parallel_loop3A_564 : i32 to index
      %parallel_loop3A_568 = tpu.vector_load %arg6[%parallel_loop3A_566, %parallel_loop3A_567] {strides = array<i32>} : memref<8x4096xf32, #tpu.memory_space<vmem>>, vector<1x16xf32>,
      %parallel_loop3A_569 = vector.shape_cast %parallel_loop3A_568 : vector<1x16xf32> to vector<16xf32>
      %parallel_loop3A_570 = arith.cmpf ogt, %parallel_loop3A_569, %parallel_loop3A_479 : vector<16xf32>
      %parallel_loop3A_571 = arith.maximumf %parallel_loop3A_479, %parallel_loop3A_569 : vector<16xf32>
      %parallel_loop3A_572 = arith.select %parallel_loop3A_570, %parallel_loop3A_502, %parallel_loop3A_495 : vector<16xi1>, vector<16xi32>
      %parallel_loop3A_573 = math.exp %parallel_loop3A_569 : vector<16xf32>
      %parallel_loop3A_574 = arith.addf %parallel_loop3A_487, %parallel_loop3A_573 : vector<16xf32>
      %parallel_loop3A_575 = arith.constant 16 : i32
      %parallel_loop3A_576 = arith.muli %parallel_loop3A_473, %parallel_loop3A_575 : i32
      %parallel_loop3A_577 = arith.constant 6 : i32
      %parallel_loop3A_578 = arith.index_cast %parallel_loop3A_577 : i32 to index
      %parallel_loop3A_579 = arith.index_cast %parallel_loop3A_576 : i32 to index
      %parallel_loop3A_580 = tpu.vector_load %arg6[%parallel_loop3A_578, %parallel_loop3A_579] {strides = array<i32>} : memref<8x4096xf32, #tpu.memory_space<vmem>>, vector<1x16xf32>,
      %parallel_loop3A_581 = vector.shape_cast %parallel_loop3A_580 : vector<1x16xf32> to vector<16xf32>
      %parallel_loop3A_582 = arith.cmpf ogt, %parallel_loop3A_581, %parallel_loop3A_480 : vector<16xf32>
      %parallel_loop3A_583 = arith.maximumf %parallel_loop3A_480, %parallel_loop3A_581 : vector<16xf32>
      %parallel_loop3A_584 = arith.select %parallel_loop3A_582, %parallel_loop3A_502, %parallel_loop3A_496 : vector<16xi1>, vector<16xi32>
      %parallel_loop3A_585 = math.exp %parallel_loop3A_581 : vector<16xf32>
      %parallel_loop3A_586 = arith.addf %parallel_loop3A_488, %parallel_loop3A_585 : vector<16xf32>
      %parallel_loop3A_587 = arith.constant 16 : i32
      %parallel_loop3A_588 = arith.muli %parallel_loop3A_473, %parallel_loop3A_587 : i32
      %parallel_loop3A_589 = arith.constant 7 : i32
      %parallel_loop3A_590 = arith.index_cast %parallel_loop3A_589 : i32 to index
      %parallel_loop3A_591 = arith.index_cast %parallel_loop3A_588 : i32 to index
      %parallel_loop3A_592 = tpu.vector_load %arg6[%parallel_loop3A_590, %parallel_loop3A_591] {strides = array<i32>} : memref<8x4096xf32, #tpu.memory_space<vmem>>, vector<1x16xf32>,
      %parallel_loop3A_593 = vector.shape_cast %parallel_loop3A_592 : vector<1x16xf32> to vector<16xf32>
      %parallel_loop3A_594 = arith.cmpf ogt, %parallel_loop3A_593, %parallel_loop3A_481 : vector<16xf32>
      %parallel_loop3A_595 = arith.maximumf %parallel_loop3A_481, %parallel_loop3A_593 : vector<16xf32>
      %parallel_loop3A_596 = arith.select %parallel_loop3A_594, %parallel_loop3A_502, %parallel_loop3A_497 : vector<16xi1>, vector<16xi32>
      %parallel_loop3A_597 = math.exp %parallel_loop3A_593 : vector<16xf32>
      %parallel_loop3A_598 = arith.addf %parallel_loop3A_489, %parallel_loop3A_597 : vector<16xf32>
      scf.yield %parallel_loop3A_511, %parallel_loop3A_523, %parallel_loop3A_535, %parallel_loop3A_547, %parallel_loop3A_559, %parallel_loop3A_571, %parallel_loop3A_583, %parallel_loop3A_595, %parallel_loop3A_514, %parallel_loop3A_526, %parallel_loop3A_538, %parallel_loop3A_550, %parallel_loop3A_562, %parallel_loop3A_574, %parallel_loop3A_586, %parallel_loop3A_598, %parallel_loop3A_512, %parallel_loop3A_524, %parallel_loop3A_536, %parallel_loop3A_548, %parallel_loop3A_560, %parallel_loop3A_572, %parallel_loop3A_584, %parallel_loop3A_596 : vector<16xf32>, vector<16xf32>, vector<16xf32>, vector<16xf32>, vector<16xf32>, vector<16xf32>, vector<16xf32>, vector<16xf32>, vector<16xf32>, vector<16xf32>, vector<16xf32>, vector<16xf32>, vector<16xf32>, vector<16xf32>, vector<16xf32>, vector<16xf32>, vector<16xi32>, vector<16xi32>, vector<16xi32>, vector<16xi32>, vector<16xi32>, vector<16xi32>, vector<16xi32>, vector<16xi32>
    } {sc.loop_unroll_factor = 4 : i64, sc.parallel_access}
    %mul3A_235 = arith.constant 8 : i32
    %mul3A_236 = arith.muli %select_n3A, %mul3A_235 : i32
    %add3A_237 = arith.constant 49152 : i32
    %add3A_238 = arith.addi %mul3A_32, %add3A_237 : i32
    %dma_start3A_239 = tpu.memref_slice %arg2[%mul3A_236, %add3A_238] : memref<32x1000000xf32, #tpu.memory_space<hbm>> -> memref<8x4096xf32, #tpu.memory_space<hbm>>
    %dma_start3A_240 = tpu.memref_slice %arg2[%mul3A_236, %add3A_238] : memref<32x1000000xf32, #tpu.memory_space<hbm>> -> memref<8x4096xf32, #tpu.memory_space<hbm>>
    tpu.enqueue_dma source(%dma_start3A_240 : memref<8x4096xf32, #tpu.memory_space<hbm>>) target(%arg6 : memref<8x4096xf32, #tpu.memory_space<vmem>>) target_semaphore(%arg9 : memref<!tpu.dma_semaphore, #tpu.memory_space<semaphore_mem>>)
    %dma_wait3A_241 = tpu.memref_slice %arg2[%mul3A_222, %add3A_224] : memref<32x1000000xf32, #tpu.memory_space<hbm>> -> memref<8x4096xf32, #tpu.memory_space<hbm>>
    %dma_wait3A_242 = tpu.memref_slice %arg2[%mul3A_222, %add3A_224] : memref<32x1000000xf32, #tpu.memory_space<hbm>> -> memref<8x4096xf32, #tpu.memory_space<hbm>>
    tpu.wait_dma2 semaphore(%arg10 : memref<!tpu.dma_semaphore, #tpu.memory_space<semaphore_mem>>) src(%dma_wait3A_242 : memref<8x4096xf32, #tpu.memory_space<hbm>>) dst(%arg7 : memref<8x4096xf32, #tpu.memory_space<vmem>>)
    %add3A_243 = arith.constant 45056 : i32
    %add3A_244 = arith.addi %mul3A_32, %add3A_243 : i32
    %parallel_loop3A_245 = arith.constant 0 : i32
    %parallel_loop3A_246 = arith.constant 256 : i32
    %parallel_loop3A_247 = arith.constant 1 : i32
    %parallel_loop3A_248:24 = scf.for %parallel_loop3A_473 = %parallel_loop3A_245 to %parallel_loop3A_246 step %parallel_loop3A_247 iter_args(%parallel_loop3A_474 = %parallel_loop3A_234#0, %parallel_loop3A_475 = %parallel_loop3A_234#1, %parallel_loop3A_476 = %parallel_loop3A_234#2, %parallel_loop3A_477 = %parallel_loop3A_234#3, %parallel_loop3A_478 = %parallel_loop3A_234#4, %parallel_loop3A_479 = %parallel_loop3A_234#5, %parallel_loop3A_480 = %parallel_loop3A_234#6, %parallel_loop3A_481 = %parallel_loop3A_234#7, %parallel_loop3A_482 = %parallel_loop3A_234#8, %parallel_loop3A_483 = %parallel_loop3A_234#9, %parallel_loop3A_484 = %parallel_loop3A_234#10, %parallel_loop3A_485 = %parallel_loop3A_234#11, %parallel_loop3A_486 = %parallel_loop3A_234#12, %parallel_loop3A_487 = %parallel_loop3A_234#13, %parallel_loop3A_488 = %parallel_loop3A_234#14, %parallel_loop3A_489 = %parallel_loop3A_234#15, %parallel_loop3A_490 = %parallel_loop3A_234#16, %parallel_loop3A_491 = %parallel_loop3A_234#17, %parallel_loop3A_492 = %parallel_loop3A_234#18, %parallel_loop3A_493 = %parallel_loop3A_234#19, %parallel_loop3A_494 = %parallel_loop3A_234#20, %parallel_loop3A_495 = %parallel_loop3A_234#21, %parallel_loop3A_496 = %parallel_loop3A_234#22, %parallel_loop3A_497 = %parallel_loop3A_234#23) -> (vector<16xf32>, vector<16xf32>, vector<16xf32>, vector<16xf32>, vector<16xf32>, vector<16xf32>, vector<16xf32>, vector<16xf32>, vector<16xf32>, vector<16xf32>, vector<16xf32>, vector<16xf32>, vector<16xf32>, vector<16xf32>, vector<16xf32>, vector<16xf32>, vector<16xi32>, vector<16xi32>, vector<16xi32>, vector<16xi32>, vector<16xi32>, vector<16xi32>, vector<16xi32>, vector<16xi32>)  : i32 {
      %parallel_loop3A_498 = arith.constant 16 : i32
      %parallel_loop3A_499 = arith.muli %parallel_loop3A_473, %parallel_loop3A_498 : i32
      %parallel_loop3A_500 = arith.addi %add3A_244, %parallel_loop3A_499 : i32
      %parallel_loop3A_501 = vector.broadcast %parallel_loop3A_500 : i32 to vector<16xi32>
      %parallel_loop3A_502 = arith.addi %iota3A, %parallel_loop3A_501 : vector<16xi32>
      %parallel_loop3A_503 = arith.constant 16 : i32
      %parallel_loop3A_504 = arith.muli %parallel_loop3A_473, %parallel_loop3A_503 : i32
      %parallel_loop3A_505 = arith.constant 0 : i32
      %parallel_loop3A_506 = arith.index_cast %parallel_loop3A_505 : i32 to index
      %parallel_loop3A_507 = arith.index_cast %parallel_loop3A_504 : i32 to index
      %parallel_loop3A_508 = tpu.vector_load %arg7[%parallel_loop3A_506, %parallel_loop3A_507] {strides = array<i32>} : memref<8x4096xf32, #tpu.memory_space<vmem>>, vector<1x16xf32>,
      %parallel_loop3A_509 = vector.shape_cast %parallel_loop3A_508 : vector<1x16xf32> to vector<16xf32>
      %parallel_loop3A_510 = arith.cmpf ogt, %parallel_loop3A_509, %parallel_loop3A_474 : vector<16xf32>
      %parallel_loop3A_511 = arith.maximumf %parallel_loop3A_474, %parallel_loop3A_509 : vector<16xf32>
      %parallel_loop3A_512 = arith.select %parallel_loop3A_510, %parallel_loop3A_502, %parallel_loop3A_490 : vector<16xi1>, vector<16xi32>
      %parallel_loop3A_513 = math.exp %parallel_loop3A_509 : vector<16xf32>
      %parallel_loop3A_514 = arith.addf %parallel_loop3A_482, %parallel_loop3A_513 : vector<16xf32>
      %parallel_loop3A_515 = arith.constant 16 : i32
      %parallel_loop3A_516 = arith.muli %parallel_loop3A_473, %parallel_loop3A_515 : i32
      %parallel_loop3A_517 = arith.constant 1 : i32
      %parallel_loop3A_518 = arith.index_cast %parallel_loop3A_517 : i32 to index
      %parallel_loop3A_519 = arith.index_cast %parallel_loop3A_516 : i32 to index
      %parallel_loop3A_520 = tpu.vector_load %arg7[%parallel_loop3A_518, %parallel_loop3A_519] {strides = array<i32>} : memref<8x4096xf32, #tpu.memory_space<vmem>>, vector<1x16xf32>,
      %parallel_loop3A_521 = vector.shape_cast %parallel_loop3A_520 : vector<1x16xf32> to vector<16xf32>
      %parallel_loop3A_522 = arith.cmpf ogt, %parallel_loop3A_521, %parallel_loop3A_475 : vector<16xf32>
      %parallel_loop3A_523 = arith.maximumf %parallel_loop3A_475, %parallel_loop3A_521 : vector<16xf32>
      %parallel_loop3A_524 = arith.select %parallel_loop3A_522, %parallel_loop3A_502, %parallel_loop3A_491 : vector<16xi1>, vector<16xi32>
      %parallel_loop3A_525 = math.exp %parallel_loop3A_521 : vector<16xf32>
      %parallel_loop3A_526 = arith.addf %parallel_loop3A_483, %parallel_loop3A_525 : vector<16xf32>
      %parallel_loop3A_527 = arith.constant 16 : i32
      %parallel_loop3A_528 = arith.muli %parallel_loop3A_473, %parallel_loop3A_527 : i32
      %parallel_loop3A_529 = arith.constant 2 : i32
      %parallel_loop3A_530 = arith.index_cast %parallel_loop3A_529 : i32 to index
      %parallel_loop3A_531 = arith.index_cast %parallel_loop3A_528 : i32 to index
      %parallel_loop3A_532 = tpu.vector_load %arg7[%parallel_loop3A_530, %parallel_loop3A_531] {strides = array<i32>} : memref<8x4096xf32, #tpu.memory_space<vmem>>, vector<1x16xf32>,
      %parallel_loop3A_533 = vector.shape_cast %parallel_loop3A_532 : vector<1x16xf32> to vector<16xf32>
      %parallel_loop3A_534 = arith.cmpf ogt, %parallel_loop3A_533, %parallel_loop3A_476 : vector<16xf32>
      %parallel_loop3A_535 = arith.maximumf %parallel_loop3A_476, %parallel_loop3A_533 : vector<16xf32>
      %parallel_loop3A_536 = arith.select %parallel_loop3A_534, %parallel_loop3A_502, %parallel_loop3A_492 : vector<16xi1>, vector<16xi32>
      %parallel_loop3A_537 = math.exp %parallel_loop3A_533 : vector<16xf32>
      %parallel_loop3A_538 = arith.addf %parallel_loop3A_484, %parallel_loop3A_537 : vector<16xf32>
      %parallel_loop3A_539 = arith.constant 16 : i32
      %parallel_loop3A_540 = arith.muli %parallel_loop3A_473, %parallel_loop3A_539 : i32
      %parallel_loop3A_541 = arith.constant 3 : i32
      %parallel_loop3A_542 = arith.index_cast %parallel_loop3A_541 : i32 to index
      %parallel_loop3A_543 = arith.index_cast %parallel_loop3A_540 : i32 to index
      %parallel_loop3A_544 = tpu.vector_load %arg7[%parallel_loop3A_542, %parallel_loop3A_543] {strides = array<i32>} : memref<8x4096xf32, #tpu.memory_space<vmem>>, vector<1x16xf32>,
      %parallel_loop3A_545 = vector.shape_cast %parallel_loop3A_544 : vector<1x16xf32> to vector<16xf32>
      %parallel_loop3A_546 = arith.cmpf ogt, %parallel_loop3A_545, %parallel_loop3A_477 : vector<16xf32>
      %parallel_loop3A_547 = arith.maximumf %parallel_loop3A_477, %parallel_loop3A_545 : vector<16xf32>
      %parallel_loop3A_548 = arith.select %parallel_loop3A_546, %parallel_loop3A_502, %parallel_loop3A_493 : vector<16xi1>, vector<16xi32>
      %parallel_loop3A_549 = math.exp %parallel_loop3A_545 : vector<16xf32>
      %parallel_loop3A_550 = arith.addf %parallel_loop3A_485, %parallel_loop3A_549 : vector<16xf32>
      %parallel_loop3A_551 = arith.constant 16 : i32
      %parallel_loop3A_552 = arith.muli %parallel_loop3A_473, %parallel_loop3A_551 : i32
      %parallel_loop3A_553 = arith.constant 4 : i32
      %parallel_loop3A_554 = arith.index_cast %parallel_loop3A_553 : i32 to index
      %parallel_loop3A_555 = arith.index_cast %parallel_loop3A_552 : i32 to index
      %parallel_loop3A_556 = tpu.vector_load %arg7[%parallel_loop3A_554, %parallel_loop3A_555] {strides = array<i32>} : memref<8x4096xf32, #tpu.memory_space<vmem>>, vector<1x16xf32>,
      %parallel_loop3A_557 = vector.shape_cast %parallel_loop3A_556 : vector<1x16xf32> to vector<16xf32>
      %parallel_loop3A_558 = arith.cmpf ogt, %parallel_loop3A_557, %parallel_loop3A_478 : vector<16xf32>
      %parallel_loop3A_559 = arith.maximumf %parallel_loop3A_478, %parallel_loop3A_557 : vector<16xf32>
      %parallel_loop3A_560 = arith.select %parallel_loop3A_558, %parallel_loop3A_502, %parallel_loop3A_494 : vector<16xi1>, vector<16xi32>
      %parallel_loop3A_561 = math.exp %parallel_loop3A_557 : vector<16xf32>
      %parallel_loop3A_562 = arith.addf %parallel_loop3A_486, %parallel_loop3A_561 : vector<16xf32>
      %parallel_loop3A_563 = arith.constant 16 : i32
      %parallel_loop3A_564 = arith.muli %parallel_loop3A_473, %parallel_loop3A_563 : i32
      %parallel_loop3A_565 = arith.constant 5 : i32
      %parallel_loop3A_566 = arith.index_cast %parallel_loop3A_565 : i32 to index
      %parallel_loop3A_567 = arith.index_cast %parallel_loop3A_564 : i32 to index
      %parallel_loop3A_568 = tpu.vector_load %arg7[%parallel_loop3A_566, %parallel_loop3A_567] {strides = array<i32>} : memref<8x4096xf32, #tpu.memory_space<vmem>>, vector<1x16xf32>,
      %parallel_loop3A_569 = vector.shape_cast %parallel_loop3A_568 : vector<1x16xf32> to vector<16xf32>
      %parallel_loop3A_570 = arith.cmpf ogt, %parallel_loop3A_569, %parallel_loop3A_479 : vector<16xf32>
      %parallel_loop3A_571 = arith.maximumf %parallel_loop3A_479, %parallel_loop3A_569 : vector<16xf32>
      %parallel_loop3A_572 = arith.select %parallel_loop3A_570, %parallel_loop3A_502, %parallel_loop3A_495 : vector<16xi1>, vector<16xi32>
      %parallel_loop3A_573 = math.exp %parallel_loop3A_569 : vector<16xf32>
      %parallel_loop3A_574 = arith.addf %parallel_loop3A_487, %parallel_loop3A_573 : vector<16xf32>
      %parallel_loop3A_575 = arith.constant 16 : i32
      %parallel_loop3A_576 = arith.muli %parallel_loop3A_473, %parallel_loop3A_575 : i32
      %parallel_loop3A_577 = arith.constant 6 : i32
      %parallel_loop3A_578 = arith.index_cast %parallel_loop3A_577 : i32 to index
      %parallel_loop3A_579 = arith.index_cast %parallel_loop3A_576 : i32 to index
      %parallel_loop3A_580 = tpu.vector_load %arg7[%parallel_loop3A_578, %parallel_loop3A_579] {strides = array<i32>} : memref<8x4096xf32, #tpu.memory_space<vmem>>, vector<1x16xf32>,
      %parallel_loop3A_581 = vector.shape_cast %parallel_loop3A_580 : vector<1x16xf32> to vector<16xf32>
      %parallel_loop3A_582 = arith.cmpf ogt, %parallel_loop3A_581, %parallel_loop3A_480 : vector<16xf32>
      %parallel_loop3A_583 = arith.maximumf %parallel_loop3A_480, %parallel_loop3A_581 : vector<16xf32>
      %parallel_loop3A_584 = arith.select %parallel_loop3A_582, %parallel_loop3A_502, %parallel_loop3A_496 : vector<16xi1>, vector<16xi32>
      %parallel_loop3A_585 = math.exp %parallel_loop3A_581 : vector<16xf32>
      %parallel_loop3A_586 = arith.addf %parallel_loop3A_488, %parallel_loop3A_585 : vector<16xf32>
      %parallel_loop3A_587 = arith.constant 16 : i32
      %parallel_loop3A_588 = arith.muli %parallel_loop3A_473, %parallel_loop3A_587 : i32
      %parallel_loop3A_589 = arith.constant 7 : i32
      %parallel_loop3A_590 = arith.index_cast %parallel_loop3A_589 : i32 to index
      %parallel_loop3A_591 = arith.index_cast %parallel_loop3A_588 : i32 to index
      %parallel_loop3A_592 = tpu.vector_load %arg7[%parallel_loop3A_590, %parallel_loop3A_591] {strides = array<i32>} : memref<8x4096xf32, #tpu.memory_space<vmem>>, vector<1x16xf32>,
      %parallel_loop3A_593 = vector.shape_cast %parallel_loop3A_592 : vector<1x16xf32> to vector<16xf32>
      %parallel_loop3A_594 = arith.cmpf ogt, %parallel_loop3A_593, %parallel_loop3A_481 : vector<16xf32>
      %parallel_loop3A_595 = arith.maximumf %parallel_loop3A_481, %parallel_loop3A_593 : vector<16xf32>
      %parallel_loop3A_596 = arith.select %parallel_loop3A_594, %parallel_loop3A_502, %parallel_loop3A_497 : vector<16xi1>, vector<16xi32>
      %parallel_loop3A_597 = math.exp %parallel_loop3A_593 : vector<16xf32>
      %parallel_loop3A_598 = arith.addf %parallel_loop3A_489, %parallel_loop3A_597 : vector<16xf32>
      scf.yield %parallel_loop3A_511, %parallel_loop3A_523, %parallel_loop3A_535, %parallel_loop3A_547, %parallel_loop3A_559, %parallel_loop3A_571, %parallel_loop3A_583, %parallel_loop3A_595, %parallel_loop3A_514, %parallel_loop3A_526, %parallel_loop3A_538, %parallel_loop3A_550, %parallel_loop3A_562, %parallel_loop3A_574, %parallel_loop3A_586, %parallel_loop3A_598, %parallel_loop3A_512, %parallel_loop3A_524, %parallel_loop3A_536, %parallel_loop3A_548, %parallel_loop3A_560, %parallel_loop3A_572, %parallel_loop3A_584, %parallel_loop3A_596 : vector<16xf32>, vector<16xf32>, vector<16xf32>, vector<16xf32>, vector<16xf32>, vector<16xf32>, vector<16xf32>, vector<16xf32>, vector<16xf32>, vector<16xf32>, vector<16xf32>, vector<16xf32>, vector<16xf32>, vector<16xf32>, vector<16xf32>, vector<16xf32>, vector<16xi32>, vector<16xi32>, vector<16xi32>, vector<16xi32>, vector<16xi32>, vector<16xi32>, vector<16xi32>, vector<16xi32>
    } {sc.loop_unroll_factor = 4 : i64, sc.parallel_access}
    %mul3A_249 = arith.constant 8 : i32
    %mul3A_250 = arith.muli %select_n3A, %mul3A_249 : i32
    %add3A_251 = arith.constant 53248 : i32
    %add3A_252 = arith.addi %mul3A_32, %add3A_251 : i32
    %dma_start3A_253 = tpu.memref_slice %arg2[%mul3A_250, %add3A_252] : memref<32x1000000xf32, #tpu.memory_space<hbm>> -> memref<8x4096xf32, #tpu.memory_space<hbm>>
    %dma_start3A_254 = tpu.memref_slice %arg2[%mul3A_250, %add3A_252] : memref<32x1000000xf32, #tpu.memory_space<hbm>> -> memref<8x4096xf32, #tpu.memory_space<hbm>>
    tpu.enqueue_dma source(%dma_start3A_254 : memref<8x4096xf32, #tpu.memory_space<hbm>>) target(%arg7 : memref<8x4096xf32, #tpu.memory_space<vmem>>) target_semaphore(%arg10 : memref<!tpu.dma_semaphore, #tpu.memory_space<semaphore_mem>>)
    %dma_wait3A_255 = tpu.memref_slice %arg2[%mul3A_236, %add3A_238] : memref<32x1000000xf32, #tpu.memory_space<hbm>> -> memref<8x4096xf32, #tpu.memory_space<hbm>>
    %dma_wait3A_256 = tpu.memref_slice %arg2[%mul3A_236, %add3A_238] : memref<32x1000000xf32, #tpu.memory_space<hbm>> -> memref<8x4096xf32, #tpu.memory_space<hbm>>
    tpu.wait_dma2 semaphore(%arg9 : memref<!tpu.dma_semaphore, #tpu.memory_space<semaphore_mem>>) src(%dma_wait3A_256 : memref<8x4096xf32, #tpu.memory_space<hbm>>) dst(%arg6 : memref<8x4096xf32, #tpu.memory_space<vmem>>)
    %add3A_257 = arith.constant 49152 : i32
    %add3A_258 = arith.addi %mul3A_32, %add3A_257 : i32
    %parallel_loop3A_259 = arith.constant 0 : i32
    %parallel_loop3A_260 = arith.constant 256 : i32
    %parallel_loop3A_261 = arith.constant 1 : i32
    %parallel_loop3A_262:24 = scf.for %parallel_loop3A_473 = %parallel_loop3A_259 to %parallel_loop3A_260 step %parallel_loop3A_261 iter_args(%parallel_loop3A_474 = %parallel_loop3A_248#0, %parallel_loop3A_475 = %parallel_loop3A_248#1, %parallel_loop3A_476 = %parallel_loop3A_248#2, %parallel_loop3A_477 = %parallel_loop3A_248#3, %parallel_loop3A_478 = %parallel_loop3A_248#4, %parallel_loop3A_479 = %parallel_loop3A_248#5, %parallel_loop3A_480 = %parallel_loop3A_248#6, %parallel_loop3A_481 = %parallel_loop3A_248#7, %parallel_loop3A_482 = %parallel_loop3A_248#8, %parallel_loop3A_483 = %parallel_loop3A_248#9, %parallel_loop3A_484 = %parallel_loop3A_248#10, %parallel_loop3A_485 = %parallel_loop3A_248#11, %parallel_loop3A_486 = %parallel_loop3A_248#12, %parallel_loop3A_487 = %parallel_loop3A_248#13, %parallel_loop3A_488 = %parallel_loop3A_248#14, %parallel_loop3A_489 = %parallel_loop3A_248#15, %parallel_loop3A_490 = %parallel_loop3A_248#16, %parallel_loop3A_491 = %parallel_loop3A_248#17, %parallel_loop3A_492 = %parallel_loop3A_248#18, %parallel_loop3A_493 = %parallel_loop3A_248#19, %parallel_loop3A_494 = %parallel_loop3A_248#20, %parallel_loop3A_495 = %parallel_loop3A_248#21, %parallel_loop3A_496 = %parallel_loop3A_248#22, %parallel_loop3A_497 = %parallel_loop3A_248#23) -> (vector<16xf32>, vector<16xf32>, vector<16xf32>, vector<16xf32>, vector<16xf32>, vector<16xf32>, vector<16xf32>, vector<16xf32>, vector<16xf32>, vector<16xf32>, vector<16xf32>, vector<16xf32>, vector<16xf32>, vector<16xf32>, vector<16xf32>, vector<16xf32>, vector<16xi32>, vector<16xi32>, vector<16xi32>, vector<16xi32>, vector<16xi32>, vector<16xi32>, vector<16xi32>, vector<16xi32>)  : i32 {
      %parallel_loop3A_498 = arith.constant 16 : i32
      %parallel_loop3A_499 = arith.muli %parallel_loop3A_473, %parallel_loop3A_498 : i32
      %parallel_loop3A_500 = arith.addi %add3A_258, %parallel_loop3A_499 : i32
      %parallel_loop3A_501 = vector.broadcast %parallel_loop3A_500 : i32 to vector<16xi32>
      %parallel_loop3A_502 = arith.addi %iota3A, %parallel_loop3A_501 : vector<16xi32>
      %parallel_loop3A_503 = arith.constant 16 : i32
      %parallel_loop3A_504 = arith.muli %parallel_loop3A_473, %parallel_loop3A_503 : i32
      %parallel_loop3A_505 = arith.constant 0 : i32
      %parallel_loop3A_506 = arith.index_cast %parallel_loop3A_505 : i32 to index
      %parallel_loop3A_507 = arith.index_cast %parallel_loop3A_504 : i32 to index
      %parallel_loop3A_508 = tpu.vector_load %arg6[%parallel_loop3A_506, %parallel_loop3A_507] {strides = array<i32>} : memref<8x4096xf32, #tpu.memory_space<vmem>>, vector<1x16xf32>,
      %parallel_loop3A_509 = vector.shape_cast %parallel_loop3A_508 : vector<1x16xf32> to vector<16xf32>
      %parallel_loop3A_510 = arith.cmpf ogt, %parallel_loop3A_509, %parallel_loop3A_474 : vector<16xf32>
      %parallel_loop3A_511 = arith.maximumf %parallel_loop3A_474, %parallel_loop3A_509 : vector<16xf32>
      %parallel_loop3A_512 = arith.select %parallel_loop3A_510, %parallel_loop3A_502, %parallel_loop3A_490 : vector<16xi1>, vector<16xi32>
      %parallel_loop3A_513 = math.exp %parallel_loop3A_509 : vector<16xf32>
      %parallel_loop3A_514 = arith.addf %parallel_loop3A_482, %parallel_loop3A_513 : vector<16xf32>
      %parallel_loop3A_515 = arith.constant 16 : i32
      %parallel_loop3A_516 = arith.muli %parallel_loop3A_473, %parallel_loop3A_515 : i32
      %parallel_loop3A_517 = arith.constant 1 : i32
      %parallel_loop3A_518 = arith.index_cast %parallel_loop3A_517 : i32 to index
      %parallel_loop3A_519 = arith.index_cast %parallel_loop3A_516 : i32 to index
      %parallel_loop3A_520 = tpu.vector_load %arg6[%parallel_loop3A_518, %parallel_loop3A_519] {strides = array<i32>} : memref<8x4096xf32, #tpu.memory_space<vmem>>, vector<1x16xf32>,
      %parallel_loop3A_521 = vector.shape_cast %parallel_loop3A_520 : vector<1x16xf32> to vector<16xf32>
      %parallel_loop3A_522 = arith.cmpf ogt, %parallel_loop3A_521, %parallel_loop3A_475 : vector<16xf32>
      %parallel_loop3A_523 = arith.maximumf %parallel_loop3A_475, %parallel_loop3A_521 : vector<16xf32>
      %parallel_loop3A_524 = arith.select %parallel_loop3A_522, %parallel_loop3A_502, %parallel_loop3A_491 : vector<16xi1>, vector<16xi32>
      %parallel_loop3A_525 = math.exp %parallel_loop3A_521 : vector<16xf32>
      %parallel_loop3A_526 = arith.addf %parallel_loop3A_483, %parallel_loop3A_525 : vector<16xf32>
      %parallel_loop3A_527 = arith.constant 16 : i32
      %parallel_loop3A_528 = arith.muli %parallel_loop3A_473, %parallel_loop3A_527 : i32
      %parallel_loop3A_529 = arith.constant 2 : i32
      %parallel_loop3A_530 = arith.index_cast %parallel_loop3A_529 : i32 to index
      %parallel_loop3A_531 = arith.index_cast %parallel_loop3A_528 : i32 to index
      %parallel_loop3A_532 = tpu.vector_load %arg6[%parallel_loop3A_530, %parallel_loop3A_531] {strides = array<i32>} : memref<8x4096xf32, #tpu.memory_space<vmem>>, vector<1x16xf32>,
      %parallel_loop3A_533 = vector.shape_cast %parallel_loop3A_532 : vector<1x16xf32> to vector<16xf32>
      %parallel_loop3A_534 = arith.cmpf ogt, %parallel_loop3A_533, %parallel_loop3A_476 : vector<16xf32>
      %parallel_loop3A_535 = arith.maximumf %parallel_loop3A_476, %parallel_loop3A_533 : vector<16xf32>
      %parallel_loop3A_536 = arith.select %parallel_loop3A_534, %parallel_loop3A_502, %parallel_loop3A_492 : vector<16xi1>, vector<16xi32>
      %parallel_loop3A_537 = math.exp %parallel_loop3A_533 : vector<16xf32>
      %parallel_loop3A_538 = arith.addf %parallel_loop3A_484, %parallel_loop3A_537 : vector<16xf32>
      %parallel_loop3A_539 = arith.constant 16 : i32
      %parallel_loop3A_540 = arith.muli %parallel_loop3A_473, %parallel_loop3A_539 : i32
      %parallel_loop3A_541 = arith.constant 3 : i32
      %parallel_loop3A_542 = arith.index_cast %parallel_loop3A_541 : i32 to index
      %parallel_loop3A_543 = arith.index_cast %parallel_loop3A_540 : i32 to index
      %parallel_loop3A_544 = tpu.vector_load %arg6[%parallel_loop3A_542, %parallel_loop3A_543] {strides = array<i32>} : memref<8x4096xf32, #tpu.memory_space<vmem>>, vector<1x16xf32>,
      %parallel_loop3A_545 = vector.shape_cast %parallel_loop3A_544 : vector<1x16xf32> to vector<16xf32>
      %parallel_loop3A_546 = arith.cmpf ogt, %parallel_loop3A_545, %parallel_loop3A_477 : vector<16xf32>
      %parallel_loop3A_547 = arith.maximumf %parallel_loop3A_477, %parallel_loop3A_545 : vector<16xf32>
      %parallel_loop3A_548 = arith.select %parallel_loop3A_546, %parallel_loop3A_502, %parallel_loop3A_493 : vector<16xi1>, vector<16xi32>
      %parallel_loop3A_549 = math.exp %parallel_loop3A_545 : vector<16xf32>
      %parallel_loop3A_550 = arith.addf %parallel_loop3A_485, %parallel_loop3A_549 : vector<16xf32>
      %parallel_loop3A_551 = arith.constant 16 : i32
      %parallel_loop3A_552 = arith.muli %parallel_loop3A_473, %parallel_loop3A_551 : i32
      %parallel_loop3A_553 = arith.constant 4 : i32
      %parallel_loop3A_554 = arith.index_cast %parallel_loop3A_553 : i32 to index
      %parallel_loop3A_555 = arith.index_cast %parallel_loop3A_552 : i32 to index
      %parallel_loop3A_556 = tpu.vector_load %arg6[%parallel_loop3A_554, %parallel_loop3A_555] {strides = array<i32>} : memref<8x4096xf32, #tpu.memory_space<vmem>>, vector<1x16xf32>,
      %parallel_loop3A_557 = vector.shape_cast %parallel_loop3A_556 : vector<1x16xf32> to vector<16xf32>
      %parallel_loop3A_558 = arith.cmpf ogt, %parallel_loop3A_557, %parallel_loop3A_478 : vector<16xf32>
      %parallel_loop3A_559 = arith.maximumf %parallel_loop3A_478, %parallel_loop3A_557 : vector<16xf32>
      %parallel_loop3A_560 = arith.select %parallel_loop3A_558, %parallel_loop3A_502, %parallel_loop3A_494 : vector<16xi1>, vector<16xi32>
      %parallel_loop3A_561 = math.exp %parallel_loop3A_557 : vector<16xf32>
      %parallel_loop3A_562 = arith.addf %parallel_loop3A_486, %parallel_loop3A_561 : vector<16xf32>
      %parallel_loop3A_563 = arith.constant 16 : i32
      %parallel_loop3A_564 = arith.muli %parallel_loop3A_473, %parallel_loop3A_563 : i32
      %parallel_loop3A_565 = arith.constant 5 : i32
      %parallel_loop3A_566 = arith.index_cast %parallel_loop3A_565 : i32 to index
      %parallel_loop3A_567 = arith.index_cast %parallel_loop3A_564 : i32 to index
      %parallel_loop3A_568 = tpu.vector_load %arg6[%parallel_loop3A_566, %parallel_loop3A_567] {strides = array<i32>} : memref<8x4096xf32, #tpu.memory_space<vmem>>, vector<1x16xf32>,
      %parallel_loop3A_569 = vector.shape_cast %parallel_loop3A_568 : vector<1x16xf32> to vector<16xf32>
      %parallel_loop3A_570 = arith.cmpf ogt, %parallel_loop3A_569, %parallel_loop3A_479 : vector<16xf32>
      %parallel_loop3A_571 = arith.maximumf %parallel_loop3A_479, %parallel_loop3A_569 : vector<16xf32>
      %parallel_loop3A_572 = arith.select %parallel_loop3A_570, %parallel_loop3A_502, %parallel_loop3A_495 : vector<16xi1>, vector<16xi32>
      %parallel_loop3A_573 = math.exp %parallel_loop3A_569 : vector<16xf32>
      %parallel_loop3A_574 = arith.addf %parallel_loop3A_487, %parallel_loop3A_573 : vector<16xf32>
      %parallel_loop3A_575 = arith.constant 16 : i32
      %parallel_loop3A_576 = arith.muli %parallel_loop3A_473, %parallel_loop3A_575 : i32
      %parallel_loop3A_577 = arith.constant 6 : i32
      %parallel_loop3A_578 = arith.index_cast %parallel_loop3A_577 : i32 to index
      %parallel_loop3A_579 = arith.index_cast %parallel_loop3A_576 : i32 to index
      %parallel_loop3A_580 = tpu.vector_load %arg6[%parallel_loop3A_578, %parallel_loop3A_579] {strides = array<i32>} : memref<8x4096xf32, #tpu.memory_space<vmem>>, vector<1x16xf32>,
      %parallel_loop3A_581 = vector.shape_cast %parallel_loop3A_580 : vector<1x16xf32> to vector<16xf32>
      %parallel_loop3A_582 = arith.cmpf ogt, %parallel_loop3A_581, %parallel_loop3A_480 : vector<16xf32>
      %parallel_loop3A_583 = arith.maximumf %parallel_loop3A_480, %parallel_loop3A_581 : vector<16xf32>
      %parallel_loop3A_584 = arith.select %parallel_loop3A_582, %parallel_loop3A_502, %parallel_loop3A_496 : vector<16xi1>, vector<16xi32>
      %parallel_loop3A_585 = math.exp %parallel_loop3A_581 : vector<16xf32>
      %parallel_loop3A_586 = arith.addf %parallel_loop3A_488, %parallel_loop3A_585 : vector<16xf32>
      %parallel_loop3A_587 = arith.constant 16 : i32
      %parallel_loop3A_588 = arith.muli %parallel_loop3A_473, %parallel_loop3A_587 : i32
      %parallel_loop3A_589 = arith.constant 7 : i32
      %parallel_loop3A_590 = arith.index_cast %parallel_loop3A_589 : i32 to index
      %parallel_loop3A_591 = arith.index_cast %parallel_loop3A_588 : i32 to index
      %parallel_loop3A_592 = tpu.vector_load %arg6[%parallel_loop3A_590, %parallel_loop3A_591] {strides = array<i32>} : memref<8x4096xf32, #tpu.memory_space<vmem>>, vector<1x16xf32>,
      %parallel_loop3A_593 = vector.shape_cast %parallel_loop3A_592 : vector<1x16xf32> to vector<16xf32>
      %parallel_loop3A_594 = arith.cmpf ogt, %parallel_loop3A_593, %parallel_loop3A_481 : vector<16xf32>
      %parallel_loop3A_595 = arith.maximumf %parallel_loop3A_481, %parallel_loop3A_593 : vector<16xf32>
      %parallel_loop3A_596 = arith.select %parallel_loop3A_594, %parallel_loop3A_502, %parallel_loop3A_497 : vector<16xi1>, vector<16xi32>
      %parallel_loop3A_597 = math.exp %parallel_loop3A_593 : vector<16xf32>
      %parallel_loop3A_598 = arith.addf %parallel_loop3A_489, %parallel_loop3A_597 : vector<16xf32>
      scf.yield %parallel_loop3A_511, %parallel_loop3A_523, %parallel_loop3A_535, %parallel_loop3A_547, %parallel_loop3A_559, %parallel_loop3A_571, %parallel_loop3A_583, %parallel_loop3A_595, %parallel_loop3A_514, %parallel_loop3A_526, %parallel_loop3A_538, %parallel_loop3A_550, %parallel_loop3A_562, %parallel_loop3A_574, %parallel_loop3A_586, %parallel_loop3A_598, %parallel_loop3A_512, %parallel_loop3A_524, %parallel_loop3A_536, %parallel_loop3A_548, %parallel_loop3A_560, %parallel_loop3A_572, %parallel_loop3A_584, %parallel_loop3A_596 : vector<16xf32>, vector<16xf32>, vector<16xf32>, vector<16xf32>, vector<16xf32>, vector<16xf32>, vector<16xf32>, vector<16xf32>, vector<16xf32>, vector<16xf32>, vector<16xf32>, vector<16xf32>, vector<16xf32>, vector<16xf32>, vector<16xf32>, vector<16xf32>, vector<16xi32>, vector<16xi32>, vector<16xi32>, vector<16xi32>, vector<16xi32>, vector<16xi32>, vector<16xi32>, vector<16xi32>
    } {sc.loop_unroll_factor = 4 : i64, sc.parallel_access}
    %mul3A_263 = arith.constant 8 : i32
    %mul3A_264 = arith.muli %select_n3A, %mul3A_263 : i32
    %add3A_265 = arith.constant 57344 : i32
    %add3A_266 = arith.addi %mul3A_32, %add3A_265 : i32
    %dma_start3A_267 = tpu.memref_slice %arg2[%mul3A_264, %add3A_266] : memref<32x1000000xf32, #tpu.memory_space<hbm>> -> memref<8x4096xf32, #tpu.memory_space<hbm>>
    %dma_start3A_268 = tpu.memref_slice %arg2[%mul3A_264, %add3A_266] : memref<32x1000000xf32, #tpu.memory_space<hbm>> -> memref<8x4096xf32, #tpu.memory_space<hbm>>
    tpu.enqueue_dma source(%dma_start3A_268 : memref<8x4096xf32, #tpu.memory_space<hbm>>) target(%arg6 : memref<8x4096xf32, #tpu.memory_space<vmem>>) target_semaphore(%arg9 : memref<!tpu.dma_semaphore, #tpu.memory_space<semaphore_mem>>)
    %dma_wait3A_269 = tpu.memref_slice %arg2[%mul3A_250, %add3A_252] : memref<32x1000000xf32, #tpu.memory_space<hbm>> -> memref<8x4096xf32, #tpu.memory_space<hbm>>
    %dma_wait3A_270 = tpu.memref_slice %arg2[%mul3A_250, %add3A_252] : memref<32x1000000xf32, #tpu.memory_space<hbm>> -> memref<8x4096xf32, #tpu.memory_space<hbm>>
    tpu.wait_dma2 semaphore(%arg10 : memref<!tpu.dma_semaphore, #tpu.memory_space<semaphore_mem>>) src(%dma_wait3A_270 : memref<8x4096xf32, #tpu.memory_space<hbm>>) dst(%arg7 : memref<8x4096xf32, #tpu.memory_space<vmem>>)
    %add3A_271 = arith.constant 53248 : i32
    %add3A_272 = arith.addi %mul3A_32, %add3A_271 : i32
    %parallel_loop3A_273 = arith.constant 0 : i32
    %parallel_loop3A_274 = arith.constant 256 : i32
    %parallel_loop3A_275 = arith.constant 1 : i32
    %parallel_loop3A_276:24 = scf.for %parallel_loop3A_473 = %parallel_loop3A_273 to %parallel_loop3A_274 step %parallel_loop3A_275 iter_args(%parallel_loop3A_474 = %parallel_loop3A_262#0, %parallel_loop3A_475 = %parallel_loop3A_262#1, %parallel_loop3A_476 = %parallel_loop3A_262#2, %parallel_loop3A_477 = %parallel_loop3A_262#3, %parallel_loop3A_478 = %parallel_loop3A_262#4, %parallel_loop3A_479 = %parallel_loop3A_262#5, %parallel_loop3A_480 = %parallel_loop3A_262#6, %parallel_loop3A_481 = %parallel_loop3A_262#7, %parallel_loop3A_482 = %parallel_loop3A_262#8, %parallel_loop3A_483 = %parallel_loop3A_262#9, %parallel_loop3A_484 = %parallel_loop3A_262#10, %parallel_loop3A_485 = %parallel_loop3A_262#11, %parallel_loop3A_486 = %parallel_loop3A_262#12, %parallel_loop3A_487 = %parallel_loop3A_262#13, %parallel_loop3A_488 = %parallel_loop3A_262#14, %parallel_loop3A_489 = %parallel_loop3A_262#15, %parallel_loop3A_490 = %parallel_loop3A_262#16, %parallel_loop3A_491 = %parallel_loop3A_262#17, %parallel_loop3A_492 = %parallel_loop3A_262#18, %parallel_loop3A_493 = %parallel_loop3A_262#19, %parallel_loop3A_494 = %parallel_loop3A_262#20, %parallel_loop3A_495 = %parallel_loop3A_262#21, %parallel_loop3A_496 = %parallel_loop3A_262#22, %parallel_loop3A_497 = %parallel_loop3A_262#23) -> (vector<16xf32>, vector<16xf32>, vector<16xf32>, vector<16xf32>, vector<16xf32>, vector<16xf32>, vector<16xf32>, vector<16xf32>, vector<16xf32>, vector<16xf32>, vector<16xf32>, vector<16xf32>, vector<16xf32>, vector<16xf32>, vector<16xf32>, vector<16xf32>, vector<16xi32>, vector<16xi32>, vector<16xi32>, vector<16xi32>, vector<16xi32>, vector<16xi32>, vector<16xi32>, vector<16xi32>)  : i32 {
      %parallel_loop3A_498 = arith.constant 16 : i32
      %parallel_loop3A_499 = arith.muli %parallel_loop3A_473, %parallel_loop3A_498 : i32
      %parallel_loop3A_500 = arith.addi %add3A_272, %parallel_loop3A_499 : i32
      %parallel_loop3A_501 = vector.broadcast %parallel_loop3A_500 : i32 to vector<16xi32>
      %parallel_loop3A_502 = arith.addi %iota3A, %parallel_loop3A_501 : vector<16xi32>
      %parallel_loop3A_503 = arith.constant 16 : i32
      %parallel_loop3A_504 = arith.muli %parallel_loop3A_473, %parallel_loop3A_503 : i32
      %parallel_loop3A_505 = arith.constant 0 : i32
      %parallel_loop3A_506 = arith.index_cast %parallel_loop3A_505 : i32 to index
      %parallel_loop3A_507 = arith.index_cast %parallel_loop3A_504 : i32 to index
      %parallel_loop3A_508 = tpu.vector_load %arg7[%parallel_loop3A_506, %parallel_loop3A_507] {strides = array<i32>} : memref<8x4096xf32, #tpu.memory_space<vmem>>, vector<1x16xf32>,
      %parallel_loop3A_509 = vector.shape_cast %parallel_loop3A_508 : vector<1x16xf32> to vector<16xf32>
      %parallel_loop3A_510 = arith.cmpf ogt, %parallel_loop3A_509, %parallel_loop3A_474 : vector<16xf32>
      %parallel_loop3A_511 = arith.maximumf %parallel_loop3A_474, %parallel_loop3A_509 : vector<16xf32>
      %parallel_loop3A_512 = arith.select %parallel_loop3A_510, %parallel_loop3A_502, %parallel_loop3A_490 : vector<16xi1>, vector<16xi32>
      %parallel_loop3A_513 = math.exp %parallel_loop3A_509 : vector<16xf32>
      %parallel_loop3A_514 = arith.addf %parallel_loop3A_482, %parallel_loop3A_513 : vector<16xf32>
      %parallel_loop3A_515 = arith.constant 16 : i32
      %parallel_loop3A_516 = arith.muli %parallel_loop3A_473, %parallel_loop3A_515 : i32
      %parallel_loop3A_517 = arith.constant 1 : i32
      %parallel_loop3A_518 = arith.index_cast %parallel_loop3A_517 : i32 to index
      %parallel_loop3A_519 = arith.index_cast %parallel_loop3A_516 : i32 to index
      %parallel_loop3A_520 = tpu.vector_load %arg7[%parallel_loop3A_518, %parallel_loop3A_519] {strides = array<i32>} : memref<8x4096xf32, #tpu.memory_space<vmem>>, vector<1x16xf32>,
      %parallel_loop3A_521 = vector.shape_cast %parallel_loop3A_520 : vector<1x16xf32> to vector<16xf32>
      %parallel_loop3A_522 = arith.cmpf ogt, %parallel_loop3A_521, %parallel_loop3A_475 : vector<16xf32>
      %parallel_loop3A_523 = arith.maximumf %parallel_loop3A_475, %parallel_loop3A_521 : vector<16xf32>
      %parallel_loop3A_524 = arith.select %parallel_loop3A_522, %parallel_loop3A_502, %parallel_loop3A_491 : vector<16xi1>, vector<16xi32>
      %parallel_loop3A_525 = math.exp %parallel_loop3A_521 : vector<16xf32>
      %parallel_loop3A_526 = arith.addf %parallel_loop3A_483, %parallel_loop3A_525 : vector<16xf32>
      %parallel_loop3A_527 = arith.constant 16 : i32
      %parallel_loop3A_528 = arith.muli %parallel_loop3A_473, %parallel_loop3A_527 : i32
      %parallel_loop3A_529 = arith.constant 2 : i32
      %parallel_loop3A_530 = arith.index_cast %parallel_loop3A_529 : i32 to index
      %parallel_loop3A_531 = arith.index_cast %parallel_loop3A_528 : i32 to index
      %parallel_loop3A_532 = tpu.vector_load %arg7[%parallel_loop3A_530, %parallel_loop3A_531] {strides = array<i32>} : memref<8x4096xf32, #tpu.memory_space<vmem>>, vector<1x16xf32>,
      %parallel_loop3A_533 = vector.shape_cast %parallel_loop3A_532 : vector<1x16xf32> to vector<16xf32>
      %parallel_loop3A_534 = arith.cmpf ogt, %parallel_loop3A_533, %parallel_loop3A_476 : vector<16xf32>
      %parallel_loop3A_535 = arith.maximumf %parallel_loop3A_476, %parallel_loop3A_533 : vector<16xf32>
      %parallel_loop3A_536 = arith.select %parallel_loop3A_534, %parallel_loop3A_502, %parallel_loop3A_492 : vector<16xi1>, vector<16xi32>
      %parallel_loop3A_537 = math.exp %parallel_loop3A_533 : vector<16xf32>
      %parallel_loop3A_538 = arith.addf %parallel_loop3A_484, %parallel_loop3A_537 : vector<16xf32>
      %parallel_loop3A_539 = arith.constant 16 : i32
      %parallel_loop3A_540 = arith.muli %parallel_loop3A_473, %parallel_loop3A_539 : i32
      %parallel_loop3A_541 = arith.constant 3 : i32
      %parallel_loop3A_542 = arith.index_cast %parallel_loop3A_541 : i32 to index
      %parallel_loop3A_543 = arith.index_cast %parallel_loop3A_540 : i32 to index
      %parallel_loop3A_544 = tpu.vector_load %arg7[%parallel_loop3A_542, %parallel_loop3A_543] {strides = array<i32>} : memref<8x4096xf32, #tpu.memory_space<vmem>>, vector<1x16xf32>,
      %parallel_loop3A_545 = vector.shape_cast %parallel_loop3A_544 : vector<1x16xf32> to vector<16xf32>
      %parallel_loop3A_546 = arith.cmpf ogt, %parallel_loop3A_545, %parallel_loop3A_477 : vector<16xf32>
      %parallel_loop3A_547 = arith.maximumf %parallel_loop3A_477, %parallel_loop3A_545 : vector<16xf32>
      %parallel_loop3A_548 = arith.select %parallel_loop3A_546, %parallel_loop3A_502, %parallel_loop3A_493 : vector<16xi1>, vector<16xi32>
      %parallel_loop3A_549 = math.exp %parallel_loop3A_545 : vector<16xf32>
      %parallel_loop3A_550 = arith.addf %parallel_loop3A_485, %parallel_loop3A_549 : vector<16xf32>
      %parallel_loop3A_551 = arith.constant 16 : i32
      %parallel_loop3A_552 = arith.muli %parallel_loop3A_473, %parallel_loop3A_551 : i32
      %parallel_loop3A_553 = arith.constant 4 : i32
      %parallel_loop3A_554 = arith.index_cast %parallel_loop3A_553 : i32 to index
      %parallel_loop3A_555 = arith.index_cast %parallel_loop3A_552 : i32 to index
      %parallel_loop3A_556 = tpu.vector_load %arg7[%parallel_loop3A_554, %parallel_loop3A_555] {strides = array<i32>} : memref<8x4096xf32, #tpu.memory_space<vmem>>, vector<1x16xf32>,
      %parallel_loop3A_557 = vector.shape_cast %parallel_loop3A_556 : vector<1x16xf32> to vector<16xf32>
      %parallel_loop3A_558 = arith.cmpf ogt, %parallel_loop3A_557, %parallel_loop3A_478 : vector<16xf32>
      %parallel_loop3A_559 = arith.maximumf %parallel_loop3A_478, %parallel_loop3A_557 : vector<16xf32>
      %parallel_loop3A_560 = arith.select %parallel_loop3A_558, %parallel_loop3A_502, %parallel_loop3A_494 : vector<16xi1>, vector<16xi32>
      %parallel_loop3A_561 = math.exp %parallel_loop3A_557 : vector<16xf32>
      %parallel_loop3A_562 = arith.addf %parallel_loop3A_486, %parallel_loop3A_561 : vector<16xf32>
      %parallel_loop3A_563 = arith.constant 16 : i32
      %parallel_loop3A_564 = arith.muli %parallel_loop3A_473, %parallel_loop3A_563 : i32
      %parallel_loop3A_565 = arith.constant 5 : i32
      %parallel_loop3A_566 = arith.index_cast %parallel_loop3A_565 : i32 to index
      %parallel_loop3A_567 = arith.index_cast %parallel_loop3A_564 : i32 to index
      %parallel_loop3A_568 = tpu.vector_load %arg7[%parallel_loop3A_566, %parallel_loop3A_567] {strides = array<i32>} : memref<8x4096xf32, #tpu.memory_space<vmem>>, vector<1x16xf32>,
      %parallel_loop3A_569 = vector.shape_cast %parallel_loop3A_568 : vector<1x16xf32> to vector<16xf32>
      %parallel_loop3A_570 = arith.cmpf ogt, %parallel_loop3A_569, %parallel_loop3A_479 : vector<16xf32>
      %parallel_loop3A_571 = arith.maximumf %parallel_loop3A_479, %parallel_loop3A_569 : vector<16xf32>
      %parallel_loop3A_572 = arith.select %parallel_loop3A_570, %parallel_loop3A_502, %parallel_loop3A_495 : vector<16xi1>, vector<16xi32>
      %parallel_loop3A_573 = math.exp %parallel_loop3A_569 : vector<16xf32>
      %parallel_loop3A_574 = arith.addf %parallel_loop3A_487, %parallel_loop3A_573 : vector<16xf32>
      %parallel_loop3A_575 = arith.constant 16 : i32
      %parallel_loop3A_576 = arith.muli %parallel_loop3A_473, %parallel_loop3A_575 : i32
      %parallel_loop3A_577 = arith.constant 6 : i32
      %parallel_loop3A_578 = arith.index_cast %parallel_loop3A_577 : i32 to index
      %parallel_loop3A_579 = arith.index_cast %parallel_loop3A_576 : i32 to index
      %parallel_loop3A_580 = tpu.vector_load %arg7[%parallel_loop3A_578, %parallel_loop3A_579] {strides = array<i32>} : memref<8x4096xf32, #tpu.memory_space<vmem>>, vector<1x16xf32>,
      %parallel_loop3A_581 = vector.shape_cast %parallel_loop3A_580 : vector<1x16xf32> to vector<16xf32>
      %parallel_loop3A_582 = arith.cmpf ogt, %parallel_loop3A_581, %parallel_loop3A_480 : vector<16xf32>
      %parallel_loop3A_583 = arith.maximumf %parallel_loop3A_480, %parallel_loop3A_581 : vector<16xf32>
      %parallel_loop3A_584 = arith.select %parallel_loop3A_582, %parallel_loop3A_502, %parallel_loop3A_496 : vector<16xi1>, vector<16xi32>
      %parallel_loop3A_585 = math.exp %parallel_loop3A_581 : vector<16xf32>
      %parallel_loop3A_586 = arith.addf %parallel_loop3A_488, %parallel_loop3A_585 : vector<16xf32>
      %parallel_loop3A_587 = arith.constant 16 : i32
      %parallel_loop3A_588 = arith.muli %parallel_loop3A_473, %parallel_loop3A_587 : i32
      %parallel_loop3A_589 = arith.constant 7 : i32
      %parallel_loop3A_590 = arith.index_cast %parallel_loop3A_589 : i32 to index
      %parallel_loop3A_591 = arith.index_cast %parallel_loop3A_588 : i32 to index
      %parallel_loop3A_592 = tpu.vector_load %arg7[%parallel_loop3A_590, %parallel_loop3A_591] {strides = array<i32>} : memref<8x4096xf32, #tpu.memory_space<vmem>>, vector<1x16xf32>,
      %parallel_loop3A_593 = vector.shape_cast %parallel_loop3A_592 : vector<1x16xf32> to vector<16xf32>
      %parallel_loop3A_594 = arith.cmpf ogt, %parallel_loop3A_593, %parallel_loop3A_481 : vector<16xf32>
      %parallel_loop3A_595 = arith.maximumf %parallel_loop3A_481, %parallel_loop3A_593 : vector<16xf32>
      %parallel_loop3A_596 = arith.select %parallel_loop3A_594, %parallel_loop3A_502, %parallel_loop3A_497 : vector<16xi1>, vector<16xi32>
      %parallel_loop3A_597 = math.exp %parallel_loop3A_593 : vector<16xf32>
      %parallel_loop3A_598 = arith.addf %parallel_loop3A_489, %parallel_loop3A_597 : vector<16xf32>
      scf.yield %parallel_loop3A_511, %parallel_loop3A_523, %parallel_loop3A_535, %parallel_loop3A_547, %parallel_loop3A_559, %parallel_loop3A_571, %parallel_loop3A_583, %parallel_loop3A_595, %parallel_loop3A_514, %parallel_loop3A_526, %parallel_loop3A_538, %parallel_loop3A_550, %parallel_loop3A_562, %parallel_loop3A_574, %parallel_loop3A_586, %parallel_loop3A_598, %parallel_loop3A_512, %parallel_loop3A_524, %parallel_loop3A_536, %parallel_loop3A_548, %parallel_loop3A_560, %parallel_loop3A_572, %parallel_loop3A_584, %parallel_loop3A_596 : vector<16xf32>, vector<16xf32>, vector<16xf32>, vector<16xf32>, vector<16xf32>, vector<16xf32>, vector<16xf32>, vector<16xf32>, vector<16xf32>, vector<16xf32>, vector<16xf32>, vector<16xf32>, vector<16xf32>, vector<16xf32>, vector<16xf32>, vector<16xf32>, vector<16xi32>, vector<16xi32>, vector<16xi32>, vector<16xi32>, vector<16xi32>, vector<16xi32>, vector<16xi32>, vector<16xi32>
    } {sc.loop_unroll_factor = 4 : i64, sc.parallel_access}
    %mul3A_277 = arith.constant 8 : i32
    %mul3A_278 = arith.muli %select_n3A, %mul3A_277 : i32
    %add3A_279 = arith.constant 61440 : i32
    %add3A_280 = arith.addi %mul3A_32, %add3A_279 : i32
    %dma_start3A_281 = tpu.memref_slice %arg2[%mul3A_278, %add3A_280] : memref<32x1000000xf32, #tpu.memory_space<hbm>> -> memref<8x4096xf32, #tpu.memory_space<hbm>>
    %dma_start3A_282 = tpu.memref_slice %arg2[%mul3A_278, %add3A_280] : memref<32x1000000xf32, #tpu.memory_space<hbm>> -> memref<8x4096xf32, #tpu.memory_space<hbm>>
    tpu.enqueue_dma source(%dma_start3A_282 : memref<8x4096xf32, #tpu.memory_space<hbm>>) target(%arg7 : memref<8x4096xf32, #tpu.memory_space<vmem>>) target_semaphore(%arg10 : memref<!tpu.dma_semaphore, #tpu.memory_space<semaphore_mem>>)
    %dma_wait3A_283 = tpu.memref_slice %arg2[%mul3A_264, %add3A_266] : memref<32x1000000xf32, #tpu.memory_space<hbm>> -> memref<8x4096xf32, #tpu.memory_space<hbm>>
    %dma_wait3A_284 = tpu.memref_slice %arg2[%mul3A_264, %add3A_266] : memref<32x1000000xf32, #tpu.memory_space<hbm>> -> memref<8x4096xf32, #tpu.memory_space<hbm>>
    tpu.wait_dma2 semaphore(%arg9 : memref<!tpu.dma_semaphore, #tpu.memory_space<semaphore_mem>>) src(%dma_wait3A_284 : memref<8x4096xf32, #tpu.memory_space<hbm>>) dst(%arg6 : memref<8x4096xf32, #tpu.memory_space<vmem>>)
    %add3A_285 = arith.constant 57344 : i32
    %add3A_286 = arith.addi %mul3A_32, %add3A_285 : i32
    %parallel_loop3A_287 = arith.constant 0 : i32
    %parallel_loop3A_288 = arith.constant 256 : i32
    %parallel_loop3A_289 = arith.constant 1 : i32
    %parallel_loop3A_290:24 = scf.for %parallel_loop3A_473 = %parallel_loop3A_287 to %parallel_loop3A_288 step %parallel_loop3A_289 iter_args(%parallel_loop3A_474 = %parallel_loop3A_276#0, %parallel_loop3A_475 = %parallel_loop3A_276#1, %parallel_loop3A_476 = %parallel_loop3A_276#2, %parallel_loop3A_477 = %parallel_loop3A_276#3, %parallel_loop3A_478 = %parallel_loop3A_276#4, %parallel_loop3A_479 = %parallel_loop3A_276#5, %parallel_loop3A_480 = %parallel_loop3A_276#6, %parallel_loop3A_481 = %parallel_loop3A_276#7, %parallel_loop3A_482 = %parallel_loop3A_276#8, %parallel_loop3A_483 = %parallel_loop3A_276#9, %parallel_loop3A_484 = %parallel_loop3A_276#10, %parallel_loop3A_485 = %parallel_loop3A_276#11, %parallel_loop3A_486 = %parallel_loop3A_276#12, %parallel_loop3A_487 = %parallel_loop3A_276#13, %parallel_loop3A_488 = %parallel_loop3A_276#14, %parallel_loop3A_489 = %parallel_loop3A_276#15, %parallel_loop3A_490 = %parallel_loop3A_276#16, %parallel_loop3A_491 = %parallel_loop3A_276#17, %parallel_loop3A_492 = %parallel_loop3A_276#18, %parallel_loop3A_493 = %parallel_loop3A_276#19, %parallel_loop3A_494 = %parallel_loop3A_276#20, %parallel_loop3A_495 = %parallel_loop3A_276#21, %parallel_loop3A_496 = %parallel_loop3A_276#22, %parallel_loop3A_497 = %parallel_loop3A_276#23) -> (vector<16xf32>, vector<16xf32>, vector<16xf32>, vector<16xf32>, vector<16xf32>, vector<16xf32>, vector<16xf32>, vector<16xf32>, vector<16xf32>, vector<16xf32>, vector<16xf32>, vector<16xf32>, vector<16xf32>, vector<16xf32>, vector<16xf32>, vector<16xf32>, vector<16xi32>, vector<16xi32>, vector<16xi32>, vector<16xi32>, vector<16xi32>, vector<16xi32>, vector<16xi32>, vector<16xi32>)  : i32 {
      %parallel_loop3A_498 = arith.constant 16 : i32
      %parallel_loop3A_499 = arith.muli %parallel_loop3A_473, %parallel_loop3A_498 : i32
      %parallel_loop3A_500 = arith.addi %add3A_286, %parallel_loop3A_499 : i32
      %parallel_loop3A_501 = vector.broadcast %parallel_loop3A_500 : i32 to vector<16xi32>
      %parallel_loop3A_502 = arith.addi %iota3A, %parallel_loop3A_501 : vector<16xi32>
      %parallel_loop3A_503 = arith.constant 16 : i32
      %parallel_loop3A_504 = arith.muli %parallel_loop3A_473, %parallel_loop3A_503 : i32
      %parallel_loop3A_505 = arith.constant 0 : i32
      %parallel_loop3A_506 = arith.index_cast %parallel_loop3A_505 : i32 to index
      %parallel_loop3A_507 = arith.index_cast %parallel_loop3A_504 : i32 to index
      %parallel_loop3A_508 = tpu.vector_load %arg6[%parallel_loop3A_506, %parallel_loop3A_507] {strides = array<i32>} : memref<8x4096xf32, #tpu.memory_space<vmem>>, vector<1x16xf32>,
      %parallel_loop3A_509 = vector.shape_cast %parallel_loop3A_508 : vector<1x16xf32> to vector<16xf32>
      %parallel_loop3A_510 = arith.cmpf ogt, %parallel_loop3A_509, %parallel_loop3A_474 : vector<16xf32>
      %parallel_loop3A_511 = arith.maximumf %parallel_loop3A_474, %parallel_loop3A_509 : vector<16xf32>
      %parallel_loop3A_512 = arith.select %parallel_loop3A_510, %parallel_loop3A_502, %parallel_loop3A_490 : vector<16xi1>, vector<16xi32>
      %parallel_loop3A_513 = math.exp %parallel_loop3A_509 : vector<16xf32>
      %parallel_loop3A_514 = arith.addf %parallel_loop3A_482, %parallel_loop3A_513 : vector<16xf32>
      %parallel_loop3A_515 = arith.constant 16 : i32
      %parallel_loop3A_516 = arith.muli %parallel_loop3A_473, %parallel_loop3A_515 : i32
      %parallel_loop3A_517 = arith.constant 1 : i32
      %parallel_loop3A_518 = arith.index_cast %parallel_loop3A_517 : i32 to index
      %parallel_loop3A_519 = arith.index_cast %parallel_loop3A_516 : i32 to index
      %parallel_loop3A_520 = tpu.vector_load %arg6[%parallel_loop3A_518, %parallel_loop3A_519] {strides = array<i32>} : memref<8x4096xf32, #tpu.memory_space<vmem>>, vector<1x16xf32>,
      %parallel_loop3A_521 = vector.shape_cast %parallel_loop3A_520 : vector<1x16xf32> to vector<16xf32>
      %parallel_loop3A_522 = arith.cmpf ogt, %parallel_loop3A_521, %parallel_loop3A_475 : vector<16xf32>
      %parallel_loop3A_523 = arith.maximumf %parallel_loop3A_475, %parallel_loop3A_521 : vector<16xf32>
      %parallel_loop3A_524 = arith.select %parallel_loop3A_522, %parallel_loop3A_502, %parallel_loop3A_491 : vector<16xi1>, vector<16xi32>
      %parallel_loop3A_525 = math.exp %parallel_loop3A_521 : vector<16xf32>
      %parallel_loop3A_526 = arith.addf %parallel_loop3A_483, %parallel_loop3A_525 : vector<16xf32>
      %parallel_loop3A_527 = arith.constant 16 : i32
      %parallel_loop3A_528 = arith.muli %parallel_loop3A_473, %parallel_loop3A_527 : i32
      %parallel_loop3A_529 = arith.constant 2 : i32
      %parallel_loop3A_530 = arith.index_cast %parallel_loop3A_529 : i32 to index
      %parallel_loop3A_531 = arith.index_cast %parallel_loop3A_528 : i32 to index
      %parallel_loop3A_532 = tpu.vector_load %arg6[%parallel_loop3A_530, %parallel_loop3A_531] {strides = array<i32>} : memref<8x4096xf32, #tpu.memory_space<vmem>>, vector<1x16xf32>,
      %parallel_loop3A_533 = vector.shape_cast %parallel_loop3A_532 : vector<1x16xf32> to vector<16xf32>
      %parallel_loop3A_534 = arith.cmpf ogt, %parallel_loop3A_533, %parallel_loop3A_476 : vector<16xf32>
      %parallel_loop3A_535 = arith.maximumf %parallel_loop3A_476, %parallel_loop3A_533 : vector<16xf32>
      %parallel_loop3A_536 = arith.select %parallel_loop3A_534, %parallel_loop3A_502, %parallel_loop3A_492 : vector<16xi1>, vector<16xi32>
      %parallel_loop3A_537 = math.exp %parallel_loop3A_533 : vector<16xf32>
      %parallel_loop3A_538 = arith.addf %parallel_loop3A_484, %parallel_loop3A_537 : vector<16xf32>
      %parallel_loop3A_539 = arith.constant 16 : i32
      %parallel_loop3A_540 = arith.muli %parallel_loop3A_473, %parallel_loop3A_539 : i32
      %parallel_loop3A_541 = arith.constant 3 : i32
      %parallel_loop3A_542 = arith.index_cast %parallel_loop3A_541 : i32 to index
      %parallel_loop3A_543 = arith.index_cast %parallel_loop3A_540 : i32 to index
      %parallel_loop3A_544 = tpu.vector_load %arg6[%parallel_loop3A_542, %parallel_loop3A_543] {strides = array<i32>} : memref<8x4096xf32, #tpu.memory_space<vmem>>, vector<1x16xf32>,
      %parallel_loop3A_545 = vector.shape_cast %parallel_loop3A_544 : vector<1x16xf32> to vector<16xf32>
      %parallel_loop3A_546 = arith.cmpf ogt, %parallel_loop3A_545, %parallel_loop3A_477 : vector<16xf32>
      %parallel_loop3A_547 = arith.maximumf %parallel_loop3A_477, %parallel_loop3A_545 : vector<16xf32>
      %parallel_loop3A_548 = arith.select %parallel_loop3A_546, %parallel_loop3A_502, %parallel_loop3A_493 : vector<16xi1>, vector<16xi32>
      %parallel_loop3A_549 = math.exp %parallel_loop3A_545 : vector<16xf32>
      %parallel_loop3A_550 = arith.addf %parallel_loop3A_485, %parallel_loop3A_549 : vector<16xf32>
      %parallel_loop3A_551 = arith.constant 16 : i32
      %parallel_loop3A_552 = arith.muli %parallel_loop3A_473, %parallel_loop3A_551 : i32
      %parallel_loop3A_553 = arith.constant 4 : i32
      %parallel_loop3A_554 = arith.index_cast %parallel_loop3A_553 : i32 to index
      %parallel_loop3A_555 = arith.index_cast %parallel_loop3A_552 : i32 to index
      %parallel_loop3A_556 = tpu.vector_load %arg6[%parallel_loop3A_554, %parallel_loop3A_555] {strides = array<i32>} : memref<8x4096xf32, #tpu.memory_space<vmem>>, vector<1x16xf32>,
      %parallel_loop3A_557 = vector.shape_cast %parallel_loop3A_556 : vector<1x16xf32> to vector<16xf32>
      %parallel_loop3A_558 = arith.cmpf ogt, %parallel_loop3A_557, %parallel_loop3A_478 : vector<16xf32>
      %parallel_loop3A_559 = arith.maximumf %parallel_loop3A_478, %parallel_loop3A_557 : vector<16xf32>
      %parallel_loop3A_560 = arith.select %parallel_loop3A_558, %parallel_loop3A_502, %parallel_loop3A_494 : vector<16xi1>, vector<16xi32>
      %parallel_loop3A_561 = math.exp %parallel_loop3A_557 : vector<16xf32>
      %parallel_loop3A_562 = arith.addf %parallel_loop3A_486, %parallel_loop3A_561 : vector<16xf32>
      %parallel_loop3A_563 = arith.constant 16 : i32
      %parallel_loop3A_564 = arith.muli %parallel_loop3A_473, %parallel_loop3A_563 : i32
      %parallel_loop3A_565 = arith.constant 5 : i32
      %parallel_loop3A_566 = arith.index_cast %parallel_loop3A_565 : i32 to index
      %parallel_loop3A_567 = arith.index_cast %parallel_loop3A_564 : i32 to index
      %parallel_loop3A_568 = tpu.vector_load %arg6[%parallel_loop3A_566, %parallel_loop3A_567] {strides = array<i32>} : memref<8x4096xf32, #tpu.memory_space<vmem>>, vector<1x16xf32>,
      %parallel_loop3A_569 = vector.shape_cast %parallel_loop3A_568 : vector<1x16xf32> to vector<16xf32>
      %parallel_loop3A_570 = arith.cmpf ogt, %parallel_loop3A_569, %parallel_loop3A_479 : vector<16xf32>
      %parallel_loop3A_571 = arith.maximumf %parallel_loop3A_479, %parallel_loop3A_569 : vector<16xf32>
      %parallel_loop3A_572 = arith.select %parallel_loop3A_570, %parallel_loop3A_502, %parallel_loop3A_495 : vector<16xi1>, vector<16xi32>
      %parallel_loop3A_573 = math.exp %parallel_loop3A_569 : vector<16xf32>
      %parallel_loop3A_574 = arith.addf %parallel_loop3A_487, %parallel_loop3A_573 : vector<16xf32>
      %parallel_loop3A_575 = arith.constant 16 : i32
      %parallel_loop3A_576 = arith.muli %parallel_loop3A_473, %parallel_loop3A_575 : i32
      %parallel_loop3A_577 = arith.constant 6 : i32
      %parallel_loop3A_578 = arith.index_cast %parallel_loop3A_577 : i32 to index
      %parallel_loop3A_579 = arith.index_cast %parallel_loop3A_576 : i32 to index
      %parallel_loop3A_580 = tpu.vector_load %arg6[%parallel_loop3A_578, %parallel_loop3A_579] {strides = array<i32>} : memref<8x4096xf32, #tpu.memory_space<vmem>>, vector<1x16xf32>,
      %parallel_loop3A_581 = vector.shape_cast %parallel_loop3A_580 : vector<1x16xf32> to vector<16xf32>
      %parallel_loop3A_582 = arith.cmpf ogt, %parallel_loop3A_581, %parallel_loop3A_480 : vector<16xf32>
      %parallel_loop3A_583 = arith.maximumf %parallel_loop3A_480, %parallel_loop3A_581 : vector<16xf32>
      %parallel_loop3A_584 = arith.select %parallel_loop3A_582, %parallel_loop3A_502, %parallel_loop3A_496 : vector<16xi1>, vector<16xi32>
      %parallel_loop3A_585 = math.exp %parallel_loop3A_581 : vector<16xf32>
      %parallel_loop3A_586 = arith.addf %parallel_loop3A_488, %parallel_loop3A_585 : vector<16xf32>
      %parallel_loop3A_587 = arith.constant 16 : i32
      %parallel_loop3A_588 = arith.muli %parallel_loop3A_473, %parallel_loop3A_587 : i32
      %parallel_loop3A_589 = arith.constant 7 : i32
      %parallel_loop3A_590 = arith.index_cast %parallel_loop3A_589 : i32 to index
      %parallel_loop3A_591 = arith.index_cast %parallel_loop3A_588 : i32 to index
      %parallel_loop3A_592 = tpu.vector_load %arg6[%parallel_loop3A_590, %parallel_loop3A_591] {strides = array<i32>} : memref<8x4096xf32, #tpu.memory_space<vmem>>, vector<1x16xf32>,
      %parallel_loop3A_593 = vector.shape_cast %parallel_loop3A_592 : vector<1x16xf32> to vector<16xf32>
      %parallel_loop3A_594 = arith.cmpf ogt, %parallel_loop3A_593, %parallel_loop3A_481 : vector<16xf32>
      %parallel_loop3A_595 = arith.maximumf %parallel_loop3A_481, %parallel_loop3A_593 : vector<16xf32>
      %parallel_loop3A_596 = arith.select %parallel_loop3A_594, %parallel_loop3A_502, %parallel_loop3A_497 : vector<16xi1>, vector<16xi32>
      %parallel_loop3A_597 = math.exp %parallel_loop3A_593 : vector<16xf32>
      %parallel_loop3A_598 = arith.addf %parallel_loop3A_489, %parallel_loop3A_597 : vector<16xf32>
      scf.yield %parallel_loop3A_511, %parallel_loop3A_523, %parallel_loop3A_535, %parallel_loop3A_547, %parallel_loop3A_559, %parallel_loop3A_571, %parallel_loop3A_583, %parallel_loop3A_595, %parallel_loop3A_514, %parallel_loop3A_526, %parallel_loop3A_538, %parallel_loop3A_550, %parallel_loop3A_562, %parallel_loop3A_574, %parallel_loop3A_586, %parallel_loop3A_598, %parallel_loop3A_512, %parallel_loop3A_524, %parallel_loop3A_536, %parallel_loop3A_548, %parallel_loop3A_560, %parallel_loop3A_572, %parallel_loop3A_584, %parallel_loop3A_596 : vector<16xf32>, vector<16xf32>, vector<16xf32>, vector<16xf32>, vector<16xf32>, vector<16xf32>, vector<16xf32>, vector<16xf32>, vector<16xf32>, vector<16xf32>, vector<16xf32>, vector<16xf32>, vector<16xf32>, vector<16xf32>, vector<16xf32>, vector<16xf32>, vector<16xi32>, vector<16xi32>, vector<16xi32>, vector<16xi32>, vector<16xi32>, vector<16xi32>, vector<16xi32>, vector<16xi32>
    } {sc.loop_unroll_factor = 4 : i64, sc.parallel_access}
    %dma_wait3A_291 = tpu.memref_slice %arg2[%mul3A_278, %add3A_280] : memref<32x1000000xf32, #tpu.memory_space<hbm>> -> memref<8x4096xf32, #tpu.memory_space<hbm>>
    %dma_wait3A_292 = tpu.memref_slice %arg2[%mul3A_278, %add3A_280] : memref<32x1000000xf32, #tpu.memory_space<hbm>> -> memref<8x4096xf32, #tpu.memory_space<hbm>>
    tpu.wait_dma2 semaphore(%arg10 : memref<!tpu.dma_semaphore, #tpu.memory_space<semaphore_mem>>) src(%dma_wait3A_292 : memref<8x4096xf32, #tpu.memory_space<hbm>>) dst(%arg7 : memref<8x4096xf32, #tpu.memory_space<vmem>>)
    %add3A_293 = arith.constant 61440 : i32
    %add3A_294 = arith.addi %mul3A_32, %add3A_293 : i32
    %parallel_loop3A_295 = arith.constant 0 : i32
    %parallel_loop3A_296 = arith.constant 256 : i32
    %parallel_loop3A_297 = arith.constant 1 : i32
    %parallel_loop3A_298:24 = scf.for %parallel_loop3A_473 = %parallel_loop3A_295 to %parallel_loop3A_296 step %parallel_loop3A_297 iter_args(%parallel_loop3A_474 = %parallel_loop3A_290#0, %parallel_loop3A_475 = %parallel_loop3A_290#1, %parallel_loop3A_476 = %parallel_loop3A_290#2, %parallel_loop3A_477 = %parallel_loop3A_290#3, %parallel_loop3A_478 = %parallel_loop3A_290#4, %parallel_loop3A_479 = %parallel_loop3A_290#5, %parallel_loop3A_480 = %parallel_loop3A_290#6, %parallel_loop3A_481 = %parallel_loop3A_290#7, %parallel_loop3A_482 = %parallel_loop3A_290#8, %parallel_loop3A_483 = %parallel_loop3A_290#9, %parallel_loop3A_484 = %parallel_loop3A_290#10, %parallel_loop3A_485 = %parallel_loop3A_290#11, %parallel_loop3A_486 = %parallel_loop3A_290#12, %parallel_loop3A_487 = %parallel_loop3A_290#13, %parallel_loop3A_488 = %parallel_loop3A_290#14, %parallel_loop3A_489 = %parallel_loop3A_290#15, %parallel_loop3A_490 = %parallel_loop3A_290#16, %parallel_loop3A_491 = %parallel_loop3A_290#17, %parallel_loop3A_492 = %parallel_loop3A_290#18, %parallel_loop3A_493 = %parallel_loop3A_290#19, %parallel_loop3A_494 = %parallel_loop3A_290#20, %parallel_loop3A_495 = %parallel_loop3A_290#21, %parallel_loop3A_496 = %parallel_loop3A_290#22, %parallel_loop3A_497 = %parallel_loop3A_290#23) -> (vector<16xf32>, vector<16xf32>, vector<16xf32>, vector<16xf32>, vector<16xf32>, vector<16xf32>, vector<16xf32>, vector<16xf32>, vector<16xf32>, vector<16xf32>, vector<16xf32>, vector<16xf32>, vector<16xf32>, vector<16xf32>, vector<16xf32>, vector<16xf32>, vector<16xi32>, vector<16xi32>, vector<16xi32>, vector<16xi32>, vector<16xi32>, vector<16xi32>, vector<16xi32>, vector<16xi32>)  : i32 {
      %parallel_loop3A_498 = arith.constant 16 : i32
      %parallel_loop3A_499 = arith.muli %parallel_loop3A_473, %parallel_loop3A_498 : i32
      %parallel_loop3A_500 = arith.addi %add3A_294, %parallel_loop3A_499 : i32
      %parallel_loop3A_501 = vector.broadcast %parallel_loop3A_500 : i32 to vector<16xi32>
      %parallel_loop3A_502 = arith.addi %iota3A, %parallel_loop3A_501 : vector<16xi32>
      %parallel_loop3A_503 = arith.constant 16 : i32
      %parallel_loop3A_504 = arith.muli %parallel_loop3A_473, %parallel_loop3A_503 : i32
      %parallel_loop3A_505 = arith.constant 0 : i32
      %parallel_loop3A_506 = arith.index_cast %parallel_loop3A_505 : i32 to index
      %parallel_loop3A_507 = arith.index_cast %parallel_loop3A_504 : i32 to index
      %parallel_loop3A_508 = tpu.vector_load %arg7[%parallel_loop3A_506, %parallel_loop3A_507] {strides = array<i32>} : memref<8x4096xf32, #tpu.memory_space<vmem>>, vector<1x16xf32>,
      %parallel_loop3A_509 = vector.shape_cast %parallel_loop3A_508 : vector<1x16xf32> to vector<16xf32>
      %parallel_loop3A_510 = arith.cmpf ogt, %parallel_loop3A_509, %parallel_loop3A_474 : vector<16xf32>
      %parallel_loop3A_511 = arith.maximumf %parallel_loop3A_474, %parallel_loop3A_509 : vector<16xf32>
      %parallel_loop3A_512 = arith.select %parallel_loop3A_510, %parallel_loop3A_502, %parallel_loop3A_490 : vector<16xi1>, vector<16xi32>
      %parallel_loop3A_513 = math.exp %parallel_loop3A_509 : vector<16xf32>
      %parallel_loop3A_514 = arith.addf %parallel_loop3A_482, %parallel_loop3A_513 : vector<16xf32>
      %parallel_loop3A_515 = arith.constant 16 : i32
      %parallel_loop3A_516 = arith.muli %parallel_loop3A_473, %parallel_loop3A_515 : i32
      %parallel_loop3A_517 = arith.constant 1 : i32
      %parallel_loop3A_518 = arith.index_cast %parallel_loop3A_517 : i32 to index
      %parallel_loop3A_519 = arith.index_cast %parallel_loop3A_516 : i32 to index
      %parallel_loop3A_520 = tpu.vector_load %arg7[%parallel_loop3A_518, %parallel_loop3A_519] {strides = array<i32>} : memref<8x4096xf32, #tpu.memory_space<vmem>>, vector<1x16xf32>,
      %parallel_loop3A_521 = vector.shape_cast %parallel_loop3A_520 : vector<1x16xf32> to vector<16xf32>
      %parallel_loop3A_522 = arith.cmpf ogt, %parallel_loop3A_521, %parallel_loop3A_475 : vector<16xf32>
      %parallel_loop3A_523 = arith.maximumf %parallel_loop3A_475, %parallel_loop3A_521 : vector<16xf32>
      %parallel_loop3A_524 = arith.select %parallel_loop3A_522, %parallel_loop3A_502, %parallel_loop3A_491 : vector<16xi1>, vector<16xi32>
      %parallel_loop3A_525 = math.exp %parallel_loop3A_521 : vector<16xf32>
      %parallel_loop3A_526 = arith.addf %parallel_loop3A_483, %parallel_loop3A_525 : vector<16xf32>
      %parallel_loop3A_527 = arith.constant 16 : i32
      %parallel_loop3A_528 = arith.muli %parallel_loop3A_473, %parallel_loop3A_527 : i32
      %parallel_loop3A_529 = arith.constant 2 : i32
      %parallel_loop3A_530 = arith.index_cast %parallel_loop3A_529 : i32 to index
      %parallel_loop3A_531 = arith.index_cast %parallel_loop3A_528 : i32 to index
      %parallel_loop3A_532 = tpu.vector_load %arg7[%parallel_loop3A_530, %parallel_loop3A_531] {strides = array<i32>} : memref<8x4096xf32, #tpu.memory_space<vmem>>, vector<1x16xf32>,
      %parallel_loop3A_533 = vector.shape_cast %parallel_loop3A_532 : vector<1x16xf32> to vector<16xf32>
      %parallel_loop3A_534 = arith.cmpf ogt, %parallel_loop3A_533, %parallel_loop3A_476 : vector<16xf32>
      %parallel_loop3A_535 = arith.maximumf %parallel_loop3A_476, %parallel_loop3A_533 : vector<16xf32>
      %parallel_loop3A_536 = arith.select %parallel_loop3A_534, %parallel_loop3A_502, %parallel_loop3A_492 : vector<16xi1>, vector<16xi32>
      %parallel_loop3A_537 = math.exp %parallel_loop3A_533 : vector<16xf32>
      %parallel_loop3A_538 = arith.addf %parallel_loop3A_484, %parallel_loop3A_537 : vector<16xf32>
      %parallel_loop3A_539 = arith.constant 16 : i32
      %parallel_loop3A_540 = arith.muli %parallel_loop3A_473, %parallel_loop3A_539 : i32
      %parallel_loop3A_541 = arith.constant 3 : i32
      %parallel_loop3A_542 = arith.index_cast %parallel_loop3A_541 : i32 to index
      %parallel_loop3A_543 = arith.index_cast %parallel_loop3A_540 : i32 to index
      %parallel_loop3A_544 = tpu.vector_load %arg7[%parallel_loop3A_542, %parallel_loop3A_543] {strides = array<i32>} : memref<8x4096xf32, #tpu.memory_space<vmem>>, vector<1x16xf32>,
      %parallel_loop3A_545 = vector.shape_cast %parallel_loop3A_544 : vector<1x16xf32> to vector<16xf32>
      %parallel_loop3A_546 = arith.cmpf ogt, %parallel_loop3A_545, %parallel_loop3A_477 : vector<16xf32>
      %parallel_loop3A_547 = arith.maximumf %parallel_loop3A_477, %parallel_loop3A_545 : vector<16xf32>
      %parallel_loop3A_548 = arith.select %parallel_loop3A_546, %parallel_loop3A_502, %parallel_loop3A_493 : vector<16xi1>, vector<16xi32>
      %parallel_loop3A_549 = math.exp %parallel_loop3A_545 : vector<16xf32>
      %parallel_loop3A_550 = arith.addf %parallel_loop3A_485, %parallel_loop3A_549 : vector<16xf32>
      %parallel_loop3A_551 = arith.constant 16 : i32
      %parallel_loop3A_552 = arith.muli %parallel_loop3A_473, %parallel_loop3A_551 : i32
      %parallel_loop3A_553 = arith.constant 4 : i32
      %parallel_loop3A_554 = arith.index_cast %parallel_loop3A_553 : i32 to index
      %parallel_loop3A_555 = arith.index_cast %parallel_loop3A_552 : i32 to index
      %parallel_loop3A_556 = tpu.vector_load %arg7[%parallel_loop3A_554, %parallel_loop3A_555] {strides = array<i32>} : memref<8x4096xf32, #tpu.memory_space<vmem>>, vector<1x16xf32>,
      %parallel_loop3A_557 = vector.shape_cast %parallel_loop3A_556 : vector<1x16xf32> to vector<16xf32>
      %parallel_loop3A_558 = arith.cmpf ogt, %parallel_loop3A_557, %parallel_loop3A_478 : vector<16xf32>
      %parallel_loop3A_559 = arith.maximumf %parallel_loop3A_478, %parallel_loop3A_557 : vector<16xf32>
      %parallel_loop3A_560 = arith.select %parallel_loop3A_558, %parallel_loop3A_502, %parallel_loop3A_494 : vector<16xi1>, vector<16xi32>
      %parallel_loop3A_561 = math.exp %parallel_loop3A_557 : vector<16xf32>
      %parallel_loop3A_562 = arith.addf %parallel_loop3A_486, %parallel_loop3A_561 : vector<16xf32>
      %parallel_loop3A_563 = arith.constant 16 : i32
      %parallel_loop3A_564 = arith.muli %parallel_loop3A_473, %parallel_loop3A_563 : i32
      %parallel_loop3A_565 = arith.constant 5 : i32
      %parallel_loop3A_566 = arith.index_cast %parallel_loop3A_565 : i32 to index
      %parallel_loop3A_567 = arith.index_cast %parallel_loop3A_564 : i32 to index
      %parallel_loop3A_568 = tpu.vector_load %arg7[%parallel_loop3A_566, %parallel_loop3A_567] {strides = array<i32>} : memref<8x4096xf32, #tpu.memory_space<vmem>>, vector<1x16xf32>,
      %parallel_loop3A_569 = vector.shape_cast %parallel_loop3A_568 : vector<1x16xf32> to vector<16xf32>
      %parallel_loop3A_570 = arith.cmpf ogt, %parallel_loop3A_569, %parallel_loop3A_479 : vector<16xf32>
      %parallel_loop3A_571 = arith.maximumf %parallel_loop3A_479, %parallel_loop3A_569 : vector<16xf32>
      %parallel_loop3A_572 = arith.select %parallel_loop3A_570, %parallel_loop3A_502, %parallel_loop3A_495 : vector<16xi1>, vector<16xi32>
      %parallel_loop3A_573 = math.exp %parallel_loop3A_569 : vector<16xf32>
      %parallel_loop3A_574 = arith.addf %parallel_loop3A_487, %parallel_loop3A_573 : vector<16xf32>
      %parallel_loop3A_575 = arith.constant 16 : i32
      %parallel_loop3A_576 = arith.muli %parallel_loop3A_473, %parallel_loop3A_575 : i32
      %parallel_loop3A_577 = arith.constant 6 : i32
      %parallel_loop3A_578 = arith.index_cast %parallel_loop3A_577 : i32 to index
      %parallel_loop3A_579 = arith.index_cast %parallel_loop3A_576 : i32 to index
      %parallel_loop3A_580 = tpu.vector_load %arg7[%parallel_loop3A_578, %parallel_loop3A_579] {strides = array<i32>} : memref<8x4096xf32, #tpu.memory_space<vmem>>, vector<1x16xf32>,
      %parallel_loop3A_581 = vector.shape_cast %parallel_loop3A_580 : vector<1x16xf32> to vector<16xf32>
      %parallel_loop3A_582 = arith.cmpf ogt, %parallel_loop3A_581, %parallel_loop3A_480 : vector<16xf32>
      %parallel_loop3A_583 = arith.maximumf %parallel_loop3A_480, %parallel_loop3A_581 : vector<16xf32>
      %parallel_loop3A_584 = arith.select %parallel_loop3A_582, %parallel_loop3A_502, %parallel_loop3A_496 : vector<16xi1>, vector<16xi32>
      %parallel_loop3A_585 = math.exp %parallel_loop3A_581 : vector<16xf32>
      %parallel_loop3A_586 = arith.addf %parallel_loop3A_488, %parallel_loop3A_585 : vector<16xf32>
      %parallel_loop3A_587 = arith.constant 16 : i32
      %parallel_loop3A_588 = arith.muli %parallel_loop3A_473, %parallel_loop3A_587 : i32
      %parallel_loop3A_589 = arith.constant 7 : i32
      %parallel_loop3A_590 = arith.index_cast %parallel_loop3A_589 : i32 to index
      %parallel_loop3A_591 = arith.index_cast %parallel_loop3A_588 : i32 to index
      %parallel_loop3A_592 = tpu.vector_load %arg7[%parallel_loop3A_590, %parallel_loop3A_591] {strides = array<i32>} : memref<8x4096xf32, #tpu.memory_space<vmem>>, vector<1x16xf32>,
      %parallel_loop3A_593 = vector.shape_cast %parallel_loop3A_592 : vector<1x16xf32> to vector<16xf32>
      %parallel_loop3A_594 = arith.cmpf ogt, %parallel_loop3A_593, %parallel_loop3A_481 : vector<16xf32>
      %parallel_loop3A_595 = arith.maximumf %parallel_loop3A_481, %parallel_loop3A_593 : vector<16xf32>
      %parallel_loop3A_596 = arith.select %parallel_loop3A_594, %parallel_loop3A_502, %parallel_loop3A_497 : vector<16xi1>, vector<16xi32>
      %parallel_loop3A_597 = math.exp %parallel_loop3A_593 : vector<16xf32>
      %parallel_loop3A_598 = arith.addf %parallel_loop3A_489, %parallel_loop3A_597 : vector<16xf32>
      scf.yield %parallel_loop3A_511, %parallel_loop3A_523, %parallel_loop3A_535, %parallel_loop3A_547, %parallel_loop3A_559, %parallel_loop3A_571, %parallel_loop3A_583, %parallel_loop3A_595, %parallel_loop3A_514, %parallel_loop3A_526, %parallel_loop3A_538, %parallel_loop3A_550, %parallel_loop3A_562, %parallel_loop3A_574, %parallel_loop3A_586, %parallel_loop3A_598, %parallel_loop3A_512, %parallel_loop3A_524, %parallel_loop3A_536, %parallel_loop3A_548, %parallel_loop3A_560, %parallel_loop3A_572, %parallel_loop3A_584, %parallel_loop3A_596 : vector<16xf32>, vector<16xf32>, vector<16xf32>, vector<16xf32>, vector<16xf32>, vector<16xf32>, vector<16xf32>, vector<16xf32>, vector<16xf32>, vector<16xf32>, vector<16xf32>, vector<16xf32>, vector<16xf32>, vector<16xf32>, vector<16xf32>, vector<16xf32>, vector<16xi32>, vector<16xi32>, vector<16xi32>, vector<16xi32>, vector<16xi32>, vector<16xi32>, vector<16xi32>, vector<16xi32>
    } {sc.loop_unroll_factor = 4 : i64, sc.parallel_access}
    %mul3A_299 = arith.constant 8 : i32
    %mul3A_300 = arith.muli %select_n3A, %mul3A_299 : i32
    %add3A_301 = arith.constant 0 : i32
    %add3A_302 = arith.addi %mul3A_300, %add3A_301 : i32
    %mul3A_303 = arith.constant 128 : i32
    %mul3A_304 = arith.muli %add3A_302, %mul3A_303 : i32
    %mul3A_305 = arith.constant 16 : i32
    %mul3A_306 = arith.muli %select_n3A_30, %mul3A_305 : i32
    %add3A_307 = arith.addi %mul3A_304, %mul3A_306 : i32
    %swap3A = arith.constant 0 : index
    %swap3A_308 = tpu.vector_load %arg8[%swap3A] {strides = array<i32>} : memref<16xf32, #tpu.memory_space<vmem>>, vector<16xf32>,
    %swap3A_309 = vector.shape_cast %swap3A_308 : vector<16xf32> to vector<16xf32>
    %swap3A_310 = vector.shape_cast %parallel_loop3A_298#0 : vector<16xf32> to vector<16xf32>
    tpu.vector_store %arg8[%swap3A], %swap3A_310 {strides = array<i32>} : memref<16xf32, #tpu.memory_space<vmem>>, vector<16xf32>,
    "tpu.region"() ({
      %run_scoped3A = tpu.sem_alloc : memref<!tpu.dma_semaphore, #tpu.memory_space<semaphore_mem>>
      %dma_start3A_473 = tpu.memref_slice %arg3[%add3A_307] : memref<4096xf32, #tpu.memory_space<hbm>> -> memref<16xf32, #tpu.memory_space<hbm>>
      %dma_start3A_474 = tpu.memref_slice %arg3[%add3A_307] : memref<4096xf32, #tpu.memory_space<hbm>> -> memref<16xf32, #tpu.memory_space<hbm>>
      tpu.enqueue_dma source(%arg8 : memref<16xf32, #tpu.memory_space<vmem>>) target(%dma_start3A_474 : memref<16xf32, #tpu.memory_space<hbm>>) target_semaphore(%run_scoped3A : memref<!tpu.dma_semaphore, #tpu.memory_space<semaphore_mem>>)
      %dma_wait3A_475 = tpu.memref_slice %arg3[%add3A_307] : memref<4096xf32, #tpu.memory_space<hbm>> -> memref<16xf32, #tpu.memory_space<hbm>>
      %dma_wait3A_476 = tpu.memref_slice %arg3[%add3A_307] : memref<4096xf32, #tpu.memory_space<hbm>> -> memref<16xf32, #tpu.memory_space<hbm>>
      tpu.wait_dma2 semaphore(%run_scoped3A : memref<!tpu.dma_semaphore, #tpu.memory_space<semaphore_mem>>) src(%arg8 : memref<16xf32, #tpu.memory_space<vmem>>) dst(%dma_wait3A_476 : memref<16xf32, #tpu.memory_space<hbm>>)
      tpu.yield
    }) : () -> ()
    %swap3A_311 = arith.constant 0 : index
    %swap3A_312 = tpu.vector_load %arg8[%swap3A_311] {strides = array<i32>} : memref<16xf32, #tpu.memory_space<vmem>>, vector<16xf32>,
    %swap3A_313 = vector.shape_cast %swap3A_312 : vector<16xf32> to vector<16xf32>
    %swap3A_314 = vector.shape_cast %parallel_loop3A_298#8 : vector<16xf32> to vector<16xf32>
    tpu.vector_store %arg8[%swap3A_311], %swap3A_314 {strides = array<i32>} : memref<16xf32, #tpu.memory_space<vmem>>, vector<16xf32>,
    "tpu.region"() ({
      %run_scoped3A = tpu.sem_alloc : memref<!tpu.dma_semaphore, #tpu.memory_space<semaphore_mem>>
      %dma_start3A_473 = tpu.memref_slice %arg4[%add3A_307] : memref<4096xf32, #tpu.memory_space<hbm>> -> memref<16xf32, #tpu.memory_space<hbm>>
      %dma_start3A_474 = tpu.memref_slice %arg4[%add3A_307] : memref<4096xf32, #tpu.memory_space<hbm>> -> memref<16xf32, #tpu.memory_space<hbm>>
      tpu.enqueue_dma source(%arg8 : memref<16xf32, #tpu.memory_space<vmem>>) target(%dma_start3A_474 : memref<16xf32, #tpu.memory_space<hbm>>) target_semaphore(%run_scoped3A : memref<!tpu.dma_semaphore, #tpu.memory_space<semaphore_mem>>)
      %dma_wait3A_475 = tpu.memref_slice %arg4[%add3A_307] : memref<4096xf32, #tpu.memory_space<hbm>> -> memref<16xf32, #tpu.memory_space<hbm>>
      %dma_wait3A_476 = tpu.memref_slice %arg4[%add3A_307] : memref<4096xf32, #tpu.memory_space<hbm>> -> memref<16xf32, #tpu.memory_space<hbm>>
      tpu.wait_dma2 semaphore(%run_scoped3A : memref<!tpu.dma_semaphore, #tpu.memory_space<semaphore_mem>>) src(%arg8 : memref<16xf32, #tpu.memory_space<vmem>>) dst(%dma_wait3A_476 : memref<16xf32, #tpu.memory_space<hbm>>)
      tpu.yield
    }) : () -> ()
    %bitcast_convert_type3A = tpu.bitcast %parallel_loop3A_298#16 : vector<16xi32> -> vector<16xf32>
    %swap3A_315 = arith.constant 0 : index
    %swap3A_316 = tpu.vector_load %arg8[%swap3A_315] {strides = array<i32>} : memref<16xf32, #tpu.memory_space<vmem>>, vector<16xf32>,
    %swap3A_317 = vector.shape_cast %swap3A_316 : vector<16xf32> to vector<16xf32>
    %swap3A_318 = vector.shape_cast %bitcast_convert_type3A : vector<16xf32> to vector<16xf32>
    tpu.vector_store %arg8[%swap3A_315], %swap3A_318 {strides = array<i32>} : memref<16xf32, #tpu.memory_space<vmem>>, vector<16xf32>,
    "tpu.region"() ({
      %run_scoped3A = tpu.sem_alloc : memref<!tpu.dma_semaphore, #tpu.memory_space<semaphore_mem>>
      %dma_start3A_473 = tpu.memref_slice %arg5[%add3A_307] : memref<4096xf32, #tpu.memory_space<hbm>> -> memref<16xf32, #tpu.memory_space<hbm>>
      %dma_start3A_474 = tpu.memref_slice %arg5[%add3A_307] : memref<4096xf32, #tpu.memory_space<hbm>> -> memref<16xf32, #tpu.memory_space<hbm>>
      tpu.enqueue_dma source(%arg8 : memref<16xf32, #tpu.memory_space<vmem>>) target(%dma_start3A_474 : memref<16xf32, #tpu.memory_space<hbm>>) target_semaphore(%run_scoped3A : memref<!tpu.dma_semaphore, #tpu.memory_space<semaphore_mem>>)
      %dma_wait3A_475 = tpu.memref_slice %arg5[%add3A_307] : memref<4096xf32, #tpu.memory_space<hbm>> -> memref<16xf32, #tpu.memory_space<hbm>>
      %dma_wait3A_476 = tpu.memref_slice %arg5[%add3A_307] : memref<4096xf32, #tpu.memory_space<hbm>> -> memref<16xf32, #tpu.memory_space<hbm>>
      tpu.wait_dma2 semaphore(%run_scoped3A : memref<!tpu.dma_semaphore, #tpu.memory_space<semaphore_mem>>) src(%arg8 : memref<16xf32, #tpu.memory_space<vmem>>) dst(%dma_wait3A_476 : memref<16xf32, #tpu.memory_space<hbm>>)
      tpu.yield
    }) : () -> ()
    %mul3A_319 = arith.constant 8 : i32
    %mul3A_320 = arith.muli %select_n3A, %mul3A_319 : i32
    %add3A_321 = arith.constant 1 : i32
    %add3A_322 = arith.addi %mul3A_320, %add3A_321 : i32
    %mul3A_323 = arith.constant 128 : i32
    %mul3A_324 = arith.muli %add3A_322, %mul3A_323 : i32
    %mul3A_325 = arith.constant 16 : i32
    %mul3A_326 = arith.muli %select_n3A_30, %mul3A_325 : i32
    %add3A_327 = arith.addi %mul3A_324, %mul3A_326 : i32
    %swap3A_328 = arith.constant 0 : index
    %swap3A_329 = tpu.vector_load %arg8[%swap3A_328] {strides = array<i32>} : memref<16xf32, #tpu.memory_space<vmem>>, vector<16xf32>,
    %swap3A_330 = vector.shape_cast %swap3A_329 : vector<16xf32> to vector<16xf32>
    %swap3A_331 = vector.shape_cast %parallel_loop3A_298#1 : vector<16xf32> to vector<16xf32>
    tpu.vector_store %arg8[%swap3A_328], %swap3A_331 {strides = array<i32>} : memref<16xf32, #tpu.memory_space<vmem>>, vector<16xf32>,
    "tpu.region"() ({
      %run_scoped3A = tpu.sem_alloc : memref<!tpu.dma_semaphore, #tpu.memory_space<semaphore_mem>>
      %dma_start3A_473 = tpu.memref_slice %arg3[%add3A_327] : memref<4096xf32, #tpu.memory_space<hbm>> -> memref<16xf32, #tpu.memory_space<hbm>>
      %dma_start3A_474 = tpu.memref_slice %arg3[%add3A_327] : memref<4096xf32, #tpu.memory_space<hbm>> -> memref<16xf32, #tpu.memory_space<hbm>>
      tpu.enqueue_dma source(%arg8 : memref<16xf32, #tpu.memory_space<vmem>>) target(%dma_start3A_474 : memref<16xf32, #tpu.memory_space<hbm>>) target_semaphore(%run_scoped3A : memref<!tpu.dma_semaphore, #tpu.memory_space<semaphore_mem>>)
      %dma_wait3A_475 = tpu.memref_slice %arg3[%add3A_327] : memref<4096xf32, #tpu.memory_space<hbm>> -> memref<16xf32, #tpu.memory_space<hbm>>
      %dma_wait3A_476 = tpu.memref_slice %arg3[%add3A_327] : memref<4096xf32, #tpu.memory_space<hbm>> -> memref<16xf32, #tpu.memory_space<hbm>>
      tpu.wait_dma2 semaphore(%run_scoped3A : memref<!tpu.dma_semaphore, #tpu.memory_space<semaphore_mem>>) src(%arg8 : memref<16xf32, #tpu.memory_space<vmem>>) dst(%dma_wait3A_476 : memref<16xf32, #tpu.memory_space<hbm>>)
      tpu.yield
    }) : () -> ()
    %swap3A_332 = arith.constant 0 : index
    %swap3A_333 = tpu.vector_load %arg8[%swap3A_332] {strides = array<i32>} : memref<16xf32, #tpu.memory_space<vmem>>, vector<16xf32>,
    %swap3A_334 = vector.shape_cast %swap3A_333 : vector<16xf32> to vector<16xf32>
    %swap3A_335 = vector.shape_cast %parallel_loop3A_298#9 : vector<16xf32> to vector<16xf32>
    tpu.vector_store %arg8[%swap3A_332], %swap3A_335 {strides = array<i32>} : memref<16xf32, #tpu.memory_space<vmem>>, vector<16xf32>,
    "tpu.region"() ({
      %run_scoped3A = tpu.sem_alloc : memref<!tpu.dma_semaphore, #tpu.memory_space<semaphore_mem>>
      %dma_start3A_473 = tpu.memref_slice %arg4[%add3A_327] : memref<4096xf32, #tpu.memory_space<hbm>> -> memref<16xf32, #tpu.memory_space<hbm>>
      %dma_start3A_474 = tpu.memref_slice %arg4[%add3A_327] : memref<4096xf32, #tpu.memory_space<hbm>> -> memref<16xf32, #tpu.memory_space<hbm>>
      tpu.enqueue_dma source(%arg8 : memref<16xf32, #tpu.memory_space<vmem>>) target(%dma_start3A_474 : memref<16xf32, #tpu.memory_space<hbm>>) target_semaphore(%run_scoped3A : memref<!tpu.dma_semaphore, #tpu.memory_space<semaphore_mem>>)
      %dma_wait3A_475 = tpu.memref_slice %arg4[%add3A_327] : memref<4096xf32, #tpu.memory_space<hbm>> -> memref<16xf32, #tpu.memory_space<hbm>>
      %dma_wait3A_476 = tpu.memref_slice %arg4[%add3A_327] : memref<4096xf32, #tpu.memory_space<hbm>> -> memref<16xf32, #tpu.memory_space<hbm>>
      tpu.wait_dma2 semaphore(%run_scoped3A : memref<!tpu.dma_semaphore, #tpu.memory_space<semaphore_mem>>) src(%arg8 : memref<16xf32, #tpu.memory_space<vmem>>) dst(%dma_wait3A_476 : memref<16xf32, #tpu.memory_space<hbm>>)
      tpu.yield
    }) : () -> ()
    %bitcast_convert_type3A_336 = tpu.bitcast %parallel_loop3A_298#17 : vector<16xi32> -> vector<16xf32>
    %swap3A_337 = arith.constant 0 : index
    %swap3A_338 = tpu.vector_load %arg8[%swap3A_337] {strides = array<i32>} : memref<16xf32, #tpu.memory_space<vmem>>, vector<16xf32>,
    %swap3A_339 = vector.shape_cast %swap3A_338 : vector<16xf32> to vector<16xf32>
    %swap3A_340 = vector.shape_cast %bitcast_convert_type3A_336 : vector<16xf32> to vector<16xf32>
    tpu.vector_store %arg8[%swap3A_337], %swap3A_340 {strides = array<i32>} : memref<16xf32, #tpu.memory_space<vmem>>, vector<16xf32>,
    "tpu.region"() ({
      %run_scoped3A = tpu.sem_alloc : memref<!tpu.dma_semaphore, #tpu.memory_space<semaphore_mem>>
      %dma_start3A_473 = tpu.memref_slice %arg5[%add3A_327] : memref<4096xf32, #tpu.memory_space<hbm>> -> memref<16xf32, #tpu.memory_space<hbm>>
      %dma_start3A_474 = tpu.memref_slice %arg5[%add3A_327] : memref<4096xf32, #tpu.memory_space<hbm>> -> memref<16xf32, #tpu.memory_space<hbm>>
      tpu.enqueue_dma source(%arg8 : memref<16xf32, #tpu.memory_space<vmem>>) target(%dma_start3A_474 : memref<16xf32, #tpu.memory_space<hbm>>) target_semaphore(%run_scoped3A : memref<!tpu.dma_semaphore, #tpu.memory_space<semaphore_mem>>)
      %dma_wait3A_475 = tpu.memref_slice %arg5[%add3A_327] : memref<4096xf32, #tpu.memory_space<hbm>> -> memref<16xf32, #tpu.memory_space<hbm>>
      %dma_wait3A_476 = tpu.memref_slice %arg5[%add3A_327] : memref<4096xf32, #tpu.memory_space<hbm>> -> memref<16xf32, #tpu.memory_space<hbm>>
      tpu.wait_dma2 semaphore(%run_scoped3A : memref<!tpu.dma_semaphore, #tpu.memory_space<semaphore_mem>>) src(%arg8 : memref<16xf32, #tpu.memory_space<vmem>>) dst(%dma_wait3A_476 : memref<16xf32, #tpu.memory_space<hbm>>)
      tpu.yield
    }) : () -> ()
    %mul3A_341 = arith.constant 8 : i32
    %mul3A_342 = arith.muli %select_n3A, %mul3A_341 : i32
    %add3A_343 = arith.constant 2 : i32
    %add3A_344 = arith.addi %mul3A_342, %add3A_343 : i32
    %mul3A_345 = arith.constant 128 : i32
    %mul3A_346 = arith.muli %add3A_344, %mul3A_345 : i32
    %mul3A_347 = arith.constant 16 : i32
    %mul3A_348 = arith.muli %select_n3A_30, %mul3A_347 : i32
    %add3A_349 = arith.addi %mul3A_346, %mul3A_348 : i32
    %swap3A_350 = arith.constant 0 : index
    %swap3A_351 = tpu.vector_load %arg8[%swap3A_350] {strides = array<i32>} : memref<16xf32, #tpu.memory_space<vmem>>, vector<16xf32>,
    %swap3A_352 = vector.shape_cast %swap3A_351 : vector<16xf32> to vector<16xf32>
    %swap3A_353 = vector.shape_cast %parallel_loop3A_298#2 : vector<16xf32> to vector<16xf32>
    tpu.vector_store %arg8[%swap3A_350], %swap3A_353 {strides = array<i32>} : memref<16xf32, #tpu.memory_space<vmem>>, vector<16xf32>,
    "tpu.region"() ({
      %run_scoped3A = tpu.sem_alloc : memref<!tpu.dma_semaphore, #tpu.memory_space<semaphore_mem>>
      %dma_start3A_473 = tpu.memref_slice %arg3[%add3A_349] : memref<4096xf32, #tpu.memory_space<hbm>> -> memref<16xf32, #tpu.memory_space<hbm>>
      %dma_start3A_474 = tpu.memref_slice %arg3[%add3A_349] : memref<4096xf32, #tpu.memory_space<hbm>> -> memref<16xf32, #tpu.memory_space<hbm>>
      tpu.enqueue_dma source(%arg8 : memref<16xf32, #tpu.memory_space<vmem>>) target(%dma_start3A_474 : memref<16xf32, #tpu.memory_space<hbm>>) target_semaphore(%run_scoped3A : memref<!tpu.dma_semaphore, #tpu.memory_space<semaphore_mem>>)
      %dma_wait3A_475 = tpu.memref_slice %arg3[%add3A_349] : memref<4096xf32, #tpu.memory_space<hbm>> -> memref<16xf32, #tpu.memory_space<hbm>>
      %dma_wait3A_476 = tpu.memref_slice %arg3[%add3A_349] : memref<4096xf32, #tpu.memory_space<hbm>> -> memref<16xf32, #tpu.memory_space<hbm>>
      tpu.wait_dma2 semaphore(%run_scoped3A : memref<!tpu.dma_semaphore, #tpu.memory_space<semaphore_mem>>) src(%arg8 : memref<16xf32, #tpu.memory_space<vmem>>) dst(%dma_wait3A_476 : memref<16xf32, #tpu.memory_space<hbm>>)
      tpu.yield
    }) : () -> ()
    %swap3A_354 = arith.constant 0 : index
    %swap3A_355 = tpu.vector_load %arg8[%swap3A_354] {strides = array<i32>} : memref<16xf32, #tpu.memory_space<vmem>>, vector<16xf32>,
    %swap3A_356 = vector.shape_cast %swap3A_355 : vector<16xf32> to vector<16xf32>
    %swap3A_357 = vector.shape_cast %parallel_loop3A_298#10 : vector<16xf32> to vector<16xf32>
    tpu.vector_store %arg8[%swap3A_354], %swap3A_357 {strides = array<i32>} : memref<16xf32, #tpu.memory_space<vmem>>, vector<16xf32>,
    "tpu.region"() ({
      %run_scoped3A = tpu.sem_alloc : memref<!tpu.dma_semaphore, #tpu.memory_space<semaphore_mem>>
      %dma_start3A_473 = tpu.memref_slice %arg4[%add3A_349] : memref<4096xf32, #tpu.memory_space<hbm>> -> memref<16xf32, #tpu.memory_space<hbm>>
      %dma_start3A_474 = tpu.memref_slice %arg4[%add3A_349] : memref<4096xf32, #tpu.memory_space<hbm>> -> memref<16xf32, #tpu.memory_space<hbm>>
      tpu.enqueue_dma source(%arg8 : memref<16xf32, #tpu.memory_space<vmem>>) target(%dma_start3A_474 : memref<16xf32, #tpu.memory_space<hbm>>) target_semaphore(%run_scoped3A : memref<!tpu.dma_semaphore, #tpu.memory_space<semaphore_mem>>)
      %dma_wait3A_475 = tpu.memref_slice %arg4[%add3A_349] : memref<4096xf32, #tpu.memory_space<hbm>> -> memref<16xf32, #tpu.memory_space<hbm>>
      %dma_wait3A_476 = tpu.memref_slice %arg4[%add3A_349] : memref<4096xf32, #tpu.memory_space<hbm>> -> memref<16xf32, #tpu.memory_space<hbm>>
      tpu.wait_dma2 semaphore(%run_scoped3A : memref<!tpu.dma_semaphore, #tpu.memory_space<semaphore_mem>>) src(%arg8 : memref<16xf32, #tpu.memory_space<vmem>>) dst(%dma_wait3A_476 : memref<16xf32, #tpu.memory_space<hbm>>)
      tpu.yield
    }) : () -> ()
    %bitcast_convert_type3A_358 = tpu.bitcast %parallel_loop3A_298#18 : vector<16xi32> -> vector<16xf32>
    %swap3A_359 = arith.constant 0 : index
    %swap3A_360 = tpu.vector_load %arg8[%swap3A_359] {strides = array<i32>} : memref<16xf32, #tpu.memory_space<vmem>>, vector<16xf32>,
    %swap3A_361 = vector.shape_cast %swap3A_360 : vector<16xf32> to vector<16xf32>
    %swap3A_362 = vector.shape_cast %bitcast_convert_type3A_358 : vector<16xf32> to vector<16xf32>
    tpu.vector_store %arg8[%swap3A_359], %swap3A_362 {strides = array<i32>} : memref<16xf32, #tpu.memory_space<vmem>>, vector<16xf32>,
    "tpu.region"() ({
      %run_scoped3A = tpu.sem_alloc : memref<!tpu.dma_semaphore, #tpu.memory_space<semaphore_mem>>
      %dma_start3A_473 = tpu.memref_slice %arg5[%add3A_349] : memref<4096xf32, #tpu.memory_space<hbm>> -> memref<16xf32, #tpu.memory_space<hbm>>
      %dma_start3A_474 = tpu.memref_slice %arg5[%add3A_349] : memref<4096xf32, #tpu.memory_space<hbm>> -> memref<16xf32, #tpu.memory_space<hbm>>
      tpu.enqueue_dma source(%arg8 : memref<16xf32, #tpu.memory_space<vmem>>) target(%dma_start3A_474 : memref<16xf32, #tpu.memory_space<hbm>>) target_semaphore(%run_scoped3A : memref<!tpu.dma_semaphore, #tpu.memory_space<semaphore_mem>>)
      %dma_wait3A_475 = tpu.memref_slice %arg5[%add3A_349] : memref<4096xf32, #tpu.memory_space<hbm>> -> memref<16xf32, #tpu.memory_space<hbm>>
      %dma_wait3A_476 = tpu.memref_slice %arg5[%add3A_349] : memref<4096xf32, #tpu.memory_space<hbm>> -> memref<16xf32, #tpu.memory_space<hbm>>
      tpu.wait_dma2 semaphore(%run_scoped3A : memref<!tpu.dma_semaphore, #tpu.memory_space<semaphore_mem>>) src(%arg8 : memref<16xf32, #tpu.memory_space<vmem>>) dst(%dma_wait3A_476 : memref<16xf32, #tpu.memory_space<hbm>>)
      tpu.yield
    }) : () -> ()
    %mul3A_363 = arith.constant 8 : i32
    %mul3A_364 = arith.muli %select_n3A, %mul3A_363 : i32
    %add3A_365 = arith.constant 3 : i32
    %add3A_366 = arith.addi %mul3A_364, %add3A_365 : i32
    %mul3A_367 = arith.constant 128 : i32
    %mul3A_368 = arith.muli %add3A_366, %mul3A_367 : i32
    %mul3A_369 = arith.constant 16 : i32
    %mul3A_370 = arith.muli %select_n3A_30, %mul3A_369 : i32
    %add3A_371 = arith.addi %mul3A_368, %mul3A_370 : i32
    %swap3A_372 = arith.constant 0 : index
    %swap3A_373 = tpu.vector_load %arg8[%swap3A_372] {strides = array<i32>} : memref<16xf32, #tpu.memory_space<vmem>>, vector<16xf32>,
    %swap3A_374 = vector.shape_cast %swap3A_373 : vector<16xf32> to vector<16xf32>
    %swap3A_375 = vector.shape_cast %parallel_loop3A_298#3 : vector<16xf32> to vector<16xf32>
    tpu.vector_store %arg8[%swap3A_372], %swap3A_375 {strides = array<i32>} : memref<16xf32, #tpu.memory_space<vmem>>, vector<16xf32>,
    "tpu.region"() ({
      %run_scoped3A = tpu.sem_alloc : memref<!tpu.dma_semaphore, #tpu.memory_space<semaphore_mem>>
      %dma_start3A_473 = tpu.memref_slice %arg3[%add3A_371] : memref<4096xf32, #tpu.memory_space<hbm>> -> memref<16xf32, #tpu.memory_space<hbm>>
      %dma_start3A_474 = tpu.memref_slice %arg3[%add3A_371] : memref<4096xf32, #tpu.memory_space<hbm>> -> memref<16xf32, #tpu.memory_space<hbm>>
      tpu.enqueue_dma source(%arg8 : memref<16xf32, #tpu.memory_space<vmem>>) target(%dma_start3A_474 : memref<16xf32, #tpu.memory_space<hbm>>) target_semaphore(%run_scoped3A : memref<!tpu.dma_semaphore, #tpu.memory_space<semaphore_mem>>)
      %dma_wait3A_475 = tpu.memref_slice %arg3[%add3A_371] : memref<4096xf32, #tpu.memory_space<hbm>> -> memref<16xf32, #tpu.memory_space<hbm>>
      %dma_wait3A_476 = tpu.memref_slice %arg3[%add3A_371] : memref<4096xf32, #tpu.memory_space<hbm>> -> memref<16xf32, #tpu.memory_space<hbm>>
      tpu.wait_dma2 semaphore(%run_scoped3A : memref<!tpu.dma_semaphore, #tpu.memory_space<semaphore_mem>>) src(%arg8 : memref<16xf32, #tpu.memory_space<vmem>>) dst(%dma_wait3A_476 : memref<16xf32, #tpu.memory_space<hbm>>)
      tpu.yield
    }) : () -> ()
    %swap3A_376 = arith.constant 0 : index
    %swap3A_377 = tpu.vector_load %arg8[%swap3A_376] {strides = array<i32>} : memref<16xf32, #tpu.memory_space<vmem>>, vector<16xf32>,
    %swap3A_378 = vector.shape_cast %swap3A_377 : vector<16xf32> to vector<16xf32>
    %swap3A_379 = vector.shape_cast %parallel_loop3A_298#11 : vector<16xf32> to vector<16xf32>
    tpu.vector_store %arg8[%swap3A_376], %swap3A_379 {strides = array<i32>} : memref<16xf32, #tpu.memory_space<vmem>>, vector<16xf32>,
    "tpu.region"() ({
      %run_scoped3A = tpu.sem_alloc : memref<!tpu.dma_semaphore, #tpu.memory_space<semaphore_mem>>
      %dma_start3A_473 = tpu.memref_slice %arg4[%add3A_371] : memref<4096xf32, #tpu.memory_space<hbm>> -> memref<16xf32, #tpu.memory_space<hbm>>
      %dma_start3A_474 = tpu.memref_slice %arg4[%add3A_371] : memref<4096xf32, #tpu.memory_space<hbm>> -> memref<16xf32, #tpu.memory_space<hbm>>
      tpu.enqueue_dma source(%arg8 : memref<16xf32, #tpu.memory_space<vmem>>) target(%dma_start3A_474 : memref<16xf32, #tpu.memory_space<hbm>>) target_semaphore(%run_scoped3A : memref<!tpu.dma_semaphore, #tpu.memory_space<semaphore_mem>>)
      %dma_wait3A_475 = tpu.memref_slice %arg4[%add3A_371] : memref<4096xf32, #tpu.memory_space<hbm>> -> memref<16xf32, #tpu.memory_space<hbm>>
      %dma_wait3A_476 = tpu.memref_slice %arg4[%add3A_371] : memref<4096xf32, #tpu.memory_space<hbm>> -> memref<16xf32, #tpu.memory_space<hbm>>
      tpu.wait_dma2 semaphore(%run_scoped3A : memref<!tpu.dma_semaphore, #tpu.memory_space<semaphore_mem>>) src(%arg8 : memref<16xf32, #tpu.memory_space<vmem>>) dst(%dma_wait3A_476 : memref<16xf32, #tpu.memory_space<hbm>>)
      tpu.yield
    }) : () -> ()
    %bitcast_convert_type3A_380 = tpu.bitcast %parallel_loop3A_298#19 : vector<16xi32> -> vector<16xf32>
    %swap3A_381 = arith.constant 0 : index
    %swap3A_382 = tpu.vector_load %arg8[%swap3A_381] {strides = array<i32>} : memref<16xf32, #tpu.memory_space<vmem>>, vector<16xf32>,
    %swap3A_383 = vector.shape_cast %swap3A_382 : vector<16xf32> to vector<16xf32>
    %swap3A_384 = vector.shape_cast %bitcast_convert_type3A_380 : vector<16xf32> to vector<16xf32>
    tpu.vector_store %arg8[%swap3A_381], %swap3A_384 {strides = array<i32>} : memref<16xf32, #tpu.memory_space<vmem>>, vector<16xf32>,
    "tpu.region"() ({
      %run_scoped3A = tpu.sem_alloc : memref<!tpu.dma_semaphore, #tpu.memory_space<semaphore_mem>>
      %dma_start3A_473 = tpu.memref_slice %arg5[%add3A_371] : memref<4096xf32, #tpu.memory_space<hbm>> -> memref<16xf32, #tpu.memory_space<hbm>>
      %dma_start3A_474 = tpu.memref_slice %arg5[%add3A_371] : memref<4096xf32, #tpu.memory_space<hbm>> -> memref<16xf32, #tpu.memory_space<hbm>>
      tpu.enqueue_dma source(%arg8 : memref<16xf32, #tpu.memory_space<vmem>>) target(%dma_start3A_474 : memref<16xf32, #tpu.memory_space<hbm>>) target_semaphore(%run_scoped3A : memref<!tpu.dma_semaphore, #tpu.memory_space<semaphore_mem>>)
      %dma_wait3A_475 = tpu.memref_slice %arg5[%add3A_371] : memref<4096xf32, #tpu.memory_space<hbm>> -> memref<16xf32, #tpu.memory_space<hbm>>
      %dma_wait3A_476 = tpu.memref_slice %arg5[%add3A_371] : memref<4096xf32, #tpu.memory_space<hbm>> -> memref<16xf32, #tpu.memory_space<hbm>>
      tpu.wait_dma2 semaphore(%run_scoped3A : memref<!tpu.dma_semaphore, #tpu.memory_space<semaphore_mem>>) src(%arg8 : memref<16xf32, #tpu.memory_space<vmem>>) dst(%dma_wait3A_476 : memref<16xf32, #tpu.memory_space<hbm>>)
      tpu.yield
    }) : () -> ()
    %mul3A_385 = arith.constant 8 : i32
    %mul3A_386 = arith.muli %select_n3A, %mul3A_385 : i32
    %add3A_387 = arith.constant 4 : i32
    %add3A_388 = arith.addi %mul3A_386, %add3A_387 : i32
    %mul3A_389 = arith.constant 128 : i32
    %mul3A_390 = arith.muli %add3A_388, %mul3A_389 : i32
    %mul3A_391 = arith.constant 16 : i32
    %mul3A_392 = arith.muli %select_n3A_30, %mul3A_391 : i32
    %add3A_393 = arith.addi %mul3A_390, %mul3A_392 : i32
    %swap3A_394 = arith.constant 0 : index
    %swap3A_395 = tpu.vector_load %arg8[%swap3A_394] {strides = array<i32>} : memref<16xf32, #tpu.memory_space<vmem>>, vector<16xf32>,
    %swap3A_396 = vector.shape_cast %swap3A_395 : vector<16xf32> to vector<16xf32>
    %swap3A_397 = vector.shape_cast %parallel_loop3A_298#4 : vector<16xf32> to vector<16xf32>
    tpu.vector_store %arg8[%swap3A_394], %swap3A_397 {strides = array<i32>} : memref<16xf32, #tpu.memory_space<vmem>>, vector<16xf32>,
    "tpu.region"() ({
      %run_scoped3A = tpu.sem_alloc : memref<!tpu.dma_semaphore, #tpu.memory_space<semaphore_mem>>
      %dma_start3A_473 = tpu.memref_slice %arg3[%add3A_393] : memref<4096xf32, #tpu.memory_space<hbm>> -> memref<16xf32, #tpu.memory_space<hbm>>
      %dma_start3A_474 = tpu.memref_slice %arg3[%add3A_393] : memref<4096xf32, #tpu.memory_space<hbm>> -> memref<16xf32, #tpu.memory_space<hbm>>
      tpu.enqueue_dma source(%arg8 : memref<16xf32, #tpu.memory_space<vmem>>) target(%dma_start3A_474 : memref<16xf32, #tpu.memory_space<hbm>>) target_semaphore(%run_scoped3A : memref<!tpu.dma_semaphore, #tpu.memory_space<semaphore_mem>>)
      %dma_wait3A_475 = tpu.memref_slice %arg3[%add3A_393] : memref<4096xf32, #tpu.memory_space<hbm>> -> memref<16xf32, #tpu.memory_space<hbm>>
      %dma_wait3A_476 = tpu.memref_slice %arg3[%add3A_393] : memref<4096xf32, #tpu.memory_space<hbm>> -> memref<16xf32, #tpu.memory_space<hbm>>
      tpu.wait_dma2 semaphore(%run_scoped3A : memref<!tpu.dma_semaphore, #tpu.memory_space<semaphore_mem>>) src(%arg8 : memref<16xf32, #tpu.memory_space<vmem>>) dst(%dma_wait3A_476 : memref<16xf32, #tpu.memory_space<hbm>>)
      tpu.yield
    }) : () -> ()
    %swap3A_398 = arith.constant 0 : index
    %swap3A_399 = tpu.vector_load %arg8[%swap3A_398] {strides = array<i32>} : memref<16xf32, #tpu.memory_space<vmem>>, vector<16xf32>,
    %swap3A_400 = vector.shape_cast %swap3A_399 : vector<16xf32> to vector<16xf32>
    %swap3A_401 = vector.shape_cast %parallel_loop3A_298#12 : vector<16xf32> to vector<16xf32>
    tpu.vector_store %arg8[%swap3A_398], %swap3A_401 {strides = array<i32>} : memref<16xf32, #tpu.memory_space<vmem>>, vector<16xf32>,
    "tpu.region"() ({
      %run_scoped3A = tpu.sem_alloc : memref<!tpu.dma_semaphore, #tpu.memory_space<semaphore_mem>>
      %dma_start3A_473 = tpu.memref_slice %arg4[%add3A_393] : memref<4096xf32, #tpu.memory_space<hbm>> -> memref<16xf32, #tpu.memory_space<hbm>>
      %dma_start3A_474 = tpu.memref_slice %arg4[%add3A_393] : memref<4096xf32, #tpu.memory_space<hbm>> -> memref<16xf32, #tpu.memory_space<hbm>>
      tpu.enqueue_dma source(%arg8 : memref<16xf32, #tpu.memory_space<vmem>>) target(%dma_start3A_474 : memref<16xf32, #tpu.memory_space<hbm>>) target_semaphore(%run_scoped3A : memref<!tpu.dma_semaphore, #tpu.memory_space<semaphore_mem>>)
      %dma_wait3A_475 = tpu.memref_slice %arg4[%add3A_393] : memref<4096xf32, #tpu.memory_space<hbm>> -> memref<16xf32, #tpu.memory_space<hbm>>
      %dma_wait3A_476 = tpu.memref_slice %arg4[%add3A_393] : memref<4096xf32, #tpu.memory_space<hbm>> -> memref<16xf32, #tpu.memory_space<hbm>>
      tpu.wait_dma2 semaphore(%run_scoped3A : memref<!tpu.dma_semaphore, #tpu.memory_space<semaphore_mem>>) src(%arg8 : memref<16xf32, #tpu.memory_space<vmem>>) dst(%dma_wait3A_476 : memref<16xf32, #tpu.memory_space<hbm>>)
      tpu.yield
    }) : () -> ()
    %bitcast_convert_type3A_402 = tpu.bitcast %parallel_loop3A_298#20 : vector<16xi32> -> vector<16xf32>
    %swap3A_403 = arith.constant 0 : index
    %swap3A_404 = tpu.vector_load %arg8[%swap3A_403] {strides = array<i32>} : memref<16xf32, #tpu.memory_space<vmem>>, vector<16xf32>,
    %swap3A_405 = vector.shape_cast %swap3A_404 : vector<16xf32> to vector<16xf32>
    %swap3A_406 = vector.shape_cast %bitcast_convert_type3A_402 : vector<16xf32> to vector<16xf32>
    tpu.vector_store %arg8[%swap3A_403], %swap3A_406 {strides = array<i32>} : memref<16xf32, #tpu.memory_space<vmem>>, vector<16xf32>,
    "tpu.region"() ({
      %run_scoped3A = tpu.sem_alloc : memref<!tpu.dma_semaphore, #tpu.memory_space<semaphore_mem>>
      %dma_start3A_473 = tpu.memref_slice %arg5[%add3A_393] : memref<4096xf32, #tpu.memory_space<hbm>> -> memref<16xf32, #tpu.memory_space<hbm>>
      %dma_start3A_474 = tpu.memref_slice %arg5[%add3A_393] : memref<4096xf32, #tpu.memory_space<hbm>> -> memref<16xf32, #tpu.memory_space<hbm>>
      tpu.enqueue_dma source(%arg8 : memref<16xf32, #tpu.memory_space<vmem>>) target(%dma_start3A_474 : memref<16xf32, #tpu.memory_space<hbm>>) target_semaphore(%run_scoped3A : memref<!tpu.dma_semaphore, #tpu.memory_space<semaphore_mem>>)
      %dma_wait3A_475 = tpu.memref_slice %arg5[%add3A_393] : memref<4096xf32, #tpu.memory_space<hbm>> -> memref<16xf32, #tpu.memory_space<hbm>>
      %dma_wait3A_476 = tpu.memref_slice %arg5[%add3A_393] : memref<4096xf32, #tpu.memory_space<hbm>> -> memref<16xf32, #tpu.memory_space<hbm>>
      tpu.wait_dma2 semaphore(%run_scoped3A : memref<!tpu.dma_semaphore, #tpu.memory_space<semaphore_mem>>) src(%arg8 : memref<16xf32, #tpu.memory_space<vmem>>) dst(%dma_wait3A_476 : memref<16xf32, #tpu.memory_space<hbm>>)
      tpu.yield
    }) : () -> ()
    %mul3A_407 = arith.constant 8 : i32
    %mul3A_408 = arith.muli %select_n3A, %mul3A_407 : i32
    %add3A_409 = arith.constant 5 : i32
    %add3A_410 = arith.addi %mul3A_408, %add3A_409 : i32
    %mul3A_411 = arith.constant 128 : i32
    %mul3A_412 = arith.muli %add3A_410, %mul3A_411 : i32
    %mul3A_413 = arith.constant 16 : i32
    %mul3A_414 = arith.muli %select_n3A_30, %mul3A_413 : i32
    %add3A_415 = arith.addi %mul3A_412, %mul3A_414 : i32
    %swap3A_416 = arith.constant 0 : index
    %swap3A_417 = tpu.vector_load %arg8[%swap3A_416] {strides = array<i32>} : memref<16xf32, #tpu.memory_space<vmem>>, vector<16xf32>,
    %swap3A_418 = vector.shape_cast %swap3A_417 : vector<16xf32> to vector<16xf32>
    %swap3A_419 = vector.shape_cast %parallel_loop3A_298#5 : vector<16xf32> to vector<16xf32>
    tpu.vector_store %arg8[%swap3A_416], %swap3A_419 {strides = array<i32>} : memref<16xf32, #tpu.memory_space<vmem>>, vector<16xf32>,
    "tpu.region"() ({
      %run_scoped3A = tpu.sem_alloc : memref<!tpu.dma_semaphore, #tpu.memory_space<semaphore_mem>>
      %dma_start3A_473 = tpu.memref_slice %arg3[%add3A_415] : memref<4096xf32, #tpu.memory_space<hbm>> -> memref<16xf32, #tpu.memory_space<hbm>>
      %dma_start3A_474 = tpu.memref_slice %arg3[%add3A_415] : memref<4096xf32, #tpu.memory_space<hbm>> -> memref<16xf32, #tpu.memory_space<hbm>>
      tpu.enqueue_dma source(%arg8 : memref<16xf32, #tpu.memory_space<vmem>>) target(%dma_start3A_474 : memref<16xf32, #tpu.memory_space<hbm>>) target_semaphore(%run_scoped3A : memref<!tpu.dma_semaphore, #tpu.memory_space<semaphore_mem>>)
      %dma_wait3A_475 = tpu.memref_slice %arg3[%add3A_415] : memref<4096xf32, #tpu.memory_space<hbm>> -> memref<16xf32, #tpu.memory_space<hbm>>
      %dma_wait3A_476 = tpu.memref_slice %arg3[%add3A_415] : memref<4096xf32, #tpu.memory_space<hbm>> -> memref<16xf32, #tpu.memory_space<hbm>>
      tpu.wait_dma2 semaphore(%run_scoped3A : memref<!tpu.dma_semaphore, #tpu.memory_space<semaphore_mem>>) src(%arg8 : memref<16xf32, #tpu.memory_space<vmem>>) dst(%dma_wait3A_476 : memref<16xf32, #tpu.memory_space<hbm>>)
      tpu.yield
    }) : () -> ()
    %swap3A_420 = arith.constant 0 : index
    %swap3A_421 = tpu.vector_load %arg8[%swap3A_420] {strides = array<i32>} : memref<16xf32, #tpu.memory_space<vmem>>, vector<16xf32>,
    %swap3A_422 = vector.shape_cast %swap3A_421 : vector<16xf32> to vector<16xf32>
    %swap3A_423 = vector.shape_cast %parallel_loop3A_298#13 : vector<16xf32> to vector<16xf32>
    tpu.vector_store %arg8[%swap3A_420], %swap3A_423 {strides = array<i32>} : memref<16xf32, #tpu.memory_space<vmem>>, vector<16xf32>,
    "tpu.region"() ({
      %run_scoped3A = tpu.sem_alloc : memref<!tpu.dma_semaphore, #tpu.memory_space<semaphore_mem>>
      %dma_start3A_473 = tpu.memref_slice %arg4[%add3A_415] : memref<4096xf32, #tpu.memory_space<hbm>> -> memref<16xf32, #tpu.memory_space<hbm>>
      %dma_start3A_474 = tpu.memref_slice %arg4[%add3A_415] : memref<4096xf32, #tpu.memory_space<hbm>> -> memref<16xf32, #tpu.memory_space<hbm>>
      tpu.enqueue_dma source(%arg8 : memref<16xf32, #tpu.memory_space<vmem>>) target(%dma_start3A_474 : memref<16xf32, #tpu.memory_space<hbm>>) target_semaphore(%run_scoped3A : memref<!tpu.dma_semaphore, #tpu.memory_space<semaphore_mem>>)
      %dma_wait3A_475 = tpu.memref_slice %arg4[%add3A_415] : memref<4096xf32, #tpu.memory_space<hbm>> -> memref<16xf32, #tpu.memory_space<hbm>>
      %dma_wait3A_476 = tpu.memref_slice %arg4[%add3A_415] : memref<4096xf32, #tpu.memory_space<hbm>> -> memref<16xf32, #tpu.memory_space<hbm>>
      tpu.wait_dma2 semaphore(%run_scoped3A : memref<!tpu.dma_semaphore, #tpu.memory_space<semaphore_mem>>) src(%arg8 : memref<16xf32, #tpu.memory_space<vmem>>) dst(%dma_wait3A_476 : memref<16xf32, #tpu.memory_space<hbm>>)
      tpu.yield
    }) : () -> ()
    %bitcast_convert_type3A_424 = tpu.bitcast %parallel_loop3A_298#21 : vector<16xi32> -> vector<16xf32>
    %swap3A_425 = arith.constant 0 : index
    %swap3A_426 = tpu.vector_load %arg8[%swap3A_425] {strides = array<i32>} : memref<16xf32, #tpu.memory_space<vmem>>, vector<16xf32>,
    %swap3A_427 = vector.shape_cast %swap3A_426 : vector<16xf32> to vector<16xf32>
    %swap3A_428 = vector.shape_cast %bitcast_convert_type3A_424 : vector<16xf32> to vector<16xf32>
    tpu.vector_store %arg8[%swap3A_425], %swap3A_428 {strides = array<i32>} : memref<16xf32, #tpu.memory_space<vmem>>, vector<16xf32>,
    "tpu.region"() ({
      %run_scoped3A = tpu.sem_alloc : memref<!tpu.dma_semaphore, #tpu.memory_space<semaphore_mem>>
      %dma_start3A_473 = tpu.memref_slice %arg5[%add3A_415] : memref<4096xf32, #tpu.memory_space<hbm>> -> memref<16xf32, #tpu.memory_space<hbm>>
      %dma_start3A_474 = tpu.memref_slice %arg5[%add3A_415] : memref<4096xf32, #tpu.memory_space<hbm>> -> memref<16xf32, #tpu.memory_space<hbm>>
      tpu.enqueue_dma source(%arg8 : memref<16xf32, #tpu.memory_space<vmem>>) target(%dma_start3A_474 : memref<16xf32, #tpu.memory_space<hbm>>) target_semaphore(%run_scoped3A : memref<!tpu.dma_semaphore, #tpu.memory_space<semaphore_mem>>)
      %dma_wait3A_475 = tpu.memref_slice %arg5[%add3A_415] : memref<4096xf32, #tpu.memory_space<hbm>> -> memref<16xf32, #tpu.memory_space<hbm>>
      %dma_wait3A_476 = tpu.memref_slice %arg5[%add3A_415] : memref<4096xf32, #tpu.memory_space<hbm>> -> memref<16xf32, #tpu.memory_space<hbm>>
      tpu.wait_dma2 semaphore(%run_scoped3A : memref<!tpu.dma_semaphore, #tpu.memory_space<semaphore_mem>>) src(%arg8 : memref<16xf32, #tpu.memory_space<vmem>>) dst(%dma_wait3A_476 : memref<16xf32, #tpu.memory_space<hbm>>)
      tpu.yield
    }) : () -> ()
    %mul3A_429 = arith.constant 8 : i32
    %mul3A_430 = arith.muli %select_n3A, %mul3A_429 : i32
    %add3A_431 = arith.constant 6 : i32
    %add3A_432 = arith.addi %mul3A_430, %add3A_431 : i32
    %mul3A_433 = arith.constant 128 : i32
    %mul3A_434 = arith.muli %add3A_432, %mul3A_433 : i32
    %mul3A_435 = arith.constant 16 : i32
    %mul3A_436 = arith.muli %select_n3A_30, %mul3A_435 : i32
    %add3A_437 = arith.addi %mul3A_434, %mul3A_436 : i32
    %swap3A_438 = arith.constant 0 : index
    %swap3A_439 = tpu.vector_load %arg8[%swap3A_438] {strides = array<i32>} : memref<16xf32, #tpu.memory_space<vmem>>, vector<16xf32>,
    %swap3A_440 = vector.shape_cast %swap3A_439 : vector<16xf32> to vector<16xf32>
    %swap3A_441 = vector.shape_cast %parallel_loop3A_298#6 : vector<16xf32> to vector<16xf32>
    tpu.vector_store %arg8[%swap3A_438], %swap3A_441 {strides = array<i32>} : memref<16xf32, #tpu.memory_space<vmem>>, vector<16xf32>,
    "tpu.region"() ({
      %run_scoped3A = tpu.sem_alloc : memref<!tpu.dma_semaphore, #tpu.memory_space<semaphore_mem>>
      %dma_start3A_473 = tpu.memref_slice %arg3[%add3A_437] : memref<4096xf32, #tpu.memory_space<hbm>> -> memref<16xf32, #tpu.memory_space<hbm>>
      %dma_start3A_474 = tpu.memref_slice %arg3[%add3A_437] : memref<4096xf32, #tpu.memory_space<hbm>> -> memref<16xf32, #tpu.memory_space<hbm>>
      tpu.enqueue_dma source(%arg8 : memref<16xf32, #tpu.memory_space<vmem>>) target(%dma_start3A_474 : memref<16xf32, #tpu.memory_space<hbm>>) target_semaphore(%run_scoped3A : memref<!tpu.dma_semaphore, #tpu.memory_space<semaphore_mem>>)
      %dma_wait3A_475 = tpu.memref_slice %arg3[%add3A_437] : memref<4096xf32, #tpu.memory_space<hbm>> -> memref<16xf32, #tpu.memory_space<hbm>>
      %dma_wait3A_476 = tpu.memref_slice %arg3[%add3A_437] : memref<4096xf32, #tpu.memory_space<hbm>> -> memref<16xf32, #tpu.memory_space<hbm>>
      tpu.wait_dma2 semaphore(%run_scoped3A : memref<!tpu.dma_semaphore, #tpu.memory_space<semaphore_mem>>) src(%arg8 : memref<16xf32, #tpu.memory_space<vmem>>) dst(%dma_wait3A_476 : memref<16xf32, #tpu.memory_space<hbm>>)
      tpu.yield
    }) : () -> ()
    %swap3A_442 = arith.constant 0 : index
    %swap3A_443 = tpu.vector_load %arg8[%swap3A_442] {strides = array<i32>} : memref<16xf32, #tpu.memory_space<vmem>>, vector<16xf32>,
    %swap3A_444 = vector.shape_cast %swap3A_443 : vector<16xf32> to vector<16xf32>
    %swap3A_445 = vector.shape_cast %parallel_loop3A_298#14 : vector<16xf32> to vector<16xf32>
    tpu.vector_store %arg8[%swap3A_442], %swap3A_445 {strides = array<i32>} : memref<16xf32, #tpu.memory_space<vmem>>, vector<16xf32>,
    "tpu.region"() ({
      %run_scoped3A = tpu.sem_alloc : memref<!tpu.dma_semaphore, #tpu.memory_space<semaphore_mem>>
      %dma_start3A_473 = tpu.memref_slice %arg4[%add3A_437] : memref<4096xf32, #tpu.memory_space<hbm>> -> memref<16xf32, #tpu.memory_space<hbm>>
      %dma_start3A_474 = tpu.memref_slice %arg4[%add3A_437] : memref<4096xf32, #tpu.memory_space<hbm>> -> memref<16xf32, #tpu.memory_space<hbm>>
      tpu.enqueue_dma source(%arg8 : memref<16xf32, #tpu.memory_space<vmem>>) target(%dma_start3A_474 : memref<16xf32, #tpu.memory_space<hbm>>) target_semaphore(%run_scoped3A : memref<!tpu.dma_semaphore, #tpu.memory_space<semaphore_mem>>)
      %dma_wait3A_475 = tpu.memref_slice %arg4[%add3A_437] : memref<4096xf32, #tpu.memory_space<hbm>> -> memref<16xf32, #tpu.memory_space<hbm>>
      %dma_wait3A_476 = tpu.memref_slice %arg4[%add3A_437] : memref<4096xf32, #tpu.memory_space<hbm>> -> memref<16xf32, #tpu.memory_space<hbm>>
      tpu.wait_dma2 semaphore(%run_scoped3A : memref<!tpu.dma_semaphore, #tpu.memory_space<semaphore_mem>>) src(%arg8 : memref<16xf32, #tpu.memory_space<vmem>>) dst(%dma_wait3A_476 : memref<16xf32, #tpu.memory_space<hbm>>)
      tpu.yield
    }) : () -> ()
    %bitcast_convert_type3A_446 = tpu.bitcast %parallel_loop3A_298#22 : vector<16xi32> -> vector<16xf32>
    %swap3A_447 = arith.constant 0 : index
    %swap3A_448 = tpu.vector_load %arg8[%swap3A_447] {strides = array<i32>} : memref<16xf32, #tpu.memory_space<vmem>>, vector<16xf32>,
    %swap3A_449 = vector.shape_cast %swap3A_448 : vector<16xf32> to vector<16xf32>
    %swap3A_450 = vector.shape_cast %bitcast_convert_type3A_446 : vector<16xf32> to vector<16xf32>
    tpu.vector_store %arg8[%swap3A_447], %swap3A_450 {strides = array<i32>} : memref<16xf32, #tpu.memory_space<vmem>>, vector<16xf32>,
    "tpu.region"() ({
      %run_scoped3A = tpu.sem_alloc : memref<!tpu.dma_semaphore, #tpu.memory_space<semaphore_mem>>
      %dma_start3A_473 = tpu.memref_slice %arg5[%add3A_437] : memref<4096xf32, #tpu.memory_space<hbm>> -> memref<16xf32, #tpu.memory_space<hbm>>
      %dma_start3A_474 = tpu.memref_slice %arg5[%add3A_437] : memref<4096xf32, #tpu.memory_space<hbm>> -> memref<16xf32, #tpu.memory_space<hbm>>
      tpu.enqueue_dma source(%arg8 : memref<16xf32, #tpu.memory_space<vmem>>) target(%dma_start3A_474 : memref<16xf32, #tpu.memory_space<hbm>>) target_semaphore(%run_scoped3A : memref<!tpu.dma_semaphore, #tpu.memory_space<semaphore_mem>>)
      %dma_wait3A_475 = tpu.memref_slice %arg5[%add3A_437] : memref<4096xf32, #tpu.memory_space<hbm>> -> memref<16xf32, #tpu.memory_space<hbm>>
      %dma_wait3A_476 = tpu.memref_slice %arg5[%add3A_437] : memref<4096xf32, #tpu.memory_space<hbm>> -> memref<16xf32, #tpu.memory_space<hbm>>
      tpu.wait_dma2 semaphore(%run_scoped3A : memref<!tpu.dma_semaphore, #tpu.memory_space<semaphore_mem>>) src(%arg8 : memref<16xf32, #tpu.memory_space<vmem>>) dst(%dma_wait3A_476 : memref<16xf32, #tpu.memory_space<hbm>>)
      tpu.yield
    }) : () -> ()
    %mul3A_451 = arith.constant 8 : i32
    %mul3A_452 = arith.muli %select_n3A, %mul3A_451 : i32
    %add3A_453 = arith.constant 7 : i32
    %add3A_454 = arith.addi %mul3A_452, %add3A_453 : i32
    %mul3A_455 = arith.constant 128 : i32
    %mul3A_456 = arith.muli %add3A_454, %mul3A_455 : i32
    %mul3A_457 = arith.constant 16 : i32
    %mul3A_458 = arith.muli %select_n3A_30, %mul3A_457 : i32
    %add3A_459 = arith.addi %mul3A_456, %mul3A_458 : i32
    %swap3A_460 = arith.constant 0 : index
    %swap3A_461 = tpu.vector_load %arg8[%swap3A_460] {strides = array<i32>} : memref<16xf32, #tpu.memory_space<vmem>>, vector<16xf32>,
    %swap3A_462 = vector.shape_cast %swap3A_461 : vector<16xf32> to vector<16xf32>
    %swap3A_463 = vector.shape_cast %parallel_loop3A_298#7 : vector<16xf32> to vector<16xf32>
    tpu.vector_store %arg8[%swap3A_460], %swap3A_463 {strides = array<i32>} : memref<16xf32, #tpu.memory_space<vmem>>, vector<16xf32>,
    "tpu.region"() ({
      %run_scoped3A = tpu.sem_alloc : memref<!tpu.dma_semaphore, #tpu.memory_space<semaphore_mem>>
      %dma_start3A_473 = tpu.memref_slice %arg3[%add3A_459] : memref<4096xf32, #tpu.memory_space<hbm>> -> memref<16xf32, #tpu.memory_space<hbm>>
      %dma_start3A_474 = tpu.memref_slice %arg3[%add3A_459] : memref<4096xf32, #tpu.memory_space<hbm>> -> memref<16xf32, #tpu.memory_space<hbm>>
      tpu.enqueue_dma source(%arg8 : memref<16xf32, #tpu.memory_space<vmem>>) target(%dma_start3A_474 : memref<16xf32, #tpu.memory_space<hbm>>) target_semaphore(%run_scoped3A : memref<!tpu.dma_semaphore, #tpu.memory_space<semaphore_mem>>)
      %dma_wait3A_475 = tpu.memref_slice %arg3[%add3A_459] : memref<4096xf32, #tpu.memory_space<hbm>> -> memref<16xf32, #tpu.memory_space<hbm>>
      %dma_wait3A_476 = tpu.memref_slice %arg3[%add3A_459] : memref<4096xf32, #tpu.memory_space<hbm>> -> memref<16xf32, #tpu.memory_space<hbm>>
      tpu.wait_dma2 semaphore(%run_scoped3A : memref<!tpu.dma_semaphore, #tpu.memory_space<semaphore_mem>>) src(%arg8 : memref<16xf32, #tpu.memory_space<vmem>>) dst(%dma_wait3A_476 : memref<16xf32, #tpu.memory_space<hbm>>)
      tpu.yield
    }) : () -> ()
    %swap3A_464 = arith.constant 0 : index
    %swap3A_465 = tpu.vector_load %arg8[%swap3A_464] {strides = array<i32>} : memref<16xf32, #tpu.memory_space<vmem>>, vector<16xf32>,
    %swap3A_466 = vector.shape_cast %swap3A_465 : vector<16xf32> to vector<16xf32>
    %swap3A_467 = vector.shape_cast %parallel_loop3A_298#15 : vector<16xf32> to vector<16xf32>
    tpu.vector_store %arg8[%swap3A_464], %swap3A_467 {strides = array<i32>} : memref<16xf32, #tpu.memory_space<vmem>>, vector<16xf32>,
    "tpu.region"() ({
      %run_scoped3A = tpu.sem_alloc : memref<!tpu.dma_semaphore, #tpu.memory_space<semaphore_mem>>
      %dma_start3A_473 = tpu.memref_slice %arg4[%add3A_459] : memref<4096xf32, #tpu.memory_space<hbm>> -> memref<16xf32, #tpu.memory_space<hbm>>
      %dma_start3A_474 = tpu.memref_slice %arg4[%add3A_459] : memref<4096xf32, #tpu.memory_space<hbm>> -> memref<16xf32, #tpu.memory_space<hbm>>
      tpu.enqueue_dma source(%arg8 : memref<16xf32, #tpu.memory_space<vmem>>) target(%dma_start3A_474 : memref<16xf32, #tpu.memory_space<hbm>>) target_semaphore(%run_scoped3A : memref<!tpu.dma_semaphore, #tpu.memory_space<semaphore_mem>>)
      %dma_wait3A_475 = tpu.memref_slice %arg4[%add3A_459] : memref<4096xf32, #tpu.memory_space<hbm>> -> memref<16xf32, #tpu.memory_space<hbm>>
      %dma_wait3A_476 = tpu.memref_slice %arg4[%add3A_459] : memref<4096xf32, #tpu.memory_space<hbm>> -> memref<16xf32, #tpu.memory_space<hbm>>
      tpu.wait_dma2 semaphore(%run_scoped3A : memref<!tpu.dma_semaphore, #tpu.memory_space<semaphore_mem>>) src(%arg8 : memref<16xf32, #tpu.memory_space<vmem>>) dst(%dma_wait3A_476 : memref<16xf32, #tpu.memory_space<hbm>>)
      tpu.yield
    }) : () -> ()
    %bitcast_convert_type3A_468 = tpu.bitcast %parallel_loop3A_298#23 : vector<16xi32> -> vector<16xf32>
    %swap3A_469 = arith.constant 0 : index
    %swap3A_470 = tpu.vector_load %arg8[%swap3A_469] {strides = array<i32>} : memref<16xf32, #tpu.memory_space<vmem>>, vector<16xf32>,
    %swap3A_471 = vector.shape_cast %swap3A_470 : vector<16xf32> to vector<16xf32>
    %swap3A_472 = vector.shape_cast %bitcast_convert_type3A_468 : vector<16xf32> to vector<16xf32>
    tpu.vector_store %arg8[%swap3A_469], %swap3A_472 {strides = array<i32>} : memref<16xf32, #tpu.memory_space<vmem>>, vector<16xf32>,
    "tpu.region"() ({
      %run_scoped3A = tpu.sem_alloc : memref<!tpu.dma_semaphore, #tpu.memory_space<semaphore_mem>>
      %dma_start3A_473 = tpu.memref_slice %arg5[%add3A_459] : memref<4096xf32, #tpu.memory_space<hbm>> -> memref<16xf32, #tpu.memory_space<hbm>>
      %dma_start3A_474 = tpu.memref_slice %arg5[%add3A_459] : memref<4096xf32, #tpu.memory_space<hbm>> -> memref<16xf32, #tpu.memory_space<hbm>>
      tpu.enqueue_dma source(%arg8 : memref<16xf32, #tpu.memory_space<vmem>>) target(%dma_start3A_474 : memref<16xf32, #tpu.memory_space<hbm>>) target_semaphore(%run_scoped3A : memref<!tpu.dma_semaphore, #tpu.memory_space<semaphore_mem>>)
      %dma_wait3A_475 = tpu.memref_slice %arg5[%add3A_459] : memref<4096xf32, #tpu.memory_space<hbm>> -> memref<16xf32, #tpu.memory_space<hbm>>
      %dma_wait3A_476 = tpu.memref_slice %arg5[%add3A_459] : memref<4096xf32, #tpu.memory_space<hbm>> -> memref<16xf32, #tpu.memory_space<hbm>>
      tpu.wait_dma2 semaphore(%run_scoped3A : memref<!tpu.dma_semaphore, #tpu.memory_space<semaphore_mem>>) src(%arg8 : memref<16xf32, #tpu.memory_space<vmem>>) dst(%dma_wait3A_476 : memref<16xf32, #tpu.memory_space<hbm>>)
      tpu.yield
    }) : () -> ()
    return
  }
}

module attributes {stable_mosaic.version = 14 : i64} {
  func.func @_tc_step(%arg0: i32, %arg1: memref<32x16384xf32, #tpu.memory_space<vmem>>, %arg2: memref<32x576xf32, #tpu.memory_space<vmem>>, %arg3: memref<1x16384xf32, #tpu.memory_space<vmem>>, %arg4: memref<32x1xf32, #tpu.memory_space<vmem>>, %arg5: memref<32x1xf32, #tpu.memory_space<vmem>>, %arg6: memref<32x1xi32, #tpu.memory_space<vmem>>, %arg7: memref<32x1xf32, #tpu.memory_space<vmem>>, %arg8: memref<32x1xf32, #tpu.memory_space<vmem>>, %arg9: memref<32x1xi32, #tpu.memory_space<vmem>>) attributes {dimension_semantics = [#tpu.dimension_semantics<arbitrary>], iteration_bounds = array<i64: 29>, scalar_prefetch = 0 : i64, scratch_operands = 3 : i64, tpu.core_type = #tpu.core_type<tc>, window_params = [{transform_indices = @transform_0, window_bounds = array<i64: 32, 16384>}, {pipeline_mode = #tpu.pipeline_mode<synchronous>, transform_indices = @transform_1, window_bounds = array<i64: 32, 576>}, {pipeline_mode = #tpu.pipeline_mode<synchronous>, transform_indices = @transform_2, window_bounds = array<i64: 1, 16384>}, {pipeline_mode = #tpu.pipeline_mode<synchronous>, transform_indices = @transform_3, window_bounds = array<i64: 32, 1>}, {pipeline_mode = #tpu.pipeline_mode<synchronous>, transform_indices = @transform_4, window_bounds = array<i64: 32, 1>}, {pipeline_mode = #tpu.pipeline_mode<synchronous>, transform_indices = @transform_5, window_bounds = array<i64: 32, 1>}]} {
    %get3A = arith.constant 0 : index
    %get3A_0 = arith.constant 0 : index
    %get3A_1 = vector.load %arg1[%get3A, %get3A_0] : memref<32x16384xf32, #tpu.memory_space<vmem>>, vector<32x16384xf32>
    %get3A_2 = arith.constant 0 : index
    %get3A_3 = arith.constant 0 : index
    %get3A_4 = vector.load %arg3[%get3A_2, %get3A_3] : memref<1x16384xf32, #tpu.memory_space<vmem>>, vector<1x16384xf32>
    %reduce_max3A = arith.constant dense<0xFF800000> : vector<32xf32>
    %reduce_max3A_5 = vector.multi_reduction <maximumf>, %get3A_1, %reduce_max3A [1] : vector<32x16384xf32> to vector<32xf32>
    %broadcast_in_dim3A = vector.shape_cast %reduce_max3A_5 : vector<32xf32> to vector<32x1xf32>
    %eq3A = vector.broadcast %broadcast_in_dim3A : vector<32x1xf32> to vector<32x16384xf32>
    %eq3A_6 = arith.cmpf oeq, %get3A_1, %eq3A : vector<32x16384xf32>
    %jit3A = arith.constant 1.000000e+06 : f32
    %broadcast_in_dim3A_7 = vector.shape_cast %get3A_4 : vector<1x16384xf32> to vector<1x16384xf32>
    %broadcast_in_dim3A_8 = vector.broadcast %broadcast_in_dim3A_7 : vector<1x16384xf32> to vector<32x16384xf32>
    %broadcast_in_dim3A_9 = vector.broadcast %jit3A : f32 to vector<32x16384xf32>
    %select_n3A = arith.select %eq3A_6, %broadcast_in_dim3A_8, %broadcast_in_dim3A_9 : vector<32x16384xi1>, vector<32x16384xf32>
    %reduce_min3A = arith.constant dense<0x7F800000> : vector<32xf32>
    %reduce_min3A_10 = vector.multi_reduction <minimumf>, %select_n3A, %reduce_min3A [1] : vector<32x16384xf32> to vector<32xf32>
    %broadcast_in_dim3A_11 = vector.shape_cast %reduce_min3A_10 : vector<32xf32> to vector<32x1xf32>
    %convert_element_type3A = arith.fptosi %broadcast_in_dim3A_11 : vector<32x1xf32> to vector<32x1xi32>
    %mul3A = arith.constant 16384 : i32
    %mul3A_12 = arith.muli %arg0, %mul3A : i32
    %add3A = arith.constant 524288 : i32
    %add3A_13 = arith.addi %add3A, %mul3A_12 : i32
    %add3A_14 = vector.broadcast %add3A_13 : i32 to vector<32x1xi32>
    %add3A_15 = arith.addi %convert_element_type3A, %add3A_14 : vector<32x1xi32>
    %mul3A_16 = arith.constant 1.44269502 : f32
    %mul3A_17 = vector.broadcast %mul3A_16 : f32 to vector<32x16384xf32>
    %mul3A_18 = arith.mulf %get3A_1, %mul3A_17 : vector<32x16384xf32>
    %exp23A = math.exp2 %mul3A_18 : vector<32x16384xf32>
    %reduce_sum3A = arith.constant dense<0.000000e+00> : vector<32xf32>
    %reduce_sum3A_19 = vector.multi_reduction <add>, %exp23A, %reduce_sum3A [1] : vector<32x16384xf32> to vector<32xf32>
    %broadcast_in_dim3A_20 = vector.shape_cast %reduce_sum3A_19 : vector<32xf32> to vector<32x1xf32>
    %eq3A_21 = arith.constant 0 : i32
    %eq3A_22 = arith.cmpi eq, %arg0, %eq3A_21 : i32
    %convert_element_type3A_23 = arith.extui %eq3A_22 : i1 to i32
    %cond3A = arith.constant 0 : i32
    %cond3A_24 = arith.cmpi ne, %convert_element_type3A_23, %cond3A : i32
    scf.if %cond3A_24 {
      %swap3A = arith.constant 0 : index
      %swap3A_34 = arith.constant 0 : index
      %swap3A_35 = vector.load %arg7[%swap3A, %swap3A_34] : memref<32x1xf32, #tpu.memory_space<vmem>>, vector<32x1xf32>
      tpu.vector_store %arg7[%swap3A, %swap3A_34], %broadcast_in_dim3A {strides = array<i32>} : memref<32x1xf32, #tpu.memory_space<vmem>>, vector<32x1xf32>,
      %swap3A_36 = arith.constant 0 : index
      %swap3A_37 = arith.constant 0 : index
      %swap3A_38 = vector.load %arg8[%swap3A_36, %swap3A_37] : memref<32x1xf32, #tpu.memory_space<vmem>>, vector<32x1xf32>
      tpu.vector_store %arg8[%swap3A_36, %swap3A_37], %broadcast_in_dim3A_20 {strides = array<i32>} : memref<32x1xf32, #tpu.memory_space<vmem>>, vector<32x1xf32>,
      %swap3A_39 = arith.constant 0 : index
      %swap3A_40 = arith.constant 0 : index
      %swap3A_41 = vector.load %arg9[%swap3A_39, %swap3A_40] : memref<32x1xi32, #tpu.memory_space<vmem>>, vector<32x1xi32>
      tpu.vector_store %arg9[%swap3A_39, %swap3A_40], %add3A_15 {strides = array<i32>} : memref<32x1xi32, #tpu.memory_space<vmem>>, vector<32x1xi32>,
    } else {
    }
    %gt3A = arith.constant 0 : i32
    %gt3A_25 = arith.cmpi sgt, %arg0, %gt3A : i32
    %convert_element_type3A_26 = arith.extui %gt3A_25 : i1 to i32
    %cond3A_27 = arith.constant 0 : i32
    %cond3A_28 = arith.cmpi ne, %convert_element_type3A_26, %cond3A_27 : i32
    scf.if %cond3A_28 {
      %get3A_34 = arith.constant 0 : index
      %get3A_35 = arith.constant 0 : index
      %get3A_36 = vector.load %arg7[%get3A_34, %get3A_35] : memref<32x1xf32, #tpu.memory_space<vmem>>, vector<32x1xf32>
      %max3A = arith.maximumf %get3A_36, %broadcast_in_dim3A : vector<32x1xf32>
      %swap3A = arith.constant 0 : index
      %swap3A_37 = arith.constant 0 : index
      %swap3A_38 = vector.load %arg7[%swap3A, %swap3A_37] : memref<32x1xf32, #tpu.memory_space<vmem>>, vector<32x1xf32>
      tpu.vector_store %arg7[%swap3A, %swap3A_37], %max3A {strides = array<i32>} : memref<32x1xf32, #tpu.memory_space<vmem>>, vector<32x1xf32>,
      %get3A_39 = arith.constant 0 : index
      %get3A_40 = arith.constant 0 : index
      %get3A_41 = vector.load %arg8[%get3A_39, %get3A_40] : memref<32x1xf32, #tpu.memory_space<vmem>>, vector<32x1xf32>
      %add3A_42 = arith.addf %get3A_41, %broadcast_in_dim3A_20 : vector<32x1xf32>
      %swap3A_43 = arith.constant 0 : index
      %swap3A_44 = arith.constant 0 : index
      %swap3A_45 = vector.load %arg8[%swap3A_43, %swap3A_44] : memref<32x1xf32, #tpu.memory_space<vmem>>, vector<32x1xf32>
      tpu.vector_store %arg8[%swap3A_43, %swap3A_44], %add3A_42 {strides = array<i32>} : memref<32x1xf32, #tpu.memory_space<vmem>>, vector<32x1xf32>,
      %gt3A_46 = arith.cmpf ogt, %broadcast_in_dim3A, %get3A_36 : vector<32x1xf32>
      %get3A_47 = arith.constant 0 : index
      %get3A_48 = arith.constant 0 : index
      %get3A_49 = vector.load %arg9[%get3A_47, %get3A_48] : memref<32x1xi32, #tpu.memory_space<vmem>>, vector<32x1xi32>
      %select_n3A_50 = arith.select %gt3A_46, %add3A_15, %get3A_49 : vector<32x1xi1>, vector<32x1xi32>
      %swap3A_51 = arith.constant 0 : index
      %swap3A_52 = arith.constant 0 : index
      %swap3A_53 = vector.load %arg9[%swap3A_51, %swap3A_52] : memref<32x1xi32, #tpu.memory_space<vmem>>, vector<32x1xi32>
      tpu.vector_store %arg9[%swap3A_51, %swap3A_52], %select_n3A_50 {strides = array<i32>} : memref<32x1xi32, #tpu.memory_space<vmem>>, vector<32x1xi32>,
    } else {
    }
    %eq3A_29 = arith.constant 28 : i32
    %eq3A_30 = arith.cmpi eq, %arg0, %eq3A_29 : i32
    %convert_element_type3A_31 = arith.extui %eq3A_30 : i1 to i32
    %cond3A_32 = arith.constant 0 : i32
    %cond3A_33 = arith.cmpi ne, %convert_element_type3A_31, %cond3A_32 : i32
    scf.if %cond3A_33 {
      %get3A_34 = arith.constant 0 : index
      %get3A_35 = arith.constant 0 : index
      %get3A_36 = vector.load %arg2[%get3A_34, %get3A_35] : memref<32x576xf32, #tpu.memory_space<vmem>>, vector<32x576xf32>
      %get3A_37 = arith.constant 0 : index
      %get3A_38 = arith.constant 0 : index
      %get3A_39 = vector.load %arg3[%get3A_37, %get3A_38] : memref<1x16384xf32, #tpu.memory_space<vmem>>, vector<1x576xf32>
      %reduce_max3A_40 = arith.constant dense<0xFF800000> : vector<32xf32>
      %reduce_max3A_41 = vector.multi_reduction <maximumf>, %get3A_36, %reduce_max3A_40 [1] : vector<32x576xf32> to vector<32xf32>
      %broadcast_in_dim3A_42 = vector.shape_cast %reduce_max3A_41 : vector<32xf32> to vector<32x1xf32>
      %eq3A_43 = vector.broadcast %broadcast_in_dim3A_42 : vector<32x1xf32> to vector<32x576xf32>
      %eq3A_44 = arith.cmpf oeq, %get3A_36, %eq3A_43 : vector<32x576xf32>
      %jit3A_45 = arith.constant 1.000000e+06 : f32
      %broadcast_in_dim3A_46 = vector.shape_cast %get3A_39 : vector<1x576xf32> to vector<1x576xf32>
      %broadcast_in_dim3A_47 = vector.broadcast %broadcast_in_dim3A_46 : vector<1x576xf32> to vector<32x576xf32>
      %broadcast_in_dim3A_48 = vector.broadcast %jit3A_45 : f32 to vector<32x576xf32>
      %select_n3A_49 = arith.select %eq3A_44, %broadcast_in_dim3A_47, %broadcast_in_dim3A_48 : vector<32x576xi1>, vector<32x576xf32>
      %reduce_min3A_50 = arith.constant dense<0x7F800000> : vector<32xf32>
      %reduce_min3A_51 = vector.multi_reduction <minimumf>, %select_n3A_49, %reduce_min3A_50 [1] : vector<32x576xf32> to vector<32xf32>
      %broadcast_in_dim3A_52 = vector.shape_cast %reduce_min3A_51 : vector<32xf32> to vector<32x1xf32>
      %convert_element_type3A_53 = arith.fptosi %broadcast_in_dim3A_52 : vector<32x1xf32> to vector<32x1xi32>
      %add3A_54 = arith.constant 999424 : i32
      %add3A_55 = vector.broadcast %add3A_54 : i32 to vector<32x1xi32>
      %add3A_56 = arith.addi %convert_element_type3A_53, %add3A_55 : vector<32x1xi32>
      %mul3A_57 = arith.constant 1.44269502 : f32
      %mul3A_58 = vector.broadcast %mul3A_57 : f32 to vector<32x576xf32>
      %mul3A_59 = arith.mulf %get3A_36, %mul3A_58 : vector<32x576xf32>
      %exp23A_60 = math.exp2 %mul3A_59 : vector<32x576xf32>
      %reduce_sum3A_61 = arith.constant dense<0.000000e+00> : vector<32xf32>
      %reduce_sum3A_62 = vector.multi_reduction <add>, %exp23A_60, %reduce_sum3A_61 [1] : vector<32x576xf32> to vector<32xf32>
      %broadcast_in_dim3A_63 = vector.shape_cast %reduce_sum3A_62 : vector<32xf32> to vector<32x1xf32>
      %get3A_64 = arith.constant 0 : index
      %get3A_65 = arith.constant 0 : index
      %get3A_66 = vector.load %arg7[%get3A_64, %get3A_65] : memref<32x1xf32, #tpu.memory_space<vmem>>, vector<32x1xf32>
      %max3A = arith.maximumf %get3A_66, %broadcast_in_dim3A_42 : vector<32x1xf32>
      %swap3A = arith.constant 0 : index
      %swap3A_67 = arith.constant 0 : index
      %swap3A_68 = vector.load %arg4[%swap3A, %swap3A_67] : memref<32x1xf32, #tpu.memory_space<vmem>>, vector<32x1xf32>
      tpu.vector_store %arg4[%swap3A, %swap3A_67], %max3A {strides = array<i32>} : memref<32x1xf32, #tpu.memory_space<vmem>>, vector<32x1xf32>,
      %gt3A_69 = arith.cmpf ogt, %broadcast_in_dim3A_42, %get3A_66 : vector<32x1xf32>
      %get3A_70 = arith.constant 0 : index
      %get3A_71 = arith.constant 0 : index
      %get3A_72 = vector.load %arg9[%get3A_70, %get3A_71] : memref<32x1xi32, #tpu.memory_space<vmem>>, vector<32x1xi32>
      %select_n3A_73 = arith.select %gt3A_69, %add3A_56, %get3A_72 : vector<32x1xi1>, vector<32x1xi32>
      %swap3A_74 = arith.constant 0 : index
      %swap3A_75 = arith.constant 0 : index
      %swap3A_76 = vector.load %arg6[%swap3A_74, %swap3A_75] : memref<32x1xi32, #tpu.memory_space<vmem>>, vector<32x1xi32>
      tpu.vector_store %arg6[%swap3A_74, %swap3A_75], %select_n3A_73 {strides = array<i32>} : memref<32x1xi32, #tpu.memory_space<vmem>>, vector<32x1xi32>,
      %get3A_77 = arith.constant 0 : index
      %get3A_78 = arith.constant 0 : index
      %get3A_79 = vector.load %arg8[%get3A_77, %get3A_78] : memref<32x1xf32, #tpu.memory_space<vmem>>, vector<32x1xf32>
      %add3A_80 = arith.addf %get3A_79, %broadcast_in_dim3A_63 : vector<32x1xf32>
      %swap3A_81 = arith.constant 0 : index
      %swap3A_82 = arith.constant 0 : index
      %swap3A_83 = vector.load %arg5[%swap3A_81, %swap3A_82] : memref<32x1xf32, #tpu.memory_space<vmem>>, vector<32x1xf32>
      tpu.vector_store %arg5[%swap3A_81, %swap3A_82], %add3A_80 {strides = array<i32>} : memref<32x1xf32, #tpu.memory_space<vmem>>, vector<32x1xf32>,
    } else {
    }
    return
  }
  func.func @transform_0(%arg0: i32) -> (i32, i32) {
    %add3A = arith.constant 32 : i32
    %add3A_0 = arith.addi %arg0, %add3A : i32
    %c0_i32 = arith.constant 0 : i32
    %c0_i32_1 = arith.constant 0 : i32
    return %c0_i32, %add3A_0 : i32, i32
  }
  func.func @transform_1(%arg0: i32) -> (i32, i32) {
    %c0_i32 = arith.constant 0 : i32
    %c0_i32_0 = arith.constant 0 : i32
    %c0_i32_1 = arith.constant 0 : i32
    return %c0_i32, %c0_i32_0 : i32, i32
  }
  func.func @transform_2(%arg0: i32) -> (i32, i32) {
    %c0_i32 = arith.constant 0 : i32
    %c0_i32_0 = arith.constant 0 : i32
    %c0_i32_1 = arith.constant 0 : i32
    return %c0_i32, %c0_i32_0 : i32, i32
  }
  func.func @transform_3(%arg0: i32) -> (i32, i32) {
    %c0_i32 = arith.constant 0 : i32
    %c0_i32_0 = arith.constant 0 : i32
    %c0_i32_1 = arith.constant 0 : i32
    return %c0_i32, %c0_i32_0 : i32, i32
  }
  func.func @transform_4(%arg0: i32) -> (i32, i32) {
    %c0_i32 = arith.constant 0 : i32
    %c0_i32_0 = arith.constant 0 : i32
    %c0_i32_1 = arith.constant 0 : i32
    return %c0_i32, %c0_i32_0 : i32, i32
  }
  func.func @transform_5(%arg0: i32) -> (i32, i32) {
    %c0_i32 = arith.constant 0 : i32
    %c0_i32_0 = arith.constant 0 : i32
    %c0_i32_1 = arith.constant 0 : i32
    return %c0_i32, %c0_i32_0 : i32, i32
  }
}

module attributes {stable_mosaic.version = 14 : i64} {
  func.func @_merge_step(%arg0: memref<32x128xf32, #tpu.memory_space<vmem>>, %arg1: memref<32x128xf32, #tpu.memory_space<vmem>>, %arg2: memref<32x128xi32, #tpu.memory_space<vmem>>, %arg3: memref<32x1xf32, #tpu.memory_space<vmem>>, %arg4: memref<32x1xf32, #tpu.memory_space<vmem>>, %arg5: memref<32x1xi32, #tpu.memory_space<vmem>>, %arg6: memref<32x1xi32, #tpu.memory_space<vmem>>, %arg7: memref<32x1xi32, #tpu.memory_space<vmem>>, %arg8: memref<32x1xf32, #tpu.memory_space<vmem>>, %arg9: memref<32x1xi32, #tpu.memory_space<vmem>>) attributes {dimension_semantics = [], scalar_prefetch = 0 : i64, scratch_operands = 0 : i64, tpu.core_type = #tpu.core_type<tc>} {
    %get3A = arith.constant 0 : index
    %get3A_0 = arith.constant 0 : index
    %get3A_1 = vector.load %arg0[%get3A, %get3A_0] : memref<32x128xf32, #tpu.memory_space<vmem>>, vector<32x128xf32>
    %get3A_2 = arith.constant 0 : index
    %get3A_3 = arith.constant 0 : index
    %get3A_4 = vector.load %arg1[%get3A_2, %get3A_3] : memref<32x128xf32, #tpu.memory_space<vmem>>, vector<32x128xf32>
    %get3A_5 = arith.constant 0 : index
    %get3A_6 = arith.constant 0 : index
    %get3A_7 = vector.load %arg2[%get3A_5, %get3A_6] : memref<32x128xi32, #tpu.memory_space<vmem>>, vector<32x128xi32>
    %reduce_max3A = arith.constant dense<0xFF800000> : vector<32xf32>
    %reduce_max3A_8 = vector.multi_reduction <maximumf>, %get3A_1, %reduce_max3A [1] : vector<32x128xf32> to vector<32xf32>
    %broadcast_in_dim3A = vector.shape_cast %reduce_max3A_8 : vector<32xf32> to vector<32x1xf32>
    %eq3A = vector.broadcast %broadcast_in_dim3A : vector<32x1xf32> to vector<32x128xf32>
    %eq3A_9 = arith.cmpf oeq, %get3A_1, %eq3A : vector<32x128xf32>
    %convert_element_type3A = arith.sitofp %get3A_7 : vector<32x128xi32> to vector<32x128xf32>
    %jit3A = arith.constant 1.000000e+06 : f32
    %broadcast_in_dim3A_10 = vector.broadcast %jit3A : f32 to vector<32x128xf32>
    %select_n3A = arith.select %eq3A_9, %convert_element_type3A, %broadcast_in_dim3A_10 : vector<32x128xi1>, vector<32x128xf32>
    %reduce_min3A = arith.constant dense<0x7F800000> : vector<32xf32>
    %reduce_min3A_11 = vector.multi_reduction <minimumf>, %select_n3A, %reduce_min3A [1] : vector<32x128xf32> to vector<32xf32>
    %broadcast_in_dim3A_12 = vector.shape_cast %reduce_min3A_11 : vector<32xf32> to vector<32x1xf32>
    %convert_element_type3A_13 = arith.fptosi %broadcast_in_dim3A_12 : vector<32x1xf32> to vector<32x1xi32>
    %reduce_sum3A = arith.constant dense<0.000000e+00> : vector<32xf32>
    %reduce_sum3A_14 = vector.multi_reduction <add>, %get3A_4, %reduce_sum3A [1] : vector<32x128xf32> to vector<32xf32>
    %broadcast_in_dim3A_15 = vector.shape_cast %reduce_sum3A_14 : vector<32xf32> to vector<32x1xf32>
    %get3A_16 = arith.constant 0 : index
    %get3A_17 = arith.constant 0 : index
    %get3A_18 = vector.load %arg3[%get3A_16, %get3A_17] : memref<32x1xf32, #tpu.memory_space<vmem>>, vector<32x1xf32>
    %get3A_19 = arith.constant 0 : index
    %get3A_20 = arith.constant 0 : index
    %get3A_21 = vector.load %arg4[%get3A_19, %get3A_20] : memref<32x1xf32, #tpu.memory_space<vmem>>, vector<32x1xf32>
    %get3A_22 = arith.constant 0 : index
    %get3A_23 = arith.constant 0 : index
    %get3A_24 = vector.load %arg5[%get3A_22, %get3A_23] : memref<32x1xi32, #tpu.memory_space<vmem>>, vector<32x1xi32>
    %max3A = arith.maximumf %broadcast_in_dim3A, %get3A_18 : vector<32x1xf32>
    %gt3A = arith.cmpf ogt, %get3A_18, %broadcast_in_dim3A : vector<32x1xf32>
    %select_n3A_25 = arith.select %gt3A, %get3A_24, %convert_element_type3A_13 : vector<32x1xi1>, vector<32x1xi32>
    %add3A = arith.addf %broadcast_in_dim3A_15, %get3A_21 : vector<32x1xf32>
    %get3A_26 = arith.constant 0 : index
    %get3A_27 = arith.constant 0 : index
    %get3A_28 = vector.load %arg6[%get3A_26, %get3A_27] : memref<32x1xi32, #tpu.memory_space<vmem>>, vector<32x1xi32>
    %ne3A = arith.constant 2 : i32
    %ne3A_29 = vector.broadcast %ne3A : i32 to vector<32x1xi32>
    %ne3A_30 = arith.cmpi ne, %select_n3A_25, %ne3A_29 : vector<32x1xi32>
    %convert_element_type3A_31 = arith.extui %ne3A_30 : vector<32x1xi1> to vector<32x1xi32>
    %mul3A = arith.muli %get3A_28, %convert_element_type3A_31 : vector<32x1xi32>
    %eq3A_32 = arith.constant 0 : i32
    %eq3A_33 = vector.broadcast %eq3A_32 : i32 to vector<32x1xi32>
    %eq3A_34 = arith.cmpi eq, %mul3A, %eq3A_33 : vector<32x1xi32>
    %jit3A_35 = arith.constant 2 : i32
    %broadcast_in_dim3A_36 = vector.broadcast %jit3A_35 : i32 to vector<32x1xi32>
    %select_n3A_37 = arith.select %eq3A_34, %broadcast_in_dim3A_36, %select_n3A_25 : vector<32x1xi1>, vector<32x1xi32>
    %swap3A = arith.constant 0 : index
    %swap3A_38 = arith.constant 0 : index
    %swap3A_39 = vector.load %arg7[%swap3A, %swap3A_38] : memref<32x1xi32, #tpu.memory_space<vmem>>, vector<32x1xi32>
    tpu.vector_store %arg7[%swap3A, %swap3A_38], %select_n3A_37 {strides = array<i32>} : memref<32x1xi32, #tpu.memory_space<vmem>>, vector<32x1xi32>,
    %log3A = math.log %add3A : vector<32x1xf32>
    %sub3A = arith.subf %max3A, %log3A : vector<32x1xf32>
    %swap3A_40 = arith.constant 0 : index
    %swap3A_41 = arith.constant 0 : index
    %swap3A_42 = vector.load %arg8[%swap3A_40, %swap3A_41] : memref<32x1xf32, #tpu.memory_space<vmem>>, vector<32x1xf32>
    tpu.vector_store %arg8[%swap3A_40, %swap3A_41], %sub3A {strides = array<i32>} : memref<32x1xf32, #tpu.memory_space<vmem>>, vector<32x1xf32>,
    %swap3A_43 = arith.constant 0 : index
    %swap3A_44 = arith.constant 0 : index
    %swap3A_45 = vector.load %arg9[%swap3A_43, %swap3A_44] : memref<32x1xi32, #tpu.memory_space<vmem>>, vector<32x1xi32>
    tpu.vector_store %arg9[%swap3A_43, %swap3A_44], %mul3A {strides = array<i32>} : memref<32x1xi32, #tpu.memory_space<vmem>>, vector<32x1xi32>,
    return
  }
}

</mosaic_0001>

<sc_bundles>
// kernel: kernel.5.cloned.1.call-start
scs
__scs_entry_jumppad:
0x0: {  	(pc) =	sbr.rel $0x88, $3  }
0x1: {  	(tag) =	ssettag $0x0;
	lr =	simm.s32 $0x1  }
0x2: {  	[smem:$0x3F9F] =	sst lr;
	_ =	strace $0xD0000000  }
0x3: {  	_ = 	snop  }
0x4: {  	_ = 	snop  }
0x5: {  	_ = 	snop  }
0x6: {  	_ = 	snop  }
0x7: {  	_ = 	snop  }
__scs_overlays_trampoline_lowered:
0x8: {  	[smem:$0x3FAE] =	sst s0  }
0x9: {  	[smem:$0x3FAF] =	sst s1  }
0xa: {  	[smem:$0x3FB0] =	sst s2  }
0xb: {  	[smem:$0x3FB1] =	sst s3  }
0xc: {  	[smem:$0x3FB2] =	sst s4  }
0xd: {  	[smem:$0x3FB3] =	sst s5  }
0xe: {  	[smem:$0x3FB4] =	sst s6  }
0xf: {  	[smem:$0x3FB5] =	sst s7  }
0x10: {  	[smem:$0x3FB6] =	sst s8  }
0x11: {  	[smem:$0x3FB7] =	sst s9;
	s0 =	simm.s32 @!p0 $0x0  }
0x12: {  	s1 =	sld [smem:$0x3F9D];
	s0 =	simm.s32 @p0 $0x1  }
0x13: {  	[smem:$0x3FB8] =	sst s0;
	s0 =	simm.s32 @!p1 $0x0  }
0x14: {  	s2 =	sld [smem:$0x3F9C];
	s0 =	simm.s32 @p1 $0x1  }
0x15: {  	[smem:$0x3FB9] =	sst s0;
	s0 =	simm.s32 @!p2 $0x0  }
0x16: {  	s3 =	sld [smem:$0x3FDB];
	s0 =	simm.s32 @p2 $0x1  }
0x17: {  	s4 =	simm.s32 $0x1BF5;
	[smem:$0x3FBB] =	sst s0  }
0x18: {  	s0 =	sld [smem:$0x3F9E];
	_ =	swait.ge [sflag:s4], $0x0  }
0x19: {  	s7 =	sld [smem:$0x3F9F]  }
0x1a: {  	s8 =	sadd.s32 $0xFFFFE003, lr  }
0x1b: {  	s9 =	sadd.s32 $0xFFFFFEF7, lr;
	s5 =	simm.s32 $0xFFFFFFFF;
	p2 =	slt.u32 s8, $0xFFFFF086  }
0x1c: {  	p1 =	slt.u32 s9, $0xF7A;
	s5 =	simm.s32 @!p2 $0x0  }
0x1d: {  	s5 =	simm.s32 @p1 $0x1;
	p0 =	seq.s32 s7, s2  }
0x1e: {  	s7 =	smul.u32 @!p0 $0xF7A, s2;
	p2 =	seq.s32 @!p0 s5, $0x0  }
0x1f: {  	s9 =	smul.u32 $0xF7A, s1;
	s8 =	simm.s32 @!p0 $0x1BF5;
	p2 =	por !p2, p0  }
0x20: {  	[sflag:s8] =	ssyncset.s32 @!p0 $0xFFFFF086;
	s6 =	sadd.s32 @!p0 s3, s7;
	s7 =	simm.s32 @!p0 $0x108  }
0x21: {  	s3 =	sadd.s32 s3, s9;
	s6 =	sadd.s32 @!p0 $0x88, s6;
	s7 =	simm.s32 @p2 $0x1082  }
0x22: {  	[simem:s7], [sflag:s8] =	dma.local @!p0 [hbm:s6], $0xF7A  }
0x23: {  	s9 =	sor.u32 $0xD0000000, s2;
	s6 =	simm.s32 $0x108;
	_ =	swait.ge @!p0 [sflag:s8], $0x0  }
0x24: {  	s3 =	sadd.s32 $0x88, s3;
	s6 =	simm.s32 @!p1 $0x1082;
	[sflag:s4] =	ssyncset.s32 $0xFFFFF086  }
0x25: {  	[simem:s6], [sflag:s4] =	dma.local [hbm:s3], $0xF7A  }
0x26: {  	[smem:$0x3F9F] =	sst s1;
	(tag) =	ssettag s2;
	_ =	strace s9  }
0x27: {  	s1 =	sld [smem:$0x3FAF]  }
0x28: {  	s2 =	sld [smem:$0x3FB0]  }
0x29: {  	s4 =	sld [smem:$0x3FB2]  }
0x2a: {  	p0 =	seq.s32 s5, $0x0;
	s5 =	sld [smem:$0x3FB3]  }
0x2b: {  	s6 =	sld [smem:$0x3FB4]  }
0x2c: {  	s7 =	sld [smem:$0x3FB5]  }
0x2d: {  	s3 =	simm.s32 $0x108;
	s8 =	sld [smem:$0x3FB6]  }
0x2e: {  	s3 =	simm.s32 @!p0 $0x1082;
	s9 =	sld [smem:$0x3FB7]  }
0x2f: {  	lr =	sadd.s32 s0, s3;
	s0 =	sld [smem:$0x3FAE]  }
0x30: {  	s3 =	sld [smem:$0x3FB1]  }
0x31: {  	[smem:$0x3FBA] =	sst s10  }
0x32: {  	s10 =	sld [smem:$0x3FB8];
	_ =	sdelay $0x3  }
0x33: {  	p0 =	seq.s32 s10, $0x1;
	s10 =	sld [smem:$0x3FBA];
	_ =	sdelay $0x3  }
0x34: {  	[smem:$0x3FBA] =	sst s10  }
0x35: {  	s10 =	sld [smem:$0x3FB9];
	_ =	sdelay $0x3  }
0x36: {  	p1 =	seq.s32 s10, $0x1;
	s10 =	sld [smem:$0x3FBA];
	_ =	sdelay $0x3  }
0x37: {  	[smem:$0x3FBA] =	sst s10  }
0x38: {  	s10 =	sld [smem:$0x3FBB]  }
0x39: {  	_ = 	snop;
	(pc) =	sbr.ind lr, $3  }
0x3a: {  	_ = 	snop  }
0x3b: {  	_ = 	snop  }
0x3c: {  	p2 =	seq.s32 s10, $0x1;
	s10 =	sld [smem:$0x3FBA]  }
0x3d: {  	_ =	shalt  }
0x3e: {  	_ =	shalt  }
0x3f: {  	_ =	shalt  }
0x40: {  	_ =	shalt  }
0x41: {  	_ =	shalt  }
0x42: {  	_ =	shalt  }
0x43: {  	_ =	shalt  }
0x44: {  	_ =	shalt  }
0x45: {  	_ =	shalt  }
0x46: {  	_ =	shalt  }
0x47: {  	_ =	shalt  }
0x48: {  	_ =	shalt  }
0x49: {  	_ =	shalt  }
0x4a: {  	_ =	shalt  }
0x4b: {  	_ =	shalt  }
0x4c: {  	_ =	shalt  }
0x4d: {  	_ =	shalt  }
0x4e: {  	_ =	shalt  }
0x4f: {  	_ =	shalt  }
0x50: {  	_ =	shalt  }
0x51: {  	_ =	shalt  }
0x52: {  	_ =	shalt  }
0x53: {  	_ =	shalt  }
0x54: {  	_ =	shalt  }
0x55: {  	_ =	shalt  }
0x56: {  	_ =	shalt  }
0x57: {  	_ =	shalt  }
0x58: {  	_ =	shalt  }
0x59: {  	_ =	shalt  }
0x5a: {  	_ =	shalt  }
0x5b: {  	_ =	shalt  }
0x5c: {  	_ =	shalt  }
0x5d: {  	_ =	shalt  }
0x5e: {  	_ =	shalt  }
0x5f: {  	_ =	shalt  }
0x60: {  	_ =	shalt  }
0x61: {  	_ =	shalt  }
0x62: {  	_ =	shalt  }
0x63: {  	_ =	shalt  }
0x64: {  	_ =	shalt  }
0x65: {  	_ =	shalt  }
0x66: {  	_ =	shalt  }
0x67: {  	_ =	shalt  }
0x68: {  	_ =	shalt  }
0x69: {  	_ =	shalt  }
0x6a: {  	_ =	shalt  }
0x6b: {  	_ =	shalt  }
0x6c: {  	_ =	shalt  }
0x6d: {  	_ =	shalt  }
0x6e: {  	_ =	shalt  }
0x6f: {  	_ =	shalt  }
0x70: {  	_ =	shalt  }
0x71: {  	_ =	shalt  }
0x72: {  	_ =	shalt  }
0x73: {  	_ =	shalt  }
0x74: {  	_ =	shalt  }
0x75: {  	_ =	shalt  }
0x76: {  	_ =	shalt  }
0x77: {  	_ =	shalt  }
0x78: {  	_ =	shalt  }
0x79: {  	_ =	shalt  }
0x7a: {  	_ =	shalt  }
0x7b: {  	_ =	shalt  }
0x7c: {  	_ =	shalt  }
0x7d: {  	_ =	shalt  }
0x7e: {  	_ =	shalt  }
0x7f: {  	_ =	shalt  }
0x80: {  	_ =	shalt  }
0x81: {  	_ =	shalt  }
0x82: {  	_ =	shalt  }
0x83: {  	_ =	shalt  }
0x84: {  	_ =	shalt  }
0x85: {  	_ =	shalt  }
0x86: {  	_ =	shalt  }
0x87: {  	_ =	shalt  }
.Lfunc_end0:
.L_simem_size_0:
called_computation_lowered:
.L_overlay_start_0:
0x88: {  	s2 =	sld [smem:$0x3FD9]  }
0x89: {  	s3 =	sld [smem:$0x3FFE];
	_ =	sdelay $0x1  }
0x8a: {  	s1 =	srdreg.scid  }
0x8b: {  	s0 =	sand.u32 $0x1, s1  }
0x8c: {  	s17 =	sshll.u32 s0, $0xA;
	s2 =	sadd.s32 s3, s2  }
0x8d: {  	s2 =	sadd.s32 s2, s17  }
0x8e: {  	[smem:$0x3FC6] =	sst s2  }
0x8f: {  	_ = 	snop  }
0x90: {  	s2 =	sld [smem:$0x3FC9];
	(tm) =	ssettm $0x1  }
0x91: {  	s18 =	sld [smem:$0x3FFB];
	_ =	sdelay $0x3  }
0x92: {  	_ =	strace s18  }
0x93: {  	s3 =	sld [smem:$0x3FFC];
	_ =	sdelay $0x3  }
0x94: {  	_ =	strace s3  }
0x95: {  	s3 =	sld [smem:$0x3FFD];
	_ =	sdelay $0x3  }
0x96: {  	_ =	strace s3  }
0x97: {  	_ =	strace $0x8FFFFFFF  }
0x98: {  	s19 =	sld [smem:$0x3FDB];
	_ =	sdelay $0x1  }
0x99: {  	s4 =	simm.s32 $_scs_section_size  }
0x9a: {  	s5 =	simm.s32 $_size__tile_overlayer_lowered;
	s6 =	simm.s32 $_tile_overlayer_lowered  }
0x9b: {  	s22 =	simm.s32 $0x1BFF;
	s21 =	sshll.u32 s6, $0x1;
	s3 =	sadd.s32 s4, s19  }
0x9c: {  	s7 =	simm.s32 $0x0;
	s20 =	sshll.u32 s5, $0x1;
	s5 =	sadd.s32 s21, s3  }
0x9d: {  	[timem:s7], [sflag:s22] =	dma.local [hbm:s5], s20  }
0x9e: {  	_ =	swait.ge [sflag:s22], s20  }
0x9f: {  	s4 =	ssub.s32 $0x0, s20;
	[sflag:s22] =	ssyncset.done $0x0  }
0xa0: {  	[sflag:s22] =	ssyncadd.s32 s4;
	_ =	sdelay $0x1  }
0xa1: {  	s23 =	simm.s32 $0x1B8B  }
0xa2: {  	_ =	swait.ge [sflag:s23], $0x1  }
0xa3: {  	[sflag:s23] =	ssyncset.done $0x0  }
0xa4: {  	s25 =	simm.s32 $0x1B8E;
	s24 =	sld [smem:$0x3FFE];
	[sflag:s23] =	ssyncadd.s32 $0xFFFFFFFF  }
0xa5: {  	s26 =	simm.s32 $execute0_lowered;
	[smem:$0x3FD2] =	sst s25  }
0xa6: {  	s5 =	sshll.u32 s26, $0x1;
	_ =	strace $0x80000046;
	[dreg:$0x1] =	wrdreg $0xFFFFFFFF  }
0xa7: {  	s28 =	simm.s32 $_size_execute0_lowered;
	s3 =	sadd.s32 s3, s5;
	[dreg:$0x0] =	wrdreg $0x0  }
0xa8: {  	s5 =	sshll.u32 s28, $0x1;
	[dreg:$0x2] =	wrdreg s3  }
0xa9: {  	[dreg:$0x3] =	wrdreg s5  }
0xaa: {  	[dreg:$0x4] =	wrdreg $0xC0  }
0xab: {  	_ =	task [dreg:s7], $0x5FFFF  }
0xac: {  	[dreg:$0x1] =	wrdreg $0xFFFFFFFF  }
0xad: {  	[dreg:$0x0] =	wrdreg $0x60  }
0xae: {  	[dreg:$0x2] =	wrdreg s2  }
0xaf: {  	[dreg:$0x3] =	wrdreg s24  }
0xb0: {  	[dreg:$0x4] =	wrdreg $0x9  }
0xb1: {  	_ =	task.clear_ibuf [dreg:s7], $0x5FFFF;
	_ =	strace $0x90000046  }
0xb2: {  	s29 =	simm.s32 $0x9;
	_ =	strace $0x80000048  }
0xb3: {  	_ =	swait.ge [sflag:s29], $0x1  }
0xb4: {  	[sflag:s29] =	ssyncadd.s32 $0xFFFFFFFF  }
0xb5: {  	_ =	strace $0x90000048  }
0xb6: {  	_ =	sfence  }
0xb7: {  	s30 =	sld [smem:$0x0];
	_ =	sdelay $0x2  }
0xb8: {  	s31 =	sshll.u32 s1, $0xD;
	s1 =	sshrl.u32 s1, $0x2  }
0xb9: {  	s3 =	sand.u32 $0x4000, s31;
	s1 =	sadd.s32 s1, s30  }
0xba: {  	s0 =	sor.u32 s3, s0;
	s1 =	sshll.u32 s1, $0x11  }
0xbb: {  	s0 =	sor.u32 s1, s0  }
0xbc: {  	s0 =	sadd.s32 $0x8F2B, s0  }
0xbd: {  	[sflag:s0] =	ssyncadd.remote.s32 $0x1  }
0xbe: {  	_ =	sfence.sel $0xFFFF  }
0xbf: {  	[dreg:$0x0] =	wrdreg $0xFFFFFFFF;
	(pc) =	sbr.abs _section_cstart, $3  }
0xc0: {  	[dreg:$0x1] =	wrdreg $0xFFFFFFFF  }
0xc1: {  	_ =	task.clear_ibuf [dreg:s7], $0x2FFFF;
	_ =	strace $0x9FFFFFFF  }
0xc2: {  	(tm) =	ssettm $0x7FFFFFFF  }
0xc3: {  	_ =	shalt  }
tec
execute0_lowered:
.L_overlay_start_1:
0x0: {  	(tag) =	ssettag $0x1  }
0x1: {  	s4 =	rddreg [dreg:$0x0]  }
0x2: {  	s3 =	rddreg [dreg:$0x1]  }
0x3: {  	s2 =	simm.s32 $0x0;
	s12 =	stileid.u32;
	s1 =	srdreg.scid  }
0x4: {  	[smem:$0x7FF] =	sst s2;
	s0 =	sadd.s32 $0x400, s3;
	s5 =	sshll.u32 s12, $0x1  }
0x5: {  	s6 =	sand.u32 $0x1, s1;
	s7 =	sshrl.u32 s12, $0x2;
	s1 =	sadd.s32 $0x600, s3  }
0x6: {  	s3 =	sadd.s32 $0x200, s3;
	s28 =	sand.u32 $0x3, s12;
	s22 =	sand.u32 $0x6, s5  }
0x7: {  	_ =	strace $0x80000047;
	s9 =	smul.u32 $0x7A1400, s7;
	s8 =	sor.u32 s6, s22  }
0x8: {  	s23 =	ssub.s32 $0x2, s6;
	s7 =	sshll.u32 s7, $0x7;
	s11 =	sshll.u32 s8, $0x13  }
0x9: {  	s25 =	sshll.u32 s8, $0x10;
	s8 =	sshll.u32 s8, $0x1;
	s24 =	sadd.s32 s9, s11  }
0xa: {  	s10 =	sshrl.u32 s23, $0x1;
	s7 =	sor.u32 s7, s8;
	s5 =	sshrl.u32 s24, $0x3  }
0xb: {  	s15 =	ssub.s32 s23, s10;
	s8 =	sor.u32 $0x10, s7;
	s5 =	sadd.s32 s4, s5  }
0xc: {  	s10 =	sor.u32 $0x20, s7;
	s29 =	sadd.s32 s0, s8;
	[dreg:$0x12] =	wrdreg s5  }
0xd: {  	s26 =	sshrl.u32 s9, $0x3;
	s12 =	sadd.s32 s0, s10;
	[dreg:$0x13] =	wrdreg s29  }
0xe: {  	s19 =	sor.u32 $0x30, s7;
	s16 =	sadd.s32 s1, s10;
	[dreg:$0x16] =	wrdreg s12  }
0xf: {  	s4 =	sadd.s32 s4, s26;
	s21 =	sadd.s32 s0, s19;
	[dreg:$0x17] =	wrdreg s16  }
0x10: {  	s23 =	sadd.s32 s1, s19;
	s26 =	sor.u32 $0x40, s7;
	[dreg:$0x19] =	wrdreg s21  }
0x11: {  	s6 =	sshll.u32 s6, $0x10;
	[dreg:$0x1a] =	wrdreg s23;
	s29 =	sadd.s32 s0, s26  }
0x12: {  	s5 =	sshll.u32 s28, $0x11;
	s23 =	sadd.s32 s1, s7;
	[dreg:$0x1c] =	wrdreg s29  }
0x13: {  	s5 =	sor.u32 s6, s5;
	s6 =	sadd.s32 s1, s8;
	[smem:$0x7F9] =	sst s23  }
0x14: {  	s8 =	sadd.s32 s3, s8;
	[dreg:$0x14] =	wrdreg s6  }
0x15: {  	[dreg:$0x15] =	wrdreg s8;
	s9 =	sor.u32 $0x1000, s5  }
0x16: {  	s11 =	sor.u32 $0x2000, s5;
	[dreg:$0x3] =	wrdreg s9  }
0x17: {  	s13 =	sor.u32 $0x3000, s5;
	[dreg:$0x4] =	wrdreg s11  }
0x18: {  	s6 =	sadd.s32 s3, s10;
	[dreg:$0x5] =	wrdreg s13  }
0x19: {  	s17 =	sor.u32 $0x4000, s5;
	[dreg:$0x18] =	wrdreg s6  }
0x1a: {  	s18 =	sor.u32 $0x5000, s5;
	[dreg:$0x6] =	wrdreg s17  }
0x1b: {  	s20 =	sor.u32 $0x6000, s5;
	[dreg:$0x7] =	wrdreg s18  }
0x1c: {  	s22 =	sor.u32 $0x7000, s5;
	[dreg:$0x8] =	wrdreg s20  }
0x1d: {  	s24 =	sor.u32 $0x8000, s5;
	[dreg:$0x9] =	wrdreg s22  }
0x1e: {  	s14 =	sadd.s32 s25, s4;
	s25 =	sor.u32 $0x9000, s5;
	[dreg:$0xa] =	wrdreg s24  }
0x1f: {  	s28 =	sor.u32 $0xA000, s5;
	[dreg:$0xb] =	wrdreg s25  }
0x20: {  	s10 =	sadd.s32 s1, s26;
	[dreg:$0xc] =	wrdreg s28  }
0x21: {  	s12 =	sor.u32 $0xD000, s5;
	[dreg:$0x1d] =	wrdreg s10  }
0x22: {  	s15 =	smax.u32 s15, $0x1;
	s16 =	sor.u32 $0xE000, s5;
	[dreg:$0xf] =	wrdreg s12  }
0x23: {  	s30 =	sadd.s32 $0x1000, s14;
	s6 =	sadd.s32 s3, s19;
	[dreg:$0x10] =	wrdreg s16  }
0x24: {  	s31 =	sadd.s32 $0x2000, s14;
	s9 =	sor.u32 $0xB000, s5;
	[dreg:$0x1b] =	wrdreg s6  }
0x25: {  	s8 =	sadd.s32 $0x9000, s14;
	s11 =	sor.u32 $0xC000, s5;
	[dreg:$0xd] =	wrdreg s9  }
0x26: {  	s13 =	sor.u32 $0x50, s7;
	s22 =	sadd.s32 s0, s7;
	[dreg:$0xe] =	wrdreg s11  }
0x27: {  	s18 =	sor.u32 $0x60, s7;
	s24 =	sadd.s32 s3, s7;
	[smem:$0x7F8] =	sst s22  }
0x28: {  	s25 =	sor.u32 $0x70, s7;
	s28 =	sor.u32 $0xF000, s5;
	[smem:$0x7FA] =	sst s24  }
0x29: {  	s7 =	sadd.s32 $0x8000, s14;
	s6 =	sadd.s32 s3, s26;
	[dreg:$0x11] =	wrdreg s28  }
0x2a: {  	s10 =	sadd.s32 $0xB000, s14;
	s17 =	sadd.s32 s0, s13;
	[dreg:$0x1e] =	wrdreg s6  }
0x2b: {  	s12 =	sadd.s32 $0xD000, s14;
	s19 =	sadd.s32 s1, s13;
	[dreg:$0x1f] =	wrdreg s17  }
0x2c: {  	s16 =	simm.s32 $0x8000;
	s20 =	sadd.s32 s0, s18;
	[smem:$0x7F3] =	sst s19  }
0x2d: {  	s21 =	sadd.s32 s1, s18;
	s4 =	sadd.s32 s3, s18;
	[smem:$0x7F5] =	sst s20  }
0x2e: {  	s0 =	sadd.s32 s0, s25;
	s26 =	sadd.s32 s1, s25;
	[smem:$0x7F6] =	sst s21  }
0x2f: {  	s29 =	sadd.s32 s3, s25;
	s1 =	sadd.s32 $0x4000, s14;
	[smem:$0x7F7] =	sst s4  }
0x30: {  	s9 =	sadd.s32 $0xA000, s14;
	s11 =	sadd.s32 $0xC000, s14;
	[smem:$0x7FB] =	sst s0  }
0x31: {  	s18 =	simm.s32 $0x2;
	s6 =	sadd.s32 s3, s13;
	[smem:$0x7FC] =	sst s26  }
0x32: {  	[smem:$0x7FD] =	sst s29;
	s0 =	sadd.s32 $0x3000, s14;
	s3 =	sadd.s32 $0x5000, s14  }
0x33: {  	s4 =	sadd.s32 $0x6000, s14;
	s13 =	sadd.s32 $0xE000, s14;
	s17 =	simm.s32 $0x1  }
0x34: {  	s19 =	simm.s32 $0x10000;
	s20 =	simm.s32 $0x3;
	s21 =	simm.s32 $0x0  }
0x35: {  	v0 =	vlaneseq.u32;
	[smem:$0x7F4] =	sst s6;
	s6 =	sadd.s32 $0x7000, s14;
	s14 =	sadd.s32 $0xF000, s14  }
.LBB2_1:
0x36: {  	s22 =	rddreg [dreg:$0x12]  }
0x37: {  	[tilespmem:s2], [sflag:$0x1] =	stream.linear.gather [hbm4b:s22+s2], $0x8000, $0x38;
	[tilespmem:$0x10080] =	vst v63  }
0x38: {  	s23 =	sand.u32 $0x7, s2  }
0x39: {  	[tilespmem:s16], [sflag:$0x2] =	stream.linear.gather [hbm4b:s30+s2], $0x8000, $0x38;
	[tilespmem:$0x10080] =	vst v63  }
0x3a: {  	s22 =	sshll.u32 s23, $0x4;
	_ =	swait.ge [sflag:s17], $0x8000  }
0x3b: {  	s24 =	sand.u32 $0x7C00, s2;
	s22 =	sadd.s32 $0x0, s22;
	[sflag:s17] =	ssyncset.done $0x0  }
0x3c: {  	s23 =	sand.u32 $0x70, s2;
	s22 =	sor.u32 $0x380, s22;
	[sflag:s17] =	ssyncadd.s32 $0xFFFF8000  }
0x3d: {  	s23 =	sor.u32 s23, s24;
	v2 =	vld [tilespmem:s22+$0x0]  }
0x3e: {  	v3 =	vld [tilespmem:s23+$0x0]  }
0x3f: {  	v5 =	vld [tilespmem:s23+$0x80]  }
0x40: {  	v8 =	vld [tilespmem:s23+$0x180]  }
0x41: {  	v7 =	vimm.f32 $-Inf;
	s29 =	sadd.s32 $0x10, s5;
	v6 =	vld [tilespmem:s23+$0x100]  }
0x42: {  	v1 =	vimm.f32 $0.0e+00;
	v12 =	vimm.s32 $0x0;
	s25 =	simm.s32 $0x1;
	v26 =	vor.u32 s29, v0;
	v11 =	vld [tilespmem:s23+$0x280]  }
0x43: {  	v14 =	vld [tilespmem:s23+$0x300];
	s22 =	sand.u32 $0x7, s25;
	v4 =	vmul.f32 $1.442695020e+00, v2;
	vm0 =	vgt.f32 v2, v7;
	v10 =	vmul.f32 $1.442695020e+00, v3  }
0x44: {  	s28 =	simm.s32 $0x10;
	s26 =	sshll.u32 s22, $0x4;
	v15 =	vmax.f32 v7, v2;
	v2 =	vmul.f32 $1.442695020e+00, v5;
	vm1 =	vgt.f32 v3, v7  }
0x45: {  	s24 =	sadd.s32 $0x0, s5;
	v9 =	vld [tilespmem:s23+$0x200];
	s22 =	simm.s32 $0x80;
	s23 =	sadd.s32 $0x80, s26;
	v18 =	vmax.f32 v7, v3;
	v3 =	vmul.f32 $1.442695020e+00, v8;
	(erf) = vpow2.f32 v4  }
0x46: {  	v13 =	vor.u32 s24, v0;
	s24 =	sand.u32 $0x70, s28;
	s25 =	sand.u32 $0x7C00, s22;
	s23 =	sor.u32 $0x380, s23;
	v4 =	vmul.f32 $1.442695020e+00, v6;
	(erf) = vpow2.f32 v10  }
0x47: {  	s24 =	sor.u32 s24, s25;
	v20 =	vld [tilespmem:s23+$0x0];
	v28 =	vmax.f32 v7, v5;
	v29 =	vmax.f32 v7, v6;
	(erf) = vpow2.f32 v2  }
0x48: {  	v32 =	vld [tilespmem:s24+$0x180];
	v16 =	vmul.f32 $1.442695020e+00, v11;
	v27 =	vmax.f32 v7, v14;
	(erf) = vpow2.f32 v4  }
0x49: {  	v17 =	vmul.f32 $1.442695020e+00, v14;
	vm2 =	vgt.f32 v5, v7;
	(erf) = vpow2.f32 v3  }
0x4a: {  	vm3 =	vgt.f32 v6, v7;
	vm4 =	vgt.f32 v8, v7;
	vm5 =	vgt.f32 v9, v7  }
0x4b: {  	vm6 =	vgt.f32 v11, v7;
	vm7 =	vgt.f32 v14, v7;
	v5 =	vsel vm0, v13, v12  }
0x4c: {  	v6 =	vsel vm1, v13, v12;
	v10 =	vmul.f32 $1.442695020e+00, v9;
	v2 =	vmax.f32 v7, v8  }
0x4d: {  	v23 =	vld [tilespmem:s24+$0x0];
	vm1 =	vgt.f32 v20, v15;
	v22 =	vmax.f32 v15, v20;
	v36 =	vmul.f32 $1.442695020e+00, v32  }
0x4e: {  	v33 =	vld [tilespmem:s24+$0x200];
	v4 =	vmax.f32 v7, v9;
	v9 =	vsel vm4, v13, v12;
	(erf) = vpow2.f32 v10;
	v8 =	vpop (erf)  }
0x4f: {  	v34 =	vld [tilespmem:s24+$0x280];
	v3 =	vmax.f32 v7, v11;
	(erf) = vpow2.f32 v16;
	v14 =	vadd.f32 v8, v1;
	v8 =	vpop (erf)  }
0x50: {  	v30 =	vld [tilespmem:s24+$0x80];
	v7 =	vsel vm2, v13, v12;
	v11 =	vsel vm6, v13, v12;
	(erf) = vpow2.f32 v17;
	v10 =	vpop (erf)  }
0x51: {  	v31 =	vld [tilespmem:s24+$0x100];
	v16 =	vadd.f32 v8, v1;
	v8 =	vsel vm3, v13, v12;
	v19 =	vadd.f32 v10, v1;
	v17 =	vpop (erf)  }
0x52: {  	v37 =	vld [tilespmem:s24+$0x300];
	v10 =	vsel vm5, v13, v12;
	v24 =	vadd.f32 v17, v1;
	v17 =	vsel vm7, v13, v12;
	v12 =	vpop (erf)  }
0x53: {  	v38 =	vmul.f32 $1.442695020e+00, v33;
	v21 =	vadd.f32 v12, v1;
	v12 =	vmul.f32 $1.442695020e+00, v20  }
0x54: {  	vm0 =	vgt.f32 v23, v18;
	v40 =	vmul.f32 $1.442695020e+00, v34;
	v13 =	vmul.f32 $1.442695020e+00, v23  }
0x55: {  	v20 =	vmax.f32 v18, v23;
	v18 =	vmul.f32 $1.442695020e+00, v30;
	(erf) = vpow2.f32 v12  }
0x56: {  	v25 =	vmax.f32 v28, v30;
	v12 =	vmul.f32 $1.442695020e+00, v31;
	(erf) = vpow2.f32 v13  }
0x57: {  	v39 =	vmul.f32 $1.442695020e+00, v37;
	v15 =	vmax.f32 v2, v32;
	(erf) = vpow2.f32 v18  }
0x58: {  	vm2 =	vgt.f32 v31, v29;
	v23 =	vmax.f32 v29, v31;
	v35 =	vpop (erf);
	(erf) = vpow2.f32 v12  }
0x59: {  	vm3 =	vgt.f32 v30, v28;
	v30 =	vimm.f32 $0.0e+00;
	v29 =	vmovc v25;
	v28 =	vmovc v23;
	(erf) = vpow2.f32 v36  }
0x5a: {  	s24 =	simm.s32 $0x2;
	v31 =	vimm.f32 $0.0e+00;
	v13 =	vmax.f32 v4, v33;
	v36 =	vpop (erf);
	(erf) = vpow2.f32 v38  }
0x5b: {  	s25 =	simm.s32 $0x30;
	s23 =	simm.s32 $0x20;
	s26 =	sand.u32 $0x7, s24;
	v18 =	vmax.f32 v27, v37;
	v12 =	vmax.f32 v3, v34;
	v38 =	vpop (erf);
	(erf) = vpow2.f32 v40  }
.LBB2_2:
0x5c: {  	p0 =	sne.s32 s25, $0xFF0;
	s26 =	sshll.u32 s26, $0x4;
	vm5 =	vgt.f32 v32, v2;
	vm4 =	vgt.f32 v33, v4;
	s22 =	sadd.s32 $0x80, s22;
	(erf) = vpow2.f32 v39;
	v2 =	vmovc v15;
	v4 =	vmovc v13  }
0x5d: {  	s28 =	sand.u32 $0x70, s23;
	vm6 =	vgt.f32 v34, v3;
	vm7 =	vgt.f32 v37, v27;
	v1 =	vadd.f32 v35, v1;
	v3 =	vmovc v12;
	s26 =	sadd.s32 s26, s22;
	s29 =	sand.u32 $0x7C00, s22  }
0x5e: {  	v5 =	vsel vm1, v26, v5;
	v30 =	vadd.f32 v36, v30;
	v31 =	vadd.f32 v38, v31;
	s28 =	sor.u32 s28, s29;
	s26 =	sor.u32 $0x380, s26;
	v27 =	vpop (erf)  }
0x5f: {  	v6 =	vsel vm0, v26, v6;
	v7 =	vsel vm3, v26, v7;
	v34 =	vld [tilespmem:s26+$0x0];
	v14 =	vadd.f32 v27, v14;
	v27 =	vpop (erf)  }
0x60: {  	v8 =	vsel vm2, v26, v8;
	v9 =	vsel vm5, v26, v9;
	v37 =	vld [tilespmem:s28+$0x0];
	v16 =	vadd.f32 v27, v16;
	v27 =	vpop (erf)  }
0x61: {  	v10 =	vsel vm4, v26, v10;
	v11 =	vsel vm6, v26, v11;
	v40 =	vld [tilespmem:s28+$0x80];
	v19 =	vadd.f32 v27, v19;
	v27 =	vpop (erf)  }
0x62: {  	v17 =	vsel vm7, v26, v17;
	s26 =	sadd.s32 s23, s5;
	s23 =	smov.u32 s25;
	v41 =	vld [tilespmem:s28+$0x100];
	v24 =	vadd.f32 v27, v24;
	v33 =	vpop (erf);
	v27 =	vmov v18  }
0x63: {  	v26 =	vor.u32 s26, v0;
	v32 =	vld [tilespmem:s28+$0x180];
	v21 =	vadd.f32 v33, v21;
	v35 =	vpop (erf)  }
0x64: {  	v33 =	vld [tilespmem:s28+$0x200];
	vm1 =	vgt.f32 v34, v22;
	v22 =	vmax.f32 v22, v34;
	v39 =	vmul.f32 $1.442695020e+00, v34;
	v36 =	vpop (erf)  }
0x65: {  	vm0 =	vgt.f32 v37, v20;
	v20 =	vmax.f32 v20, v37;
	v42 =	vmul.f32 $1.442695020e+00, v37;
	v34 =	vld [tilespmem:s28+$0x280];
	v38 =	vpop (erf)  }
0x66: {  	v25 =	vmax.f32 v25, v40;
	v43 =	vmul.f32 $1.442695020e+00, v40;
	v37 =	vld [tilespmem:s28+$0x300];
	(erf) = vpow2.f32 v39  }
0x67: {  	v23 =	vmax.f32 v23, v41;
	v39 =	vmul.f32 $1.442695020e+00, v41;
	(erf) = vpow2.f32 v42  }
.Ltmp0:
0x68: {  	v15 =	vmax.f32 v15, v32;
	v42 =	vmul.f32 $1.442695020e+00, v32;
	(erf) = vpow2.f32 v43;
	(pc) =	sbr.rel @p0 .LBB2_2-.Ltmp0, $4  }
0x69: {  	v13 =	vmax.f32 v13, v33;
	v43 =	vmul.f32 $1.442695020e+00, v33;
	(erf) = vpow2.f32 v39  }
0x6a: {  	v12 =	vmax.f32 v12, v34;
	v44 =	vmul.f32 $1.442695020e+00, v34;
	(erf) = vpow2.f32 v42  }
0x6b: {  	s24 =	sadd.s32 $0x1, s24;
	v18 =	vmax.f32 v18, v37;
	v39 =	vmul.f32 $1.442695020e+00, v37;
	(erf) = vpow2.f32 v43  }
0x6c: {  	s25 =	sadd.s32 $0x10, s25;
	s26 =	sand.u32 $0x7, s24;
	vm3 =	vgt.f32 v40, v29;
	vm2 =	vgt.f32 v41, v28;
	v29 =	vmovc v25;
	v28 =	vmovc v23;
	(erf) = vpow2.f32 v44  }
0x6d: {  	s24 =	sshll.u32 s26, $0x4;
	s22 =	sadd.s32 $0x80, s22  }
0x6e: {  	s24 =	sadd.s32 s24, s22  }
0x6f: {  	s24 =	sor.u32 $0x380, s24  }
0x70: {  	s25 =	sand.u32 $0x70, s23;
	s22 =	sand.u32 $0x7C00, s22;
	v40 =	vld [tilespmem:s24+$0x0]  }
0x71: {  	s22 =	sor.u32 s25, s22  }
0x72: {  	v41 =	vld [tilespmem:s22+$0x0]  }
0x73: {  	v42 =	vld [tilespmem:s22+$0x80]  }
0x74: {  	v43 =	vld [tilespmem:s22+$0x100]  }
0x75: {  	v44 =	vld [tilespmem:s22+$0x180];
	v46 =	vmul.f32 $1.442695020e+00, v40  }
0x76: {  	v45 =	vld [tilespmem:s22+$0x200]  }
0x77: {  	(erf) = vpow2.f32 v39;
	v47 =	vld [tilespmem:s22+$0x280];
	v56 =	vmul.f32 $1.442695020e+00, v41  }
0x78: {  	v49 =	vld [tilespmem:s22+$0x300];
	v48 =	vmul.f32 $1.442695020e+00, v42;
	(erf) = vpow2.f32 v46  }
0x79: {  	v50 =	vmul.f32 $1.442695020e+00, v43;
	v46 =	vpop (erf);
	(erf) = vpow2.f32 v56  }
0x7a: {  	v51 =	vmul.f32 $1.442695020e+00, v44;
	v57 =	vpop (erf);
	(erf) = vpow2.f32 v48  }
0x7b: {  	v52 =	vmul.f32 $1.442695020e+00, v45;
	v58 =	vpop (erf);
	(erf) = vpow2.f32 v50  }
0x7c: {  	v53 =	vmul.f32 $1.442695020e+00, v47;
	v59 =	vpop (erf);
	(erf) = vpow2.f32 v51  }
0x7d: {  	v54 =	vmul.f32 $1.442695020e+00, v49;
	v60 =	vpop (erf);
	(erf) = vpow2.f32 v52  }
0x7e: {  	v61 =	vpop (erf);
	(erf) = vpow2.f32 v53  }
0x7f: {  	vm4 =	vgt.f32 v32, v2;
	v62 =	vpop (erf);
	(erf) = vpow2.f32 v54  }
0x80: {  	vm5 =	vgt.f32 v33, v4;
	vm6 =	vgt.f32 v34, v3;
	v1 =	vadd.f32 v35, v1;
	v63 =	vpop (erf)  }
0x81: {  	vm7 =	vgt.f32 v37, v27;
	v3 =	vadd.f32 v36, v30;
	v4 =	vadd.f32 v38, v31;
	v2 =	vpop (erf)  }
0x82: {  	v5 =	vsel vm1, v26, v5;
	v6 =	vsel vm0, v26, v6;
	v7 =	vsel vm3, v26, v7;
	v27 =	vpop (erf)  }
0x83: {  	v8 =	vsel vm2, v26, v8;
	v9 =	vsel vm4, v26, v9;
	v10 =	vsel vm5, v26, v10;
	v30 =	vpop (erf)  }
0x84: {  	v11 =	vsel vm6, v26, v11;
	v17 =	vsel vm7, v26, v17;
	vm0 =	vgt.f32 v40, v22;
	v31 =	vpop (erf)  }
0x85: {  	v22 =	vmax.f32 v22, v40;
	vm1 =	vgt.f32 v41, v20;
	v14 =	vadd.f32 v46, v14;
	v46 =	vpop (erf)  }
0x86: {  	s25 =	simm.s32 $0x0;
	s24 =	sadd.s32 s23, s5;
	v20 =	vmax.f32 v20, v41;
	v25 =	vmax.f32 v25, v42;
	vm2 =	vgt.f32 v42, v29;
	v26 =	vpop (erf)  }
0x87: {  	[tilespmem:s25], [sflag:$0x1] =	stream.linear.gather [hbm4b:s31+s25], $0x8000, $0x38;
	v29 =	vor.u32 s24, v0;
	v23 =	vmax.f32 v23, v43;
	vm3 =	vgt.f32 v43, v28;
	v48 =	vpop (erf);
	[tilespmem:$0x10080] =	vst v63  }
0x88: {  	s26 =	sand.u32 $0x7, s25;
	v28 =	vmax.f32 v15, v44;
	vm4 =	vgt.f32 v44, v15;
	v15 =	vmax.f32 v13, v45;
	v50 =	vpop (erf)  }
0x89: {  	s22 =	sshll.u32 s26, $0x4;
	vm5 =	vgt.f32 v45, v13;
	v13 =	vmax.f32 v12, v47;
	vm12 =	vgt.f32 v47, v12;
	_ =	swait.ge [sflag:s18], $0x8000  }
0x8a: {  	s28 =	sand.u32 $0x70, s25;
	s22 =	sadd.s32 $0x0, s22;
	v12 =	vmax.f32 v18, v49;
	vm13 =	vgt.f32 v49, v18;
	v18 =	vsel vm0, v29, v5;
	[sflag:s18] =	ssyncset.done $0x0  }
0x8b: {  	s23 =	sand.u32 $0x7C00, s25;
	s22 =	sor.u32 $0x380, s22;
	v55 =	vsel vm12, v29, v11;
	v16 =	vadd.f32 v57, v16;
	v19 =	vadd.f32 v58, v19;
	[sflag:s18] =	ssyncadd.s32 $0xFFFF8000  }
0x8c: {  	s23 =	sor.u32 s28, s23;
	v24 =	vadd.f32 v59, v24;
	v52 =	vsel vm1, v29, v6;
	v21 =	vadd.f32 v60, v21;
	v51 =	vld [tilespmem:s22+$0x8000]  }
0x8d: {  	v53 =	vsel vm2, v29, v7;
	v1 =	vadd.f32 v61, v1;
	v5 =	vadd.f32 v62, v3;
	v6 =	vld [tilespmem:s23+$0x8000]  }
0x8e: {  	v54 =	vsel vm4, v29, v9;
	v4 =	vadd.f32 v63, v4;
	v14 =	vadd.f32 v2, v14;
	v7 =	vld [tilespmem:s23+$0x8080]  }
0x8f: {  	v16 =	vadd.f32 v27, v16;
	v27 =	vsel vm3, v29, v8;
	v19 =	vadd.f32 v30, v19;
	v8 =	vld [tilespmem:s23+$0x8100]  }
0x90: {  	v30 =	vsel vm5, v29, v10;
	v24 =	vadd.f32 v31, v24;
	v21 =	vadd.f32 v46, v21;
	s29 =	rddreg [dreg:$0x3]  }
0x91: {  	v31 =	vsel vm13, v29, v17;
	v3 =	vadd.f32 v26, v1;
	v1 =	vadd.f32 v48, v5;
	s22 =	sadd.s32 $0x0, s29;
	v11 =	vld [tilespmem:s23+$0x8200]  }
0x92: {  	v2 =	vadd.f32 v50, v4;
	v17 =	vld [tilespmem:s23+$0x8280];
	v56 =	vor.u32 s22, v0;
	v10 =	vmul.f32 $1.442695020e+00, v51  }
0x93: {  	v9 =	vld [tilespmem:s23+$0x8180];
	v4 =	vmul.f32 $1.442695020e+00, v6;
	v5 =	vmul.f32 $1.442695020e+00, v7;
	vm0 =	vgt.f32 v51, v22  }
0x94: {  	v26 =	vmul.f32 $1.442695020e+00, v8;
	v22 =	vmax.f32 v22, v51;
	(erf) = vpow2.f32 v10;
	v10 =	vld [tilespmem:s23+$0x8300];
	s23 =	simm.s32 $0x1  }
0x95: {  	vm1 =	vgt.f32 v6, v20;
	v57 =	vmax.f32 v20, v6;
	(erf) = vpow2.f32 v4;
	s22 =	sand.u32 $0x7, s23  }
0x96: {  	v58 =	vmax.f32 v25, v7;
	v59 =	vmax.f32 v23, v8;
	(erf) = vpow2.f32 v5;
	s24 =	sshll.u32 s22, $0x4  }
0x97: {  	s25 =	simm.s32 $0x10;
	v20 =	vmul.f32 $1.442695020e+00, v11;
	v6 =	vmax.f32 v13, v17;
	vm2 =	vgt.f32 v7, v25;
	s22 =	simm.s32 $0x80;
	s23 =	sadd.s32 $0x80, s24  }
0x98: {  	vm3 =	vgt.f32 v8, v23;
	v4 =	vmul.f32 $1.442695020e+00, v9;
	(erf) = vpow2.f32 v26;
	s24 =	sand.u32 $0x70, s25;
	s26 =	sand.u32 $0x7C00, s22;
	s23 =	sor.u32 $0x380, s23  }
0x99: {  	vm4 =	vgt.f32 v9, v28;
	vm5 =	vgt.f32 v11, v15;
	v5 =	vmax.f32 v15, v11;
	s24 =	sor.u32 s24, s26;
	v15 =	vld [tilespmem:s23+$0x8000]  }
0x9a: {  	s28 =	rddreg [dreg:$0x3];
	vm14 =	vgt.f32 v17, v13;
	v7 =	vsel vm0, v56, v18;
	(erf) = vpow2.f32 v4;
	v32 =	vld [tilespmem:s24+$0x8180]  }
0x9b: {  	s29 =	sadd.s32 $0x10, s28;
	v8 =	vsel vm1, v56, v52;
	v13 =	vsel vm14, v56, v55;
	v26 =	vmul.f32 $1.442695020e+00, v17;
	v33 =	vld [tilespmem:s24+$0x8200]  }
0x9c: {  	v4 =	vmax.f32 v28, v9;
	v9 =	vsel vm2, v56, v53;
	v28 =	vor.u32 s29, v0;
	v34 =	vld [tilespmem:s24+$0x8280]  }
0x9d: {  	v29 =	vmax.f32 v12, v10;
	v60 =	vmul.f32 $1.442695020e+00, v10;
	(erf) = vpow2.f32 v20;
	v11 =	vpop (erf)  }
0x9e: {  	vm15 =	vgt.f32 v10, v12;
	(erf) = vpow2.f32 v26;
	v10 =	vpop (erf);
	v17 =	vadd.f32 v11, v14;
	v14 =	vld [tilespmem:s24+$0x8000]  }
0x9f: {  	v61 =	vld [tilespmem:s24+$0x8080];
	v20 =	vsel vm15, v56, v31;
	(erf) = vpow2.f32 v60;
	vm1 =	vgt.f32 v15, v22;
	v12 =	vpop (erf)  }
0xa0: {  	v31 =	vmul.f32 $1.442695020e+00, v32;
	v19 =	vadd.f32 v12, v19;
	v12 =	vsel vm5, v56, v30;
	v30 =	vld [tilespmem:s24+$0x8100]  }
0xa1: {  	v37 =	vld [tilespmem:s24+$0x8300];
	v62 =	vmul.f32 $1.442695020e+00, v33;
	v63 =	vmul.f32 $1.442695020e+00, v34;
	v18 =	vadd.f32 v10, v16;
	v16 =	vpop (erf)  }
0xa2: {  	v26 =	vadd.f32 v16, v24;
	v24 =	vmax.f32 v22, v15;
	v15 =	vmul.f32 $1.442695020e+00, v15  }
0xa3: {  	v16 =	vpop (erf);
	vm0 =	vgt.f32 v14, v57;
	v22 =	vmax.f32 v57, v14;
	v14 =	vmul.f32 $1.442695020e+00, v14  }
0xa4: {  	v23 =	vadd.f32 v16, v21;
	v21 =	vmul.f32 $1.442695020e+00, v61;
	(erf) = vpow2.f32 v15  }
0xa5: {  	v11 =	vsel vm4, v56, v54;
	v15 =	vmul.f32 $1.442695020e+00, v30;
	(erf) = vpow2.f32 v14  }
0xa6: {  	v39 =	vmul.f32 $1.442695020e+00, v37;
	v10 =	vsel vm3, v56, v27;
	(erf) = vpow2.f32 v21  }
0xa7: {  	v27 =	vmax.f32 v58, v61;
	vm3 =	vgt.f32 v61, v58;
	v35 =	vpop (erf);
	(erf) = vpow2.f32 v15  }
0xa8: {  	v16 =	vmax.f32 v4, v32;
	v36 =	vpop (erf);
	v25 =	vmax.f32 v59, v30;
	(erf) = vpow2.f32 v31  }
0xa9: {  	s24 =	simm.s32 $0x2;
	v38 =	vpop (erf);
	v14 =	vmax.f32 v5, v33;
	vm2 =	vgt.f32 v30, v59;
	(erf) = vpow2.f32 v62  }
0xaa: {  	s25 =	simm.s32 $0x30;
	s23 =	simm.s32 $0x20;
	s26 =	sand.u32 $0x7, s24;
	v21 =	vmax.f32 v29, v37;
	v30 =	vmovc v25;
	v15 =	vmax.f32 v6, v34;
	v31 =	vmovc v27;
	(erf) = vpow2.f32 v63  }
.LBB2_4:
0xab: {  	s26 =	sshll.u32 s26, $0x4;
	vm6 =	vgt.f32 v32, v4;
	s22 =	sadd.s32 $0x80, s22  }
0xac: {  	vm4 =	vgt.f32 v33, v5;
	vm7 =	vgt.f32 v34, v6;
	(erf) = vpow2.f32 v39;
	s26 =	sadd.s32 s26, s22  }
0xad: {  	s28 =	sand.u32 $0x70, s23;
	vm5 =	vgt.f32 v37, v29;
	v3 =	vadd.f32 v35, v3;
	v1 =	vadd.f32 v36, v1;
	s29 =	sand.u32 $0x7C00, s22;
	s26 =	sor.u32 $0x380, s26;
	v29 =	vpop (erf)  }
0xae: {  	v7 =	vsel vm1, v28, v7;
	v2 =	vadd.f32 v38, v2;
	s28 =	sor.u32 s28, s29;
	v57 =	vld [tilespmem:s26+$0x8000];
	v17 =	vadd.f32 v29, v17;
	v29 =	vpop (erf)  }
0xaf: {  	v8 =	vsel vm0, v28, v8;
	v9 =	vsel vm3, v28, v9;
	v58 =	vld [tilespmem:s28+$0x8000];
	v18 =	vadd.f32 v29, v18;
	v29 =	vpop (erf)  }
0xb0: {  	v10 =	vsel vm2, v28, v10;
	v11 =	vsel vm6, v28, v11;
	s29 =	rddreg [dreg:$0x3];
	v40 =	vld [tilespmem:s28+$0x8080];
	v19 =	vadd.f32 v29, v19;
	v29 =	vpop (erf)  }
0xb1: {  	v12 =	vsel vm4, v28, v12;
	v13 =	vsel vm7, v28, v13;
	v20 =	vsel vm5, v28, v20;
	s29 =	sadd.s32 s23, s29;
	v41 =	vld [tilespmem:s28+$0x8100];
	v59 =	vpop (erf)  }
0xb2: {  	v32 =	vld [tilespmem:s28+$0x8180];
	v28 =	vor.u32 s29, v0;
	v26 =	vadd.f32 v29, v26;
	v23 =	vadd.f32 v59, v23  }
0xb3: {  	v33 =	vld [tilespmem:s28+$0x8200];
	v35 =	vpop (erf);
	vm1 =	vgt.f32 v57, v24;
	v24 =	vmax.f32 v24, v57;
	v60 =	vmul.f32 $1.442695020e+00, v57  }
0xb4: {  	v34 =	vld [tilespmem:s28+$0x8280];
	v36 =	vpop (erf);
	vm0 =	vgt.f32 v58, v22;
	v22 =	vmax.f32 v22, v58;
	v42 =	vmul.f32 $1.442695020e+00, v58  }
0xb5: {  	v37 =	vld [tilespmem:s28+$0x8300];
	v27 =	vmax.f32 v27, v40;
	v43 =	vmul.f32 $1.442695020e+00, v40;
	v38 =	vpop (erf);
	(erf) = vpow2.f32 v60  }
0xb6: {  	p0 =	sne.s32 s25, $0xFF0;
	v25 =	vmax.f32 v25, v41;
	v61 =	vmul.f32 $1.442695020e+00, v41;
	(erf) = vpow2.f32 v42  }
.Ltmp1:
0xb7: {  	v4 =	vmovc v16;
	v16 =	vmax.f32 v16, v32;
	v62 =	vmul.f32 $1.442695020e+00, v32;
	(erf) = vpow2.f32 v43;
	(pc) =	sbr.rel @p0 .LBB2_4-.Ltmp1, $4  }
0xb8: {  	v5 =	vmovc v14;
	v14 =	vmax.f32 v14, v33;
	v63 =	vmul.f32 $1.442695020e+00, v33;
	(erf) = vpow2.f32 v61  }
0xb9: {  	v6 =	vmovc v15;
	v15 =	vmax.f32 v15, v34;
	v44 =	vmul.f32 $1.442695020e+00, v34;
	(erf) = vpow2.f32 v62  }
0xba: {  	s24 =	sadd.s32 $0x1, s24;
	v29 =	vmovc v21;
	v21 =	vmax.f32 v21, v37;
	v39 =	vmul.f32 $1.442695020e+00, v37;
	(erf) = vpow2.f32 v63  }
0xbb: {  	s23 =	smov.u32 s25;
	s26 =	sand.u32 $0x7, s24;
	s25 =	sadd.s32 $0x10, s25;
	vm3 =	vgt.f32 v40, v31;
	vm2 =	vgt.f32 v41, v30;
	v31 =	vmovc v27;
	v30 =	vmovc v25;
	(erf) = vpow2.f32 v44  }
0xbc: {  	s24 =	sshll.u32 s26, $0x4;
	s22 =	sadd.s32 $0x80, s22  }
0xbd: {  	s24 =	sadd.s32 s24, s22  }
0xbe: {  	s24 =	sor.u32 $0x380, s24  }
0xbf: {  	s25 =	sand.u32 $0x70, s23;
	s22 =	sand.u32 $0x7C00, s22;
	v40 =	vld [tilespmem:s24+$0x8000]  }
0xc0: {  	s22 =	sor.u32 s25, s22  }
0xc1: {  	v41 =	vld [tilespmem:s22+$0x8000]  }
0xc2: {  	v42 =	vld [tilespmem:s22+$0x8080]  }
0xc3: {  	v43 =	vld [tilespmem:s22+$0x8100]  }
0xc4: {  	v44 =	vld [tilespmem:s22+$0x8180];
	v46 =	vmul.f32 $1.442695020e+00, v40  }
0xc5: {  	v45 =	vld [tilespmem:s22+$0x8200]  }
0xc6: {  	(erf) = vpow2.f32 v39;
	v47 =	vld [tilespmem:s22+$0x8280];
	v56 =	vmul.f32 $1.442695020e+00, v41  }
0xc7: {  	v49 =	vld [tilespmem:s22+$0x8300];
	v48 =	vmul.f32 $1.442695020e+00, v42;
	(erf) = vpow2.f32 v46  }
0xc8: {  	v50 =	vmul.f32 $1.442695020e+00, v43;
	v46 =	vpop (erf);
	(erf) = vpow2.f32 v56  }
0xc9: {  	v51 =	vmul.f32 $1.442695020e+00, v44;
	v57 =	vpop (erf);
	(erf) = vpow2.f32 v48  }
0xca: {  	v52 =	vmul.f32 $1.442695020e+00, v45;
	v58 =	vpop (erf);
	(erf) = vpow2.f32 v50  }
0xcb: {  	v53 =	vmul.f32 $1.442695020e+00, v47;
	v59 =	vpop (erf);
	(erf) = vpow2.f32 v51  }
0xcc: {  	v54 =	vmul.f32 $1.442695020e+00, v49;
	v60 =	vpop (erf);
	(erf) = vpow2.f32 v52  }
0xcd: {  	v61 =	vpop (erf);
	(erf) = vpow2.f32 v53  }
0xce: {  	v62 =	vpop (erf);
	(erf) = vpow2.f32 v54  }
0xcf: {  	vm4 =	vgt.f32 v32, v4;
	vm5 =	vgt.f32 v33, v5;
	vm6 =	vgt.f32 v34, v6;
	v63 =	vpop (erf)  }
0xd0: {  	v3 =	vadd.f32 v35, v3;
	vm7 =	vgt.f32 v37, v29;
	v1 =	vadd.f32 v36, v1;
	v4 =	vpop (erf)  }
0xd1: {  	v2 =	vadd.f32 v38, v2;
	v7 =	vsel vm1, v28, v7;
	v8 =	vsel vm0, v28, v8;
	v5 =	vpop (erf)  }
0xd2: {  	v9 =	vsel vm3, v28, v9;
	v6 =	vadd.f32 v46, v17;
	v17 =	vadd.f32 v57, v18;
	v18 =	vpop (erf)  }
0xd3: {  	v10 =	vsel vm2, v28, v10;
	v11 =	vsel vm4, v28, v11;
	v12 =	vsel vm5, v28, v12;
	v29 =	vpop (erf)  }
0xd4: {  	v13 =	vsel vm6, v28, v13;
	v20 =	vsel vm7, v28, v20;
	s24 =	rddreg [dreg:$0x3];
	vm0 =	vgt.f32 v40, v24;
	v46 =	vpop (erf)  }
0xd5: {  	s25 =	simm.s32 $0x0;
	s22 =	sadd.s32 s23, s24;
	v24 =	vmax.f32 v24, v40;
	vm1 =	vgt.f32 v41, v22;
	v22 =	vmax.f32 v22, v41;
	v28 =	vpop (erf)  }
0xd6: {  	[tilespmem:s16], [sflag:$0x2] =	stream.linear.gather [hbm4b:s0+s25], $0x8000, $0x38;
	v27 =	vmax.f32 v27, v42;
	vm2 =	vgt.f32 v42, v31;
	v31 =	vor.u32 s22, v0;
	v48 =	vpop (erf);
	[tilespmem:$0x10080] =	vst v63  }
0xd7: {  	s26 =	sand.u32 $0x7, s25;
	v25 =	vmax.f32 v25, v43;
	vm3 =	vgt.f32 v43, v30;
	v30 =	vmax.f32 v16, v44;
	v50 =	vpop (erf)  }
0xd8: {  	vm4 =	vgt.f32 v44, v16;
	s22 =	sshll.u32 s26, $0x4;
	v16 =	vmax.f32 v14, v45;
	vm5 =	vgt.f32 v45, v14;
	_ =	swait.ge [sflag:s17], $0x8000  }
0xd9: {  	s28 =	sand.u32 $0x70, s25;
	v14 =	vmax.f32 v15, v47;
	vm12 =	vgt.f32 v47, v15;
	v15 =	vmax.f32 v21, v49;
	s22 =	sadd.s32 $0x0, s22;
	[sflag:s17] =	ssyncset.done $0x0  }
0xda: {  	s23 =	sand.u32 $0x7C00, s25;
	vm13 =	vgt.f32 v49, v21;
	v7 =	vsel vm0, v31, v7;
	v8 =	vsel vm1, v31, v8;
	s22 =	sor.u32 $0x380, s22;
	[sflag:s17] =	ssyncadd.s32 $0xFFFF8000  }
0xdb: {  	s23 =	sor.u32 s28, s23;
	v9 =	vsel vm2, v31, v9;
	v19 =	vadd.f32 v58, v19;
	v26 =	vadd.f32 v59, v26;
	v21 =	vld [tilespmem:s22+$0x0]  }
0xdc: {  	v10 =	vsel vm3, v31, v10;
	v23 =	vadd.f32 v60, v23;
	v3 =	vadd.f32 v61, v3;
	v51 =	vld [tilespmem:s23+$0x0]  }
0xdd: {  	v11 =	vsel vm4, v31, v11;
	v1 =	vadd.f32 v62, v1;
	v53 =	vadd.f32 v5, v17;
	v17 =	vld [tilespmem:s23+$0x80]  }
0xde: {  	v12 =	vsel vm5, v31, v12;
	v2 =	vadd.f32 v63, v2;
	v19 =	vadd.f32 v18, v19;
	v18 =	vld [tilespmem:s23+$0x100]  }
0xdf: {  	v13 =	vsel vm12, v31, v13;
	v52 =	vadd.f32 v4, v6;
	v3 =	vadd.f32 v28, v3;
	v28 =	vld [tilespmem:s23+$0x200]  }
0xe0: {  	v20 =	vsel vm13, v31, v20;
	v26 =	vadd.f32 v29, v26;
	v23 =	vadd.f32 v46, v23;
	s29 =	rddreg [dreg:$0x4];
	v55 =	vld [tilespmem:s23+$0x280]  }
0xe1: {  	v1 =	vadd.f32 v48, v1;
	v2 =	vadd.f32 v50, v2;
	s22 =	sadd.s32 $0x0, s29;
	v56 =	vld [tilespmem:s23+$0x300];
	v4 =	vmul.f32 $1.442695020e+00, v21  }
0xe2: {  	v31 =	vld [tilespmem:s23+$0x180];
	s23 =	simm.s32 $0x1;
	v54 =	vor.u32 s22, v0;
	v5 =	vmul.f32 $1.442695020e+00, v51;
	v6 =	vmul.f32 $1.442695020e+00, v17  }
0xe3: {  	s22 =	sand.u32 $0x7, s23;
	vm0 =	vgt.f32 v21, v24;
	v21 =	vmax.f32 v24, v21;
	vm1 =	vgt.f32 v51, v22  }
0xe4: {  	s24 =	sshll.u32 s22, $0x4;
	v22 =	vmax.f32 v22, v51;
	v57 =	vmax.f32 v27, v17;
	(erf) = vpow2.f32 v4  }
0xe5: {  	s25 =	simm.s32 $0x10;
	s22 =	simm.s32 $0x80;
	s23 =	sadd.s32 $0x80, s24;
	v58 =	vmax.f32 v25, v18;
	v24 =	vmul.f32 $1.442695020e+00, v28;
	v59 =	vmul.f32 $1.442695020e+00, v55  }
0xe6: {  	s24 =	sand.u32 $0x70, s25;
	s26 =	sand.u32 $0x7C00, s22;
	s23 =	sor.u32 $0x380, s23;
	v29 =	vmax.f32 v15, v56;
	v60 =	vmul.f32 $1.442695020e+00, v56;
	vm2 =	vgt.f32 v17, v27  }
0xe7: {  	s24 =	sor.u32 s24, s26;
	vm3 =	vgt.f32 v18, v25;
	vm4 =	vgt.f32 v31, v30;
	vm15 =	vgt.f32 v56, v15;
	v15 =	vld [tilespmem:s23+$0x0]  }
0xe8: {  	vm5 =	vgt.f32 v28, v16;
	vm14 =	vgt.f32 v55, v14;
	v32 =	vld [tilespmem:s24+$0x180];
	(erf) = vpow2.f32 v5  }
0xe9: {  	v33 =	vld [tilespmem:s24+$0x200];
	v7 =	vsel vm0, v54, v7;
	v8 =	vsel vm1, v54, v8;
	v4 =	vmul.f32 $1.442695020e+00, v18  }
0xea: {  	v34 =	vld [tilespmem:s24+$0x280];
	v9 =	vsel vm2, v54, v9;
	v10 =	vsel vm3, v54, v10;
	(erf) = vpow2.f32 v6  }
0xeb: {  	v37 =	vld [tilespmem:s24+$0x300];
	v11 =	vsel vm4, v54, v11;
	v12 =	vsel vm5, v54, v12;
	(erf) = vpow2.f32 v4  }
0xec: {  	v13 =	vsel vm14, v54, v13;
	v20 =	vsel vm15, v54, v20;
	v5 =	vmul.f32 $1.442695020e+00, v31  }
0xed: {  	v6 =	vmax.f32 v14, v55;
	v4 =	vmax.f32 v30, v31;
	v30 =	vld [tilespmem:s24+$0x80];
	v61 =	vmul.f32 $1.442695020e+00, v32;
	v14 =	vpop (erf)  }
0xee: {  	v62 =	vmul.f32 $1.442695020e+00, v33;
	(erf) = vpow2.f32 v5;
	v17 =	vadd.f32 v14, v52;
	v14 =	vld [tilespmem:s24+$0x0]  }
0xef: {  	s28 =	rddreg [dreg:$0x4];
	vm1 =	vgt.f32 v15, v21;
	v63 =	vmul.f32 $1.442695020e+00, v34;
	(erf) = vpow2.f32 v24  }
0xf0: {  	s29 =	sadd.s32 $0x10, s28;
	v31 =	vld [tilespmem:s24+$0x100];
	v39 =	vmul.f32 $1.442695020e+00, v37;
	v5 =	vmax.f32 v16, v28;
	(erf) = vpow2.f32 v59  }
0xf1: {  	v28 =	vor.u32 s29, v0;
	v24 =	vmax.f32 v21, v15;
	(erf) = vpow2.f32 v60;
	v16 =	vpop (erf)  }
0xf2: {  	v15 =	vmul.f32 $1.442695020e+00, v15;
	v27 =	vmax.f32 v57, v30;
	v18 =	vadd.f32 v16, v53  }
0xf3: {  	v16 =	vpop (erf);
	vm0 =	vgt.f32 v14, v22;
	v22 =	vmax.f32 v22, v14;
	v14 =	vmul.f32 $1.442695020e+00, v14  }
0xf4: {  	v21 =	vmul.f32 $1.442695020e+00, v30;
	v19 =	vadd.f32 v16, v19;
	v16 =	vpop (erf);
	(erf) = vpow2.f32 v15  }
0xf5: {  	v25 =	vmax.f32 v58, v31;
	v15 =	vmul.f32 $1.442695020e+00, v31;
	(erf) = vpow2.f32 v14  }
0xf6: {  	vm3 =	vgt.f32 v30, v57;
	vm2 =	vgt.f32 v31, v58;
	(erf) = vpow2.f32 v21  }
0xf7: {  	v30 =	vmov v25;
	v26 =	vadd.f32 v16, v26;
	v16 =	vpop (erf);
	(erf) = vpow2.f32 v15  }
0xf8: {  	v31 =	vmov v27;
	v23 =	vadd.f32 v16, v23;
	v35 =	vpop (erf);
	(erf) = vpow2.f32 v61  }
0xf9: {  	s24 =	simm.s32 $0x2;
	v16 =	vmax.f32 v4, v32;
	v36 =	vpop (erf);
	v14 =	vmax.f32 v5, v33;
	(erf) = vpow2.f32 v62  }
0xfa: {  	s25 =	simm.s32 $0x30;
	s23 =	simm.s32 $0x20;
	s26 =	sand.u32 $0x7, s24;
	v38 =	vpop (erf);
	v21 =	vmax.f32 v29, v37;
	v15 =	vmax.f32 v6, v34;
	(erf) = vpow2.f32 v63  }
.LBB2_6:
0xfb: {  	s26 =	sshll.u32 s26, $0x4;
	vm6 =	vgt.f32 v32, v4;
	s22 =	sadd.s32 $0x80, s22  }
0xfc: {  	vm4 =	vgt.f32 v33, v5;
	vm7 =	vgt.f32 v34, v6;
	(erf) = vpow2.f32 v39;
	s26 =	sadd.s32 s26, s22  }
0xfd: {  	s28 =	sand.u32 $0x70, s23;
	vm5 =	vgt.f32 v37, v29;
	v3 =	vadd.f32 v35, v3;
	v1 =	vadd.f32 v36, v1;
	s29 =	sand.u32 $0x7C00, s22;
	s26 =	sor.u32 $0x380, s26;
	v29 =	vpop (erf)  }
0xfe: {  	v7 =	vsel vm1, v28, v7;
	v2 =	vadd.f32 v38, v2;
	s28 =	sor.u32 s28, s29;
	v57 =	vld [tilespmem:s26+$0x0];
	v17 =	vadd.f32 v29, v17;
	v29 =	vpop (erf)  }
0xff: {  	v8 =	vsel vm0, v28, v8;
	v9 =	vsel vm3, v28, v9;
	v58 =	vld [tilespmem:s28+$0x0];
	v18 =	vadd.f32 v29, v18;
	v29 =	vpop (erf)  }
0x100: {  	v10 =	vsel vm2, v28, v10;
	v11 =	vsel vm6, v28, v11;
	s29 =	rddreg [dreg:$0x4];
	v40 =	vld [tilespmem:s28+$0x80];
	v19 =	vadd.f32 v29, v19;
	v29 =	vpop (erf)  }
0x101: {  	v12 =	vsel vm4, v28, v12;
	v13 =	vsel vm7, v28, v13;
	v20 =	vsel vm5, v28, v20;
	s29 =	sadd.s32 s23, s29;
	v41 =	vld [tilespmem:s28+$0x100];
	v59 =	vpop (erf)  }
0x102: {  	v32 =	vld [tilespmem:s28+$0x180];
	v28 =	vor.u32 s29, v0;
	v26 =	vadd.f32 v29, v26;
	v23 =	vadd.f32 v59, v23  }
0x103: {  	v33 =	vld [tilespmem:s28+$0x200];
	v35 =	vpop (erf);
	vm1 =	vgt.f32 v57, v24;
	v24 =	vmax.f32 v24, v57;
	v60 =	vmul.f32 $1.442695020e+00, v57  }
0x104: {  	v34 =	vld [tilespmem:s28+$0x280];
	v36 =	vpop (erf);
	vm0 =	vgt.f32 v58, v22;
	v22 =	vmax.f32 v22, v58;
	v42 =	vmul.f32 $1.442695020e+00, v58  }
0x105: {  	v37 =	vld [tilespmem:s28+$0x300];
	v27 =	vmax.f32 v27, v40;
	v43 =	vmul.f32 $1.442695020e+00, v40;
	v38 =	vpop (erf);
	(erf) = vpow2.f32 v60  }
0x106: {  	p0 =	sne.s32 s25, $0xFF0;
	v25 =	vmax.f32 v25, v41;
	v61 =	vmul.f32 $1.442695020e+00, v41;
	(erf) = vpow2.f32 v42  }
.Ltmp2:
0x107: {  	v4 =	vmovc v16;
	v16 =	vmax.f32 v16, v32;
	v62 =	vmul.f32 $1.442695020e+00, v32;
	(erf) = vpow2.f32 v43;
	(pc) =	sbr.rel @p0 .LBB2_6-.Ltmp2, $4  }
0x108: {  	v5 =	vmovc v14;
	v14 =	vmax.f32 v14, v33;
	v63 =	vmul.f32 $1.442695020e+00, v33;
	(erf) = vpow2.f32 v61  }
0x109: {  	v6 =	vmovc v15;
	v15 =	vmax.f32 v15, v34;
	v44 =	vmul.f32 $1.442695020e+00, v34;
	(erf) = vpow2.f32 v62  }
0x10a: {  	s24 =	sadd.s32 $0x1, s24;
	v29 =	vmovc v21;
	v21 =	vmax.f32 v21, v37;
	v39 =	vmul.f32 $1.442695020e+00, v37;
	(erf) = vpow2.f32 v63  }
0x10b: {  	s23 =	smov.u32 s25;
	s26 =	sand.u32 $0x7, s24;
	s25 =	sadd.s32 $0x10, s25;
	vm3 =	vgt.f32 v40, v31;
	vm2 =	vgt.f32 v41, v30;
	v31 =	vmovc v27;
	v30 =	vmovc v25;
	(erf) = vpow2.f32 v44  }
0x10c: {  	s24 =	sshll.u32 s26, $0x4;
	s22 =	sadd.s32 $0x80, s22  }
0x10d: {  	s24 =	sadd.s32 s24, s22  }
0x10e: {  	s24 =	sor.u32 $0x380, s24  }
0x10f: {  	s25 =	sand.u32 $0x70, s23;
	s22 =	sand.u32 $0x7C00, s22;
	v40 =	vld [tilespmem:s24+$0x0]  }
0x110: {  	s22 =	sor.u32 s25, s22  }
0x111: {  	v41 =	vld [tilespmem:s22+$0x0]  }
0x112: {  	v42 =	vld [tilespmem:s22+$0x80]  }
0x113: {  	v43 =	vld [tilespmem:s22+$0x100]  }
0x114: {  	v44 =	vld [tilespmem:s22+$0x180];
	v46 =	vmul.f32 $1.442695020e+00, v40  }
0x115: {  	v45 =	vld [tilespmem:s22+$0x200]  }
0x116: {  	(erf) = vpow2.f32 v39;
	v47 =	vld [tilespmem:s22+$0x280];
	v56 =	vmul.f32 $1.442695020e+00, v41  }
0x117: {  	v49 =	vld [tilespmem:s22+$0x300];
	v48 =	vmul.f32 $1.442695020e+00, v42;
	(erf) = vpow2.f32 v46  }
0x118: {  	v50 =	vmul.f32 $1.442695020e+00, v43;
	v46 =	vpop (erf);
	(erf) = vpow2.f32 v56  }
0x119: {  	v51 =	vmul.f32 $1.442695020e+00, v44;
	v57 =	vpop (erf);
	(erf) = vpow2.f32 v48  }
0x11a: {  	v52 =	vmul.f32 $1.442695020e+00, v45;
	v58 =	vpop (erf);
	(erf) = vpow2.f32 v50  }
0x11b: {  	v53 =	vmul.f32 $1.442695020e+00, v47;
	v59 =	vpop (erf);
	(erf) = vpow2.f32 v51  }
0x11c: {  	v54 =	vmul.f32 $1.442695020e+00, v49;
	v60 =	vpop (erf);
	(erf) = vpow2.f32 v52  }
0x11d: {  	v61 =	vpop (erf);
	(erf) = vpow2.f32 v53  }
0x11e: {  	v62 =	vpop (erf);
	(erf) = vpow2.f32 v54  }
0x11f: {  	vm4 =	vgt.f32 v32, v4;
	vm5 =	vgt.f32 v33, v5;
	vm6 =	vgt.f32 v34, v6;
	v63 =	vpop (erf)  }
0x120: {  	v3 =	vadd.f32 v35, v3;
	vm7 =	vgt.f32 v37, v29;
	v1 =	vadd.f32 v36, v1;
	v4 =	vpop (erf)  }
0x121: {  	v2 =	vadd.f32 v38, v2;
	v7 =	vsel vm1, v28, v7;
	v8 =	vsel vm0, v28, v8;
	v5 =	vpop (erf)  }
0x122: {  	v9 =	vsel vm3, v28, v9;
	v6 =	vadd.f32 v46, v17;
	v17 =	vadd.f32 v57, v18;
	v18 =	vpop (erf)  }
0x123: {  	v10 =	vsel vm2, v28, v10;
	v11 =	vsel vm4, v28, v11;
	v12 =	vsel vm5, v28, v12;
	v29 =	vpop (erf)  }
0x124: {  	v13 =	vsel vm6, v28, v13;
	v20 =	vsel vm7, v28, v20;
	s24 =	rddreg [dreg:$0x4];
	vm0 =	vgt.f32 v40, v24;
	v46 =	vpop (erf)  }
0x125: {  	s25 =	simm.s32 $0x0;
	s22 =	sadd.s32 s23, s24;
	v24 =	vmax.f32 v24, v40;
	vm1 =	vgt.f32 v41, v22;
	v22 =	vmax.f32 v22, v41;
	v28 =	vpop (erf)  }
0x126: {  	[tilespmem:s25], [sflag:$0x1] =	stream.linear.gather [hbm4b:s1+s25], $0x8000, $0x38;
	v27 =	vmax.f32 v27, v42;
	vm2 =	vgt.f32 v42, v31;
	v31 =	vor.u32 s22, v0;
	v48 =	vpop (erf);
	[tilespmem:$0x10080] =	vst v63  }
0x127: {  	s26 =	sand.u32 $0x7, s25;
	v25 =	vmax.f32 v25, v43;
	vm3 =	vgt.f32 v43, v30;
	v30 =	vmax.f32 v16, v44;
	v50 =	vpop (erf)  }
0x128: {  	vm4 =	vgt.f32 v44, v16;
	s22 =	sshll.u32 s26, $0x4;
	v16 =	vmax.f32 v14, v45;
	vm5 =	vgt.f32 v45, v14;
	_ =	swait.ge [sflag:s18], $0x8000  }
0x129: {  	s28 =	sand.u32 $0x70, s25;
	v14 =	vmax.f32 v15, v47;
	vm12 =	vgt.f32 v47, v15;
	v15 =	vmax.f32 v21, v49;
	s22 =	sadd.s32 $0x0, s22;
	[sflag:s18] =	ssyncset.done $0x0  }
0x12a: {  	s23 =	sand.u32 $0x7C00, s25;
	vm13 =	vgt.f32 v49, v21;
	v7 =	vsel vm0, v31, v7;
	v8 =	vsel vm1, v31, v8;
	s22 =	sor.u32 $0x380, s22;
	[sflag:s18] =	ssyncadd.s32 $0xFFFF8000  }
0x12b: {  	s23 =	sor.u32 s28, s23;
	v9 =	vsel vm2, v31, v9;
	v19 =	vadd.f32 v58, v19;
	v26 =	vadd.f32 v59, v26;
	v21 =	vld [tilespmem:s22+$0x8000]  }
0x12c: {  	v10 =	vsel vm3, v31, v10;
	v23 =	vadd.f32 v60, v23;
	v3 =	vadd.f32 v61, v3;
	v51 =	vld [tilespmem:s23+$0x8000]  }
0x12d: {  	v11 =	vsel vm4, v31, v11;
	v1 =	vadd.f32 v62, v1;
	v53 =	vadd.f32 v5, v17;
	v17 =	vld [tilespmem:s23+$0x8080]  }
0x12e: {  	v12 =	vsel vm5, v31, v12;
	v2 =	vadd.f32 v63, v2;
	v19 =	vadd.f32 v18, v19;
	v18 =	vld [tilespmem:s23+$0x8100]  }
0x12f: {  	v13 =	vsel vm12, v31, v13;
	v52 =	vadd.f32 v4, v6;
	v3 =	vadd.f32 v28, v3;
	v28 =	vld [tilespmem:s23+$0x8200]  }
0x130: {  	v20 =	vsel vm13, v31, v20;
	v26 =	vadd.f32 v29, v26;
	v23 =	vadd.f32 v46, v23;
	s29 =	rddreg [dreg:$0x5];
	v55 =	vld [tilespmem:s23+$0x8280]  }
0x131: {  	v1 =	vadd.f32 v48, v1;
	v2 =	vadd.f32 v50, v2;
	s22 =	sadd.s32 $0x0, s29;
	v56 =	vld [tilespmem:s23+$0x8300];
	v4 =	vmul.f32 $1.442695020e+00, v21  }
0x132: {  	v31 =	vld [tilespmem:s23+$0x8180];
	s23 =	simm.s32 $0x1;
	v54 =	vor.u32 s22, v0;
	v5 =	vmul.f32 $1.442695020e+00, v51;
	v6 =	vmul.f32 $1.442695020e+00, v17  }
0x133: {  	s22 =	sand.u32 $0x7, s23;
	vm0 =	vgt.f32 v21, v24;
	v21 =	vmax.f32 v24, v21;
	vm1 =	vgt.f32 v51, v22  }
0x134: {  	s24 =	sshll.u32 s22, $0x4;
	v22 =	vmax.f32 v22, v51;
	v57 =	vmax.f32 v27, v17;
	(erf) = vpow2.f32 v4  }
0x135: {  	s25 =	simm.s32 $0x10;
	s22 =	simm.s32 $0x80;
	s23 =	sadd.s32 $0x80, s24;
	v58 =	vmax.f32 v25, v18;
	v24 =	vmul.f32 $1.442695020e+00, v28;
	v59 =	vmul.f32 $1.442695020e+00, v55  }
0x136: {  	s24 =	sand.u32 $0x70, s25;
	s26 =	sand.u32 $0x7C00, s22;
	s23 =	sor.u32 $0x380, s23;
	v29 =	vmax.f32 v15, v56;
	v60 =	vmul.f32 $1.442695020e+00, v56;
	vm2 =	vgt.f32 v17, v27  }
0x137: {  	s24 =	sor.u32 s24, s26;
	vm3 =	vgt.f32 v18, v25;
	vm4 =	vgt.f32 v31, v30;
	vm15 =	vgt.f32 v56, v15;
	v15 =	vld [tilespmem:s23+$0x8000]  }
0x138: {  	vm5 =	vgt.f32 v28, v16;
	vm14 =	vgt.f32 v55, v14;
	v32 =	vld [tilespmem:s24+$0x8180];
	(erf) = vpow2.f32 v5  }
0x139: {  	v33 =	vld [tilespmem:s24+$0x8200];
	v7 =	vsel vm0, v54, v7;
	v8 =	vsel vm1, v54, v8;
	v4 =	vmul.f32 $1.442695020e+00, v18  }
0x13a: {  	v34 =	vld [tilespmem:s24+$0x8280];
	v9 =	vsel vm2, v54, v9;
	v10 =	vsel vm3, v54, v10;
	(erf) = vpow2.f32 v6  }
0x13b: {  	v37 =	vld [tilespmem:s24+$0x8300];
	v11 =	vsel vm4, v54, v11;
	v12 =	vsel vm5, v54, v12;
	(erf) = vpow2.f32 v4  }
0x13c: {  	v13 =	vsel vm14, v54, v13;
	v20 =	vsel vm15, v54, v20;
	v5 =	vmul.f32 $1.442695020e+00, v31  }
0x13d: {  	v6 =	vmax.f32 v14, v55;
	v4 =	vmax.f32 v30, v31;
	v30 =	vld [tilespmem:s24+$0x8080];
	v61 =	vmul.f32 $1.442695020e+00, v32;
	v14 =	vpop (erf)  }
0x13e: {  	v62 =	vmul.f32 $1.442695020e+00, v33;
	(erf) = vpow2.f32 v5;
	v17 =	vadd.f32 v14, v52;
	v14 =	vld [tilespmem:s24+$0x8000]  }
0x13f: {  	s28 =	rddreg [dreg:$0x5];
	vm1 =	vgt.f32 v15, v21;
	v63 =	vmul.f32 $1.442695020e+00, v34;
	(erf) = vpow2.f32 v24  }
0x140: {  	s29 =	sadd.s32 $0x10, s28;
	v31 =	vld [tilespmem:s24+$0x8100];
	v39 =	vmul.f32 $1.442695020e+00, v37;
	v5 =	vmax.f32 v16, v28;
	(erf) = vpow2.f32 v59  }
0x141: {  	v28 =	vor.u32 s29, v0;
	v24 =	vmax.f32 v21, v15;
	(erf) = vpow2.f32 v60;
	v16 =	vpop (erf)  }
0x142: {  	v15 =	vmul.f32 $1.442695020e+00, v15;
	v27 =	vmax.f32 v57, v30;
	v18 =	vadd.f32 v16, v53  }
0x143: {  	v16 =	vpop (erf);
	vm0 =	vgt.f32 v14, v22;
	v22 =	vmax.f32 v22, v14;
	v14 =	vmul.f32 $1.442695020e+00, v14  }
0x144: {  	v21 =	vmul.f32 $1.442695020e+00, v30;
	v19 =	vadd.f32 v16, v19;
	v16 =	vpop (erf);
	(erf) = vpow2.f32 v15  }
0x145: {  	v25 =	vmax.f32 v58, v31;
	v15 =	vmul.f32 $1.442695020e+00, v31;
	(erf) = vpow2.f32 v14  }
0x146: {  	vm3 =	vgt.f32 v30, v57;
	vm2 =	vgt.f32 v31, v58;
	(erf) = vpow2.f32 v21  }
0x147: {  	v30 =	vmov v25;
	v26 =	vadd.f32 v16, v26;
	v16 =	vpop (erf);
	(erf) = vpow2.f32 v15  }
0x148: {  	v31 =	vmov v27;
	v23 =	vadd.f32 v16, v23;
	v35 =	vpop (erf);
	(erf) = vpow2.f32 v61  }
0x149: {  	s24 =	simm.s32 $0x2;
	v16 =	vmax.f32 v4, v32;
	v36 =	vpop (erf);
	v14 =	vmax.f32 v5, v33;
	(erf) = vpow2.f32 v62  }
0x14a: {  	s25 =	simm.s32 $0x30;
	s23 =	simm.s32 $0x20;
	s26 =	sand.u32 $0x7, s24;
	v38 =	vpop (erf);
	v21 =	vmax.f32 v29, v37;
	v15 =	vmax.f32 v6, v34;
	(erf) = vpow2.f32 v63  }
.LBB2_8:
0x14b: {  	s26 =	sshll.u32 s26, $0x4;
	vm6 =	vgt.f32 v32, v4;
	s22 =	sadd.s32 $0x80, s22  }
0x14c: {  	vm4 =	vgt.f32 v33, v5;
	vm7 =	vgt.f32 v34, v6;
	(erf) = vpow2.f32 v39;
	s26 =	sadd.s32 s26, s22  }
0x14d: {  	s28 =	sand.u32 $0x70, s23;
	vm5 =	vgt.f32 v37, v29;
	v3 =	vadd.f32 v35, v3;
	v1 =	vadd.f32 v36, v1;
	s29 =	sand.u32 $0x7C00, s22;
	s26 =	sor.u32 $0x380, s26;
	v29 =	vpop (erf)  }
0x14e: {  	v7 =	vsel vm1, v28, v7;
	v2 =	vadd.f32 v38, v2;
	s28 =	sor.u32 s28, s29;
	v57 =	vld [tilespmem:s26+$0x8000];
	v17 =	vadd.f32 v29, v17;
	v29 =	vpop (erf)  }
0x14f: {  	v8 =	vsel vm0, v28, v8;
	v9 =	vsel vm3, v28, v9;
	v58 =	vld [tilespmem:s28+$0x8000];
	v18 =	vadd.f32 v29, v18;
	v29 =	vpop (erf)  }
0x150: {  	v10 =	vsel vm2, v28, v10;
	v11 =	vsel vm6, v28, v11;
	s29 =	rddreg [dreg:$0x5];
	v40 =	vld [tilespmem:s28+$0x8080];
	v19 =	vadd.f32 v29, v19;
	v29 =	vpop (erf)  }
0x151: {  	v12 =	vsel vm4, v28, v12;
	v13 =	vsel vm7, v28, v13;
	v20 =	vsel vm5, v28, v20;
	s29 =	sadd.s32 s23, s29;
	v41 =	vld [tilespmem:s28+$0x8100];
	v59 =	vpop (erf)  }
0x152: {  	v32 =	vld [tilespmem:s28+$0x8180];
	v28 =	vor.u32 s29, v0;
	v26 =	vadd.f32 v29, v26;
	v23 =	vadd.f32 v59, v23  }
0x153: {  	v33 =	vld [tilespmem:s28+$0x8200];
	v35 =	vpop (erf);
	vm1 =	vgt.f32 v57, v24;
	v24 =	vmax.f32 v24, v57;
	v60 =	vmul.f32 $1.442695020e+00, v57  }
0x154: {  	v34 =	vld [tilespmem:s28+$0x8280];
	v36 =	vpop (erf);
	vm0 =	vgt.f32 v58, v22;
	v22 =	vmax.f32 v22, v58;
	v42 =	vmul.f32 $1.442695020e+00, v58  }
0x155: {  	v37 =	vld [tilespmem:s28+$0x8300];
	v27 =	vmax.f32 v27, v40;
	v43 =	vmul.f32 $1.442695020e+00, v40;
	v38 =	vpop (erf);
	(erf) = vpow2.f32 v60  }
0x156: {  	p0 =	sne.s32 s25, $0xFF0;
	v25 =	vmax.f32 v25, v41;
	v61 =	vmul.f32 $1.442695020e+00, v41;
	(erf) = vpow2.f32 v42  }
.Ltmp3:
0x157: {  	v4 =	vmovc v16;
	v16 =	vmax.f32 v16, v32;
	v62 =	vmul.f32 $1.442695020e+00, v32;
	(erf) = vpow2.f32 v43;
	(pc) =	sbr.rel @p0 .LBB2_8-.Ltmp3, $4  }
0x158: {  	v5 =	vmovc v14;
	v14 =	vmax.f32 v14, v33;
	v63 =	vmul.f32 $1.442695020e+00, v33;
	(erf) = vpow2.f32 v61  }
0x159: {  	v6 =	vmovc v15;
	v15 =	vmax.f32 v15, v34;
	v44 =	vmul.f32 $1.442695020e+00, v34;
	(erf) = vpow2.f32 v62  }
0x15a: {  	s24 =	sadd.s32 $0x1, s24;
	v29 =	vmovc v21;
	v21 =	vmax.f32 v21, v37;
	v39 =	vmul.f32 $1.442695020e+00, v37;
	(erf) = vpow2.f32 v63  }
0x15b: {  	s23 =	smov.u32 s25;
	s26 =	sand.u32 $0x7, s24;
	s25 =	sadd.s32 $0x10, s25;
	vm3 =	vgt.f32 v40, v31;
	vm2 =	vgt.f32 v41, v30;
	v31 =	vmovc v27;
	v30 =	vmovc v25;
	(erf) = vpow2.f32 v44  }
0x15c: {  	s24 =	sshll.u32 s26, $0x4;
	s22 =	sadd.s32 $0x80, s22  }
0x15d: {  	s24 =	sadd.s32 s24, s22  }
0x15e: {  	s24 =	sor.u32 $0x380, s24  }
0x15f: {  	s25 =	sand.u32 $0x70, s23;
	s22 =	sand.u32 $0x7C00, s22;
	v40 =	vld [tilespmem:s24+$0x8000]  }
0x160: {  	s22 =	sor.u32 s25, s22  }
0x161: {  	v41 =	vld [tilespmem:s22+$0x8000]  }
0x162: {  	v42 =	vld [tilespmem:s22+$0x8080]  }
0x163: {  	v43 =	vld [tilespmem:s22+$0x8100]  }
0x164: {  	v44 =	vld [tilespmem:s22+$0x8180];
	v46 =	vmul.f32 $1.442695020e+00, v40  }
0x165: {  	v45 =	vld [tilespmem:s22+$0x8200]  }
0x166: {  	(erf) = vpow2.f32 v39;
	v47 =	vld [tilespmem:s22+$0x8280];
	v56 =	vmul.f32 $1.442695020e+00, v41  }
0x167: {  	v49 =	vld [tilespmem:s22+$0x8300];
	v48 =	vmul.f32 $1.442695020e+00, v42;
	(erf) = vpow2.f32 v46  }
0x168: {  	v50 =	vmul.f32 $1.442695020e+00, v43;
	v46 =	vpop (erf);
	(erf) = vpow2.f32 v56  }
0x169: {  	v51 =	vmul.f32 $1.442695020e+00, v44;
	v57 =	vpop (erf);
	(erf) = vpow2.f32 v48  }
0x16a: {  	v52 =	vmul.f32 $1.442695020e+00, v45;
	v58 =	vpop (erf);
	(erf) = vpow2.f32 v50  }
0x16b: {  	v53 =	vmul.f32 $1.442695020e+00, v47;
	v59 =	vpop (erf);
	(erf) = vpow2.f32 v51  }
0x16c: {  	v54 =	vmul.f32 $1.442695020e+00, v49;
	v60 =	vpop (erf);
	(erf) = vpow2.f32 v52  }
0x16d: {  	v61 =	vpop (erf);
	(erf) = vpow2.f32 v53  }
0x16e: {  	v62 =	vpop (erf);
	(erf) = vpow2.f32 v54  }
0x16f: {  	vm4 =	vgt.f32 v32, v4;
	vm5 =	vgt.f32 v33, v5;
	vm6 =	vgt.f32 v34, v6;
	v63 =	vpop (erf)  }
0x170: {  	v3 =	vadd.f32 v35, v3;
	vm7 =	vgt.f32 v37, v29;
	v1 =	vadd.f32 v36, v1;
	v4 =	vpop (erf)  }
0x171: {  	v2 =	vadd.f32 v38, v2;
	v7 =	vsel vm1, v28, v7;
	v8 =	vsel vm0, v28, v8;
	v5 =	vpop (erf)  }
0x172: {  	v9 =	vsel vm3, v28, v9;
	v6 =	vadd.f32 v46, v17;
	v17 =	vadd.f32 v57, v18;
	v18 =	vpop (erf)  }
0x173: {  	v10 =	vsel vm2, v28, v10;
	v11 =	vsel vm4, v28, v11;
	v12 =	vsel vm5, v28, v12;
	v29 =	vpop (erf)  }
0x174: {  	v13 =	vsel vm6, v28, v13;
	v20 =	vsel vm7, v28, v20;
	s24 =	rddreg [dreg:$0x5];
	vm0 =	vgt.f32 v40, v24;
	v46 =	vpop (erf)  }
0x175: {  	s25 =	simm.s32 $0x0;
	s22 =	sadd.s32 s23, s24;
	v24 =	vmax.f32 v24, v40;
	vm1 =	vgt.f32 v41, v22;
	v22 =	vmax.f32 v22, v41;
	v28 =	vpop (erf)  }
0x176: {  	[tilespmem:s16], [sflag:$0x2] =	stream.linear.gather [hbm4b:s3+s25], $0x8000, $0x38;
	v27 =	vmax.f32 v27, v42;
	vm2 =	vgt.f32 v42, v31;
	v31 =	vor.u32 s22, v0;
	v48 =	vpop (erf);
	[tilespmem:$0x10080] =	vst v63  }
0x177: {  	s26 =	sand.u32 $0x7, s25;
	v25 =	vmax.f32 v25, v43;
	vm3 =	vgt.f32 v43, v30;
	v30 =	vmax.f32 v16, v44;
	v50 =	vpop (erf)  }
0x178: {  	vm4 =	vgt.f32 v44, v16;
	s22 =	sshll.u32 s26, $0x4;
	v16 =	vmax.f32 v14, v45;
	vm5 =	vgt.f32 v45, v14;
	_ =	swait.ge [sflag:s17], $0x8000  }
0x179: {  	s28 =	sand.u32 $0x70, s25;
	v14 =	vmax.f32 v15, v47;
	vm12 =	vgt.f32 v47, v15;
	v15 =	vmax.f32 v21, v49;
	s22 =	sadd.s32 $0x0, s22;
	[sflag:s17] =	ssyncset.done $0x0  }
0x17a: {  	s23 =	sand.u32 $0x7C00, s25;
	vm13 =	vgt.f32 v49, v21;
	v7 =	vsel vm0, v31, v7;
	v8 =	vsel vm1, v31, v8;
	s22 =	sor.u32 $0x380, s22;
	[sflag:s17] =	ssyncadd.s32 $0xFFFF8000  }
0x17b: {  	s23 =	sor.u32 s28, s23;
	v9 =	vsel vm2, v31, v9;
	v19 =	vadd.f32 v58, v19;
	v26 =	vadd.f32 v59, v26;
	v21 =	vld [tilespmem:s22+$0x0]  }
0x17c: {  	v10 =	vsel vm3, v31, v10;
	v23 =	vadd.f32 v60, v23;
	v3 =	vadd.f32 v61, v3;
	v51 =	vld [tilespmem:s23+$0x0]  }
0x17d: {  	v11 =	vsel vm4, v31, v11;
	v1 =	vadd.f32 v62, v1;
	v53 =	vadd.f32 v5, v17;
	v17 =	vld [tilespmem:s23+$0x80]  }
0x17e: {  	v12 =	vsel vm5, v31, v12;
	v2 =	vadd.f32 v63, v2;
	v19 =	vadd.f32 v18, v19;
	v18 =	vld [tilespmem:s23+$0x100]  }
0x17f: {  	v13 =	vsel vm12, v31, v13;
	v52 =	vadd.f32 v4, v6;
	v3 =	vadd.f32 v28, v3;
	v28 =	vld [tilespmem:s23+$0x200]  }
0x180: {  	v20 =	vsel vm13, v31, v20;
	v26 =	vadd.f32 v29, v26;
	v23 =	vadd.f32 v46, v23;
	s29 =	rddreg [dreg:$0x6];
	v55 =	vld [tilespmem:s23+$0x280]  }
0x181: {  	v1 =	vadd.f32 v48, v1;
	v2 =	vadd.f32 v50, v2;
	s22 =	sadd.s32 $0x0, s29;
	v56 =	vld [tilespmem:s23+$0x300];
	v4 =	vmul.f32 $1.442695020e+00, v21  }
0x182: {  	v31 =	vld [tilespmem:s23+$0x180];
	s23 =	simm.s32 $0x1;
	v54 =	vor.u32 s22, v0;
	v5 =	vmul.f32 $1.442695020e+00, v51;
	v6 =	vmul.f32 $1.442695020e+00, v17  }
0x183: {  	s22 =	sand.u32 $0x7, s23;
	vm0 =	vgt.f32 v21, v24;
	v21 =	vmax.f32 v24, v21;
	vm1 =	vgt.f32 v51, v22  }
0x184: {  	s24 =	sshll.u32 s22, $0x4;
	v22 =	vmax.f32 v22, v51;
	v57 =	vmax.f32 v27, v17;
	(erf) = vpow2.f32 v4  }
0x185: {  	s25 =	simm.s32 $0x10;
	s22 =	simm.s32 $0x80;
	s23 =	sadd.s32 $0x80, s24;
	v58 =	vmax.f32 v25, v18;
	v24 =	vmul.f32 $1.442695020e+00, v28;
	v59 =	vmul.f32 $1.442695020e+00, v55  }
0x186: {  	s24 =	sand.u32 $0x70, s25;
	s26 =	sand.u32 $0x7C00, s22;
	s23 =	sor.u32 $0x380, s23;
	v29 =	vmax.f32 v15, v56;
	v60 =	vmul.f32 $1.442695020e+00, v56;
	vm2 =	vgt.f32 v17, v27  }
0x187: {  	s24 =	sor.u32 s24, s26;
	vm3 =	vgt.f32 v18, v25;
	vm4 =	vgt.f32 v31, v30;
	vm15 =	vgt.f32 v56, v15;
	v15 =	vld [tilespmem:s23+$0x0]  }
0x188: {  	vm5 =	vgt.f32 v28, v16;
	vm14 =	vgt.f32 v55, v14;
	v32 =	vld [tilespmem:s24+$0x180];
	(erf) = vpow2.f32 v5  }
0x189: {  	v33 =	vld [tilespmem:s24+$0x200];
	v7 =	vsel vm0, v54, v7;
	v8 =	vsel vm1, v54, v8;
	v4 =	vmul.f32 $1.442695020e+00, v18  }
0x18a: {  	v34 =	vld [tilespmem:s24+$0x280];
	v9 =	vsel vm2, v54, v9;
	v10 =	vsel vm3, v54, v10;
	(erf) = vpow2.f32 v6  }
0x18b: {  	v37 =	vld [tilespmem:s24+$0x300];
	v11 =	vsel vm4, v54, v11;
	v12 =	vsel vm5, v54, v12;
	(erf) = vpow2.f32 v4  }
0x18c: {  	v13 =	vsel vm14, v54, v13;
	v20 =	vsel vm15, v54, v20;
	v5 =	vmul.f32 $1.442695020e+00, v31  }
0x18d: {  	v6 =	vmax.f32 v14, v55;
	v4 =	vmax.f32 v30, v31;
	v30 =	vld [tilespmem:s24+$0x80];
	v61 =	vmul.f32 $1.442695020e+00, v32;
	v14 =	vpop (erf)  }
0x18e: {  	v62 =	vmul.f32 $1.442695020e+00, v33;
	(erf) = vpow2.f32 v5;
	v17 =	vadd.f32 v14, v52;
	v14 =	vld [tilespmem:s24+$0x0]  }
0x18f: {  	s28 =	rddreg [dreg:$0x6];
	vm1 =	vgt.f32 v15, v21;
	v63 =	vmul.f32 $1.442695020e+00, v34;
	(erf) = vpow2.f32 v24  }
0x190: {  	s29 =	sadd.s32 $0x10, s28;
	v31 =	vld [tilespmem:s24+$0x100];
	v39 =	vmul.f32 $1.442695020e+00, v37;
	v5 =	vmax.f32 v16, v28;
	(erf) = vpow2.f32 v59  }
0x191: {  	v28 =	vor.u32 s29, v0;
	v24 =	vmax.f32 v21, v15;
	(erf) = vpow2.f32 v60;
	v16 =	vpop (erf)  }
0x192: {  	v15 =	vmul.f32 $1.442695020e+00, v15;
	v27 =	vmax.f32 v57, v30;
	v18 =	vadd.f32 v16, v53  }
0x193: {  	v16 =	vpop (erf);
	vm0 =	vgt.f32 v14, v22;
	v22 =	vmax.f32 v22, v14;
	v14 =	vmul.f32 $1.442695020e+00, v14  }
0x194: {  	v21 =	vmul.f32 $1.442695020e+00, v30;
	v19 =	vadd.f32 v16, v19;
	v16 =	vpop (erf);
	(erf) = vpow2.f32 v15  }
0x195: {  	v25 =	vmax.f32 v58, v31;
	v15 =	vmul.f32 $1.442695020e+00, v31;
	(erf) = vpow2.f32 v14  }
0x196: {  	vm3 =	vgt.f32 v30, v57;
	vm2 =	vgt.f32 v31, v58;
	(erf) = vpow2.f32 v21  }
0x197: {  	v30 =	vmov v25;
	v26 =	vadd.f32 v16, v26;
	v16 =	vpop (erf);
	(erf) = vpow2.f32 v15  }
0x198: {  	v31 =	vmov v27;
	v23 =	vadd.f32 v16, v23;
	v35 =	vpop (erf);
	(erf) = vpow2.f32 v61  }
0x199: {  	s24 =	simm.s32 $0x2;
	v16 =	vmax.f32 v4, v32;
	v36 =	vpop (erf);
	v14 =	vmax.f32 v5, v33;
	(erf) = vpow2.f32 v62  }
0x19a: {  	s25 =	simm.s32 $0x30;
	s23 =	simm.s32 $0x20;
	s26 =	sand.u32 $0x7, s24;
	v38 =	vpop (erf);
	v21 =	vmax.f32 v29, v37;
	v15 =	vmax.f32 v6, v34;
	(erf) = vpow2.f32 v63  }
.LBB2_10:
0x19b: {  	s26 =	sshll.u32 s26, $0x4;
	vm6 =	vgt.f32 v32, v4;
	s22 =	sadd.s32 $0x80, s22  }
0x19c: {  	vm4 =	vgt.f32 v33, v5;
	vm7 =	vgt.f32 v34, v6;
	(erf) = vpow2.f32 v39;
	s26 =	sadd.s32 s26, s22  }
0x19d: {  	s28 =	sand.u32 $0x70, s23;
	vm5 =	vgt.f32 v37, v29;
	v3 =	vadd.f32 v35, v3;
	v1 =	vadd.f32 v36, v1;
	s29 =	sand.u32 $0x7C00, s22;
	s26 =	sor.u32 $0x380, s26;
	v29 =	vpop (erf)  }
0x19e: {  	v7 =	vsel vm1, v28, v7;
	v2 =	vadd.f32 v38, v2;
	s28 =	sor.u32 s28, s29;
	v57 =	vld [tilespmem:s26+$0x0];
	v17 =	vadd.f32 v29, v17;
	v29 =	vpop (erf)  }
0x19f: {  	v8 =	vsel vm0, v28, v8;
	v9 =	vsel vm3, v28, v9;
	v58 =	vld [tilespmem:s28+$0x0];
	v18 =	vadd.f32 v29, v18;
	v29 =	vpop (erf)  }
0x1a0: {  	v10 =	vsel vm2, v28, v10;
	v11 =	vsel vm6, v28, v11;
	s29 =	rddreg [dreg:$0x6];
	v40 =	vld [tilespmem:s28+$0x80];
	v19 =	vadd.f32 v29, v19;
	v29 =	vpop (erf)  }
0x1a1: {  	v12 =	vsel vm4, v28, v12;
	v13 =	vsel vm7, v28, v13;
	v20 =	vsel vm5, v28, v20;
	s29 =	sadd.s32 s23, s29;
	v41 =	vld [tilespmem:s28+$0x100];
	v59 =	vpop (erf)  }
0x1a2: {  	v32 =	vld [tilespmem:s28+$0x180];
	v28 =	vor.u32 s29, v0;
	v26 =	vadd.f32 v29, v26;
	v23 =	vadd.f32 v59, v23  }
0x1a3: {  	v33 =	vld [tilespmem:s28+$0x200];
	v35 =	vpop (erf);
	vm1 =	vgt.f32 v57, v24;
	v24 =	vmax.f32 v24, v57;
	v60 =	vmul.f32 $1.442695020e+00, v57  }
0x1a4: {  	v34 =	vld [tilespmem:s28+$0x280];
	v36 =	vpop (erf);
	vm0 =	vgt.f32 v58, v22;
	v22 =	vmax.f32 v22, v58;
	v42 =	vmul.f32 $1.442695020e+00, v58  }
0x1a5: {  	v37 =	vld [tilespmem:s28+$0x300];
	v27 =	vmax.f32 v27, v40;
	v43 =	vmul.f32 $1.442695020e+00, v40;
	v38 =	vpop (erf);
	(erf) = vpow2.f32 v60  }
0x1a6: {  	p0 =	sne.s32 s25, $0xFF0;
	v25 =	vmax.f32 v25, v41;
	v61 =	vmul.f32 $1.442695020e+00, v41;
	(erf) = vpow2.f32 v42  }
.Ltmp4:
0x1a7: {  	v4 =	vmovc v16;
	v16 =	vmax.f32 v16, v32;
	v62 =	vmul.f32 $1.442695020e+00, v32;
	(erf) = vpow2.f32 v43;
	(pc) =	sbr.rel @p0 .LBB2_10-.Ltmp4, $4  }
0x1a8: {  	v5 =	vmovc v14;
	v14 =	vmax.f32 v14, v33;
	v63 =	vmul.f32 $1.442695020e+00, v33;
	(erf) = vpow2.f32 v61  }
0x1a9: {  	v6 =	vmovc v15;
	v15 =	vmax.f32 v15, v34;
	v44 =	vmul.f32 $1.442695020e+00, v34;
	(erf) = vpow2.f32 v62  }
0x1aa: {  	s24 =	sadd.s32 $0x1, s24;
	v29 =	vmovc v21;
	v21 =	vmax.f32 v21, v37;
	v39 =	vmul.f32 $1.442695020e+00, v37;
	(erf) = vpow2.f32 v63  }
0x1ab: {  	s23 =	smov.u32 s25;
	s26 =	sand.u32 $0x7, s24;
	s25 =	sadd.s32 $0x10, s25;
	vm3 =	vgt.f32 v40, v31;
	vm2 =	vgt.f32 v41, v30;
	v31 =	vmovc v27;
	v30 =	vmovc v25;
	(erf) = vpow2.f32 v44  }
0x1ac: {  	s24 =	sshll.u32 s26, $0x4;
	s22 =	sadd.s32 $0x80, s22  }
0x1ad: {  	s24 =	sadd.s32 s24, s22  }
0x1ae: {  	s24 =	sor.u32 $0x380, s24  }
0x1af: {  	s25 =	sand.u32 $0x70, s23;
	s22 =	sand.u32 $0x7C00, s22;
	v40 =	vld [tilespmem:s24+$0x0]  }
0x1b0: {  	s22 =	sor.u32 s25, s22  }
0x1b1: {  	v41 =	vld [tilespmem:s22+$0x0]  }
0x1b2: {  	v42 =	vld [tilespmem:s22+$0x80]  }
0x1b3: {  	v43 =	vld [tilespmem:s22+$0x100]  }
0x1b4: {  	v44 =	vld [tilespmem:s22+$0x180];
	v46 =	vmul.f32 $1.442695020e+00, v40  }
0x1b5: {  	v45 =	vld [tilespmem:s22+$0x200]  }
0x1b6: {  	(erf) = vpow2.f32 v39;
	v47 =	vld [tilespmem:s22+$0x280];
	v56 =	vmul.f32 $1.442695020e+00, v41  }
0x1b7: {  	v49 =	vld [tilespmem:s22+$0x300];
	v48 =	vmul.f32 $1.442695020e+00, v42;
	(erf) = vpow2.f32 v46  }
0x1b8: {  	v50 =	vmul.f32 $1.442695020e+00, v43;
	v46 =	vpop (erf);
	(erf) = vpow2.f32 v56  }
0x1b9: {  	v51 =	vmul.f32 $1.442695020e+00, v44;
	v57 =	vpop (erf);
	(erf) = vpow2.f32 v48  }
0x1ba: {  	v52 =	vmul.f32 $1.442695020e+00, v45;
	v58 =	vpop (erf);
	(erf) = vpow2.f32 v50  }
0x1bb: {  	v53 =	vmul.f32 $1.442695020e+00, v47;
	v59 =	vpop (erf);
	(erf) = vpow2.f32 v51  }
0x1bc: {  	v54 =	vmul.f32 $1.442695020e+00, v49;
	v60 =	vpop (erf);
	(erf) = vpow2.f32 v52  }
0x1bd: {  	v61 =	vpop (erf);
	(erf) = vpow2.f32 v53  }
0x1be: {  	v62 =	vpop (erf);
	(erf) = vpow2.f32 v54  }
0x1bf: {  	vm4 =	vgt.f32 v32, v4;
	vm5 =	vgt.f32 v33, v5;
	vm6 =	vgt.f32 v34, v6;
	v63 =	vpop (erf)  }
0x1c0: {  	v3 =	vadd.f32 v35, v3;
	vm7 =	vgt.f32 v37, v29;
	v1 =	vadd.f32 v36, v1;
	v4 =	vpop (erf)  }
0x1c1: {  	v2 =	vadd.f32 v38, v2;
	v7 =	vsel vm1, v28, v7;
	v8 =	vsel vm0, v28, v8;
	v5 =	vpop (erf)  }
0x1c2: {  	v9 =	vsel vm3, v28, v9;
	v6 =	vadd.f32 v46, v17;
	v17 =	vadd.f32 v57, v18;
	v18 =	vpop (erf)  }
0x1c3: {  	v10 =	vsel vm2, v28, v10;
	v11 =	vsel vm4, v28, v11;
	v12 =	vsel vm5, v28, v12;
	v29 =	vpop (erf)  }
0x1c4: {  	v13 =	vsel vm6, v28, v13;
	v20 =	vsel vm7, v28, v20;
	s24 =	rddreg [dreg:$0x6];
	vm0 =	vgt.f32 v40, v24;
	v46 =	vpop (erf)  }
0x1c5: {  	s25 =	simm.s32 $0x0;
	s22 =	sadd.s32 s23, s24;
	v24 =	vmax.f32 v24, v40;
	vm1 =	vgt.f32 v41, v22;
	v22 =	vmax.f32 v22, v41;
	v28 =	vpop (erf)  }
0x1c6: {  	[tilespmem:s25], [sflag:$0x1] =	stream.linear.gather [hbm4b:s4+s25], $0x8000, $0x38;
	v27 =	vmax.f32 v27, v42;
	vm2 =	vgt.f32 v42, v31;
	v31 =	vor.u32 s22, v0;
	v48 =	vpop (erf);
	[tilespmem:$0x10080] =	vst v63  }
0x1c7: {  	s26 =	sand.u32 $0x7, s25;
	v25 =	vmax.f32 v25, v43;
	vm3 =	vgt.f32 v43, v30;
	v30 =	vmax.f32 v16, v44;
	v50 =	vpop (erf)  }
0x1c8: {  	vm4 =	vgt.f32 v44, v16;
	s22 =	sshll.u32 s26, $0x4;
	v16 =	vmax.f32 v14, v45;
	vm5 =	vgt.f32 v45, v14;
	_ =	swait.ge [sflag:s18], $0x8000  }
0x1c9: {  	s28 =	sand.u32 $0x70, s25;
	v14 =	vmax.f32 v15, v47;
	vm12 =	vgt.f32 v47, v15;
	v15 =	vmax.f32 v21, v49;
	s22 =	sadd.s32 $0x0, s22;
	[sflag:s18] =	ssyncset.done $0x0  }
0x1ca: {  	s23 =	sand.u32 $0x7C00, s25;
	vm13 =	vgt.f32 v49, v21;
	v7 =	vsel vm0, v31, v7;
	v8 =	vsel vm1, v31, v8;
	s22 =	sor.u32 $0x380, s22;
	[sflag:s18] =	ssyncadd.s32 $0xFFFF8000  }
0x1cb: {  	s23 =	sor.u32 s28, s23;
	v9 =	vsel vm2, v31, v9;
	v19 =	vadd.f32 v58, v19;
	v26 =	vadd.f32 v59, v26;
	v21 =	vld [tilespmem:s22+$0x8000]  }
0x1cc: {  	v10 =	vsel vm3, v31, v10;
	v23 =	vadd.f32 v60, v23;
	v3 =	vadd.f32 v61, v3;
	v51 =	vld [tilespmem:s23+$0x8000]  }
0x1cd: {  	v11 =	vsel vm4, v31, v11;
	v1 =	vadd.f32 v62, v1;
	v53 =	vadd.f32 v5, v17;
	v17 =	vld [tilespmem:s23+$0x8080]  }
0x1ce: {  	v12 =	vsel vm5, v31, v12;
	v2 =	vadd.f32 v63, v2;
	v19 =	vadd.f32 v18, v19;
	v18 =	vld [tilespmem:s23+$0x8100]  }
0x1cf: {  	v13 =	vsel vm12, v31, v13;
	v52 =	vadd.f32 v4, v6;
	v3 =	vadd.f32 v28, v3;
	v28 =	vld [tilespmem:s23+$0x8200]  }
0x1d0: {  	v20 =	vsel vm13, v31, v20;
	v26 =	vadd.f32 v29, v26;
	v23 =	vadd.f32 v46, v23;
	s29 =	rddreg [dreg:$0x7];
	v55 =	vld [tilespmem:s23+$0x8280]  }
0x1d1: {  	v1 =	vadd.f32 v48, v1;
	v2 =	vadd.f32 v50, v2;
	s22 =	sadd.s32 $0x0, s29;
	v56 =	vld [tilespmem:s23+$0x8300];
	v4 =	vmul.f32 $1.442695020e+00, v21  }
0x1d2: {  	v31 =	vld [tilespmem:s23+$0x8180];
	s23 =	simm.s32 $0x1;
	v54 =	vor.u32 s22, v0;
	v5 =	vmul.f32 $1.442695020e+00, v51;
	v6 =	vmul.f32 $1.442695020e+00, v17  }
0x1d3: {  	s22 =	sand.u32 $0x7, s23;
	vm0 =	vgt.f32 v21, v24;
	v21 =	vmax.f32 v24, v21;
	vm1 =	vgt.f32 v51, v22  }
0x1d4: {  	s24 =	sshll.u32 s22, $0x4;
	v22 =	vmax.f32 v22, v51;
	v57 =	vmax.f32 v27, v17;
	(erf) = vpow2.f32 v4  }
0x1d5: {  	s25 =	simm.s32 $0x10;
	s22 =	simm.s32 $0x80;
	s23 =	sadd.s32 $0x80, s24;
	v58 =	vmax.f32 v25, v18;
	v24 =	vmul.f32 $1.442695020e+00, v28;
	v59 =	vmul.f32 $1.442695020e+00, v55  }
0x1d6: {  	s24 =	sand.u32 $0x70, s25;
	s26 =	sand.u32 $0x7C00, s22;
	s23 =	sor.u32 $0x380, s23;
	v29 =	vmax.f32 v15, v56;
	v60 =	vmul.f32 $1.442695020e+00, v56;
	vm2 =	vgt.f32 v17, v27  }
0x1d7: {  	s24 =	sor.u32 s24, s26;
	vm3 =	vgt.f32 v18, v25;
	vm4 =	vgt.f32 v31, v30;
	vm15 =	vgt.f32 v56, v15;
	v15 =	vld [tilespmem:s23+$0x8000]  }
0x1d8: {  	vm5 =	vgt.f32 v28, v16;
	vm14 =	vgt.f32 v55, v14;
	v32 =	vld [tilespmem:s24+$0x8180];
	(erf) = vpow2.f32 v5  }
0x1d9: {  	v33 =	vld [tilespmem:s24+$0x8200];
	v7 =	vsel vm0, v54, v7;
	v8 =	vsel vm1, v54, v8;
	v4 =	vmul.f32 $1.442695020e+00, v18  }
0x1da: {  	v34 =	vld [tilespmem:s24+$0x8280];
	v9 =	vsel vm2, v54, v9;
	v10 =	vsel vm3, v54, v10;
	(erf) = vpow2.f32 v6  }
0x1db: {  	v37 =	vld [tilespmem:s24+$0x8300];
	v11 =	vsel vm4, v54, v11;
	v12 =	vsel vm5, v54, v12;
	(erf) = vpow2.f32 v4  }
0x1dc: {  	v13 =	vsel vm14, v54, v13;
	v20 =	vsel vm15, v54, v20;
	v5 =	vmul.f32 $1.442695020e+00, v31  }
0x1dd: {  	v6 =	vmax.f32 v14, v55;
	v4 =	vmax.f32 v30, v31;
	v30 =	vld [tilespmem:s24+$0x8080];
	v61 =	vmul.f32 $1.442695020e+00, v32;
	v14 =	vpop (erf)  }
0x1de: {  	v62 =	vmul.f32 $1.442695020e+00, v33;
	(erf) = vpow2.f32 v5;
	v17 =	vadd.f32 v14, v52;
	v14 =	vld [tilespmem:s24+$0x8000]  }
0x1df: {  	s28 =	rddreg [dreg:$0x7];
	vm1 =	vgt.f32 v15, v21;
	v63 =	vmul.f32 $1.442695020e+00, v34;
	(erf) = vpow2.f32 v24  }
0x1e0: {  	s29 =	sadd.s32 $0x10, s28;
	v31 =	vld [tilespmem:s24+$0x8100];
	v39 =	vmul.f32 $1.442695020e+00, v37;
	v5 =	vmax.f32 v16, v28;
	(erf) = vpow2.f32 v59  }
0x1e1: {  	v28 =	vor.u32 s29, v0;
	v24 =	vmax.f32 v21, v15;
	(erf) = vpow2.f32 v60;
	v16 =	vpop (erf)  }
0x1e2: {  	v15 =	vmul.f32 $1.442695020e+00, v15;
	v27 =	vmax.f32 v57, v30;
	v18 =	vadd.f32 v16, v53  }
0x1e3: {  	v16 =	vpop (erf);
	vm0 =	vgt.f32 v14, v22;
	v22 =	vmax.f32 v22, v14;
	v14 =	vmul.f32 $1.442695020e+00, v14  }
0x1e4: {  	v21 =	vmul.f32 $1.442695020e+00, v30;
	v19 =	vadd.f32 v16, v19;
	v16 =	vpop (erf);
	(erf) = vpow2.f32 v15  }
0x1e5: {  	v25 =	vmax.f32 v58, v31;
	v15 =	vmul.f32 $1.442695020e+00, v31;
	(erf) = vpow2.f32 v14  }
0x1e6: {  	vm3 =	vgt.f32 v30, v57;
	vm2 =	vgt.f32 v31, v58;
	(erf) = vpow2.f32 v21  }
0x1e7: {  	v30 =	vmov v25;
	v26 =	vadd.f32 v16, v26;
	v16 =	vpop (erf);
	(erf) = vpow2.f32 v15  }
0x1e8: {  	v31 =	vmov v27;
	v23 =	vadd.f32 v16, v23;
	v35 =	vpop (erf);
	(erf) = vpow2.f32 v61  }
0x1e9: {  	s24 =	simm.s32 $0x2;
	v16 =	vmax.f32 v4, v32;
	v36 =	vpop (erf);
	v14 =	vmax.f32 v5, v33;
	(erf) = vpow2.f32 v62  }
0x1ea: {  	s25 =	simm.s32 $0x30;
	s23 =	simm.s32 $0x20;
	s26 =	sand.u32 $0x7, s24;
	v38 =	vpop (erf);
	v21 =	vmax.f32 v29, v37;
	v15 =	vmax.f32 v6, v34;
	(erf) = vpow2.f32 v63  }
.LBB2_12:
0x1eb: {  	s26 =	sshll.u32 s26, $0x4;
	vm6 =	vgt.f32 v32, v4;
	s22 =	sadd.s32 $0x80, s22  }
0x1ec: {  	vm4 =	vgt.f32 v33, v5;
	vm7 =	vgt.f32 v34, v6;
	(erf) = vpow2.f32 v39;
	s26 =	sadd.s32 s26, s22  }
0x1ed: {  	s28 =	sand.u32 $0x70, s23;
	vm5 =	vgt.f32 v37, v29;
	v3 =	vadd.f32 v35, v3;
	v1 =	vadd.f32 v36, v1;
	s29 =	sand.u32 $0x7C00, s22;
	s26 =	sor.u32 $0x380, s26;
	v29 =	vpop (erf)  }
0x1ee: {  	v7 =	vsel vm1, v28, v7;
	v2 =	vadd.f32 v38, v2;
	s28 =	sor.u32 s28, s29;
	v57 =	vld [tilespmem:s26+$0x8000];
	v17 =	vadd.f32 v29, v17;
	v29 =	vpop (erf)  }
0x1ef: {  	v8 =	vsel vm0, v28, v8;
	v9 =	vsel vm3, v28, v9;
	v58 =	vld [tilespmem:s28+$0x8000];
	v18 =	vadd.f32 v29, v18;
	v29 =	vpop (erf)  }
0x1f0: {  	v10 =	vsel vm2, v28, v10;
	v11 =	vsel vm6, v28, v11;
	s29 =	rddreg [dreg:$0x7];
	v40 =	vld [tilespmem:s28+$0x8080];
	v19 =	vadd.f32 v29, v19;
	v29 =	vpop (erf)  }
0x1f1: {  	v12 =	vsel vm4, v28, v12;
	v13 =	vsel vm7, v28, v13;
	v20 =	vsel vm5, v28, v20;
	s29 =	sadd.s32 s23, s29;
	v41 =	vld [tilespmem:s28+$0x8100];
	v59 =	vpop (erf)  }
0x1f2: {  	v32 =	vld [tilespmem:s28+$0x8180];
	v28 =	vor.u32 s29, v0;
	v26 =	vadd.f32 v29, v26;
	v23 =	vadd.f32 v59, v23  }
0x1f3: {  	v33 =	vld [tilespmem:s28+$0x8200];
	v35 =	vpop (erf);
	vm1 =	vgt.f32 v57, v24;
	v24 =	vmax.f32 v24, v57;
	v60 =	vmul.f32 $1.442695020e+00, v57  }
0x1f4: {  	v34 =	vld [tilespmem:s28+$0x8280];
	v36 =	vpop (erf);
	vm0 =	vgt.f32 v58, v22;
	v22 =	vmax.f32 v22, v58;
	v42 =	vmul.f32 $1.442695020e+00, v58  }
0x1f5: {  	v37 =	vld [tilespmem:s28+$0x8300];
	v27 =	vmax.f32 v27, v40;
	v43 =	vmul.f32 $1.442695020e+00, v40;
	v38 =	vpop (erf);
	(erf) = vpow2.f32 v60  }
0x1f6: {  	p0 =	sne.s32 s25, $0xFF0;
	v25 =	vmax.f32 v25, v41;
	v61 =	vmul.f32 $1.442695020e+00, v41;
	(erf) = vpow2.f32 v42  }
.Ltmp5:
0x1f7: {  	v4 =	vmovc v16;
	v16 =	vmax.f32 v16, v32;
	v62 =	vmul.f32 $1.442695020e+00, v32;
	(erf) = vpow2.f32 v43;
	(pc) =	sbr.rel @p0 .LBB2_12-.Ltmp5, $4  }
0x1f8: {  	v5 =	vmovc v14;
	v14 =	vmax.f32 v14, v33;
	v63 =	vmul.f32 $1.442695020e+00, v33;
	(erf) = vpow2.f32 v61  }
0x1f9: {  	v6 =	vmovc v15;
	v15 =	vmax.f32 v15, v34;
	v44 =	vmul.f32 $1.442695020e+00, v34;
	(erf) = vpow2.f32 v62  }
0x1fa: {  	s24 =	sadd.s32 $0x1, s24;
	v29 =	vmovc v21;
	v21 =	vmax.f32 v21, v37;
	v39 =	vmul.f32 $1.442695020e+00, v37;
	(erf) = vpow2.f32 v63  }
0x1fb: {  	s23 =	smov.u32 s25;
	s26 =	sand.u32 $0x7, s24;
	s25 =	sadd.s32 $0x10, s25;
	vm3 =	vgt.f32 v40, v31;
	vm2 =	vgt.f32 v41, v30;
	v31 =	vmovc v27;
	v30 =	vmovc v25;
	(erf) = vpow2.f32 v44  }
0x1fc: {  	s24 =	sshll.u32 s26, $0x4;
	s22 =	sadd.s32 $0x80, s22  }
0x1fd: {  	s24 =	sadd.s32 s24, s22  }
0x1fe: {  	s24 =	sor.u32 $0x380, s24  }
0x1ff: {  	s25 =	sand.u32 $0x70, s23;
	s22 =	sand.u32 $0x7C00, s22;
	v40 =	vld [tilespmem:s24+$0x8000]  }
0x200: {  	s22 =	sor.u32 s25, s22  }
0x201: {  	v41 =	vld [tilespmem:s22+$0x8000]  }
0x202: {  	v42 =	vld [tilespmem:s22+$0x8080]  }
0x203: {  	v43 =	vld [tilespmem:s22+$0x8100]  }
0x204: {  	v44 =	vld [tilespmem:s22+$0x8180];
	v46 =	vmul.f32 $1.442695020e+00, v40  }
0x205: {  	v45 =	vld [tilespmem:s22+$0x8200]  }
0x206: {  	(erf) = vpow2.f32 v39;
	v47 =	vld [tilespmem:s22+$0x8280];
	v56 =	vmul.f32 $1.442695020e+00, v41  }
0x207: {  	v49 =	vld [tilespmem:s22+$0x8300];
	v48 =	vmul.f32 $1.442695020e+00, v42;
	(erf) = vpow2.f32 v46  }
0x208: {  	v50 =	vmul.f32 $1.442695020e+00, v43;
	v46 =	vpop (erf);
	(erf) = vpow2.f32 v56  }
0x209: {  	v51 =	vmul.f32 $1.442695020e+00, v44;
	v57 =	vpop (erf);
	(erf) = vpow2.f32 v48  }
0x20a: {  	v52 =	vmul.f32 $1.442695020e+00, v45;
	v58 =	vpop (erf);
	(erf) = vpow2.f32 v50  }
0x20b: {  	v53 =	vmul.f32 $1.442695020e+00, v47;
	v59 =	vpop (erf);
	(erf) = vpow2.f32 v51  }
0x20c: {  	v54 =	vmul.f32 $1.442695020e+00, v49;
	v60 =	vpop (erf);
	(erf) = vpow2.f32 v52  }
0x20d: {  	v61 =	vpop (erf);
	(erf) = vpow2.f32 v53  }
0x20e: {  	v62 =	vpop (erf);
	(erf) = vpow2.f32 v54  }
0x20f: {  	vm4 =	vgt.f32 v32, v4;
	vm5 =	vgt.f32 v33, v5;
	vm6 =	vgt.f32 v34, v6;
	v63 =	vpop (erf)  }
0x210: {  	v3 =	vadd.f32 v35, v3;
	vm7 =	vgt.f32 v37, v29;
	v1 =	vadd.f32 v36, v1;
	v4 =	vpop (erf)  }
0x211: {  	v2 =	vadd.f32 v38, v2;
	v7 =	vsel vm1, v28, v7;
	v8 =	vsel vm0, v28, v8;
	v5 =	vpop (erf)  }
0x212: {  	v9 =	vsel vm3, v28, v9;
	v6 =	vadd.f32 v46, v17;
	v17 =	vadd.f32 v57, v18;
	v18 =	vpop (erf)  }
0x213: {  	v10 =	vsel vm2, v28, v10;
	v11 =	vsel vm4, v28, v11;
	v12 =	vsel vm5, v28, v12;
	v29 =	vpop (erf)  }
0x214: {  	v13 =	vsel vm6, v28, v13;
	v20 =	vsel vm7, v28, v20;
	s24 =	rddreg [dreg:$0x7];
	vm0 =	vgt.f32 v40, v24;
	v46 =	vpop (erf)  }
0x215: {  	s25 =	simm.s32 $0x0;
	s22 =	sadd.s32 s23, s24;
	v24 =	vmax.f32 v24, v40;
	vm1 =	vgt.f32 v41, v22;
	v22 =	vmax.f32 v22, v41;
	v28 =	vpop (erf)  }
0x216: {  	[tilespmem:s16], [sflag:$0x2] =	stream.linear.gather [hbm4b:s6+s25], $0x8000, $0x38;
	v27 =	vmax.f32 v27, v42;
	vm2 =	vgt.f32 v42, v31;
	v31 =	vor.u32 s22, v0;
	v48 =	vpop (erf);
	[tilespmem:$0x10080] =	vst v63  }
0x217: {  	s26 =	sand.u32 $0x7, s25;
	v25 =	vmax.f32 v25, v43;
	vm3 =	vgt.f32 v43, v30;
	v30 =	vmax.f32 v16, v44;
	v50 =	vpop (erf)  }
0x218: {  	vm4 =	vgt.f32 v44, v16;
	s22 =	sshll.u32 s26, $0x4;
	v16 =	vmax.f32 v14, v45;
	vm5 =	vgt.f32 v45, v14;
	_ =	swait.ge [sflag:s17], $0x8000  }
0x219: {  	s28 =	sand.u32 $0x70, s25;
	v14 =	vmax.f32 v15, v47;
	vm12 =	vgt.f32 v47, v15;
	v15 =	vmax.f32 v21, v49;
	s22 =	sadd.s32 $0x0, s22;
	[sflag:s17] =	ssyncset.done $0x0  }
0x21a: {  	s23 =	sand.u32 $0x7C00, s25;
	vm13 =	vgt.f32 v49, v21;
	v7 =	vsel vm0, v31, v7;
	v8 =	vsel vm1, v31, v8;
	s22 =	sor.u32 $0x380, s22;
	[sflag:s17] =	ssyncadd.s32 $0xFFFF8000  }
0x21b: {  	s23 =	sor.u32 s28, s23;
	v9 =	vsel vm2, v31, v9;
	v19 =	vadd.f32 v58, v19;
	v26 =	vadd.f32 v59, v26;
	v21 =	vld [tilespmem:s22+$0x0]  }
0x21c: {  	v10 =	vsel vm3, v31, v10;
	v23 =	vadd.f32 v60, v23;
	v3 =	vadd.f32 v61, v3;
	v51 =	vld [tilespmem:s23+$0x0]  }
0x21d: {  	v11 =	vsel vm4, v31, v11;
	v1 =	vadd.f32 v62, v1;
	v53 =	vadd.f32 v5, v17;
	v17 =	vld [tilespmem:s23+$0x80]  }
0x21e: {  	v12 =	vsel vm5, v31, v12;
	v2 =	vadd.f32 v63, v2;
	v19 =	vadd.f32 v18, v19;
	v18 =	vld [tilespmem:s23+$0x100]  }
0x21f: {  	v13 =	vsel vm12, v31, v13;
	v52 =	vadd.f32 v4, v6;
	v3 =	vadd.f32 v28, v3;
	v28 =	vld [tilespmem:s23+$0x200]  }
0x220: {  	v20 =	vsel vm13, v31, v20;
	v26 =	vadd.f32 v29, v26;
	v23 =	vadd.f32 v46, v23;
	s29 =	rddreg [dreg:$0x8];
	v55 =	vld [tilespmem:s23+$0x280]  }
0x221: {  	v1 =	vadd.f32 v48, v1;
	v2 =	vadd.f32 v50, v2;
	s22 =	sadd.s32 $0x0, s29;
	v56 =	vld [tilespmem:s23+$0x300];
	v4 =	vmul.f32 $1.442695020e+00, v21  }
0x222: {  	v31 =	vld [tilespmem:s23+$0x180];
	s23 =	simm.s32 $0x1;
	v54 =	vor.u32 s22, v0;
	v5 =	vmul.f32 $1.442695020e+00, v51;
	v6 =	vmul.f32 $1.442695020e+00, v17  }
0x223: {  	s22 =	sand.u32 $0x7, s23;
	vm0 =	vgt.f32 v21, v24;
	v21 =	vmax.f32 v24, v21;
	vm1 =	vgt.f32 v51, v22  }
0x224: {  	s24 =	sshll.u32 s22, $0x4;
	v22 =	vmax.f32 v22, v51;
	v57 =	vmax.f32 v27, v17;
	(erf) = vpow2.f32 v4  }
0x225: {  	s25 =	simm.s32 $0x10;
	s22 =	simm.s32 $0x80;
	s23 =	sadd.s32 $0x80, s24;
	v58 =	vmax.f32 v25, v18;
	v24 =	vmul.f32 $1.442695020e+00, v28;
	v59 =	vmul.f32 $1.442695020e+00, v55  }
0x226: {  	s24 =	sand.u32 $0x70, s25;
	s26 =	sand.u32 $0x7C00, s22;
	s23 =	sor.u32 $0x380, s23;
	v29 =	vmax.f32 v15, v56;
	v60 =	vmul.f32 $1.442695020e+00, v56;
	vm2 =	vgt.f32 v17, v27  }
0x227: {  	s24 =	sor.u32 s24, s26;
	vm3 =	vgt.f32 v18, v25;
	vm4 =	vgt.f32 v31, v30;
	vm15 =	vgt.f32 v56, v15;
	v15 =	vld [tilespmem:s23+$0x0]  }
0x228: {  	vm5 =	vgt.f32 v28, v16;
	vm14 =	vgt.f32 v55, v14;
	v32 =	vld [tilespmem:s24+$0x180];
	(erf) = vpow2.f32 v5  }
0x229: {  	v33 =	vld [tilespmem:s24+$0x200];
	v7 =	vsel vm0, v54, v7;
	v8 =	vsel vm1, v54, v8;
	v4 =	vmul.f32 $1.442695020e+00, v18  }
0x22a: {  	v34 =	vld [tilespmem:s24+$0x280];
	v9 =	vsel vm2, v54, v9;
	v10 =	vsel vm3, v54, v10;
	(erf) = vpow2.f32 v6  }
0x22b: {  	v37 =	vld [tilespmem:s24+$0x300];
	v11 =	vsel vm4, v54, v11;
	v12 =	vsel vm5, v54, v12;
	(erf) = vpow2.f32 v4  }
0x22c: {  	v13 =	vsel vm14, v54, v13;
	v20 =	vsel vm15, v54, v20;
	v5 =	vmul.f32 $1.442695020e+00, v31  }
0x22d: {  	v6 =	vmax.f32 v14, v55;
	v4 =	vmax.f32 v30, v31;
	v30 =	vld [tilespmem:s24+$0x80];
	v61 =	vmul.f32 $1.442695020e+00, v32;
	v14 =	vpop (erf)  }
0x22e: {  	v62 =	vmul.f32 $1.442695020e+00, v33;
	(erf) = vpow2.f32 v5;
	v17 =	vadd.f32 v14, v52;
	v14 =	vld [tilespmem:s24+$0x0]  }
0x22f: {  	s28 =	rddreg [dreg:$0x8];
	vm1 =	vgt.f32 v15, v21;
	v63 =	vmul.f32 $1.442695020e+00, v34;
	(erf) = vpow2.f32 v24  }
0x230: {  	s29 =	sadd.s32 $0x10, s28;
	v31 =	vld [tilespmem:s24+$0x100];
	v39 =	vmul.f32 $1.442695020e+00, v37;
	v5 =	vmax.f32 v16, v28;
	(erf) = vpow2.f32 v59  }
0x231: {  	v28 =	vor.u32 s29, v0;
	v24 =	vmax.f32 v21, v15;
	(erf) = vpow2.f32 v60;
	v16 =	vpop (erf)  }
0x232: {  	v15 =	vmul.f32 $1.442695020e+00, v15;
	v27 =	vmax.f32 v57, v30;
	v18 =	vadd.f32 v16, v53  }
0x233: {  	v16 =	vpop (erf);
	vm0 =	vgt.f32 v14, v22;
	v22 =	vmax.f32 v22, v14;
	v14 =	vmul.f32 $1.442695020e+00, v14  }
0x234: {  	v21 =	vmul.f32 $1.442695020e+00, v30;
	v19 =	vadd.f32 v16, v19;
	v16 =	vpop (erf);
	(erf) = vpow2.f32 v15  }
0x235: {  	v25 =	vmax.f32 v58, v31;
	v15 =	vmul.f32 $1.442695020e+00, v31;
	(erf) = vpow2.f32 v14  }
0x236: {  	vm3 =	vgt.f32 v30, v57;
	vm2 =	vgt.f32 v31, v58;
	(erf) = vpow2.f32 v21  }
0x237: {  	v30 =	vmov v25;
	v26 =	vadd.f32 v16, v26;
	v16 =	vpop (erf);
	(erf) = vpow2.f32 v15  }
0x238: {  	v31 =	vmov v27;
	v23 =	vadd.f32 v16, v23;
	v35 =	vpop (erf);
	(erf) = vpow2.f32 v61  }
0x239: {  	s24 =	simm.s32 $0x2;
	v16 =	vmax.f32 v4, v32;
	v36 =	vpop (erf);
	v14 =	vmax.f32 v5, v33;
	(erf) = vpow2.f32 v62  }
0x23a: {  	s25 =	simm.s32 $0x30;
	s23 =	simm.s32 $0x20;
	s26 =	sand.u32 $0x7, s24;
	v38 =	vpop (erf);
	v21 =	vmax.f32 v29, v37;
	v15 =	vmax.f32 v6, v34;
	(erf) = vpow2.f32 v63  }
.LBB2_14:
0x23b: {  	s26 =	sshll.u32 s26, $0x4;
	vm6 =	vgt.f32 v32, v4;
	s22 =	sadd.s32 $0x80, s22  }
0x23c: {  	vm4 =	vgt.f32 v33, v5;
	vm7 =	vgt.f32 v34, v6;
	(erf) = vpow2.f32 v39;
	s26 =	sadd.s32 s26, s22  }
0x23d: {  	s28 =	sand.u32 $0x70, s23;
	vm5 =	vgt.f32 v37, v29;
	v3 =	vadd.f32 v35, v3;
	v1 =	vadd.f32 v36, v1;
	s29 =	sand.u32 $0x7C00, s22;
	s26 =	sor.u32 $0x380, s26;
	v29 =	vpop (erf)  }
0x23e: {  	v7 =	vsel vm1, v28, v7;
	v2 =	vadd.f32 v38, v2;
	s28 =	sor.u32 s28, s29;
	v57 =	vld [tilespmem:s26+$0x0];
	v17 =	vadd.f32 v29, v17;
	v29 =	vpop (erf)  }
0x23f: {  	v8 =	vsel vm0, v28, v8;
	v9 =	vsel vm3, v28, v9;
	v58 =	vld [tilespmem:s28+$0x0];
	v18 =	vadd.f32 v29, v18;
	v29 =	vpop (erf)  }
0x240: {  	v10 =	vsel vm2, v28, v10;
	v11 =	vsel vm6, v28, v11;
	s29 =	rddreg [dreg:$0x8];
	v40 =	vld [tilespmem:s28+$0x80];
	v19 =	vadd.f32 v29, v19;
	v29 =	vpop (erf)  }
0x241: {  	v12 =	vsel vm4, v28, v12;
	v13 =	vsel vm7, v28, v13;
	v20 =	vsel vm5, v28, v20;
	s29 =	sadd.s32 s23, s29;
	v41 =	vld [tilespmem:s28+$0x100];
	v59 =	vpop (erf)  }
0x242: {  	v32 =	vld [tilespmem:s28+$0x180];
	v28 =	vor.u32 s29, v0;
	v26 =	vadd.f32 v29, v26;
	v23 =	vadd.f32 v59, v23  }
0x243: {  	v33 =	vld [tilespmem:s28+$0x200];
	v35 =	vpop (erf);
	vm1 =	vgt.f32 v57, v24;
	v24 =	vmax.f32 v24, v57;
	v60 =	vmul.f32 $1.442695020e+00, v57  }
0x244: {  	v34 =	vld [tilespmem:s28+$0x280];
	v36 =	vpop (erf);
	vm0 =	vgt.f32 v58, v22;
	v22 =	vmax.f32 v22, v58;
	v42 =	vmul.f32 $1.442695020e+00, v58  }
0x245: {  	v37 =	vld [tilespmem:s28+$0x300];
	v27 =	vmax.f32 v27, v40;
	v43 =	vmul.f32 $1.442695020e+00, v40;
	v38 =	vpop (erf);
	(erf) = vpow2.f32 v60  }
0x246: {  	p0 =	sne.s32 s25, $0xFF0;
	v25 =	vmax.f32 v25, v41;
	v61 =	vmul.f32 $1.442695020e+00, v41;
	(erf) = vpow2.f32 v42  }
.Ltmp6:
0x247: {  	v4 =	vmovc v16;
	v16 =	vmax.f32 v16, v32;
	v62 =	vmul.f32 $1.442695020e+00, v32;
	(erf) = vpow2.f32 v43;
	(pc) =	sbr.rel @p0 .LBB2_14-.Ltmp6, $4  }
0x248: {  	v5 =	vmovc v14;
	v14 =	vmax.f32 v14, v33;
	v63 =	vmul.f32 $1.442695020e+00, v33;
	(erf) = vpow2.f32 v61  }
0x249: {  	v6 =	vmovc v15;
	v15 =	vmax.f32 v15, v34;
	v44 =	vmul.f32 $1.442695020e+00, v34;
	(erf) = vpow2.f32 v62  }
0x24a: {  	s24 =	sadd.s32 $0x1, s24;
	v29 =	vmovc v21;
	v21 =	vmax.f32 v21, v37;
	v39 =	vmul.f32 $1.442695020e+00, v37;
	(erf) = vpow2.f32 v63  }
0x24b: {  	s23 =	smov.u32 s25;
	s26 =	sand.u32 $0x7, s24;
	s25 =	sadd.s32 $0x10, s25;
	vm3 =	vgt.f32 v40, v31;
	vm2 =	vgt.f32 v41, v30;
	v31 =	vmovc v27;
	v30 =	vmovc v25;
	(erf) = vpow2.f32 v44  }
0x24c: {  	s24 =	sshll.u32 s26, $0x4;
	s22 =	sadd.s32 $0x80, s22  }
0x24d: {  	s24 =	sadd.s32 s24, s22  }
0x24e: {  	s24 =	sor.u32 $0x380, s24  }
0x24f: {  	s25 =	sand.u32 $0x70, s23;
	s22 =	sand.u32 $0x7C00, s22;
	v40 =	vld [tilespmem:s24+$0x0]  }
0x250: {  	s22 =	sor.u32 s25, s22  }
0x251: {  	v41 =	vld [tilespmem:s22+$0x0]  }
0x252: {  	v42 =	vld [tilespmem:s22+$0x80]  }
0x253: {  	v43 =	vld [tilespmem:s22+$0x100]  }
0x254: {  	v44 =	vld [tilespmem:s22+$0x180];
	v46 =	vmul.f32 $1.442695020e+00, v40  }
0x255: {  	v45 =	vld [tilespmem:s22+$0x200]  }
0x256: {  	(erf) = vpow2.f32 v39;
	v47 =	vld [tilespmem:s22+$0x280];
	v56 =	vmul.f32 $1.442695020e+00, v41  }
0x257: {  	v49 =	vld [tilespmem:s22+$0x300];
	v48 =	vmul.f32 $1.442695020e+00, v42;
	(erf) = vpow2.f32 v46  }
0x258: {  	v50 =	vmul.f32 $1.442695020e+00, v43;
	v46 =	vpop (erf);
	(erf) = vpow2.f32 v56  }
0x259: {  	v51 =	vmul.f32 $1.442695020e+00, v44;
	v57 =	vpop (erf);
	(erf) = vpow2.f32 v48  }
0x25a: {  	v52 =	vmul.f32 $1.442695020e+00, v45;
	v58 =	vpop (erf);
	(erf) = vpow2.f32 v50  }
0x25b: {  	v53 =	vmul.f32 $1.442695020e+00, v47;
	v59 =	vpop (erf);
	(erf) = vpow2.f32 v51  }
0x25c: {  	v54 =	vmul.f32 $1.442695020e+00, v49;
	v60 =	vpop (erf);
	(erf) = vpow2.f32 v52  }
0x25d: {  	v61 =	vpop (erf);
	(erf) = vpow2.f32 v53  }
0x25e: {  	v62 =	vpop (erf);
	(erf) = vpow2.f32 v54  }
0x25f: {  	vm4 =	vgt.f32 v32, v4;
	vm5 =	vgt.f32 v33, v5;
	vm6 =	vgt.f32 v34, v6;
	v63 =	vpop (erf)  }
0x260: {  	v3 =	vadd.f32 v35, v3;
	vm7 =	vgt.f32 v37, v29;
	v1 =	vadd.f32 v36, v1;
	v4 =	vpop (erf)  }
0x261: {  	v2 =	vadd.f32 v38, v2;
	v7 =	vsel vm1, v28, v7;
	v8 =	vsel vm0, v28, v8;
	v5 =	vpop (erf)  }
0x262: {  	v9 =	vsel vm3, v28, v9;
	v6 =	vadd.f32 v46, v17;
	v17 =	vadd.f32 v57, v18;
	v18 =	vpop (erf)  }
0x263: {  	v10 =	vsel vm2, v28, v10;
	v11 =	vsel vm4, v28, v11;
	v12 =	vsel vm5, v28, v12;
	v29 =	vpop (erf)  }
0x264: {  	v13 =	vsel vm6, v28, v13;
	v20 =	vsel vm7, v28, v20;
	s24 =	rddreg [dreg:$0x8];
	vm0 =	vgt.f32 v40, v24;
	v46 =	vpop (erf)  }
0x265: {  	s25 =	simm.s32 $0x0;
	s22 =	sadd.s32 s23, s24;
	v24 =	vmax.f32 v24, v40;
	vm1 =	vgt.f32 v41, v22;
	v22 =	vmax.f32 v22, v41;
	v28 =	vpop (erf)  }
0x266: {  	[tilespmem:s25], [sflag:$0x1] =	stream.linear.gather [hbm4b:s7+s25], $0x8000, $0x38;
	v27 =	vmax.f32 v27, v42;
	vm2 =	vgt.f32 v42, v31;
	v31 =	vor.u32 s22, v0;
	v48 =	vpop (erf);
	[tilespmem:$0x10080] =	vst v63  }
0x267: {  	s26 =	sand.u32 $0x7, s25;
	v25 =	vmax.f32 v25, v43;
	vm3 =	vgt.f32 v43, v30;
	v30 =	vmax.f32 v16, v44;
	v50 =	vpop (erf)  }
0x268: {  	vm4 =	vgt.f32 v44, v16;
	s22 =	sshll.u32 s26, $0x4;
	v16 =	vmax.f32 v14, v45;
	vm5 =	vgt.f32 v45, v14;
	_ =	swait.ge [sflag:s18], $0x8000  }
0x269: {  	s28 =	sand.u32 $0x70, s25;
	v14 =	vmax.f32 v15, v47;
	vm12 =	vgt.f32 v47, v15;
	v15 =	vmax.f32 v21, v49;
	s22 =	sadd.s32 $0x0, s22;
	[sflag:s18] =	ssyncset.done $0x0  }
0x26a: {  	s23 =	sand.u32 $0x7C00, s25;
	vm13 =	vgt.f32 v49, v21;
	v7 =	vsel vm0, v31, v7;
	v8 =	vsel vm1, v31, v8;
	s22 =	sor.u32 $0x380, s22;
	[sflag:s18] =	ssyncadd.s32 $0xFFFF8000  }
0x26b: {  	s23 =	sor.u32 s28, s23;
	v9 =	vsel vm2, v31, v9;
	v19 =	vadd.f32 v58, v19;
	v26 =	vadd.f32 v59, v26;
	v21 =	vld [tilespmem:s22+$0x8000]  }
0x26c: {  	v10 =	vsel vm3, v31, v10;
	v23 =	vadd.f32 v60, v23;
	v3 =	vadd.f32 v61, v3;
	v51 =	vld [tilespmem:s23+$0x8000]  }
0x26d: {  	v11 =	vsel vm4, v31, v11;
	v1 =	vadd.f32 v62, v1;
	v53 =	vadd.f32 v5, v17;
	v17 =	vld [tilespmem:s23+$0x8080]  }
0x26e: {  	v12 =	vsel vm5, v31, v12;
	v2 =	vadd.f32 v63, v2;
	v19 =	vadd.f32 v18, v19;
	v18 =	vld [tilespmem:s23+$0x8100]  }
0x26f: {  	v13 =	vsel vm12, v31, v13;
	v52 =	vadd.f32 v4, v6;
	v3 =	vadd.f32 v28, v3;
	v28 =	vld [tilespmem:s23+$0x8200]  }
0x270: {  	v20 =	vsel vm13, v31, v20;
	v26 =	vadd.f32 v29, v26;
	v23 =	vadd.f32 v46, v23;
	s29 =	rddreg [dreg:$0x9];
	v55 =	vld [tilespmem:s23+$0x8280]  }
0x271: {  	v1 =	vadd.f32 v48, v1;
	v2 =	vadd.f32 v50, v2;
	s22 =	sadd.s32 $0x0, s29;
	v56 =	vld [tilespmem:s23+$0x8300];
	v4 =	vmul.f32 $1.442695020e+00, v21  }
0x272: {  	v31 =	vld [tilespmem:s23+$0x8180];
	s23 =	simm.s32 $0x1;
	v54 =	vor.u32 s22, v0;
	v5 =	vmul.f32 $1.442695020e+00, v51;
	v6 =	vmul.f32 $1.442695020e+00, v17  }
0x273: {  	s22 =	sand.u32 $0x7, s23;
	vm0 =	vgt.f32 v21, v24;
	v21 =	vmax.f32 v24, v21;
	vm1 =	vgt.f32 v51, v22  }
0x274: {  	s24 =	sshll.u32 s22, $0x4;
	v22 =	vmax.f32 v22, v51;
	v57 =	vmax.f32 v27, v17;
	(erf) = vpow2.f32 v4  }
0x275: {  	s25 =	simm.s32 $0x10;
	s22 =	simm.s32 $0x80;
	s23 =	sadd.s32 $0x80, s24;
	v58 =	vmax.f32 v25, v18;
	v24 =	vmul.f32 $1.442695020e+00, v28;
	v59 =	vmul.f32 $1.442695020e+00, v55  }
0x276: {  	s24 =	sand.u32 $0x70, s25;
	s26 =	sand.u32 $0x7C00, s22;
	s23 =	sor.u32 $0x380, s23;
	v29 =	vmax.f32 v15, v56;
	v60 =	vmul.f32 $1.442695020e+00, v56;
	vm2 =	vgt.f32 v17, v27  }
0x277: {  	s24 =	sor.u32 s24, s26;
	vm3 =	vgt.f32 v18, v25;
	vm4 =	vgt.f32 v31, v30;
	vm15 =	vgt.f32 v56, v15;
	v15 =	vld [tilespmem:s23+$0x8000]  }
0x278: {  	vm5 =	vgt.f32 v28, v16;
	vm14 =	vgt.f32 v55, v14;
	v32 =	vld [tilespmem:s24+$0x8180];
	(erf) = vpow2.f32 v5  }
0x279: {  	v33 =	vld [tilespmem:s24+$0x8200];
	v7 =	vsel vm0, v54, v7;
	v8 =	vsel vm1, v54, v8;
	v4 =	vmul.f32 $1.442695020e+00, v18  }
0x27a: {  	v34 =	vld [tilespmem:s24+$0x8280];
	v9 =	vsel vm2, v54, v9;
	v10 =	vsel vm3, v54, v10;
	(erf) = vpow2.f32 v6  }
0x27b: {  	v37 =	vld [tilespmem:s24+$0x8300];
	v11 =	vsel vm4, v54, v11;
	v12 =	vsel vm5, v54, v12;
	(erf) = vpow2.f32 v4  }
0x27c: {  	v13 =	vsel vm14, v54, v13;
	v20 =	vsel vm15, v54, v20;
	v5 =	vmul.f32 $1.442695020e+00, v31  }
0x27d: {  	v6 =	vmax.f32 v14, v55;
	v4 =	vmax.f32 v30, v31;
	v30 =	vld [tilespmem:s24+$0x8080];
	v61 =	vmul.f32 $1.442695020e+00, v32;
	v14 =	vpop (erf)  }
0x27e: {  	v62 =	vmul.f32 $1.442695020e+00, v33;
	(erf) = vpow2.f32 v5;
	v17 =	vadd.f32 v14, v52;
	v14 =	vld [tilespmem:s24+$0x8000]  }
0x27f: {  	s28 =	rddreg [dreg:$0x9];
	vm1 =	vgt.f32 v15, v21;
	v63 =	vmul.f32 $1.442695020e+00, v34;
	(erf) = vpow2.f32 v24  }
0x280: {  	s29 =	sadd.s32 $0x10, s28;
	v31 =	vld [tilespmem:s24+$0x8100];
	v39 =	vmul.f32 $1.442695020e+00, v37;
	v5 =	vmax.f32 v16, v28;
	(erf) = vpow2.f32 v59  }
0x281: {  	v28 =	vor.u32 s29, v0;
	v24 =	vmax.f32 v21, v15;
	(erf) = vpow2.f32 v60;
	v16 =	vpop (erf)  }
0x282: {  	v15 =	vmul.f32 $1.442695020e+00, v15;
	v27 =	vmax.f32 v57, v30;
	v18 =	vadd.f32 v16, v53  }
0x283: {  	v16 =	vpop (erf);
	vm0 =	vgt.f32 v14, v22;
	v22 =	vmax.f32 v22, v14;
	v14 =	vmul.f32 $1.442695020e+00, v14  }
0x284: {  	v21 =	vmul.f32 $1.442695020e+00, v30;
	v19 =	vadd.f32 v16, v19;
	v16 =	vpop (erf);
	(erf) = vpow2.f32 v15  }
0x285: {  	v25 =	vmax.f32 v58, v31;
	v15 =	vmul.f32 $1.442695020e+00, v31;
	(erf) = vpow2.f32 v14  }
0x286: {  	vm3 =	vgt.f32 v30, v57;
	vm2 =	vgt.f32 v31, v58;
	(erf) = vpow2.f32 v21  }
0x287: {  	v30 =	vmov v25;
	v26 =	vadd.f32 v16, v26;
	v16 =	vpop (erf);
	(erf) = vpow2.f32 v15  }
0x288: {  	v31 =	vmov v27;
	v23 =	vadd.f32 v16, v23;
	v35 =	vpop (erf);
	(erf) = vpow2.f32 v61  }
0x289: {  	s24 =	simm.s32 $0x2;
	v16 =	vmax.f32 v4, v32;
	v36 =	vpop (erf);
	v14 =	vmax.f32 v5, v33;
	(erf) = vpow2.f32 v62  }
0x28a: {  	s25 =	simm.s32 $0x30;
	s23 =	simm.s32 $0x20;
	s26 =	sand.u32 $0x7, s24;
	v38 =	vpop (erf);
	v21 =	vmax.f32 v29, v37;
	v15 =	vmax.f32 v6, v34;
	(erf) = vpow2.f32 v63  }
.LBB2_16:
0x28b: {  	s26 =	sshll.u32 s26, $0x4;
	vm6 =	vgt.f32 v32, v4;
	s22 =	sadd.s32 $0x80, s22  }
0x28c: {  	vm4 =	vgt.f32 v33, v5;
	vm7 =	vgt.f32 v34, v6;
	(erf) = vpow2.f32 v39;
	s26 =	sadd.s32 s26, s22  }
0x28d: {  	s28 =	sand.u32 $0x70, s23;
	vm5 =	vgt.f32 v37, v29;
	v3 =	vadd.f32 v35, v3;
	v1 =	vadd.f32 v36, v1;
	s29 =	sand.u32 $0x7C00, s22;
	s26 =	sor.u32 $0x380, s26;
	v29 =	vpop (erf)  }
0x28e: {  	v7 =	vsel vm1, v28, v7;
	v2 =	vadd.f32 v38, v2;
	s28 =	sor.u32 s28, s29;
	v57 =	vld [tilespmem:s26+$0x8000];
	v17 =	vadd.f32 v29, v17;
	v29 =	vpop (erf)  }
0x28f: {  	v8 =	vsel vm0, v28, v8;
	v9 =	vsel vm3, v28, v9;
	v58 =	vld [tilespmem:s28+$0x8000];
	v18 =	vadd.f32 v29, v18;
	v29 =	vpop (erf)  }
0x290: {  	v10 =	vsel vm2, v28, v10;
	v11 =	vsel vm6, v28, v11;
	s29 =	rddreg [dreg:$0x9];
	v40 =	vld [tilespmem:s28+$0x8080];
	v19 =	vadd.f32 v29, v19;
	v29 =	vpop (erf)  }
0x291: {  	v12 =	vsel vm4, v28, v12;
	v13 =	vsel vm7, v28, v13;
	v20 =	vsel vm5, v28, v20;
	s29 =	sadd.s32 s23, s29;
	v41 =	vld [tilespmem:s28+$0x8100];
	v59 =	vpop (erf)  }
0x292: {  	v32 =	vld [tilespmem:s28+$0x8180];
	v28 =	vor.u32 s29, v0;
	v26 =	vadd.f32 v29, v26;
	v23 =	vadd.f32 v59, v23  }
0x293: {  	v33 =	vld [tilespmem:s28+$0x8200];
	v35 =	vpop (erf);
	vm1 =	vgt.f32 v57, v24;
	v24 =	vmax.f32 v24, v57;
	v60 =	vmul.f32 $1.442695020e+00, v57  }
0x294: {  	v34 =	vld [tilespmem:s28+$0x8280];
	v36 =	vpop (erf);
	vm0 =	vgt.f32 v58, v22;
	v22 =	vmax.f32 v22, v58;
	v42 =	vmul.f32 $1.442695020e+00, v58  }
0x295: {  	v37 =	vld [tilespmem:s28+$0x8300];
	v27 =	vmax.f32 v27, v40;
	v43 =	vmul.f32 $1.442695020e+00, v40;
	v38 =	vpop (erf);
	(erf) = vpow2.f32 v60  }
0x296: {  	p0 =	sne.s32 s25, $0xFF0;
	v25 =	vmax.f32 v25, v41;
	v61 =	vmul.f32 $1.442695020e+00, v41;
	(erf) = vpow2.f32 v42  }
.Ltmp7:
0x297: {  	v4 =	vmovc v16;
	v16 =	vmax.f32 v16, v32;
	v62 =	vmul.f32 $1.442695020e+00, v32;
	(erf) = vpow2.f32 v43;
	(pc) =	sbr.rel @p0 .LBB2_16-.Ltmp7, $4  }
0x298: {  	v5 =	vmovc v14;
	v14 =	vmax.f32 v14, v33;
	v63 =	vmul.f32 $1.442695020e+00, v33;
	(erf) = vpow2.f32 v61  }
0x299: {  	v6 =	vmovc v15;
	v15 =	vmax.f32 v15, v34;
	v44 =	vmul.f32 $1.442695020e+00, v34;
	(erf) = vpow2.f32 v62  }
0x29a: {  	s24 =	sadd.s32 $0x1, s24;
	v29 =	vmovc v21;
	v21 =	vmax.f32 v21, v37;
	v39 =	vmul.f32 $1.442695020e+00, v37;
	(erf) = vpow2.f32 v63  }
0x29b: {  	s23 =	smov.u32 s25;
	s26 =	sand.u32 $0x7, s24;
	s25 =	sadd.s32 $0x10, s25;
	vm3 =	vgt.f32 v40, v31;
	vm2 =	vgt.f32 v41, v30;
	v31 =	vmovc v27;
	v30 =	vmovc v25;
	(erf) = vpow2.f32 v44  }
0x29c: {  	s24 =	sshll.u32 s26, $0x4;
	s22 =	sadd.s32 $0x80, s22  }
0x29d: {  	s24 =	sadd.s32 s24, s22  }
0x29e: {  	s24 =	sor.u32 $0x380, s24  }
0x29f: {  	s25 =	sand.u32 $0x70, s23;
	s22 =	sand.u32 $0x7C00, s22;
	v40 =	vld [tilespmem:s24+$0x8000]  }
0x2a0: {  	s22 =	sor.u32 s25, s22  }
0x2a1: {  	v41 =	vld [tilespmem:s22+$0x8000]  }
0x2a2: {  	v42 =	vld [tilespmem:s22+$0x8080]  }
0x2a3: {  	v43 =	vld [tilespmem:s22+$0x8100]  }
0x2a4: {  	v44 =	vld [tilespmem:s22+$0x8180];
	v46 =	vmul.f32 $1.442695020e+00, v40  }
0x2a5: {  	v45 =	vld [tilespmem:s22+$0x8200]  }
0x2a6: {  	(erf) = vpow2.f32 v39;
	v47 =	vld [tilespmem:s22+$0x8280];
	v56 =	vmul.f32 $1.442695020e+00, v41  }
0x2a7: {  	v49 =	vld [tilespmem:s22+$0x8300];
	v48 =	vmul.f32 $1.442695020e+00, v42;
	(erf) = vpow2.f32 v46  }
0x2a8: {  	v50 =	vmul.f32 $1.442695020e+00, v43;
	v46 =	vpop (erf);
	(erf) = vpow2.f32 v56  }
0x2a9: {  	v51 =	vmul.f32 $1.442695020e+00, v44;
	v57 =	vpop (erf);
	(erf) = vpow2.f32 v48  }
0x2aa: {  	v52 =	vmul.f32 $1.442695020e+00, v45;
	v58 =	vpop (erf);
	(erf) = vpow2.f32 v50  }
0x2ab: {  	v53 =	vmul.f32 $1.442695020e+00, v47;
	v59 =	vpop (erf);
	(erf) = vpow2.f32 v51  }
0x2ac: {  	v54 =	vmul.f32 $1.442695020e+00, v49;
	v60 =	vpop (erf);
	(erf) = vpow2.f32 v52  }
0x2ad: {  	v61 =	vpop (erf);
	(erf) = vpow2.f32 v53  }
0x2ae: {  	v62 =	vpop (erf);
	(erf) = vpow2.f32 v54  }
0x2af: {  	vm4 =	vgt.f32 v32, v4;
	vm5 =	vgt.f32 v33, v5;
	vm6 =	vgt.f32 v34, v6;
	v63 =	vpop (erf)  }
0x2b0: {  	v3 =	vadd.f32 v35, v3;
	vm7 =	vgt.f32 v37, v29;
	v1 =	vadd.f32 v36, v1;
	v4 =	vpop (erf)  }
0x2b1: {  	v2 =	vadd.f32 v38, v2;
	v7 =	vsel vm1, v28, v7;
	v8 =	vsel vm0, v28, v8;
	v5 =	vpop (erf)  }
0x2b2: {  	v9 =	vsel vm3, v28, v9;
	v6 =	vadd.f32 v46, v17;
	v17 =	vadd.f32 v57, v18;
	v18 =	vpop (erf)  }
0x2b3: {  	v10 =	vsel vm2, v28, v10;
	v11 =	vsel vm4, v28, v11;
	v12 =	vsel vm5, v28, v12;
	v29 =	vpop (erf)  }
0x2b4: {  	v13 =	vsel vm6, v28, v13;
	v20 =	vsel vm7, v28, v20;
	s24 =	rddreg [dreg:$0x9];
	vm0 =	vgt.f32 v40, v24;
	v46 =	vpop (erf)  }
0x2b5: {  	s25 =	simm.s32 $0x0;
	s22 =	sadd.s32 s23, s24;
	v24 =	vmax.f32 v24, v40;
	vm1 =	vgt.f32 v41, v22;
	v22 =	vmax.f32 v22, v41;
	v28 =	vpop (erf)  }
0x2b6: {  	[tilespmem:s16], [sflag:$0x2] =	stream.linear.gather [hbm4b:s8+s25], $0x8000, $0x38;
	v27 =	vmax.f32 v27, v42;
	vm2 =	vgt.f32 v42, v31;
	v31 =	vor.u32 s22, v0;
	v48 =	vpop (erf);
	[tilespmem:$0x10080] =	vst v63  }
0x2b7: {  	s26 =	sand.u32 $0x7, s25;
	v25 =	vmax.f32 v25, v43;
	vm3 =	vgt.f32 v43, v30;
	v30 =	vmax.f32 v16, v44;
	v50 =	vpop (erf)  }
0x2b8: {  	vm4 =	vgt.f32 v44, v16;
	s22 =	sshll.u32 s26, $0x4;
	v16 =	vmax.f32 v14, v45;
	vm5 =	vgt.f32 v45, v14;
	_ =	swait.ge [sflag:s17], $0x8000  }
0x2b9: {  	s28 =	sand.u32 $0x70, s25;
	v14 =	vmax.f32 v15, v47;
	vm12 =	vgt.f32 v47, v15;
	v15 =	vmax.f32 v21, v49;
	s22 =	sadd.s32 $0x0, s22;
	[sflag:s17] =	ssyncset.done $0x0  }
0x2ba: {  	s23 =	sand.u32 $0x7C00, s25;
	vm13 =	vgt.f32 v49, v21;
	v7 =	vsel vm0, v31, v7;
	v8 =	vsel vm1, v31, v8;
	s22 =	sor.u32 $0x380, s22;
	[sflag:s17] =	ssyncadd.s32 $0xFFFF8000  }
0x2bb: {  	s23 =	sor.u32 s28, s23;
	v9 =	vsel vm2, v31, v9;
	v19 =	vadd.f32 v58, v19;
	v26 =	vadd.f32 v59, v26;
	v21 =	vld [tilespmem:s22+$0x0]  }
0x2bc: {  	v10 =	vsel vm3, v31, v10;
	v23 =	vadd.f32 v60, v23;
	v3 =	vadd.f32 v61, v3;
	v51 =	vld [tilespmem:s23+$0x0]  }
0x2bd: {  	v11 =	vsel vm4, v31, v11;
	v1 =	vadd.f32 v62, v1;
	v53 =	vadd.f32 v5, v17;
	v17 =	vld [tilespmem:s23+$0x80]  }
0x2be: {  	v12 =	vsel vm5, v31, v12;
	v2 =	vadd.f32 v63, v2;
	v19 =	vadd.f32 v18, v19;
	v18 =	vld [tilespmem:s23+$0x100]  }
0x2bf: {  	v13 =	vsel vm12, v31, v13;
	v52 =	vadd.f32 v4, v6;
	v3 =	vadd.f32 v28, v3;
	v28 =	vld [tilespmem:s23+$0x200]  }
0x2c0: {  	v20 =	vsel vm13, v31, v20;
	v26 =	vadd.f32 v29, v26;
	v23 =	vadd.f32 v46, v23;
	s29 =	rddreg [dreg:$0xa];
	v55 =	vld [tilespmem:s23+$0x280]  }
0x2c1: {  	v1 =	vadd.f32 v48, v1;
	v2 =	vadd.f32 v50, v2;
	s22 =	sadd.s32 $0x0, s29;
	v56 =	vld [tilespmem:s23+$0x300];
	v4 =	vmul.f32 $1.442695020e+00, v21  }
0x2c2: {  	v31 =	vld [tilespmem:s23+$0x180];
	s23 =	simm.s32 $0x1;
	v54 =	vor.u32 s22, v0;
	v5 =	vmul.f32 $1.442695020e+00, v51;
	v6 =	vmul.f32 $1.442695020e+00, v17  }
0x2c3: {  	s22 =	sand.u32 $0x7, s23;
	vm0 =	vgt.f32 v21, v24;
	v21 =	vmax.f32 v24, v21;
	vm1 =	vgt.f32 v51, v22  }
0x2c4: {  	s24 =	sshll.u32 s22, $0x4;
	v22 =	vmax.f32 v22, v51;
	v57 =	vmax.f32 v27, v17;
	(erf) = vpow2.f32 v4  }
0x2c5: {  	s25 =	simm.s32 $0x10;
	s22 =	simm.s32 $0x80;
	s23 =	sadd.s32 $0x80, s24;
	v58 =	vmax.f32 v25, v18;
	v24 =	vmul.f32 $1.442695020e+00, v28;
	v59 =	vmul.f32 $1.442695020e+00, v55  }
0x2c6: {  	s24 =	sand.u32 $0x70, s25;
	s26 =	sand.u32 $0x7C00, s22;
	s23 =	sor.u32 $0x380, s23;
	v29 =	vmax.f32 v15, v56;
	v60 =	vmul.f32 $1.442695020e+00, v56;
	vm2 =	vgt.f32 v17, v27  }
0x2c7: {  	s24 =	sor.u32 s24, s26;
	vm3 =	vgt.f32 v18, v25;
	vm4 =	vgt.f32 v31, v30;
	vm15 =	vgt.f32 v56, v15;
	v15 =	vld [tilespmem:s23+$0x0]  }
0x2c8: {  	vm5 =	vgt.f32 v28, v16;
	vm14 =	vgt.f32 v55, v14;
	v32 =	vld [tilespmem:s24+$0x180];
	(erf) = vpow2.f32 v5  }
0x2c9: {  	v33 =	vld [tilespmem:s24+$0x200];
	v7 =	vsel vm0, v54, v7;
	v8 =	vsel vm1, v54, v8;
	v4 =	vmul.f32 $1.442695020e+00, v18  }
0x2ca: {  	v34 =	vld [tilespmem:s24+$0x280];
	v9 =	vsel vm2, v54, v9;
	v10 =	vsel vm3, v54, v10;
	(erf) = vpow2.f32 v6  }
0x2cb: {  	v37 =	vld [tilespmem:s24+$0x300];
	v11 =	vsel vm4, v54, v11;
	v12 =	vsel vm5, v54, v12;
	(erf) = vpow2.f32 v4  }
0x2cc: {  	v13 =	vsel vm14, v54, v13;
	v20 =	vsel vm15, v54, v20;
	v5 =	vmul.f32 $1.442695020e+00, v31  }
0x2cd: {  	v6 =	vmax.f32 v14, v55;
	v4 =	vmax.f32 v30, v31;
	v30 =	vld [tilespmem:s24+$0x80];
	v61 =	vmul.f32 $1.442695020e+00, v32;
	v14 =	vpop (erf)  }
0x2ce: {  	v62 =	vmul.f32 $1.442695020e+00, v33;
	(erf) = vpow2.f32 v5;
	v17 =	vadd.f32 v14, v52;
	v14 =	vld [tilespmem:s24+$0x0]  }
0x2cf: {  	s28 =	rddreg [dreg:$0xa];
	vm1 =	vgt.f32 v15, v21;
	v63 =	vmul.f32 $1.442695020e+00, v34;
	(erf) = vpow2.f32 v24  }
0x2d0: {  	s29 =	sadd.s32 $0x10, s28;
	v31 =	vld [tilespmem:s24+$0x100];
	v39 =	vmul.f32 $1.442695020e+00, v37;
	v5 =	vmax.f32 v16, v28;
	(erf) = vpow2.f32 v59  }
0x2d1: {  	v28 =	vor.u32 s29, v0;
	v24 =	vmax.f32 v21, v15;
	(erf) = vpow2.f32 v60;
	v16 =	vpop (erf)  }
0x2d2: {  	v15 =	vmul.f32 $1.442695020e+00, v15;
	v27 =	vmax.f32 v57, v30;
	v18 =	vadd.f32 v16, v53  }
0x2d3: {  	v16 =	vpop (erf);
	vm0 =	vgt.f32 v14, v22;
	v22 =	vmax.f32 v22, v14;
	v14 =	vmul.f32 $1.442695020e+00, v14  }
0x2d4: {  	v21 =	vmul.f32 $1.442695020e+00, v30;
	v19 =	vadd.f32 v16, v19;
	v16 =	vpop (erf);
	(erf) = vpow2.f32 v15  }
0x2d5: {  	v25 =	vmax.f32 v58, v31;
	v15 =	vmul.f32 $1.442695020e+00, v31;
	(erf) = vpow2.f32 v14  }
0x2d6: {  	vm3 =	vgt.f32 v30, v57;
	vm2 =	vgt.f32 v31, v58;
	(erf) = vpow2.f32 v21  }
0x2d7: {  	v30 =	vmov v25;
	v26 =	vadd.f32 v16, v26;
	v16 =	vpop (erf);
	(erf) = vpow2.f32 v15  }
0x2d8: {  	v31 =	vmov v27;
	v23 =	vadd.f32 v16, v23;
	v35 =	vpop (erf);
	(erf) = vpow2.f32 v61  }
0x2d9: {  	s24 =	simm.s32 $0x2;
	v16 =	vmax.f32 v4, v32;
	v36 =	vpop (erf);
	v14 =	vmax.f32 v5, v33;
	(erf) = vpow2.f32 v62  }
0x2da: {  	s25 =	simm.s32 $0x30;
	s23 =	simm.s32 $0x20;
	s26 =	sand.u32 $0x7, s24;
	v38 =	vpop (erf);
	v21 =	vmax.f32 v29, v37;
	v15 =	vmax.f32 v6, v34;
	(erf) = vpow2.f32 v63  }
.LBB2_18:
0x2db: {  	s26 =	sshll.u32 s26, $0x4;
	vm6 =	vgt.f32 v32, v4;
	s22 =	sadd.s32 $0x80, s22  }
0x2dc: {  	vm4 =	vgt.f32 v33, v5;
	vm7 =	vgt.f32 v34, v6;
	(erf) = vpow2.f32 v39;
	s26 =	sadd.s32 s26, s22  }
0x2dd: {  	s28 =	sand.u32 $0x70, s23;
	vm5 =	vgt.f32 v37, v29;
	v3 =	vadd.f32 v35, v3;
	v1 =	vadd.f32 v36, v1;
	s29 =	sand.u32 $0x7C00, s22;
	s26 =	sor.u32 $0x380, s26;
	v29 =	vpop (erf)  }
0x2de: {  	v7 =	vsel vm1, v28, v7;
	v2 =	vadd.f32 v38, v2;
	s28 =	sor.u32 s28, s29;
	v57 =	vld [tilespmem:s26+$0x0];
	v17 =	vadd.f32 v29, v17;
	v29 =	vpop (erf)  }
0x2df: {  	v8 =	vsel vm0, v28, v8;
	v9 =	vsel vm3, v28, v9;
	v58 =	vld [tilespmem:s28+$0x0];
	v18 =	vadd.f32 v29, v18;
	v29 =	vpop (erf)  }
0x2e0: {  	v10 =	vsel vm2, v28, v10;
	v11 =	vsel vm6, v28, v11;
	s29 =	rddreg [dreg:$0xa];
	v40 =	vld [tilespmem:s28+$0x80];
	v19 =	vadd.f32 v29, v19;
	v29 =	vpop (erf)  }
0x2e1: {  	v12 =	vsel vm4, v28, v12;
	v13 =	vsel vm7, v28, v13;
	v20 =	vsel vm5, v28, v20;
	s29 =	sadd.s32 s23, s29;
	v41 =	vld [tilespmem:s28+$0x100];
	v59 =	vpop (erf)  }
0x2e2: {  	v32 =	vld [tilespmem:s28+$0x180];
	v28 =	vor.u32 s29, v0;
	v26 =	vadd.f32 v29, v26;
	v23 =	vadd.f32 v59, v23  }
0x2e3: {  	v33 =	vld [tilespmem:s28+$0x200];
	v35 =	vpop (erf);
	vm1 =	vgt.f32 v57, v24;
	v24 =	vmax.f32 v24, v57;
	v60 =	vmul.f32 $1.442695020e+00, v57  }
0x2e4: {  	v34 =	vld [tilespmem:s28+$0x280];
	v36 =	vpop (erf);
	vm0 =	vgt.f32 v58, v22;
	v22 =	vmax.f32 v22, v58;
	v42 =	vmul.f32 $1.442695020e+00, v58  }
0x2e5: {  	v37 =	vld [tilespmem:s28+$0x300];
	v27 =	vmax.f32 v27, v40;
	v43 =	vmul.f32 $1.442695020e+00, v40;
	v38 =	vpop (erf);
	(erf) = vpow2.f32 v60  }
0x2e6: {  	p0 =	sne.s32 s25, $0xFF0;
	v25 =	vmax.f32 v25, v41;
	v61 =	vmul.f32 $1.442695020e+00, v41;
	(erf) = vpow2.f32 v42  }
.Ltmp8:
0x2e7: {  	v4 =	vmovc v16;
	v16 =	vmax.f32 v16, v32;
	v62 =	vmul.f32 $1.442695020e+00, v32;
	(erf) = vpow2.f32 v43;
	(pc) =	sbr.rel @p0 .LBB2_18-.Ltmp8, $4  }
0x2e8: {  	v5 =	vmovc v14;
	v14 =	vmax.f32 v14, v33;
	v63 =	vmul.f32 $1.442695020e+00, v33;
	(erf) = vpow2.f32 v61  }
0x2e9: {  	v6 =	vmovc v15;
	v15 =	vmax.f32 v15, v34;
	v44 =	vmul.f32 $1.442695020e+00, v34;
	(erf) = vpow2.f32 v62  }
0x2ea: {  	s24 =	sadd.s32 $0x1, s24;
	v29 =	vmovc v21;
	v21 =	vmax.f32 v21, v37;
	v39 =	vmul.f32 $1.442695020e+00, v37;
	(erf) = vpow2.f32 v63  }
0x2eb: {  	s23 =	smov.u32 s25;
	s26 =	sand.u32 $0x7, s24;
	s25 =	sadd.s32 $0x10, s25;
	vm3 =	vgt.f32 v40, v31;
	vm2 =	vgt.f32 v41, v30;
	v31 =	vmovc v27;
	v30 =	vmovc v25;
	(erf) = vpow2.f32 v44  }
0x2ec: {  	s24 =	sshll.u32 s26, $0x4;
	s22 =	sadd.s32 $0x80, s22  }
0x2ed: {  	s24 =	sadd.s32 s24, s22  }
0x2ee: {  	s24 =	sor.u32 $0x380, s24  }
0x2ef: {  	s25 =	sand.u32 $0x70, s23;
	s22 =	sand.u32 $0x7C00, s22;
	v40 =	vld [tilespmem:s24+$0x0]  }
0x2f0: {  	s22 =	sor.u32 s25, s22  }
0x2f1: {  	v41 =	vld [tilespmem:s22+$0x0]  }
0x2f2: {  	v42 =	vld [tilespmem:s22+$0x80]  }
0x2f3: {  	v43 =	vld [tilespmem:s22+$0x100]  }
0x2f4: {  	v44 =	vld [tilespmem:s22+$0x180];
	v46 =	vmul.f32 $1.442695020e+00, v40  }
0x2f5: {  	v45 =	vld [tilespmem:s22+$0x200]  }
0x2f6: {  	(erf) = vpow2.f32 v39;
	v47 =	vld [tilespmem:s22+$0x280];
	v56 =	vmul.f32 $1.442695020e+00, v41  }
0x2f7: {  	v49 =	vld [tilespmem:s22+$0x300];
	v48 =	vmul.f32 $1.442695020e+00, v42;
	(erf) = vpow2.f32 v46  }
0x2f8: {  	v50 =	vmul.f32 $1.442695020e+00, v43;
	v46 =	vpop (erf);
	(erf) = vpow2.f32 v56  }
0x2f9: {  	v51 =	vmul.f32 $1.442695020e+00, v44;
	v57 =	vpop (erf);
	(erf) = vpow2.f32 v48  }
0x2fa: {  	v52 =	vmul.f32 $1.442695020e+00, v45;
	v58 =	vpop (erf);
	(erf) = vpow2.f32 v50  }
0x2fb: {  	v53 =	vmul.f32 $1.442695020e+00, v47;
	v59 =	vpop (erf);
	(erf) = vpow2.f32 v51  }
0x2fc: {  	v54 =	vmul.f32 $1.442695020e+00, v49;
	v60 =	vpop (erf);
	(erf) = vpow2.f32 v52  }
0x2fd: {  	v61 =	vpop (erf);
	(erf) = vpow2.f32 v53  }
0x2fe: {  	v62 =	vpop (erf);
	(erf) = vpow2.f32 v54  }
0x2ff: {  	vm4 =	vgt.f32 v32, v4;
	vm5 =	vgt.f32 v33, v5;
	vm6 =	vgt.f32 v34, v6;
	v63 =	vpop (erf)  }
0x300: {  	v3 =	vadd.f32 v35, v3;
	vm7 =	vgt.f32 v37, v29;
	v1 =	vadd.f32 v36, v1;
	v4 =	vpop (erf)  }
0x301: {  	v2 =	vadd.f32 v38, v2;
	v7 =	vsel vm1, v28, v7;
	v8 =	vsel vm0, v28, v8;
	v5 =	vpop (erf)  }
0x302: {  	v9 =	vsel vm3, v28, v9;
	v6 =	vadd.f32 v46, v17;
	v17 =	vadd.f32 v57, v18;
	v18 =	vpop (erf)  }
0x303: {  	v10 =	vsel vm2, v28, v10;
	v11 =	vsel vm4, v28, v11;
	v12 =	vsel vm5, v28, v12;
	v29 =	vpop (erf)  }
0x304: {  	v13 =	vsel vm6, v28, v13;
	v20 =	vsel vm7, v28, v20;
	s24 =	rddreg [dreg:$0xa];
	vm0 =	vgt.f32 v40, v24;
	v46 =	vpop (erf)  }
0x305: {  	s25 =	simm.s32 $0x0;
	s22 =	sadd.s32 s23, s24;
	v24 =	vmax.f32 v24, v40;
	vm1 =	vgt.f32 v41, v22;
	v22 =	vmax.f32 v22, v41;
	v28 =	vpop (erf)  }
0x306: {  	[tilespmem:s25], [sflag:$0x1] =	stream.linear.gather [hbm4b:s9+s25], $0x8000, $0x38;
	v27 =	vmax.f32 v27, v42;
	vm2 =	vgt.f32 v42, v31;
	v31 =	vor.u32 s22, v0;
	v48 =	vpop (erf);
	[tilespmem:$0x10080] =	vst v63  }
0x307: {  	s26 =	sand.u32 $0x7, s25;
	v25 =	vmax.f32 v25, v43;
	vm3 =	vgt.f32 v43, v30;
	v30 =	vmax.f32 v16, v44;
	v50 =	vpop (erf)  }
0x308: {  	vm4 =	vgt.f32 v44, v16;
	s22 =	sshll.u32 s26, $0x4;
	v16 =	vmax.f32 v14, v45;
	vm5 =	vgt.f32 v45, v14;
	_ =	swait.ge [sflag:s18], $0x8000  }
0x309: {  	s28 =	sand.u32 $0x70, s25;
	v14 =	vmax.f32 v15, v47;
	vm12 =	vgt.f32 v47, v15;
	v15 =	vmax.f32 v21, v49;
	s22 =	sadd.s32 $0x0, s22;
	[sflag:s18] =	ssyncset.done $0x0  }
0x30a: {  	s23 =	sand.u32 $0x7C00, s25;
	vm13 =	vgt.f32 v49, v21;
	v7 =	vsel vm0, v31, v7;
	v8 =	vsel vm1, v31, v8;
	s22 =	sor.u32 $0x380, s22;
	[sflag:s18] =	ssyncadd.s32 $0xFFFF8000  }
0x30b: {  	s23 =	sor.u32 s28, s23;
	v9 =	vsel vm2, v31, v9;
	v19 =	vadd.f32 v58, v19;
	v26 =	vadd.f32 v59, v26;
	v21 =	vld [tilespmem:s22+$0x8000]  }
0x30c: {  	v10 =	vsel vm3, v31, v10;
	v23 =	vadd.f32 v60, v23;
	v3 =	vadd.f32 v61, v3;
	v51 =	vld [tilespmem:s23+$0x8000]  }
0x30d: {  	v11 =	vsel vm4, v31, v11;
	v1 =	vadd.f32 v62, v1;
	v53 =	vadd.f32 v5, v17;
	v17 =	vld [tilespmem:s23+$0x8080]  }
0x30e: {  	v12 =	vsel vm5, v31, v12;
	v2 =	vadd.f32 v63, v2;
	v19 =	vadd.f32 v18, v19;
	v18 =	vld [tilespmem:s23+$0x8100]  }
0x30f: {  	v13 =	vsel vm12, v31, v13;
	v52 =	vadd.f32 v4, v6;
	v3 =	vadd.f32 v28, v3;
	v28 =	vld [tilespmem:s23+$0x8200]  }
0x310: {  	v20 =	vsel vm13, v31, v20;
	v26 =	vadd.f32 v29, v26;
	v23 =	vadd.f32 v46, v23;
	s29 =	rddreg [dreg:$0xb];
	v55 =	vld [tilespmem:s23+$0x8280]  }
0x311: {  	v1 =	vadd.f32 v48, v1;
	v2 =	vadd.f32 v50, v2;
	s22 =	sadd.s32 $0x0, s29;
	v56 =	vld [tilespmem:s23+$0x8300];
	v4 =	vmul.f32 $1.442695020e+00, v21  }
0x312: {  	v31 =	vld [tilespmem:s23+$0x8180];
	s23 =	simm.s32 $0x1;
	v54 =	vor.u32 s22, v0;
	v5 =	vmul.f32 $1.442695020e+00, v51;
	v6 =	vmul.f32 $1.442695020e+00, v17  }
0x313: {  	s22 =	sand.u32 $0x7, s23;
	vm0 =	vgt.f32 v21, v24;
	v21 =	vmax.f32 v24, v21;
	vm1 =	vgt.f32 v51, v22  }
0x314: {  	s24 =	sshll.u32 s22, $0x4;
	v22 =	vmax.f32 v22, v51;
	v57 =	vmax.f32 v27, v17;
	(erf) = vpow2.f32 v4  }
0x315: {  	s25 =	simm.s32 $0x10;
	s22 =	simm.s32 $0x80;
	s23 =	sadd.s32 $0x80, s24;
	v58 =	vmax.f32 v25, v18;
	v24 =	vmul.f32 $1.442695020e+00, v28;
	v59 =	vmul.f32 $1.442695020e+00, v55  }
0x316: {  	s24 =	sand.u32 $0x70, s25;
	s26 =	sand.u32 $0x7C00, s22;
	s23 =	sor.u32 $0x380, s23;
	v29 =	vmax.f32 v15, v56;
	v60 =	vmul.f32 $1.442695020e+00, v56;
	vm2 =	vgt.f32 v17, v27  }
0x317: {  	s24 =	sor.u32 s24, s26;
	vm3 =	vgt.f32 v18, v25;
	vm4 =	vgt.f32 v31, v30;
	vm15 =	vgt.f32 v56, v15;
	v15 =	vld [tilespmem:s23+$0x8000]  }
0x318: {  	vm5 =	vgt.f32 v28, v16;
	vm14 =	vgt.f32 v55, v14;
	v32 =	vld [tilespmem:s24+$0x8180];
	(erf) = vpow2.f32 v5  }
0x319: {  	v33 =	vld [tilespmem:s24+$0x8200];
	v7 =	vsel vm0, v54, v7;
	v8 =	vsel vm1, v54, v8;
	v4 =	vmul.f32 $1.442695020e+00, v18  }
0x31a: {  	v34 =	vld [tilespmem:s24+$0x8280];
	v9 =	vsel vm2, v54, v9;
	v10 =	vsel vm3, v54, v10;
	(erf) = vpow2.f32 v6  }
0x31b: {  	v37 =	vld [tilespmem:s24+$0x8300];
	v11 =	vsel vm4, v54, v11;
	v12 =	vsel vm5, v54, v12;
	(erf) = vpow2.f32 v4  }
0x31c: {  	v13 =	vsel vm14, v54, v13;
	v20 =	vsel vm15, v54, v20;
	v5 =	vmul.f32 $1.442695020e+00, v31  }
0x31d: {  	v6 =	vmax.f32 v14, v55;
	v4 =	vmax.f32 v30, v31;
	v30 =	vld [tilespmem:s24+$0x8080];
	v61 =	vmul.f32 $1.442695020e+00, v32;
	v14 =	vpop (erf)  }
0x31e: {  	v62 =	vmul.f32 $1.442695020e+00, v33;
	(erf) = vpow2.f32 v5;
	v17 =	vadd.f32 v14, v52;
	v14 =	vld [tilespmem:s24+$0x8000]  }
0x31f: {  	s28 =	rddreg [dreg:$0xb];
	vm1 =	vgt.f32 v15, v21;
	v63 =	vmul.f32 $1.442695020e+00, v34;
	(erf) = vpow2.f32 v24  }
0x320: {  	s29 =	sadd.s32 $0x10, s28;
	v31 =	vld [tilespmem:s24+$0x8100];
	v39 =	vmul.f32 $1.442695020e+00, v37;
	v5 =	vmax.f32 v16, v28;
	(erf) = vpow2.f32 v59  }
0x321: {  	v28 =	vor.u32 s29, v0;
	v24 =	vmax.f32 v21, v15;
	(erf) = vpow2.f32 v60;
	v16 =	vpop (erf)  }
0x322: {  	v15 =	vmul.f32 $1.442695020e+00, v15;
	v27 =	vmax.f32 v57, v30;
	v18 =	vadd.f32 v16, v53  }
0x323: {  	v16 =	vpop (erf);
	vm0 =	vgt.f32 v14, v22;
	v22 =	vmax.f32 v22, v14;
	v14 =	vmul.f32 $1.442695020e+00, v14  }
0x324: {  	v21 =	vmul.f32 $1.442695020e+00, v30;
	v19 =	vadd.f32 v16, v19;
	v16 =	vpop (erf);
	(erf) = vpow2.f32 v15  }
0x325: {  	v25 =	vmax.f32 v58, v31;
	v15 =	vmul.f32 $1.442695020e+00, v31;
	(erf) = vpow2.f32 v14  }
0x326: {  	vm3 =	vgt.f32 v30, v57;
	vm2 =	vgt.f32 v31, v58;
	(erf) = vpow2.f32 v21  }
0x327: {  	v30 =	vmov v25;
	v26 =	vadd.f32 v16, v26;
	v16 =	vpop (erf);
	(erf) = vpow2.f32 v15  }
0x328: {  	v31 =	vmov v27;
	v23 =	vadd.f32 v16, v23;
	v35 =	vpop (erf);
	(erf) = vpow2.f32 v61  }
0x329: {  	s24 =	simm.s32 $0x2;
	v16 =	vmax.f32 v4, v32;
	v36 =	vpop (erf);
	v14 =	vmax.f32 v5, v33;
	(erf) = vpow2.f32 v62  }
0x32a: {  	s25 =	simm.s32 $0x30;
	s23 =	simm.s32 $0x20;
	s26 =	sand.u32 $0x7, s24;
	v38 =	vpop (erf);
	v21 =	vmax.f32 v29, v37;
	v15 =	vmax.f32 v6, v34;
	(erf) = vpow2.f32 v63  }
.LBB2_20:
0x32b: {  	s26 =	sshll.u32 s26, $0x4;
	vm6 =	vgt.f32 v32, v4;
	s22 =	sadd.s32 $0x80, s22  }
0x32c: {  	vm4 =	vgt.f32 v33, v5;
	vm7 =	vgt.f32 v34, v6;
	(erf) = vpow2.f32 v39;
	s26 =	sadd.s32 s26, s22  }
0x32d: {  	s28 =	sand.u32 $0x70, s23;
	vm5 =	vgt.f32 v37, v29;
	v3 =	vadd.f32 v35, v3;
	v1 =	vadd.f32 v36, v1;
	s29 =	sand.u32 $0x7C00, s22;
	s26 =	sor.u32 $0x380, s26;
	v29 =	vpop (erf)  }
0x32e: {  	v7 =	vsel vm1, v28, v7;
	v2 =	vadd.f32 v38, v2;
	s28 =	sor.u32 s28, s29;
	v57 =	vld [tilespmem:s26+$0x8000];
	v17 =	vadd.f32 v29, v17;
	v29 =	vpop (erf)  }
0x32f: {  	v8 =	vsel vm0, v28, v8;
	v9 =	vsel vm3, v28, v9;
	v58 =	vld [tilespmem:s28+$0x8000];
	v18 =	vadd.f32 v29, v18;
	v29 =	vpop (erf)  }
0x330: {  	v10 =	vsel vm2, v28, v10;
	v11 =	vsel vm6, v28, v11;
	s29 =	rddreg [dreg:$0xb];
	v40 =	vld [tilespmem:s28+$0x8080];
	v19 =	vadd.f32 v29, v19;
	v29 =	vpop (erf)  }
0x331: {  	v12 =	vsel vm4, v28, v12;
	v13 =	vsel vm7, v28, v13;
	v20 =	vsel vm5, v28, v20;
	s29 =	sadd.s32 s23, s29;
	v41 =	vld [tilespmem:s28+$0x8100];
	v59 =	vpop (erf)  }
0x332: {  	v32 =	vld [tilespmem:s28+$0x8180];
	v28 =	vor.u32 s29, v0;
	v26 =	vadd.f32 v29, v26;
	v23 =	vadd.f32 v59, v23  }
0x333: {  	v33 =	vld [tilespmem:s28+$0x8200];
	v35 =	vpop (erf);
	vm1 =	vgt.f32 v57, v24;
	v24 =	vmax.f32 v24, v57;
	v60 =	vmul.f32 $1.442695020e+00, v57  }
0x334: {  	v34 =	vld [tilespmem:s28+$0x8280];
	v36 =	vpop (erf);
	vm0 =	vgt.f32 v58, v22;
	v22 =	vmax.f32 v22, v58;
	v42 =	vmul.f32 $1.442695020e+00, v58  }
0x335: {  	v37 =	vld [tilespmem:s28+$0x8300];
	v27 =	vmax.f32 v27, v40;
	v43 =	vmul.f32 $1.442695020e+00, v40;
	v38 =	vpop (erf);
	(erf) = vpow2.f32 v60  }
0x336: {  	p0 =	sne.s32 s25, $0xFF0;
	v25 =	vmax.f32 v25, v41;
	v61 =	vmul.f32 $1.442695020e+00, v41;
	(erf) = vpow2.f32 v42  }
.Ltmp9:
0x337: {  	v4 =	vmovc v16;
	v16 =	vmax.f32 v16, v32;
	v62 =	vmul.f32 $1.442695020e+00, v32;
	(erf) = vpow2.f32 v43;
	(pc) =	sbr.rel @p0 .LBB2_20-.Ltmp9, $4  }
0x338: {  	v5 =	vmovc v14;
	v14 =	vmax.f32 v14, v33;
	v63 =	vmul.f32 $1.442695020e+00, v33;
	(erf) = vpow2.f32 v61  }
0x339: {  	v6 =	vmovc v15;
	v15 =	vmax.f32 v15, v34;
	v44 =	vmul.f32 $1.442695020e+00, v34;
	(erf) = vpow2.f32 v62  }
0x33a: {  	s24 =	sadd.s32 $0x1, s24;
	v29 =	vmovc v21;
	v21 =	vmax.f32 v21, v37;
	v39 =	vmul.f32 $1.442695020e+00, v37;
	(erf) = vpow2.f32 v63  }
0x33b: {  	s23 =	smov.u32 s25;
	s26 =	sand.u32 $0x7, s24;
	s25 =	sadd.s32 $0x10, s25;
	vm3 =	vgt.f32 v40, v31;
	vm2 =	vgt.f32 v41, v30;
	v31 =	vmovc v27;
	v30 =	vmovc v25;
	(erf) = vpow2.f32 v44  }
0x33c: {  	s24 =	sshll.u32 s26, $0x4;
	s22 =	sadd.s32 $0x80, s22  }
0x33d: {  	s24 =	sadd.s32 s24, s22  }
0x33e: {  	s24 =	sor.u32 $0x380, s24  }
0x33f: {  	s25 =	sand.u32 $0x70, s23;
	s22 =	sand.u32 $0x7C00, s22;
	v40 =	vld [tilespmem:s24+$0x8000]  }
0x340: {  	s22 =	sor.u32 s25, s22  }
0x341: {  	v41 =	vld [tilespmem:s22+$0x8000]  }
0x342: {  	v42 =	vld [tilespmem:s22+$0x8080]  }
0x343: {  	v43 =	vld [tilespmem:s22+$0x8100]  }
0x344: {  	v44 =	vld [tilespmem:s22+$0x8180];
	v46 =	vmul.f32 $1.442695020e+00, v40  }
0x345: {  	v45 =	vld [tilespmem:s22+$0x8200]  }
0x346: {  	(erf) = vpow2.f32 v39;
	v47 =	vld [tilespmem:s22+$0x8280];
	v56 =	vmul.f32 $1.442695020e+00, v41  }
0x347: {  	v49 =	vld [tilespmem:s22+$0x8300];
	v48 =	vmul.f32 $1.442695020e+00, v42;
	(erf) = vpow2.f32 v46  }
0x348: {  	v50 =	vmul.f32 $1.442695020e+00, v43;
	v46 =	vpop (erf);
	(erf) = vpow2.f32 v56  }
0x349: {  	v51 =	vmul.f32 $1.442695020e+00, v44;
	v57 =	vpop (erf);
	(erf) = vpow2.f32 v48  }
0x34a: {  	v52 =	vmul.f32 $1.442695020e+00, v45;
	v58 =	vpop (erf);
	(erf) = vpow2.f32 v50  }
0x34b: {  	v53 =	vmul.f32 $1.442695020e+00, v47;
	v59 =	vpop (erf);
	(erf) = vpow2.f32 v51  }
0x34c: {  	v54 =	vmul.f32 $1.442695020e+00, v49;
	v60 =	vpop (erf);
	(erf) = vpow2.f32 v52  }
0x34d: {  	v61 =	vpop (erf);
	(erf) = vpow2.f32 v53  }
0x34e: {  	v62 =	vpop (erf);
	(erf) = vpow2.f32 v54  }
0x34f: {  	vm4 =	vgt.f32 v32, v4;
	vm5 =	vgt.f32 v33, v5;
	vm6 =	vgt.f32 v34, v6;
	v63 =	vpop (erf)  }
0x350: {  	v3 =	vadd.f32 v35, v3;
	vm7 =	vgt.f32 v37, v29;
	v1 =	vadd.f32 v36, v1;
	v4 =	vpop (erf)  }
0x351: {  	v2 =	vadd.f32 v38, v2;
	v7 =	vsel vm1, v28, v7;
	v8 =	vsel vm0, v28, v8;
	v5 =	vpop (erf)  }
0x352: {  	v9 =	vsel vm3, v28, v9;
	v6 =	vadd.f32 v46, v17;
	v17 =	vadd.f32 v57, v18;
	v18 =	vpop (erf)  }
0x353: {  	v10 =	vsel vm2, v28, v10;
	v11 =	vsel vm4, v28, v11;
	v12 =	vsel vm5, v28, v12;
	v29 =	vpop (erf)  }
0x354: {  	v13 =	vsel vm6, v28, v13;
	v20 =	vsel vm7, v28, v20;
	s24 =	rddreg [dreg:$0xb];
	vm0 =	vgt.f32 v40, v24;
	v46 =	vpop (erf)  }
0x355: {  	s25 =	simm.s32 $0x0;
	s22 =	sadd.s32 s23, s24;
	v24 =	vmax.f32 v24, v40;
	vm1 =	vgt.f32 v41, v22;
	v22 =	vmax.f32 v22, v41;
	v28 =	vpop (erf)  }
0x356: {  	[tilespmem:s16], [sflag:$0x2] =	stream.linear.gather [hbm4b:s10+s25], $0x8000, $0x38;
	v27 =	vmax.f32 v27, v42;
	vm2 =	vgt.f32 v42, v31;
	v31 =	vor.u32 s22, v0;
	v48 =	vpop (erf);
	[tilespmem:$0x10080] =	vst v63  }
0x357: {  	s26 =	sand.u32 $0x7, s25;
	v25 =	vmax.f32 v25, v43;
	vm3 =	vgt.f32 v43, v30;
	v30 =	vmax.f32 v16, v44;
	v50 =	vpop (erf)  }
0x358: {  	vm4 =	vgt.f32 v44, v16;
	s22 =	sshll.u32 s26, $0x4;
	v16 =	vmax.f32 v14, v45;
	vm5 =	vgt.f32 v45, v14;
	_ =	swait.ge [sflag:s17], $0x8000  }
0x359: {  	s28 =	sand.u32 $0x70, s25;
	v14 =	vmax.f32 v15, v47;
	vm12 =	vgt.f32 v47, v15;
	v15 =	vmax.f32 v21, v49;
	s22 =	sadd.s32 $0x0, s22;
	[sflag:s17] =	ssyncset.done $0x0  }
0x35a: {  	s23 =	sand.u32 $0x7C00, s25;
	vm13 =	vgt.f32 v49, v21;
	v7 =	vsel vm0, v31, v7;
	v8 =	vsel vm1, v31, v8;
	s22 =	sor.u32 $0x380, s22;
	[sflag:s17] =	ssyncadd.s32 $0xFFFF8000  }
0x35b: {  	s23 =	sor.u32 s28, s23;
	v9 =	vsel vm2, v31, v9;
	v19 =	vadd.f32 v58, v19;
	v26 =	vadd.f32 v59, v26;
	v21 =	vld [tilespmem:s22+$0x0]  }
0x35c: {  	v10 =	vsel vm3, v31, v10;
	v23 =	vadd.f32 v60, v23;
	v3 =	vadd.f32 v61, v3;
	v51 =	vld [tilespmem:s23+$0x0]  }
0x35d: {  	v11 =	vsel vm4, v31, v11;
	v1 =	vadd.f32 v62, v1;
	v53 =	vadd.f32 v5, v17;
	v17 =	vld [tilespmem:s23+$0x80]  }
0x35e: {  	v12 =	vsel vm5, v31, v12;
	v2 =	vadd.f32 v63, v2;
	v19 =	vadd.f32 v18, v19;
	v18 =	vld [tilespmem:s23+$0x100]  }
0x35f: {  	v13 =	vsel vm12, v31, v13;
	v52 =	vadd.f32 v4, v6;
	v3 =	vadd.f32 v28, v3;
	v28 =	vld [tilespmem:s23+$0x200]  }
0x360: {  	v20 =	vsel vm13, v31, v20;
	v26 =	vadd.f32 v29, v26;
	v23 =	vadd.f32 v46, v23;
	s29 =	rddreg [dreg:$0xc];
	v55 =	vld [tilespmem:s23+$0x280]  }
0x361: {  	v1 =	vadd.f32 v48, v1;
	v2 =	vadd.f32 v50, v2;
	s22 =	sadd.s32 $0x0, s29;
	v56 =	vld [tilespmem:s23+$0x300];
	v4 =	vmul.f32 $1.442695020e+00, v21  }
0x362: {  	v31 =	vld [tilespmem:s23+$0x180];
	s23 =	simm.s32 $0x1;
	v54 =	vor.u32 s22, v0;
	v5 =	vmul.f32 $1.442695020e+00, v51;
	v6 =	vmul.f32 $1.442695020e+00, v17  }
0x363: {  	s22 =	sand.u32 $0x7, s23;
	vm0 =	vgt.f32 v21, v24;
	v21 =	vmax.f32 v24, v21;
	vm1 =	vgt.f32 v51, v22  }
0x364: {  	s24 =	sshll.u32 s22, $0x4;
	v22 =	vmax.f32 v22, v51;
	v57 =	vmax.f32 v27, v17;
	(erf) = vpow2.f32 v4  }
0x365: {  	s25 =	simm.s32 $0x10;
	s22 =	simm.s32 $0x80;
	s23 =	sadd.s32 $0x80, s24;
	v58 =	vmax.f32 v25, v18;
	v24 =	vmul.f32 $1.442695020e+00, v28;
	v59 =	vmul.f32 $1.442695020e+00, v55  }
0x366: {  	s24 =	sand.u32 $0x70, s25;
	s26 =	sand.u32 $0x7C00, s22;
	s23 =	sor.u32 $0x380, s23;
	v29 =	vmax.f32 v15, v56;
	v60 =	vmul.f32 $1.442695020e+00, v56;
	vm2 =	vgt.f32 v17, v27  }
0x367: {  	s24 =	sor.u32 s24, s26;
	vm3 =	vgt.f32 v18, v25;
	vm4 =	vgt.f32 v31, v30;
	vm15 =	vgt.f32 v56, v15;
	v15 =	vld [tilespmem:s23+$0x0]  }
0x368: {  	vm5 =	vgt.f32 v28, v16;
	vm14 =	vgt.f32 v55, v14;
	v32 =	vld [tilespmem:s24+$0x180];
	(erf) = vpow2.f32 v5  }
0x369: {  	v33 =	vld [tilespmem:s24+$0x200];
	v7 =	vsel vm0, v54, v7;
	v8 =	vsel vm1, v54, v8;
	v4 =	vmul.f32 $1.442695020e+00, v18  }
0x36a: {  	v34 =	vld [tilespmem:s24+$0x280];
	v9 =	vsel vm2, v54, v9;
	v10 =	vsel vm3, v54, v10;
	(erf) = vpow2.f32 v6  }
0x36b: {  	v37 =	vld [tilespmem:s24+$0x300];
	v11 =	vsel vm4, v54, v11;
	v12 =	vsel vm5, v54, v12;
	(erf) = vpow2.f32 v4  }
0x36c: {  	v13 =	vsel vm14, v54, v13;
	v20 =	vsel vm15, v54, v20;
	v5 =	vmul.f32 $1.442695020e+00, v31  }
0x36d: {  	v6 =	vmax.f32 v14, v55;
	v4 =	vmax.f32 v30, v31;
	v30 =	vld [tilespmem:s24+$0x80];
	v61 =	vmul.f32 $1.442695020e+00, v32;
	v14 =	vpop (erf)  }
0x36e: {  	v62 =	vmul.f32 $1.442695020e+00, v33;
	(erf) = vpow2.f32 v5;
	v17 =	vadd.f32 v14, v52;
	v14 =	vld [tilespmem:s24+$0x0]  }
0x36f: {  	s28 =	rddreg [dreg:$0xc];
	vm1 =	vgt.f32 v15, v21;
	v63 =	vmul.f32 $1.442695020e+00, v34;
	(erf) = vpow2.f32 v24  }
0x370: {  	s29 =	sadd.s32 $0x10, s28;
	v31 =	vld [tilespmem:s24+$0x100];
	v39 =	vmul.f32 $1.442695020e+00, v37;
	v5 =	vmax.f32 v16, v28;
	(erf) = vpow2.f32 v59  }
0x371: {  	v28 =	vor.u32 s29, v0;
	v24 =	vmax.f32 v21, v15;
	(erf) = vpow2.f32 v60;
	v16 =	vpop (erf)  }
0x372: {  	v15 =	vmul.f32 $1.442695020e+00, v15;
	v27 =	vmax.f32 v57, v30;
	v18 =	vadd.f32 v16, v53  }
0x373: {  	v16 =	vpop (erf);
	vm0 =	vgt.f32 v14, v22;
	v22 =	vmax.f32 v22, v14;
	v14 =	vmul.f32 $1.442695020e+00, v14  }
0x374: {  	v21 =	vmul.f32 $1.442695020e+00, v30;
	v19 =	vadd.f32 v16, v19;
	v16 =	vpop (erf);
	(erf) = vpow2.f32 v15  }
0x375: {  	v25 =	vmax.f32 v58, v31;
	v15 =	vmul.f32 $1.442695020e+00, v31;
	(erf) = vpow2.f32 v14  }
0x376: {  	vm3 =	vgt.f32 v30, v57;
	vm2 =	vgt.f32 v31, v58;
	(erf) = vpow2.f32 v21  }
0x377: {  	v30 =	vmov v25;
	v26 =	vadd.f32 v16, v26;
	v16 =	vpop (erf);
	(erf) = vpow2.f32 v15  }
0x378: {  	v31 =	vmov v27;
	v23 =	vadd.f32 v16, v23;
	v35 =	vpop (erf);
	(erf) = vpow2.f32 v61  }
0x379: {  	s24 =	simm.s32 $0x2;
	v16 =	vmax.f32 v4, v32;
	v36 =	vpop (erf);
	v14 =	vmax.f32 v5, v33;
	(erf) = vpow2.f32 v62  }
0x37a: {  	s25 =	simm.s32 $0x30;
	s23 =	simm.s32 $0x20;
	s26 =	sand.u32 $0x7, s24;
	v38 =	vpop (erf);
	v21 =	vmax.f32 v29, v37;
	v15 =	vmax.f32 v6, v34;
	(erf) = vpow2.f32 v63  }
.LBB2_22:
0x37b: {  	s26 =	sshll.u32 s26, $0x4;
	vm6 =	vgt.f32 v32, v4;
	s22 =	sadd.s32 $0x80, s22  }
0x37c: {  	vm4 =	vgt.f32 v33, v5;
	vm7 =	vgt.f32 v34, v6;
	(erf) = vpow2.f32 v39;
	s26 =	sadd.s32 s26, s22  }
0x37d: {  	s28 =	sand.u32 $0x70, s23;
	vm5 =	vgt.f32 v37, v29;
	v3 =	vadd.f32 v35, v3;
	v1 =	vadd.f32 v36, v1;
	s29 =	sand.u32 $0x7C00, s22;
	s26 =	sor.u32 $0x380, s26;
	v29 =	vpop (erf)  }
0x37e: {  	v7 =	vsel vm1, v28, v7;
	v2 =	vadd.f32 v38, v2;
	s28 =	sor.u32 s28, s29;
	v57 =	vld [tilespmem:s26+$0x0];
	v17 =	vadd.f32 v29, v17;
	v29 =	vpop (erf)  }
0x37f: {  	v8 =	vsel vm0, v28, v8;
	v9 =	vsel vm3, v28, v9;
	v58 =	vld [tilespmem:s28+$0x0];
	v18 =	vadd.f32 v29, v18;
	v29 =	vpop (erf)  }
0x380: {  	v10 =	vsel vm2, v28, v10;
	v11 =	vsel vm6, v28, v11;
	s29 =	rddreg [dreg:$0xc];
	v40 =	vld [tilespmem:s28+$0x80];
	v19 =	vadd.f32 v29, v19;
	v29 =	vpop (erf)  }
0x381: {  	v12 =	vsel vm4, v28, v12;
	v13 =	vsel vm7, v28, v13;
	v20 =	vsel vm5, v28, v20;
	s29 =	sadd.s32 s23, s29;
	v41 =	vld [tilespmem:s28+$0x100];
	v59 =	vpop (erf)  }
0x382: {  	v32 =	vld [tilespmem:s28+$0x180];
	v28 =	vor.u32 s29, v0;
	v26 =	vadd.f32 v29, v26;
	v23 =	vadd.f32 v59, v23  }
0x383: {  	v33 =	vld [tilespmem:s28+$0x200];
	v35 =	vpop (erf);
	vm1 =	vgt.f32 v57, v24;
	v24 =	vmax.f32 v24, v57;
	v60 =	vmul.f32 $1.442695020e+00, v57  }
0x384: {  	v34 =	vld [tilespmem:s28+$0x280];
	v36 =	vpop (erf);
	vm0 =	vgt.f32 v58, v22;
	v22 =	vmax.f32 v22, v58;
	v42 =	vmul.f32 $1.442695020e+00, v58  }
0x385: {  	v37 =	vld [tilespmem:s28+$0x300];
	v27 =	vmax.f32 v27, v40;
	v43 =	vmul.f32 $1.442695020e+00, v40;
	v38 =	vpop (erf);
	(erf) = vpow2.f32 v60  }
0x386: {  	p0 =	sne.s32 s25, $0xFF0;
	v25 =	vmax.f32 v25, v41;
	v61 =	vmul.f32 $1.442695020e+00, v41;
	(erf) = vpow2.f32 v42  }
.Ltmp10:
0x387: {  	v4 =	vmovc v16;
	v16 =	vmax.f32 v16, v32;
	v62 =	vmul.f32 $1.442695020e+00, v32;
	(erf) = vpow2.f32 v43;
	(pc) =	sbr.rel @p0 .LBB2_22-.Ltmp10, $4  }
0x388: {  	v5 =	vmovc v14;
	v14 =	vmax.f32 v14, v33;
	v63 =	vmul.f32 $1.442695020e+00, v33;
	(erf) = vpow2.f32 v61  }
0x389: {  	v6 =	vmovc v15;
	v15 =	vmax.f32 v15, v34;
	v44 =	vmul.f32 $1.442695020e+00, v34;
	(erf) = vpow2.f32 v62  }
0x38a: {  	s24 =	sadd.s32 $0x1, s24;
	v29 =	vmovc v21;
	v21 =	vmax.f32 v21, v37;
	v39 =	vmul.f32 $1.442695020e+00, v37;
	(erf) = vpow2.f32 v63  }
0x38b: {  	s23 =	smov.u32 s25;
	s26 =	sand.u32 $0x7, s24;
	s25 =	sadd.s32 $0x10, s25;
	vm3 =	vgt.f32 v40, v31;
	vm2 =	vgt.f32 v41, v30;
	v31 =	vmovc v27;
	v30 =	vmovc v25;
	(erf) = vpow2.f32 v44  }
0x38c: {  	s24 =	sshll.u32 s26, $0x4;
	s22 =	sadd.s32 $0x80, s22  }
0x38d: {  	s24 =	sadd.s32 s24, s22  }
0x38e: {  	s24 =	sor.u32 $0x380, s24  }
0x38f: {  	s25 =	sand.u32 $0x70, s23;
	s22 =	sand.u32 $0x7C00, s22;
	v40 =	vld [tilespmem:s24+$0x0]  }
0x390: {  	s22 =	sor.u32 s25, s22  }
0x391: {  	v41 =	vld [tilespmem:s22+$0x0]  }
0x392: {  	v42 =	vld [tilespmem:s22+$0x80]  }
0x393: {  	v43 =	vld [tilespmem:s22+$0x100]  }
0x394: {  	v44 =	vld [tilespmem:s22+$0x180];
	v46 =	vmul.f32 $1.442695020e+00, v40  }
0x395: {  	v45 =	vld [tilespmem:s22+$0x200]  }
0x396: {  	(erf) = vpow2.f32 v39;
	v47 =	vld [tilespmem:s22+$0x280];
	v56 =	vmul.f32 $1.442695020e+00, v41  }
0x397: {  	v49 =	vld [tilespmem:s22+$0x300];
	v48 =	vmul.f32 $1.442695020e+00, v42;
	(erf) = vpow2.f32 v46  }
0x398: {  	v50 =	vmul.f32 $1.442695020e+00, v43;
	v46 =	vpop (erf);
	(erf) = vpow2.f32 v56  }
0x399: {  	v51 =	vmul.f32 $1.442695020e+00, v44;
	v57 =	vpop (erf);
	(erf) = vpow2.f32 v48  }
0x39a: {  	v52 =	vmul.f32 $1.442695020e+00, v45;
	v58 =	vpop (erf);
	(erf) = vpow2.f32 v50  }
0x39b: {  	v53 =	vmul.f32 $1.442695020e+00, v47;
	v59 =	vpop (erf);
	(erf) = vpow2.f32 v51  }
0x39c: {  	v54 =	vmul.f32 $1.442695020e+00, v49;
	v60 =	vpop (erf);
	(erf) = vpow2.f32 v52  }
0x39d: {  	v61 =	vpop (erf);
	(erf) = vpow2.f32 v53  }
0x39e: {  	v62 =	vpop (erf);
	(erf) = vpow2.f32 v54  }
0x39f: {  	vm4 =	vgt.f32 v32, v4;
	vm5 =	vgt.f32 v33, v5;
	vm6 =	vgt.f32 v34, v6;
	v63 =	vpop (erf)  }
0x3a0: {  	v3 =	vadd.f32 v35, v3;
	vm7 =	vgt.f32 v37, v29;
	v1 =	vadd.f32 v36, v1;
	v4 =	vpop (erf)  }
0x3a1: {  	v2 =	vadd.f32 v38, v2;
	v7 =	vsel vm1, v28, v7;
	v8 =	vsel vm0, v28, v8;
	v5 =	vpop (erf)  }
0x3a2: {  	v9 =	vsel vm3, v28, v9;
	v6 =	vadd.f32 v46, v17;
	v17 =	vadd.f32 v57, v18;
	v18 =	vpop (erf)  }
0x3a3: {  	v10 =	vsel vm2, v28, v10;
	v11 =	vsel vm4, v28, v11;
	v12 =	vsel vm5, v28, v12;
	v29 =	vpop (erf)  }
0x3a4: {  	v13 =	vsel vm6, v28, v13;
	v20 =	vsel vm7, v28, v20;
	s24 =	rddreg [dreg:$0xc];
	vm0 =	vgt.f32 v40, v24;
	v46 =	vpop (erf)  }
0x3a5: {  	s25 =	simm.s32 $0x0;
	s22 =	sadd.s32 s23, s24;
	v24 =	vmax.f32 v24, v40;
	vm1 =	vgt.f32 v41, v22;
	v22 =	vmax.f32 v22, v41;
	v28 =	vpop (erf)  }
0x3a6: {  	[tilespmem:s25], [sflag:$0x1] =	stream.linear.gather [hbm4b:s11+s25], $0x8000, $0x38;
	v27 =	vmax.f32 v27, v42;
	vm2 =	vgt.f32 v42, v31;
	v31 =	vor.u32 s22, v0;
	v48 =	vpop (erf);
	[tilespmem:$0x10080] =	vst v63  }
0x3a7: {  	s26 =	sand.u32 $0x7, s25;
	v25 =	vmax.f32 v25, v43;
	vm3 =	vgt.f32 v43, v30;
	v30 =	vmax.f32 v16, v44;
	v50 =	vpop (erf)  }
0x3a8: {  	vm4 =	vgt.f32 v44, v16;
	s22 =	sshll.u32 s26, $0x4;
	v16 =	vmax.f32 v14, v45;
	vm5 =	vgt.f32 v45, v14;
	_ =	swait.ge [sflag:s18], $0x8000  }
0x3a9: {  	s28 =	sand.u32 $0x70, s25;
	v14 =	vmax.f32 v15, v47;
	vm12 =	vgt.f32 v47, v15;
	v15 =	vmax.f32 v21, v49;
	s22 =	sadd.s32 $0x0, s22;
	[sflag:s18] =	ssyncset.done $0x0  }
0x3aa: {  	s23 =	sand.u32 $0x7C00, s25;
	vm13 =	vgt.f32 v49, v21;
	v7 =	vsel vm0, v31, v7;
	v8 =	vsel vm1, v31, v8;
	s22 =	sor.u32 $0x380, s22;
	[sflag:s18] =	ssyncadd.s32 $0xFFFF8000  }
0x3ab: {  	s23 =	sor.u32 s28, s23;
	v9 =	vsel vm2, v31, v9;
	v19 =	vadd.f32 v58, v19;
	v26 =	vadd.f32 v59, v26;
	v21 =	vld [tilespmem:s22+$0x8000]  }
0x3ac: {  	v10 =	vsel vm3, v31, v10;
	v23 =	vadd.f32 v60, v23;
	v3 =	vadd.f32 v61, v3;
	v51 =	vld [tilespmem:s23+$0x8000]  }
0x3ad: {  	v11 =	vsel vm4, v31, v11;
	v1 =	vadd.f32 v62, v1;
	v53 =	vadd.f32 v5, v17;
	v17 =	vld [tilespmem:s23+$0x8080]  }
0x3ae: {  	v12 =	vsel vm5, v31, v12;
	v2 =	vadd.f32 v63, v2;
	v19 =	vadd.f32 v18, v19;
	v18 =	vld [tilespmem:s23+$0x8100]  }
0x3af: {  	v13 =	vsel vm12, v31, v13;
	v52 =	vadd.f32 v4, v6;
	v3 =	vadd.f32 v28, v3;
	v28 =	vld [tilespmem:s23+$0x8200]  }
0x3b0: {  	v20 =	vsel vm13, v31, v20;
	v26 =	vadd.f32 v29, v26;
	v23 =	vadd.f32 v46, v23;
	s29 =	rddreg [dreg:$0xd];
	v55 =	vld [tilespmem:s23+$0x8280]  }
0x3b1: {  	v1 =	vadd.f32 v48, v1;
	v2 =	vadd.f32 v50, v2;
	s22 =	sadd.s32 $0x0, s29;
	v56 =	vld [tilespmem:s23+$0x8300];
	v4 =	vmul.f32 $1.442695020e+00, v21  }
0x3b2: {  	v31 =	vld [tilespmem:s23+$0x8180];
	s23 =	simm.s32 $0x1;
	v54 =	vor.u32 s22, v0;
	v5 =	vmul.f32 $1.442695020e+00, v51;
	v6 =	vmul.f32 $1.442695020e+00, v17  }
0x3b3: {  	s22 =	sand.u32 $0x7, s23;
	vm0 =	vgt.f32 v21, v24;
	v21 =	vmax.f32 v24, v21;
	vm1 =	vgt.f32 v51, v22  }
0x3b4: {  	s24 =	sshll.u32 s22, $0x4;
	v22 =	vmax.f32 v22, v51;
	v57 =	vmax.f32 v27, v17;
	(erf) = vpow2.f32 v4  }
0x3b5: {  	s25 =	simm.s32 $0x10;
	s22 =	simm.s32 $0x80;
	s23 =	sadd.s32 $0x80, s24;
	v58 =	vmax.f32 v25, v18;
	v24 =	vmul.f32 $1.442695020e+00, v28;
	v59 =	vmul.f32 $1.442695020e+00, v55  }
0x3b6: {  	s24 =	sand.u32 $0x70, s25;
	s26 =	sand.u32 $0x7C00, s22;
	s23 =	sor.u32 $0x380, s23;
	v29 =	vmax.f32 v15, v56;
	v60 =	vmul.f32 $1.442695020e+00, v56;
	vm2 =	vgt.f32 v17, v27  }
0x3b7: {  	s24 =	sor.u32 s24, s26;
	vm3 =	vgt.f32 v18, v25;
	vm4 =	vgt.f32 v31, v30;
	vm15 =	vgt.f32 v56, v15;
	v15 =	vld [tilespmem:s23+$0x8000]  }
0x3b8: {  	vm5 =	vgt.f32 v28, v16;
	vm14 =	vgt.f32 v55, v14;
	v32 =	vld [tilespmem:s24+$0x8180];
	(erf) = vpow2.f32 v5  }
0x3b9: {  	v33 =	vld [tilespmem:s24+$0x8200];
	v7 =	vsel vm0, v54, v7;
	v8 =	vsel vm1, v54, v8;
	v4 =	vmul.f32 $1.442695020e+00, v18  }
0x3ba: {  	v34 =	vld [tilespmem:s24+$0x8280];
	v9 =	vsel vm2, v54, v9;
	v10 =	vsel vm3, v54, v10;
	(erf) = vpow2.f32 v6  }
0x3bb: {  	v37 =	vld [tilespmem:s24+$0x8300];
	v11 =	vsel vm4, v54, v11;
	v12 =	vsel vm5, v54, v12;
	(erf) = vpow2.f32 v4  }
0x3bc: {  	v13 =	vsel vm14, v54, v13;
	v20 =	vsel vm15, v54, v20;
	v5 =	vmul.f32 $1.442695020e+00, v31  }
0x3bd: {  	v6 =	vmax.f32 v14, v55;
	v4 =	vmax.f32 v30, v31;
	v30 =	vld [tilespmem:s24+$0x8080];
	v61 =	vmul.f32 $1.442695020e+00, v32;
	v14 =	vpop (erf)  }
0x3be: {  	v62 =	vmul.f32 $1.442695020e+00, v33;
	(erf) = vpow2.f32 v5;
	v17 =	vadd.f32 v14, v52;
	v14 =	vld [tilespmem:s24+$0x8000]  }
0x3bf: {  	s28 =	rddreg [dreg:$0xd];
	vm1 =	vgt.f32 v15, v21;
	v63 =	vmul.f32 $1.442695020e+00, v34;
	(erf) = vpow2.f32 v24  }
0x3c0: {  	s29 =	sadd.s32 $0x10, s28;
	v31 =	vld [tilespmem:s24+$0x8100];
	v39 =	vmul.f32 $1.442695020e+00, v37;
	v5 =	vmax.f32 v16, v28;
	(erf) = vpow2.f32 v59  }
0x3c1: {  	v28 =	vor.u32 s29, v0;
	v24 =	vmax.f32 v21, v15;
	(erf) = vpow2.f32 v60;
	v16 =	vpop (erf)  }
0x3c2: {  	v15 =	vmul.f32 $1.442695020e+00, v15;
	v27 =	vmax.f32 v57, v30;
	v18 =	vadd.f32 v16, v53  }
0x3c3: {  	v16 =	vpop (erf);
	vm0 =	vgt.f32 v14, v22;
	v22 =	vmax.f32 v22, v14;
	v14 =	vmul.f32 $1.442695020e+00, v14  }
0x3c4: {  	v21 =	vmul.f32 $1.442695020e+00, v30;
	v19 =	vadd.f32 v16, v19;
	v16 =	vpop (erf);
	(erf) = vpow2.f32 v15  }
0x3c5: {  	v25 =	vmax.f32 v58, v31;
	v15 =	vmul.f32 $1.442695020e+00, v31;
	(erf) = vpow2.f32 v14  }
0x3c6: {  	vm3 =	vgt.f32 v30, v57;
	vm2 =	vgt.f32 v31, v58;
	(erf) = vpow2.f32 v21  }
0x3c7: {  	v30 =	vmov v25;
	v26 =	vadd.f32 v16, v26;
	v16 =	vpop (erf);
	(erf) = vpow2.f32 v15  }
0x3c8: {  	v31 =	vmov v27;
	v23 =	vadd.f32 v16, v23;
	v35 =	vpop (erf);
	(erf) = vpow2.f32 v61  }
0x3c9: {  	s24 =	simm.s32 $0x2;
	v16 =	vmax.f32 v4, v32;
	v36 =	vpop (erf);
	v14 =	vmax.f32 v5, v33;
	(erf) = vpow2.f32 v62  }
0x3ca: {  	s25 =	simm.s32 $0x30;
	s23 =	simm.s32 $0x20;
	s26 =	sand.u32 $0x7, s24;
	v38 =	vpop (erf);
	v21 =	vmax.f32 v29, v37;
	v15 =	vmax.f32 v6, v34;
	(erf) = vpow2.f32 v63  }
.LBB2_24:
0x3cb: {  	s26 =	sshll.u32 s26, $0x4;
	vm6 =	vgt.f32 v32, v4;
	s22 =	sadd.s32 $0x80, s22  }
0x3cc: {  	vm4 =	vgt.f32 v33, v5;
	vm7 =	vgt.f32 v34, v6;
	(erf) = vpow2.f32 v39;
	s26 =	sadd.s32 s26, s22  }
0x3cd: {  	s28 =	sand.u32 $0x70, s23;
	vm5 =	vgt.f32 v37, v29;
	v3 =	vadd.f32 v35, v3;
	v1 =	vadd.f32 v36, v1;
	s29 =	sand.u32 $0x7C00, s22;
	s26 =	sor.u32 $0x380, s26;
	v29 =	vpop (erf)  }
0x3ce: {  	v7 =	vsel vm1, v28, v7;
	v2 =	vadd.f32 v38, v2;
	s28 =	sor.u32 s28, s29;
	v57 =	vld [tilespmem:s26+$0x8000];
	v17 =	vadd.f32 v29, v17;
	v29 =	vpop (erf)  }
0x3cf: {  	v8 =	vsel vm0, v28, v8;
	v9 =	vsel vm3, v28, v9;
	v58 =	vld [tilespmem:s28+$0x8000];
	v18 =	vadd.f32 v29, v18;
	v29 =	vpop (erf)  }
0x3d0: {  	v10 =	vsel vm2, v28, v10;
	v11 =	vsel vm6, v28, v11;
	s29 =	rddreg [dreg:$0xd];
	v40 =	vld [tilespmem:s28+$0x8080];
	v19 =	vadd.f32 v29, v19;
	v29 =	vpop (erf)  }
0x3d1: {  	v12 =	vsel vm4, v28, v12;
	v13 =	vsel vm7, v28, v13;
	v20 =	vsel vm5, v28, v20;
	s29 =	sadd.s32 s23, s29;
	v41 =	vld [tilespmem:s28+$0x8100];
	v59 =	vpop (erf)  }
0x3d2: {  	v32 =	vld [tilespmem:s28+$0x8180];
	v28 =	vor.u32 s29, v0;
	v26 =	vadd.f32 v29, v26;
	v23 =	vadd.f32 v59, v23  }
0x3d3: {  	v33 =	vld [tilespmem:s28+$0x8200];
	v35 =	vpop (erf);
	vm1 =	vgt.f32 v57, v24;
	v24 =	vmax.f32 v24, v57;
	v60 =	vmul.f32 $1.442695020e+00, v57  }
0x3d4: {  	v34 =	vld [tilespmem:s28+$0x8280];
	v36 =	vpop (erf);
	vm0 =	vgt.f32 v58, v22;
	v22 =	vmax.f32 v22, v58;
	v42 =	vmul.f32 $1.442695020e+00, v58  }
0x3d5: {  	v37 =	vld [tilespmem:s28+$0x8300];
	v27 =	vmax.f32 v27, v40;
	v43 =	vmul.f32 $1.442695020e+00, v40;
	v38 =	vpop (erf);
	(erf) = vpow2.f32 v60  }
0x3d6: {  	p0 =	sne.s32 s25, $0xFF0;
	v25 =	vmax.f32 v25, v41;
	v61 =	vmul.f32 $1.442695020e+00, v41;
	(erf) = vpow2.f32 v42  }
.Ltmp11:
0x3d7: {  	v4 =	vmovc v16;
	v16 =	vmax.f32 v16, v32;
	v62 =	vmul.f32 $1.442695020e+00, v32;
	(erf) = vpow2.f32 v43;
	(pc) =	sbr.rel @p0 .LBB2_24-.Ltmp11, $4  }
0x3d8: {  	v5 =	vmovc v14;
	v14 =	vmax.f32 v14, v33;
	v63 =	vmul.f32 $1.442695020e+00, v33;
	(erf) = vpow2.f32 v61  }
0x3d9: {  	v6 =	vmovc v15;
	v15 =	vmax.f32 v15, v34;
	v44 =	vmul.f32 $1.442695020e+00, v34;
	(erf) = vpow2.f32 v62  }
0x3da: {  	s24 =	sadd.s32 $0x1, s24;
	v29 =	vmovc v21;
	v21 =	vmax.f32 v21, v37;
	v39 =	vmul.f32 $1.442695020e+00, v37;
	(erf) = vpow2.f32 v63  }
0x3db: {  	s23 =	smov.u32 s25;
	s26 =	sand.u32 $0x7, s24;
	s25 =	sadd.s32 $0x10, s25;
	vm3 =	vgt.f32 v40, v31;
	vm2 =	vgt.f32 v41, v30;
	v31 =	vmovc v27;
	v30 =	vmovc v25;
	(erf) = vpow2.f32 v44  }
0x3dc: {  	s24 =	sshll.u32 s26, $0x4;
	s22 =	sadd.s32 $0x80, s22  }
0x3dd: {  	s24 =	sadd.s32 s24, s22  }
0x3de: {  	s24 =	sor.u32 $0x380, s24  }
0x3df: {  	s25 =	sand.u32 $0x70, s23;
	s22 =	sand.u32 $0x7C00, s22;
	v40 =	vld [tilespmem:s24+$0x8000]  }
0x3e0: {  	s22 =	sor.u32 s25, s22  }
0x3e1: {  	v41 =	vld [tilespmem:s22+$0x8000]  }
0x3e2: {  	v42 =	vld [tilespmem:s22+$0x8080]  }
0x3e3: {  	v43 =	vld [tilespmem:s22+$0x8100]  }
0x3e4: {  	v44 =	vld [tilespmem:s22+$0x8180];
	v46 =	vmul.f32 $1.442695020e+00, v40  }
0x3e5: {  	v45 =	vld [tilespmem:s22+$0x8200]  }
0x3e6: {  	(erf) = vpow2.f32 v39;
	v47 =	vld [tilespmem:s22+$0x8280];
	v56 =	vmul.f32 $1.442695020e+00, v41  }
0x3e7: {  	v49 =	vld [tilespmem:s22+$0x8300];
	v48 =	vmul.f32 $1.442695020e+00, v42;
	(erf) = vpow2.f32 v46  }
0x3e8: {  	v50 =	vmul.f32 $1.442695020e+00, v43;
	v46 =	vpop (erf);
	(erf) = vpow2.f32 v56  }
0x3e9: {  	v51 =	vmul.f32 $1.442695020e+00, v44;
	v57 =	vpop (erf);
	(erf) = vpow2.f32 v48  }
0x3ea: {  	v52 =	vmul.f32 $1.442695020e+00, v45;
	v58 =	vpop (erf);
	(erf) = vpow2.f32 v50  }
0x3eb: {  	v53 =	vmul.f32 $1.442695020e+00, v47;
	v59 =	vpop (erf);
	(erf) = vpow2.f32 v51  }
0x3ec: {  	v54 =	vmul.f32 $1.442695020e+00, v49;
	v60 =	vpop (erf);
	(erf) = vpow2.f32 v52  }
0x3ed: {  	v61 =	vpop (erf);
	(erf) = vpow2.f32 v53  }
0x3ee: {  	v62 =	vpop (erf);
	(erf) = vpow2.f32 v54  }
0x3ef: {  	vm4 =	vgt.f32 v32, v4;
	vm5 =	vgt.f32 v33, v5;
	vm6 =	vgt.f32 v34, v6;
	v63 =	vpop (erf)  }
0x3f0: {  	v3 =	vadd.f32 v35, v3;
	vm7 =	vgt.f32 v37, v29;
	v1 =	vadd.f32 v36, v1;
	v4 =	vpop (erf)  }
0x3f1: {  	v2 =	vadd.f32 v38, v2;
	v7 =	vsel vm1, v28, v7;
	v8 =	vsel vm0, v28, v8;
	v5 =	vpop (erf)  }
0x3f2: {  	v9 =	vsel vm3, v28, v9;
	v6 =	vadd.f32 v46, v17;
	v17 =	vadd.f32 v57, v18;
	v18 =	vpop (erf)  }
0x3f3: {  	v10 =	vsel vm2, v28, v10;
	v11 =	vsel vm4, v28, v11;
	v12 =	vsel vm5, v28, v12;
	v29 =	vpop (erf)  }
0x3f4: {  	v13 =	vsel vm6, v28, v13;
	v20 =	vsel vm7, v28, v20;
	s24 =	rddreg [dreg:$0xd];
	vm0 =	vgt.f32 v40, v24;
	v46 =	vpop (erf)  }
0x3f5: {  	s25 =	simm.s32 $0x0;
	s22 =	sadd.s32 s23, s24;
	v24 =	vmax.f32 v24, v40;
	vm1 =	vgt.f32 v41, v22;
	v22 =	vmax.f32 v22, v41;
	v28 =	vpop (erf)  }
0x3f6: {  	[tilespmem:s16], [sflag:$0x2] =	stream.linear.gather [hbm4b:s12+s25], $0x8000, $0x38;
	v27 =	vmax.f32 v27, v42;
	vm2 =	vgt.f32 v42, v31;
	v31 =	vor.u32 s22, v0;
	v48 =	vpop (erf);
	[tilespmem:$0x10080] =	vst v63  }
0x3f7: {  	s26 =	sand.u32 $0x7, s25;
	v25 =	vmax.f32 v25, v43;
	vm3 =	vgt.f32 v43, v30;
	v30 =	vmax.f32 v16, v44;
	v50 =	vpop (erf)  }
0x3f8: {  	vm4 =	vgt.f32 v44, v16;
	s22 =	sshll.u32 s26, $0x4;
	v16 =	vmax.f32 v14, v45;
	vm5 =	vgt.f32 v45, v14;
	_ =	swait.ge [sflag:s17], $0x8000  }
0x3f9: {  	s28 =	sand.u32 $0x70, s25;
	v14 =	vmax.f32 v15, v47;
	vm12 =	vgt.f32 v47, v15;
	v15 =	vmax.f32 v21, v49;
	s22 =	sadd.s32 $0x0, s22;
	[sflag:s17] =	ssyncset.done $0x0  }
0x3fa: {  	s23 =	sand.u32 $0x7C00, s25;
	vm13 =	vgt.f32 v49, v21;
	v7 =	vsel vm0, v31, v7;
	v8 =	vsel vm1, v31, v8;
	s22 =	sor.u32 $0x380, s22;
	[sflag:s17] =	ssyncadd.s32 $0xFFFF8000  }
0x3fb: {  	s23 =	sor.u32 s28, s23;
	v9 =	vsel vm2, v31, v9;
	v19 =	vadd.f32 v58, v19;
	v26 =	vadd.f32 v59, v26;
	v21 =	vld [tilespmem:s22+$0x0]  }
0x3fc: {  	v10 =	vsel vm3, v31, v10;
	v23 =	vadd.f32 v60, v23;
	v3 =	vadd.f32 v61, v3;
	v51 =	vld [tilespmem:s23+$0x0]  }
0x3fd: {  	v11 =	vsel vm4, v31, v11;
	v1 =	vadd.f32 v62, v1;
	v53 =	vadd.f32 v5, v17;
	v17 =	vld [tilespmem:s23+$0x80]  }
0x3fe: {  	v12 =	vsel vm5, v31, v12;
	v2 =	vadd.f32 v63, v2;
	v19 =	vadd.f32 v18, v19;
	v18 =	vld [tilespmem:s23+$0x100]  }
0x3ff: {  	v13 =	vsel vm12, v31, v13;
	v52 =	vadd.f32 v4, v6;
	v3 =	vadd.f32 v28, v3;
	v28 =	vld [tilespmem:s23+$0x200]  }
0x400: {  	v20 =	vsel vm13, v31, v20;
	v26 =	vadd.f32 v29, v26;
	v23 =	vadd.f32 v46, v23;
	s29 =	rddreg [dreg:$0xe];
	v55 =	vld [tilespmem:s23+$0x280]  }
0x401: {  	v1 =	vadd.f32 v48, v1;
	v2 =	vadd.f32 v50, v2;
	s22 =	sadd.s32 $0x0, s29;
	v56 =	vld [tilespmem:s23+$0x300];
	v4 =	vmul.f32 $1.442695020e+00, v21  }
0x402: {  	v31 =	vld [tilespmem:s23+$0x180];
	s23 =	simm.s32 $0x1;
	v54 =	vor.u32 s22, v0;
	v5 =	vmul.f32 $1.442695020e+00, v51;
	v6 =	vmul.f32 $1.442695020e+00, v17  }
0x403: {  	s22 =	sand.u32 $0x7, s23;
	vm0 =	vgt.f32 v21, v24;
	v21 =	vmax.f32 v24, v21;
	vm1 =	vgt.f32 v51, v22  }
0x404: {  	s24 =	sshll.u32 s22, $0x4;
	v22 =	vmax.f32 v22, v51;
	v57 =	vmax.f32 v27, v17;
	(erf) = vpow2.f32 v4  }
0x405: {  	s25 =	simm.s32 $0x10;
	s22 =	simm.s32 $0x80;
	s23 =	sadd.s32 $0x80, s24;
	v58 =	vmax.f32 v25, v18;
	v24 =	vmul.f32 $1.442695020e+00, v28;
	v59 =	vmul.f32 $1.442695020e+00, v55  }
0x406: {  	s24 =	sand.u32 $0x70, s25;
	s26 =	sand.u32 $0x7C00, s22;
	s23 =	sor.u32 $0x380, s23;
	v29 =	vmax.f32 v15, v56;
	v60 =	vmul.f32 $1.442695020e+00, v56;
	vm2 =	vgt.f32 v17, v27  }
0x407: {  	s24 =	sor.u32 s24, s26;
	vm3 =	vgt.f32 v18, v25;
	vm4 =	vgt.f32 v31, v30;
	vm15 =	vgt.f32 v56, v15;
	v15 =	vld [tilespmem:s23+$0x0]  }
0x408: {  	vm5 =	vgt.f32 v28, v16;
	vm14 =	vgt.f32 v55, v14;
	v32 =	vld [tilespmem:s24+$0x180];
	(erf) = vpow2.f32 v5  }
0x409: {  	v33 =	vld [tilespmem:s24+$0x200];
	v7 =	vsel vm0, v54, v7;
	v8 =	vsel vm1, v54, v8;
	v4 =	vmul.f32 $1.442695020e+00, v18  }
0x40a: {  	v34 =	vld [tilespmem:s24+$0x280];
	v9 =	vsel vm2, v54, v9;
	v10 =	vsel vm3, v54, v10;
	(erf) = vpow2.f32 v6  }
0x40b: {  	v37 =	vld [tilespmem:s24+$0x300];
	v11 =	vsel vm4, v54, v11;
	v12 =	vsel vm5, v54, v12;
	(erf) = vpow2.f32 v4  }
0x40c: {  	v13 =	vsel vm14, v54, v13;
	v20 =	vsel vm15, v54, v20;
	v5 =	vmul.f32 $1.442695020e+00, v31  }
0x40d: {  	v6 =	vmax.f32 v14, v55;
	v4 =	vmax.f32 v30, v31;
	v30 =	vld [tilespmem:s24+$0x80];
	v61 =	vmul.f32 $1.442695020e+00, v32;
	v14 =	vpop (erf)  }
0x40e: {  	v62 =	vmul.f32 $1.442695020e+00, v33;
	(erf) = vpow2.f32 v5;
	v17 =	vadd.f32 v14, v52;
	v14 =	vld [tilespmem:s24+$0x0]  }
0x40f: {  	s28 =	rddreg [dreg:$0xe];
	vm1 =	vgt.f32 v15, v21;
	v63 =	vmul.f32 $1.442695020e+00, v34;
	(erf) = vpow2.f32 v24  }
0x410: {  	s29 =	sadd.s32 $0x10, s28;
	v31 =	vld [tilespmem:s24+$0x100];
	v39 =	vmul.f32 $1.442695020e+00, v37;
	v5 =	vmax.f32 v16, v28;
	(erf) = vpow2.f32 v59  }
0x411: {  	v28 =	vor.u32 s29, v0;
	v24 =	vmax.f32 v21, v15;
	(erf) = vpow2.f32 v60;
	v16 =	vpop (erf)  }
0x412: {  	v15 =	vmul.f32 $1.442695020e+00, v15;
	v27 =	vmax.f32 v57, v30;
	v18 =	vadd.f32 v16, v53  }
0x413: {  	v16 =	vpop (erf);
	vm0 =	vgt.f32 v14, v22;
	v22 =	vmax.f32 v22, v14;
	v14 =	vmul.f32 $1.442695020e+00, v14  }
0x414: {  	v21 =	vmul.f32 $1.442695020e+00, v30;
	v19 =	vadd.f32 v16, v19;
	v16 =	vpop (erf);
	(erf) = vpow2.f32 v15  }
0x415: {  	v25 =	vmax.f32 v58, v31;
	v15 =	vmul.f32 $1.442695020e+00, v31;
	(erf) = vpow2.f32 v14  }
0x416: {  	vm3 =	vgt.f32 v30, v57;
	vm2 =	vgt.f32 v31, v58;
	(erf) = vpow2.f32 v21  }
0x417: {  	v30 =	vmov v25;
	v26 =	vadd.f32 v16, v26;
	v16 =	vpop (erf);
	(erf) = vpow2.f32 v15  }
0x418: {  	v31 =	vmov v27;
	v23 =	vadd.f32 v16, v23;
	v35 =	vpop (erf);
	(erf) = vpow2.f32 v61  }
0x419: {  	s24 =	simm.s32 $0x2;
	v16 =	vmax.f32 v4, v32;
	v36 =	vpop (erf);
	v14 =	vmax.f32 v5, v33;
	(erf) = vpow2.f32 v62  }
0x41a: {  	s25 =	simm.s32 $0x30;
	s23 =	simm.s32 $0x20;
	s26 =	sand.u32 $0x7, s24;
	v38 =	vpop (erf);
	v21 =	vmax.f32 v29, v37;
	v15 =	vmax.f32 v6, v34;
	(erf) = vpow2.f32 v63  }
.LBB2_26:
0x41b: {  	s26 =	sshll.u32 s26, $0x4;
	vm6 =	vgt.f32 v32, v4;
	s22 =	sadd.s32 $0x80, s22  }
0x41c: {  	vm4 =	vgt.f32 v33, v5;
	vm7 =	vgt.f32 v34, v6;
	(erf) = vpow2.f32 v39;
	s26 =	sadd.s32 s26, s22  }
0x41d: {  	s28 =	sand.u32 $0x70, s23;
	vm5 =	vgt.f32 v37, v29;
	v3 =	vadd.f32 v35, v3;
	v1 =	vadd.f32 v36, v1;
	s29 =	sand.u32 $0x7C00, s22;
	s26 =	sor.u32 $0x380, s26;
	v29 =	vpop (erf)  }
0x41e: {  	v7 =	vsel vm1, v28, v7;
	v2 =	vadd.f32 v38, v2;
	s28 =	sor.u32 s28, s29;
	v57 =	vld [tilespmem:s26+$0x0];
	v17 =	vadd.f32 v29, v17;
	v29 =	vpop (erf)  }
0x41f: {  	v8 =	vsel vm0, v28, v8;
	v9 =	vsel vm3, v28, v9;
	v58 =	vld [tilespmem:s28+$0x0];
	v18 =	vadd.f32 v29, v18;
	v29 =	vpop (erf)  }
0x420: {  	v10 =	vsel vm2, v28, v10;
	v11 =	vsel vm6, v28, v11;
	s29 =	rddreg [dreg:$0xe];
	v40 =	vld [tilespmem:s28+$0x80];
	v19 =	vadd.f32 v29, v19;
	v29 =	vpop (erf)  }
0x421: {  	v12 =	vsel vm4, v28, v12;
	v13 =	vsel vm7, v28, v13;
	v20 =	vsel vm5, v28, v20;
	s29 =	sadd.s32 s23, s29;
	v41 =	vld [tilespmem:s28+$0x100];
	v59 =	vpop (erf)  }
0x422: {  	v32 =	vld [tilespmem:s28+$0x180];
	v28 =	vor.u32 s29, v0;
	v26 =	vadd.f32 v29, v26;
	v23 =	vadd.f32 v59, v23  }
0x423: {  	v33 =	vld [tilespmem:s28+$0x200];
	v35 =	vpop (erf);
	vm1 =	vgt.f32 v57, v24;
	v24 =	vmax.f32 v24, v57;
	v60 =	vmul.f32 $1.442695020e+00, v57  }
0x424: {  	v34 =	vld [tilespmem:s28+$0x280];
	v36 =	vpop (erf);
	vm0 =	vgt.f32 v58, v22;
	v22 =	vmax.f32 v22, v58;
	v42 =	vmul.f32 $1.442695020e+00, v58  }
0x425: {  	v37 =	vld [tilespmem:s28+$0x300];
	v27 =	vmax.f32 v27, v40;
	v43 =	vmul.f32 $1.442695020e+00, v40;
	v38 =	vpop (erf);
	(erf) = vpow2.f32 v60  }
0x426: {  	p0 =	sne.s32 s25, $0xFF0;
	v25 =	vmax.f32 v25, v41;
	v61 =	vmul.f32 $1.442695020e+00, v41;
	(erf) = vpow2.f32 v42  }
.Ltmp12:
0x427: {  	v4 =	vmovc v16;
	v16 =	vmax.f32 v16, v32;
	v62 =	vmul.f32 $1.442695020e+00, v32;
	(erf) = vpow2.f32 v43;
	(pc) =	sbr.rel @p0 .LBB2_26-.Ltmp12, $4  }
0x428: {  	v5 =	vmovc v14;
	v14 =	vmax.f32 v14, v33;
	v63 =	vmul.f32 $1.442695020e+00, v33;
	(erf) = vpow2.f32 v61  }
0x429: {  	v6 =	vmovc v15;
	v15 =	vmax.f32 v15, v34;
	v44 =	vmul.f32 $1.442695020e+00, v34;
	(erf) = vpow2.f32 v62  }
0x42a: {  	s24 =	sadd.s32 $0x1, s24;
	v29 =	vmovc v21;
	v21 =	vmax.f32 v21, v37;
	v39 =	vmul.f32 $1.442695020e+00, v37;
	(erf) = vpow2.f32 v63  }
0x42b: {  	s23 =	smov.u32 s25;
	s26 =	sand.u32 $0x7, s24;
	s25 =	sadd.s32 $0x10, s25;
	vm3 =	vgt.f32 v40, v31;
	vm2 =	vgt.f32 v41, v30;
	v31 =	vmovc v27;
	v30 =	vmovc v25;
	(erf) = vpow2.f32 v44  }
0x42c: {  	s24 =	sshll.u32 s26, $0x4;
	s22 =	sadd.s32 $0x80, s22  }
0x42d: {  	s24 =	sadd.s32 s24, s22  }
0x42e: {  	s24 =	sor.u32 $0x380, s24  }
0x42f: {  	s25 =	sand.u32 $0x70, s23;
	s22 =	sand.u32 $0x7C00, s22;
	v40 =	vld [tilespmem:s24+$0x0]  }
0x430: {  	s22 =	sor.u32 s25, s22  }
0x431: {  	v41 =	vld [tilespmem:s22+$0x0]  }
0x432: {  	v42 =	vld [tilespmem:s22+$0x80]  }
0x433: {  	v43 =	vld [tilespmem:s22+$0x100]  }
0x434: {  	v44 =	vld [tilespmem:s22+$0x180];
	v46 =	vmul.f32 $1.442695020e+00, v40  }
0x435: {  	v45 =	vld [tilespmem:s22+$0x200]  }
0x436: {  	(erf) = vpow2.f32 v39;
	v47 =	vld [tilespmem:s22+$0x280];
	v56 =	vmul.f32 $1.442695020e+00, v41  }
0x437: {  	v49 =	vld [tilespmem:s22+$0x300];
	v48 =	vmul.f32 $1.442695020e+00, v42;
	(erf) = vpow2.f32 v46  }
0x438: {  	v50 =	vmul.f32 $1.442695020e+00, v43;
	v46 =	vpop (erf);
	(erf) = vpow2.f32 v56  }
0x439: {  	v51 =	vmul.f32 $1.442695020e+00, v44;
	v57 =	vpop (erf);
	(erf) = vpow2.f32 v48  }
0x43a: {  	v52 =	vmul.f32 $1.442695020e+00, v45;
	v58 =	vpop (erf);
	(erf) = vpow2.f32 v50  }
0x43b: {  	v53 =	vmul.f32 $1.442695020e+00, v47;
	v59 =	vpop (erf);
	(erf) = vpow2.f32 v51  }
0x43c: {  	v54 =	vmul.f32 $1.442695020e+00, v49;
	v60 =	vpop (erf);
	(erf) = vpow2.f32 v52  }
0x43d: {  	v61 =	vpop (erf);
	(erf) = vpow2.f32 v53  }
0x43e: {  	v62 =	vpop (erf);
	(erf) = vpow2.f32 v54  }
0x43f: {  	vm4 =	vgt.f32 v32, v4;
	vm5 =	vgt.f32 v33, v5;
	vm6 =	vgt.f32 v34, v6;
	v63 =	vpop (erf)  }
0x440: {  	v3 =	vadd.f32 v35, v3;
	vm7 =	vgt.f32 v37, v29;
	v1 =	vadd.f32 v36, v1;
	v4 =	vpop (erf)  }
0x441: {  	v2 =	vadd.f32 v38, v2;
	v7 =	vsel vm1, v28, v7;
	v8 =	vsel vm0, v28, v8;
	v5 =	vpop (erf)  }
0x442: {  	v9 =	vsel vm3, v28, v9;
	v6 =	vadd.f32 v46, v17;
	v17 =	vadd.f32 v57, v18;
	v18 =	vpop (erf)  }
0x443: {  	v10 =	vsel vm2, v28, v10;
	v11 =	vsel vm4, v28, v11;
	v12 =	vsel vm5, v28, v12;
	v29 =	vpop (erf)  }
0x444: {  	v13 =	vsel vm6, v28, v13;
	v20 =	vsel vm7, v28, v20;
	s24 =	rddreg [dreg:$0xe];
	vm0 =	vgt.f32 v40, v24;
	v46 =	vpop (erf)  }
0x445: {  	s25 =	simm.s32 $0x0;
	s22 =	sadd.s32 s23, s24;
	v24 =	vmax.f32 v24, v40;
	vm1 =	vgt.f32 v41, v22;
	v22 =	vmax.f32 v22, v41;
	v28 =	vpop (erf)  }
0x446: {  	[tilespmem:s25], [sflag:$0x1] =	stream.linear.gather [hbm4b:s13+s25], $0x8000, $0x38;
	v27 =	vmax.f32 v27, v42;
	vm2 =	vgt.f32 v42, v31;
	v31 =	vor.u32 s22, v0;
	v48 =	vpop (erf);
	[tilespmem:$0x10080] =	vst v63  }
0x447: {  	s26 =	sand.u32 $0x7, s25;
	v25 =	vmax.f32 v25, v43;
	vm3 =	vgt.f32 v43, v30;
	v30 =	vmax.f32 v16, v44;
	v50 =	vpop (erf)  }
0x448: {  	vm4 =	vgt.f32 v44, v16;
	s22 =	sshll.u32 s26, $0x4;
	v16 =	vmax.f32 v14, v45;
	vm5 =	vgt.f32 v45, v14;
	_ =	swait.ge [sflag:s18], $0x8000  }
0x449: {  	s28 =	sand.u32 $0x70, s25;
	v14 =	vmax.f32 v15, v47;
	vm12 =	vgt.f32 v47, v15;
	v15 =	vmax.f32 v21, v49;
	s22 =	sadd.s32 $0x0, s22;
	[sflag:s18] =	ssyncset.done $0x0  }
0x44a: {  	s23 =	sand.u32 $0x7C00, s25;
	vm13 =	vgt.f32 v49, v21;
	v7 =	vsel vm0, v31, v7;
	v8 =	vsel vm1, v31, v8;
	s22 =	sor.u32 $0x380, s22;
	[sflag:s18] =	ssyncadd.s32 $0xFFFF8000  }
0x44b: {  	s23 =	sor.u32 s28, s23;
	v9 =	vsel vm2, v31, v9;
	v19 =	vadd.f32 v58, v19;
	v26 =	vadd.f32 v59, v26;
	v21 =	vld [tilespmem:s22+$0x8000]  }
0x44c: {  	v10 =	vsel vm3, v31, v10;
	v23 =	vadd.f32 v60, v23;
	v3 =	vadd.f32 v61, v3;
	v51 =	vld [tilespmem:s23+$0x8000]  }
0x44d: {  	v11 =	vsel vm4, v31, v11;
	v1 =	vadd.f32 v62, v1;
	v53 =	vadd.f32 v5, v17;
	v17 =	vld [tilespmem:s23+$0x8080]  }
0x44e: {  	v12 =	vsel vm5, v31, v12;
	v2 =	vadd.f32 v63, v2;
	v19 =	vadd.f32 v18, v19;
	v18 =	vld [tilespmem:s23+$0x8100]  }
0x44f: {  	v13 =	vsel vm12, v31, v13;
	v52 =	vadd.f32 v4, v6;
	v3 =	vadd.f32 v28, v3;
	v28 =	vld [tilespmem:s23+$0x8200]  }
0x450: {  	v20 =	vsel vm13, v31, v20;
	v26 =	vadd.f32 v29, v26;
	v23 =	vadd.f32 v46, v23;
	s29 =	rddreg [dreg:$0xf];
	v55 =	vld [tilespmem:s23+$0x8280]  }
0x451: {  	v1 =	vadd.f32 v48, v1;
	v2 =	vadd.f32 v50, v2;
	s22 =	sadd.s32 $0x0, s29;
	v56 =	vld [tilespmem:s23+$0x8300];
	v4 =	vmul.f32 $1.442695020e+00, v21  }
0x452: {  	v31 =	vld [tilespmem:s23+$0x8180];
	s23 =	simm.s32 $0x1;
	v54 =	vor.u32 s22, v0;
	v5 =	vmul.f32 $1.442695020e+00, v51;
	v6 =	vmul.f32 $1.442695020e+00, v17  }
0x453: {  	s22 =	sand.u32 $0x7, s23;
	vm0 =	vgt.f32 v21, v24;
	v21 =	vmax.f32 v24, v21;
	vm1 =	vgt.f32 v51, v22  }
0x454: {  	s24 =	sshll.u32 s22, $0x4;
	v22 =	vmax.f32 v22, v51;
	v57 =	vmax.f32 v27, v17;
	(erf) = vpow2.f32 v4  }
0x455: {  	s25 =	simm.s32 $0x10;
	s22 =	simm.s32 $0x80;
	s23 =	sadd.s32 $0x80, s24;
	v58 =	vmax.f32 v25, v18;
	v24 =	vmul.f32 $1.442695020e+00, v28;
	v59 =	vmul.f32 $1.442695020e+00, v55  }
0x456: {  	s24 =	sand.u32 $0x70, s25;
	s26 =	sand.u32 $0x7C00, s22;
	s23 =	sor.u32 $0x380, s23;
	v29 =	vmax.f32 v15, v56;
	v60 =	vmul.f32 $1.442695020e+00, v56;
	vm2 =	vgt.f32 v17, v27  }
0x457: {  	s24 =	sor.u32 s24, s26;
	vm3 =	vgt.f32 v18, v25;
	vm4 =	vgt.f32 v31, v30;
	vm15 =	vgt.f32 v56, v15;
	v15 =	vld [tilespmem:s23+$0x8000]  }
0x458: {  	vm5 =	vgt.f32 v28, v16;
	vm14 =	vgt.f32 v55, v14;
	v32 =	vld [tilespmem:s24+$0x8180];
	(erf) = vpow2.f32 v5  }
0x459: {  	v33 =	vld [tilespmem:s24+$0x8200];
	v7 =	vsel vm0, v54, v7;
	v8 =	vsel vm1, v54, v8;
	v4 =	vmul.f32 $1.442695020e+00, v18  }
0x45a: {  	v34 =	vld [tilespmem:s24+$0x8280];
	v9 =	vsel vm2, v54, v9;
	v10 =	vsel vm3, v54, v10;
	(erf) = vpow2.f32 v6  }
0x45b: {  	v37 =	vld [tilespmem:s24+$0x8300];
	v11 =	vsel vm4, v54, v11;
	v12 =	vsel vm5, v54, v12;
	(erf) = vpow2.f32 v4  }
0x45c: {  	v13 =	vsel vm14, v54, v13;
	v20 =	vsel vm15, v54, v20;
	v5 =	vmul.f32 $1.442695020e+00, v31  }
0x45d: {  	v6 =	vmax.f32 v14, v55;
	v4 =	vmax.f32 v30, v31;
	v30 =	vld [tilespmem:s24+$0x8080];
	v61 =	vmul.f32 $1.442695020e+00, v32;
	v14 =	vpop (erf)  }
0x45e: {  	v62 =	vmul.f32 $1.442695020e+00, v33;
	(erf) = vpow2.f32 v5;
	v17 =	vadd.f32 v14, v52;
	v14 =	vld [tilespmem:s24+$0x8000]  }
0x45f: {  	s28 =	rddreg [dreg:$0xf];
	vm1 =	vgt.f32 v15, v21;
	v63 =	vmul.f32 $1.442695020e+00, v34;
	(erf) = vpow2.f32 v24  }
0x460: {  	s29 =	sadd.s32 $0x10, s28;
	v31 =	vld [tilespmem:s24+$0x8100];
	v39 =	vmul.f32 $1.442695020e+00, v37;
	v5 =	vmax.f32 v16, v28;
	(erf) = vpow2.f32 v59  }
0x461: {  	v28 =	vor.u32 s29, v0;
	v24 =	vmax.f32 v21, v15;
	(erf) = vpow2.f32 v60;
	v16 =	vpop (erf)  }
0x462: {  	v15 =	vmul.f32 $1.442695020e+00, v15;
	v27 =	vmax.f32 v57, v30;
	v18 =	vadd.f32 v16, v53  }
0x463: {  	v16 =	vpop (erf);
	vm0 =	vgt.f32 v14, v22;
	v22 =	vmax.f32 v22, v14;
	v14 =	vmul.f32 $1.442695020e+00, v14  }
0x464: {  	v21 =	vmul.f32 $1.442695020e+00, v30;
	v19 =	vadd.f32 v16, v19;
	v16 =	vpop (erf);
	(erf) = vpow2.f32 v15  }
0x465: {  	v25 =	vmax.f32 v58, v31;
	v15 =	vmul.f32 $1.442695020e+00, v31;
	(erf) = vpow2.f32 v14  }
0x466: {  	vm3 =	vgt.f32 v30, v57;
	vm2 =	vgt.f32 v31, v58;
	(erf) = vpow2.f32 v21  }
0x467: {  	v30 =	vmov v25;
	v26 =	vadd.f32 v16, v26;
	v16 =	vpop (erf);
	(erf) = vpow2.f32 v15  }
0x468: {  	v31 =	vmov v27;
	v23 =	vadd.f32 v16, v23;
	v35 =	vpop (erf);
	(erf) = vpow2.f32 v61  }
0x469: {  	s24 =	simm.s32 $0x2;
	v16 =	vmax.f32 v4, v32;
	v36 =	vpop (erf);
	v14 =	vmax.f32 v5, v33;
	(erf) = vpow2.f32 v62  }
0x46a: {  	s25 =	simm.s32 $0x30;
	s23 =	simm.s32 $0x20;
	s26 =	sand.u32 $0x7, s24;
	v38 =	vpop (erf);
	v21 =	vmax.f32 v29, v37;
	v15 =	vmax.f32 v6, v34;
	(erf) = vpow2.f32 v63  }
.LBB2_28:
0x46b: {  	s26 =	sshll.u32 s26, $0x4;
	vm6 =	vgt.f32 v32, v4;
	s22 =	sadd.s32 $0x80, s22  }
0x46c: {  	vm4 =	vgt.f32 v33, v5;
	vm7 =	vgt.f32 v34, v6;
	(erf) = vpow2.f32 v39;
	s26 =	sadd.s32 s26, s22  }
0x46d: {  	s28 =	sand.u32 $0x70, s23;
	vm5 =	vgt.f32 v37, v29;
	v3 =	vadd.f32 v35, v3;
	v1 =	vadd.f32 v36, v1;
	s29 =	sand.u32 $0x7C00, s22;
	s26 =	sor.u32 $0x380, s26;
	v29 =	vpop (erf)  }
0x46e: {  	v7 =	vsel vm1, v28, v7;
	v2 =	vadd.f32 v38, v2;
	s28 =	sor.u32 s28, s29;
	v57 =	vld [tilespmem:s26+$0x8000];
	v17 =	vadd.f32 v29, v17;
	v29 =	vpop (erf)  }
0x46f: {  	v8 =	vsel vm0, v28, v8;
	v9 =	vsel vm3, v28, v9;
	v58 =	vld [tilespmem:s28+$0x8000];
	v18 =	vadd.f32 v29, v18;
	v29 =	vpop (erf)  }
0x470: {  	v10 =	vsel vm2, v28, v10;
	v11 =	vsel vm6, v28, v11;
	s29 =	rddreg [dreg:$0xf];
	v40 =	vld [tilespmem:s28+$0x8080];
	v19 =	vadd.f32 v29, v19;
	v29 =	vpop (erf)  }
0x471: {  	v12 =	vsel vm4, v28, v12;
	v13 =	vsel vm7, v28, v13;
	v20 =	vsel vm5, v28, v20;
	s29 =	sadd.s32 s23, s29;
	v41 =	vld [tilespmem:s28+$0x8100];
	v59 =	vpop (erf)  }
0x472: {  	v32 =	vld [tilespmem:s28+$0x8180];
	v28 =	vor.u32 s29, v0;
	v26 =	vadd.f32 v29, v26;
	v23 =	vadd.f32 v59, v23  }
0x473: {  	v33 =	vld [tilespmem:s28+$0x8200];
	v35 =	vpop (erf);
	vm1 =	vgt.f32 v57, v24;
	v24 =	vmax.f32 v24, v57;
	v60 =	vmul.f32 $1.442695020e+00, v57  }
0x474: {  	v34 =	vld [tilespmem:s28+$0x8280];
	v36 =	vpop (erf);
	vm0 =	vgt.f32 v58, v22;
	v22 =	vmax.f32 v22, v58;
	v42 =	vmul.f32 $1.442695020e+00, v58  }
0x475: {  	v37 =	vld [tilespmem:s28+$0x8300];
	v27 =	vmax.f32 v27, v40;
	v43 =	vmul.f32 $1.442695020e+00, v40;
	v38 =	vpop (erf);
	(erf) = vpow2.f32 v60  }
0x476: {  	p0 =	sne.s32 s25, $0xFF0;
	v25 =	vmax.f32 v25, v41;
	v61 =	vmul.f32 $1.442695020e+00, v41;
	(erf) = vpow2.f32 v42  }
.Ltmp13:
0x477: {  	v4 =	vmovc v16;
	v16 =	vmax.f32 v16, v32;
	v62 =	vmul.f32 $1.442695020e+00, v32;
	(erf) = vpow2.f32 v43;
	(pc) =	sbr.rel @p0 .LBB2_28-.Ltmp13, $4  }
0x478: {  	v5 =	vmovc v14;
	v14 =	vmax.f32 v14, v33;
	v63 =	vmul.f32 $1.442695020e+00, v33;
	(erf) = vpow2.f32 v61  }
0x479: {  	v6 =	vmovc v15;
	v15 =	vmax.f32 v15, v34;
	v44 =	vmul.f32 $1.442695020e+00, v34;
	(erf) = vpow2.f32 v62  }
0x47a: {  	s24 =	sadd.s32 $0x1, s24;
	v29 =	vmovc v21;
	v21 =	vmax.f32 v21, v37;
	v39 =	vmul.f32 $1.442695020e+00, v37;
	(erf) = vpow2.f32 v63  }
0x47b: {  	s23 =	smov.u32 s25;
	s26 =	sand.u32 $0x7, s24;
	s25 =	sadd.s32 $0x10, s25;
	vm3 =	vgt.f32 v40, v31;
	vm2 =	vgt.f32 v41, v30;
	v31 =	vmovc v27;
	v30 =	vmovc v25;
	(erf) = vpow2.f32 v44  }
0x47c: {  	s24 =	sshll.u32 s26, $0x4;
	s22 =	sadd.s32 $0x80, s22  }
0x47d: {  	s24 =	sadd.s32 s24, s22  }
0x47e: {  	s24 =	sor.u32 $0x380, s24  }
0x47f: {  	s25 =	sand.u32 $0x70, s23;
	s22 =	sand.u32 $0x7C00, s22;
	v40 =	vld [tilespmem:s24+$0x8000]  }
0x480: {  	s22 =	sor.u32 s25, s22  }
0x481: {  	v41 =	vld [tilespmem:s22+$0x8000]  }
0x482: {  	v42 =	vld [tilespmem:s22+$0x8080]  }
0x483: {  	v43 =	vld [tilespmem:s22+$0x8100]  }
0x484: {  	v44 =	vld [tilespmem:s22+$0x8180];
	v46 =	vmul.f32 $1.442695020e+00, v40  }
0x485: {  	v45 =	vld [tilespmem:s22+$0x8200]  }
0x486: {  	(erf) = vpow2.f32 v39;
	v47 =	vld [tilespmem:s22+$0x8280];
	v56 =	vmul.f32 $1.442695020e+00, v41  }
0x487: {  	v49 =	vld [tilespmem:s22+$0x8300];
	v48 =	vmul.f32 $1.442695020e+00, v42;
	(erf) = vpow2.f32 v46  }
0x488: {  	v50 =	vmul.f32 $1.442695020e+00, v43;
	v46 =	vpop (erf);
	(erf) = vpow2.f32 v56  }
0x489: {  	v51 =	vmul.f32 $1.442695020e+00, v44;
	v57 =	vpop (erf);
	(erf) = vpow2.f32 v48  }
0x48a: {  	v52 =	vmul.f32 $1.442695020e+00, v45;
	v58 =	vpop (erf);
	(erf) = vpow2.f32 v50  }
0x48b: {  	v53 =	vmul.f32 $1.442695020e+00, v47;
	v59 =	vpop (erf);
	(erf) = vpow2.f32 v51  }
0x48c: {  	v54 =	vmul.f32 $1.442695020e+00, v49;
	v60 =	vpop (erf);
	(erf) = vpow2.f32 v52  }
0x48d: {  	v61 =	vpop (erf);
	(erf) = vpow2.f32 v53  }
0x48e: {  	vm4 =	vgt.f32 v32, v4;
	v62 =	vpop (erf);
	(erf) = vpow2.f32 v54  }
0x48f: {  	vm5 =	vgt.f32 v33, v5;
	vm6 =	vgt.f32 v34, v6;
	v3 =	vadd.f32 v35, v3;
	v63 =	vpop (erf)  }
0x490: {  	vm7 =	vgt.f32 v37, v29;
	v1 =	vadd.f32 v36, v1;
	v2 =	vadd.f32 v38, v2;
	v4 =	vpop (erf)  }
0x491: {  	v7 =	vsel vm1, v28, v7;
	v8 =	vsel vm0, v28, v8;
	v9 =	vsel vm3, v28, v9;
	v5 =	vpop (erf)  }
0x492: {  	v10 =	vsel vm2, v28, v10;
	v6 =	vadd.f32 v46, v17;
	v17 =	vadd.f32 v57, v18;
	v18 =	vpop (erf)  }
0x493: {  	v11 =	vsel vm4, v28, v11;
	v12 =	vsel vm5, v28, v12;
	v13 =	vsel vm6, v28, v13;
	v29 =	vpop (erf)  }
0x494: {  	v20 =	vsel vm7, v28, v20;
	s24 =	rddreg [dreg:$0xf];
	vm0 =	vgt.f32 v40, v24;
	v24 =	vmax.f32 v24, v40;
	v48 =	vpop (erf)  }
0x495: {  	s25 =	simm.s32 $0x0;
	s22 =	sadd.s32 s23, s24;
	vm1 =	vgt.f32 v41, v22;
	v22 =	vmax.f32 v22, v41;
	v27 =	vmax.f32 v27, v42;
	v28 =	vpop (erf)  }
0x496: {  	[tilespmem:s16], [sflag:$0x2] =	stream.linear.gather [hbm4b:s14+s25], $0x8000, $0x38;
	vm2 =	vgt.f32 v42, v31;
	v31 =	vor.u32 s22, v0;
	vm3 =	vgt.f32 v43, v30;
	v50 =	vpop (erf);
	[tilespmem:$0x10080] =	vst v63  }
0x497: {  	s26 =	sand.u32 $0x7, s25;
	v30 =	vmax.f32 v16, v44;
	vm4 =	vgt.f32 v44, v16;
	v16 =	vmax.f32 v14, v45;
	v51 =	vpop (erf)  }
0x498: {  	s22 =	sshll.u32 s26, $0x4;
	vm5 =	vgt.f32 v45, v14;
	v14 =	vmax.f32 v15, v47;
	vm12 =	vgt.f32 v47, v15;
	_ =	swait.ge [sflag:s17], $0x8000  }
0x499: {  	s28 =	sand.u32 $0x70, s25;
	v15 =	vmax.f32 v21, v49;
	vm13 =	vgt.f32 v49, v21;
	s22 =	sadd.s32 $0x0, s22;
	v7 =	vsel vm0, v31, v7;
	[sflag:s17] =	ssyncset.done $0x0  }
0x49a: {  	s23 =	sand.u32 $0x7C00, s25;
	v8 =	vsel vm1, v31, v8;
	v9 =	vsel vm2, v31, v9;
	s22 =	sor.u32 $0x380, s22;
	v19 =	vadd.f32 v58, v19;
	[sflag:s17] =	ssyncadd.s32 $0xFFFF8000  }
0x49b: {  	s23 =	sor.u32 s28, s23;
	v10 =	vsel vm3, v31, v10;
	v26 =	vadd.f32 v59, v26;
	v23 =	vadd.f32 v60, v23;
	v21 =	vld [tilespmem:s22+$0x0]  }
0x49c: {  	v11 =	vsel vm4, v31, v11;
	v3 =	vadd.f32 v61, v3;
	v1 =	vadd.f32 v62, v1;
	v52 =	vld [tilespmem:s23+$0x0]  }
0x49d: {  	v12 =	vsel vm5, v31, v12;
	v2 =	vadd.f32 v63, v2;
	v54 =	vadd.f32 v5, v17;
	v17 =	vld [tilespmem:s23+$0x80]  }
0x49e: {  	v13 =	vsel vm12, v31, v13;
	v53 =	vadd.f32 v4, v6;
	v19 =	vadd.f32 v18, v19;
	v18 =	vld [tilespmem:s23+$0x100]  }
0x49f: {  	v31 =	vsel vm13, v31, v20;
	v26 =	vadd.f32 v29, v26;
	v23 =	vadd.f32 v48, v23;
	s29 =	rddreg [dreg:$0x10];
	v20 =	vld [tilespmem:s23+$0x180]  }
0x4a0: {  	v25 =	vmax.f32 v25, v43;
	v3 =	vadd.f32 v28, v3;
	v1 =	vadd.f32 v50, v1;
	s22 =	sadd.s32 $0x0, s29;
	v28 =	vld [tilespmem:s23+$0x200]  }
0x4a1: {  	v2 =	vadd.f32 v51, v2;
	v56 =	vld [tilespmem:s23+$0x280];
	v55 =	vor.u32 s22, v0;
	v4 =	vmul.f32 $1.442695020e+00, v21  }
0x4a2: {  	v57 =	vld [tilespmem:s23+$0x300];
	v5 =	vmul.f32 $1.442695020e+00, v52;
	v6 =	vmul.f32 $1.442695020e+00, v17;
	vm0 =	vgt.f32 v21, v24  }
0x4a3: {  	v21 =	vmax.f32 v24, v21;
	vm1 =	vgt.f32 v52, v22;
	(erf) = vpow2.f32 v4  }
0x4a4: {  	s23 =	simm.s32 $0x1;
	v35 =	vmax.f32 v22, v52;
	v4 =	vmul.f32 $1.442695020e+00, v18;
	(erf) = vpow2.f32 v5  }
0x4a5: {  	s22 =	sand.u32 $0x7, s23;
	v58 =	vmax.f32 v27, v17;
	v5 =	vmul.f32 $1.442695020e+00, v20;
	(erf) = vpow2.f32 v6  }
0x4a6: {  	s24 =	sshll.u32 s22, $0x4;
	v59 =	vmax.f32 v25, v18;
	v22 =	vmul.f32 $1.442695020e+00, v28;
	(erf) = vpow2.f32 v4  }
0x4a7: {  	s25 =	simm.s32 $0x10;
	s22 =	simm.s32 $0x80;
	s23 =	sadd.s32 $0x80, s24;
	v24 =	vmul.f32 $1.442695020e+00, v56;
	v29 =	vmax.f32 v15, v57;
	(erf) = vpow2.f32 v5  }
0x4a8: {  	s24 =	sand.u32 $0x70, s25;
	s26 =	sand.u32 $0x7C00, s22;
	s23 =	sor.u32 $0x380, s23;
	v60 =	vmul.f32 $1.442695020e+00, v57;
	vm2 =	vgt.f32 v17, v27;
	vm3 =	vgt.f32 v18, v25  }
0x4a9: {  	s24 =	sor.u32 s24, s26;
	vm4 =	vgt.f32 v20, v30;
	vm5 =	vgt.f32 v28, v16;
	vm15 =	vgt.f32 v57, v15;
	v15 =	vld [tilespmem:s23+$0x0]  }
0x4aa: {  	vm14 =	vgt.f32 v56, v14;
	v33 =	vld [tilespmem:s24+$0x200];
	v7 =	vsel vm0, v55, v7;
	v8 =	vsel vm1, v55, v8  }
0x4ab: {  	v34 =	vld [tilespmem:s24+$0x280];
	v9 =	vsel vm2, v55, v9;
	v10 =	vsel vm3, v55, v10;
	v11 =	vsel vm4, v55, v11  }
0x4ac: {  	v37 =	vld [tilespmem:s24+$0x300];
	v12 =	vsel vm5, v55, v12;
	v6 =	vmax.f32 v14, v56;
	v4 =	vmax.f32 v30, v20;
	v14 =	vpop (erf)  }
0x4ad: {  	v5 =	vmax.f32 v16, v28;
	(erf) = vpow2.f32 v22;
	v16 =	vpop (erf);
	v17 =	vadd.f32 v14, v53;
	v14 =	vld [tilespmem:s24+$0x0]  }
0x4ae: {  	v30 =	vld [tilespmem:s24+$0x80];
	vm1 =	vgt.f32 v15, v21;
	(erf) = vpow2.f32 v24;
	v18 =	vadd.f32 v16, v54;
	v16 =	vpop (erf)  }
0x4af: {  	v61 =	vld [tilespmem:s24+$0x100];
	v25 =	vmax.f32 v21, v15;
	(erf) = vpow2.f32 v60;
	v20 =	vadd.f32 v16, v19;
	v16 =	vpop (erf)  }
0x4b0: {  	v32 =	vld [tilespmem:s24+$0x180];
	v15 =	vmul.f32 $1.442695020e+00, v15;
	v62 =	vmul.f32 $1.442695020e+00, v33;
	v24 =	vadd.f32 v16, v26;
	v16 =	vpop (erf)  }
0x4b1: {  	v63 =	vmul.f32 $1.442695020e+00, v34;
	v39 =	vmul.f32 $1.442695020e+00, v37;
	v22 =	vadd.f32 v16, v23  }
0x4b2: {  	vm0 =	vgt.f32 v14, v35;
	v23 =	vmax.f32 v35, v14;
	v14 =	vmul.f32 $1.442695020e+00, v14  }
0x4b3: {  	v13 =	vsel vm14, v55, v13;
	v21 =	vmul.f32 $1.442695020e+00, v30;
	(erf) = vpow2.f32 v15  }
0x4b4: {  	s28 =	rddreg [dreg:$0x10];
	vm2 =	vgt.f32 v61, v59;
	v15 =	vmul.f32 $1.442695020e+00, v61;
	(erf) = vpow2.f32 v14  }
0x4b5: {  	s29 =	sadd.s32 $0x10, s28;
	v19 =	vsel vm15, v55, v31;
	v31 =	vmul.f32 $1.442695020e+00, v32;
	(erf) = vpow2.f32 v21  }
0x4b6: {  	v28 =	vor.u32 s29, v0;
	v27 =	vmax.f32 v58, v30;
	v35 =	vpop (erf);
	(erf) = vpow2.f32 v15  }
0x4b7: {  	vm3 =	vgt.f32 v30, v58;
	v26 =	vmax.f32 v59, v61;
	v36 =	vpop (erf);
	(erf) = vpow2.f32 v31  }
0x4b8: {  	s24 =	simm.s32 $0x2;
	v16 =	vmax.f32 v4, v32;
	v14 =	vmax.f32 v5, v33;
	v38 =	vpop (erf);
	(erf) = vpow2.f32 v62  }
0x4b9: {  	s25 =	simm.s32 $0x30;
	s23 =	simm.s32 $0x20;
	s26 =	sand.u32 $0x7, s24;
	v30 =	vmovc v26;
	v21 =	vmax.f32 v29, v37;
	v15 =	vmax.f32 v6, v34;
	v31 =	vmovc v27;
	(erf) = vpow2.f32 v63  }
.LBB2_30:
0x4ba: {  	s26 =	sshll.u32 s26, $0x4;
	vm6 =	vgt.f32 v32, v4;
	s22 =	sadd.s32 $0x80, s22  }
0x4bb: {  	vm4 =	vgt.f32 v33, v5;
	vm7 =	vgt.f32 v34, v6;
	(erf) = vpow2.f32 v39;
	s26 =	sadd.s32 s26, s22  }
0x4bc: {  	s28 =	sand.u32 $0x70, s23;
	vm5 =	vgt.f32 v37, v29;
	v3 =	vadd.f32 v35, v3;
	v1 =	vadd.f32 v36, v1;
	s29 =	sand.u32 $0x7C00, s22;
	s26 =	sor.u32 $0x380, s26;
	v29 =	vpop (erf)  }
0x4bd: {  	v7 =	vsel vm1, v28, v7;
	v2 =	vadd.f32 v38, v2;
	s28 =	sor.u32 s28, s29;
	v57 =	vld [tilespmem:s26+$0x0];
	v17 =	vadd.f32 v29, v17;
	v29 =	vpop (erf)  }
0x4be: {  	v8 =	vsel vm0, v28, v8;
	v9 =	vsel vm3, v28, v9;
	v58 =	vld [tilespmem:s28+$0x0];
	v18 =	vadd.f32 v29, v18;
	v29 =	vpop (erf)  }
0x4bf: {  	v10 =	vsel vm2, v28, v10;
	v11 =	vsel vm6, v28, v11;
	s29 =	rddreg [dreg:$0x10];
	v40 =	vld [tilespmem:s28+$0x80];
	v20 =	vadd.f32 v29, v20;
	v29 =	vpop (erf)  }
0x4c0: {  	v12 =	vsel vm4, v28, v12;
	v13 =	vsel vm7, v28, v13;
	v19 =	vsel vm5, v28, v19;
	s29 =	sadd.s32 s23, s29;
	v41 =	vld [tilespmem:s28+$0x100];
	v59 =	vpop (erf)  }
0x4c1: {  	v32 =	vld [tilespmem:s28+$0x180];
	v28 =	vor.u32 s29, v0;
	v24 =	vadd.f32 v29, v24;
	v22 =	vadd.f32 v59, v22  }
0x4c2: {  	v33 =	vld [tilespmem:s28+$0x200];
	v35 =	vpop (erf);
	vm1 =	vgt.f32 v57, v25;
	v25 =	vmax.f32 v25, v57;
	v60 =	vmul.f32 $1.442695020e+00, v57  }
0x4c3: {  	v34 =	vld [tilespmem:s28+$0x280];
	v36 =	vpop (erf);
	vm0 =	vgt.f32 v58, v23;
	v23 =	vmax.f32 v23, v58;
	v42 =	vmul.f32 $1.442695020e+00, v58  }
0x4c4: {  	v37 =	vld [tilespmem:s28+$0x300];
	v27 =	vmax.f32 v27, v40;
	v43 =	vmul.f32 $1.442695020e+00, v40;
	v38 =	vpop (erf);
	(erf) = vpow2.f32 v60  }
0x4c5: {  	p0 =	sne.s32 s25, $0xFF0;
	v26 =	vmax.f32 v26, v41;
	v61 =	vmul.f32 $1.442695020e+00, v41;
	(erf) = vpow2.f32 v42  }
.Ltmp14:
0x4c6: {  	v4 =	vmovc v16;
	v16 =	vmax.f32 v16, v32;
	v62 =	vmul.f32 $1.442695020e+00, v32;
	(erf) = vpow2.f32 v43;
	(pc) =	sbr.rel @p0 .LBB2_30-.Ltmp14, $4  }
0x4c7: {  	v5 =	vmovc v14;
	v14 =	vmax.f32 v14, v33;
	v63 =	vmul.f32 $1.442695020e+00, v33;
	(erf) = vpow2.f32 v61  }
0x4c8: {  	v6 =	vmovc v15;
	v15 =	vmax.f32 v15, v34;
	v44 =	vmul.f32 $1.442695020e+00, v34;
	(erf) = vpow2.f32 v62  }
0x4c9: {  	s24 =	sadd.s32 $0x1, s24;
	v29 =	vmovc v21;
	v21 =	vmax.f32 v21, v37;
	v39 =	vmul.f32 $1.442695020e+00, v37;
	(erf) = vpow2.f32 v63  }
0x4ca: {  	s23 =	smov.u32 s25;
	s26 =	sand.u32 $0x7, s24;
	s25 =	sadd.s32 $0x10, s25;
	vm3 =	vgt.f32 v40, v31;
	vm2 =	vgt.f32 v41, v30;
	v31 =	vmovc v27;
	v30 =	vmovc v26;
	(erf) = vpow2.f32 v44  }
0x4cb: {  	s24 =	sshll.u32 s26, $0x4;
	s22 =	sadd.s32 $0x80, s22  }
0x4cc: {  	s24 =	sadd.s32 s24, s22  }
0x4cd: {  	s24 =	sor.u32 $0x380, s24  }
0x4ce: {  	s25 =	sand.u32 $0x70, s23;
	s22 =	sand.u32 $0x7C00, s22;
	v40 =	vld [tilespmem:s24+$0x0]  }
0x4cf: {  	s22 =	sor.u32 s25, s22  }
0x4d0: {  	v41 =	vld [tilespmem:s22+$0x0]  }
0x4d1: {  	v42 =	vld [tilespmem:s22+$0x80]  }
0x4d2: {  	v43 =	vld [tilespmem:s22+$0x100]  }
0x4d3: {  	v44 =	vld [tilespmem:s22+$0x180];
	v46 =	vmul.f32 $1.442695020e+00, v40  }
0x4d4: {  	v45 =	vld [tilespmem:s22+$0x200]  }
0x4d5: {  	(erf) = vpow2.f32 v39;
	v47 =	vld [tilespmem:s22+$0x280];
	v56 =	vmul.f32 $1.442695020e+00, v41  }
0x4d6: {  	v49 =	vld [tilespmem:s22+$0x300];
	v48 =	vmul.f32 $1.442695020e+00, v42;
	(erf) = vpow2.f32 v46  }
0x4d7: {  	v50 =	vmul.f32 $1.442695020e+00, v43;
	v46 =	vpop (erf);
	(erf) = vpow2.f32 v56  }
0x4d8: {  	v51 =	vmul.f32 $1.442695020e+00, v44;
	v57 =	vpop (erf);
	(erf) = vpow2.f32 v48  }
0x4d9: {  	v52 =	vmul.f32 $1.442695020e+00, v45;
	v58 =	vpop (erf);
	(erf) = vpow2.f32 v50  }
0x4da: {  	v53 =	vmul.f32 $1.442695020e+00, v47;
	v59 =	vpop (erf);
	(erf) = vpow2.f32 v51  }
0x4db: {  	v54 =	vmul.f32 $1.442695020e+00, v49;
	v60 =	vpop (erf);
	(erf) = vpow2.f32 v52  }
0x4dc: {  	v61 =	vpop (erf);
	(erf) = vpow2.f32 v53  }
0x4dd: {  	vm4 =	vgt.f32 v32, v4;
	v62 =	vpop (erf);
	(erf) = vpow2.f32 v54  }
0x4de: {  	vm5 =	vgt.f32 v33, v5;
	vm6 =	vgt.f32 v34, v6;
	v3 =	vadd.f32 v35, v3;
	v63 =	vpop (erf)  }
0x4df: {  	vm7 =	vgt.f32 v37, v29;
	v1 =	vadd.f32 v36, v1;
	v2 =	vadd.f32 v38, v2;
	v4 =	vpop (erf)  }
0x4e0: {  	v7 =	vsel vm1, v28, v7;
	v8 =	vsel vm0, v28, v8;
	v9 =	vsel vm3, v28, v9;
	v5 =	vpop (erf)  }
0x4e1: {  	v10 =	vsel vm2, v28, v10;
	v6 =	vadd.f32 v46, v17;
	v17 =	vadd.f32 v57, v18;
	v18 =	vpop (erf)  }
0x4e2: {  	v11 =	vsel vm4, v28, v11;
	v12 =	vsel vm5, v28, v12;
	v13 =	vsel vm6, v28, v13;
	v29 =	vpop (erf)  }
0x4e3: {  	v19 =	vsel vm7, v28, v19;
	s24 =	rddreg [dreg:$0x10];
	vm0 =	vgt.f32 v40, v25;
	v25 =	vmax.f32 v25, v40;
	v48 =	vpop (erf)  }
0x4e4: {  	s22 =	sadd.s32 s23, s24;
	vm1 =	vgt.f32 v41, v23;
	v23 =	vmax.f32 v23, v41;
	v27 =	vmax.f32 v27, v42;
	v28 =	vpop (erf)  }
0x4e5: {  	s25 =	simm.s32 $0x0;
	vm2 =	vgt.f32 v42, v31;
	v31 =	vor.u32 s22, v0;
	v26 =	vmax.f32 v26, v43;
	v50 =	vpop (erf)  }
0x4e6: {  	s26 =	sand.u32 $0x7, s25;
	vm3 =	vgt.f32 v43, v30;
	v30 =	vmax.f32 v16, v44;
	vm4 =	vgt.f32 v44, v16;
	v51 =	vpop (erf)  }
0x4e7: {  	s22 =	sshll.u32 s26, $0x4;
	v16 =	vmax.f32 v14, v45;
	vm5 =	vgt.f32 v45, v14;
	v14 =	vmax.f32 v15, v47;
	_ =	swait.ge [sflag:s18], $0x8000  }
0x4e8: {  	s28 =	sand.u32 $0x70, s25;
	vm12 =	vgt.f32 v47, v15;
	v15 =	vmax.f32 v21, v49;
	vm13 =	vgt.f32 v49, v21;
	s22 =	sadd.s32 $0x0, s22;
	[sflag:s18] =	ssyncset.done $0x0  }
0x4e9: {  	s23 =	sand.u32 $0x7C00, s25;
	v7 =	vsel vm0, v31, v7;
	v10 =	vsel vm3, v31, v10;
	s22 =	sor.u32 $0x380, s22;
	v20 =	vadd.f32 v58, v20;
	[sflag:s18] =	ssyncadd.s32 $0xFFFF8000  }
0x4ea: {  	s23 =	sor.u32 s28, s23;
	v12 =	vsel vm5, v31, v12;
	v24 =	vadd.f32 v59, v24;
	v22 =	vadd.f32 v60, v22;
	v21 =	vld [tilespmem:s22+$0x8000]  }
0x4eb: {  	v53 =	vsel vm2, v31, v9;
	v3 =	vadd.f32 v61, v3;
	v1 =	vadd.f32 v62, v1;
	v9 =	vld [tilespmem:s23+$0x8000]  }
0x4ec: {  	v55 =	vsel vm12, v31, v13;
	v4 =	vadd.f32 v4, v6;
	v6 =	vadd.f32 v5, v17;
	v17 =	vld [tilespmem:s23+$0x8080]  }
0x4ed: {  	v19 =	vsel vm13, v31, v19;
	v2 =	vadd.f32 v63, v2;
	v18 =	vadd.f32 v18, v20;
	v20 =	vld [tilespmem:s23+$0x8100]  }
0x4ee: {  	v52 =	vsel vm1, v31, v8;
	v24 =	vadd.f32 v29, v24;
	v8 =	vadd.f32 v28, v3;
	s29 =	rddreg [dreg:$0x11];
	v29 =	vld [tilespmem:s23+$0x8180]  }
0x4ef: {  	v54 =	vsel vm4, v31, v11;
	v3 =	vadd.f32 v50, v1;
	v1 =	vadd.f32 v51, v2;
	s22 =	sadd.s32 $0x0, s29;
	v2 =	vld [tilespmem:s23+$0x8200]  }
0x4f0: {  	v22 =	vadd.f32 v48, v22;
	v31 =	vld [tilespmem:s23+$0x8280];
	v28 =	vor.u32 s22, v0;
	v5 =	vmul.f32 $1.442695020e+00, v21  }
0x4f1: {  	v56 =	vld [tilespmem:s23+$0x8300];
	v11 =	vmul.f32 $1.442695020e+00, v9;
	v13 =	vmul.f32 $1.442695020e+00, v17;
	vm0 =	vgt.f32 v21, v25  }
0x4f2: {  	v57 =	vmax.f32 v25, v21;
	vm1 =	vgt.f32 v9, v23;
	(erf) = vpow2.f32 v5  }
0x4f3: {  	s23 =	simm.s32 $0x1;
	v23 =	vmax.f32 v23, v9;
	v5 =	vmul.f32 $1.442695020e+00, v20;
	(erf) = vpow2.f32 v11  }
0x4f4: {  	s22 =	sand.u32 $0x7, s23;
	v58 =	vmax.f32 v27, v17;
	v11 =	vmul.f32 $1.442695020e+00, v29;
	(erf) = vpow2.f32 v13  }
0x4f5: {  	s25 =	simm.s32 $0x10;
	s24 =	sshll.u32 s22, $0x4;
	s22 =	simm.s32 $0x80;
	v59 =	vmax.f32 v26, v20;
	v21 =	vmul.f32 $1.442695020e+00, v2;
	(erf) = vpow2.f32 v5  }
0x4f6: {  	s23 =	sadd.s32 $0x80, s24;
	s24 =	sand.u32 $0x70, s25;
	s26 =	sand.u32 $0x7C00, s22;
	v25 =	vmul.f32 $1.442695020e+00, v31;
	v9 =	vmax.f32 v15, v56;
	(erf) = vpow2.f32 v11  }
0x4f7: {  	s24 =	sor.u32 s24, s26;
	v60 =	vmul.f32 $1.442695020e+00, v56;
	vm2 =	vgt.f32 v17, v27;
	vm3 =	vgt.f32 v20, v26  }
0x4f8: {  	vm4 =	vgt.f32 v29, v30;
	vm5 =	vgt.f32 v2, v16;
	vm15 =	vgt.f32 v56, v15;
	v61 =	vld [tilespmem:s24+$0x8080]  }
0x4f9: {  	s23 =	sor.u32 $0x380, s23;
	vm14 =	vgt.f32 v31, v14;
	v20 =	vsel vm3, v28, v10;
	v10 =	vsel vm15, v28, v19;
	v19 =	vld [tilespmem:s24+$0x8300]  }
0x4fa: {  	v17 =	vsel vm4, v28, v54;
	v15 =	vsel vm5, v28, v12;
	v11 =	vmax.f32 v16, v2;
	v16 =	vld [tilespmem:s23+$0x8000]  }
0x4fb: {  	v12 =	vsel vm14, v28, v55;
	v13 =	vmax.f32 v30, v29;
	v5 =	vmax.f32 v14, v31;
	v14 =	vpop (erf)  }
0x4fc: {  	v2 =	vsel vm0, v28, v7;
	(erf) = vpow2.f32 v21;
	v7 =	vpop (erf);
	v4 =	vadd.f32 v14, v4;
	v14 =	vld [tilespmem:s24+$0x8000]  }
0x4fd: {  	v27 =	vld [tilespmem:s24+$0x8200];
	v30 =	vsel vm1, v28, v52;
	(erf) = vpow2.f32 v25;
	v34 =	vadd.f32 v7, v6;
	v6 =	vpop (erf)  }
0x4fe: {  	v62 =	vld [tilespmem:s24+$0x8100];
	v40 =	vmul.f32 $1.442695020e+00, v19;
	(erf) = vpow2.f32 v60;
	v29 =	vadd.f32 v6, v18;
	v6 =	vpop (erf)  }
0x4ff: {  	v32 =	vld [tilespmem:s24+$0x8180];
	vm0 =	vgt.f32 v16, v57;
	v18 =	vmul.f32 $1.442695020e+00, v61;
	v26 =	vadd.f32 v6, v24;
	v6 =	vpop (erf)  }
0x500: {  	v21 =	vadd.f32 v6, v22;
	v6 =	vmax.f32 v57, v16;
	v16 =	vmul.f32 $1.442695020e+00, v16  }
0x501: {  	vm1 =	vgt.f32 v14, v23;
	v38 =	vmax.f32 v23, v14;
	v14 =	vmul.f32 $1.442695020e+00, v14;
	v23 =	vld [tilespmem:s24+$0x8280]  }
0x502: {  	v37 =	vmax.f32 v58, v61;
	v24 =	vmul.f32 $1.442695020e+00, v27;
	(erf) = vpow2.f32 v16  }
0x503: {  	v31 =	vmax.f32 v59, v62;
	v16 =	vmul.f32 $1.442695020e+00, v62;
	(erf) = vpow2.f32 v14  }
0x504: {  	s28 =	rddreg [dreg:$0x11];
	vm3 =	vgt.f32 v61, v58;
	v14 =	vmul.f32 $1.442695020e+00, v32;
	(erf) = vpow2.f32 v18  }
0x505: {  	s29 =	sadd.s32 $0x10, s28;
	v39 =	vmovc v37;
	v36 =	vmovc v31;
	v25 =	vsel vm2, v28, v53;
	vm2 =	vgt.f32 v62, v59;
	(erf) = vpow2.f32 v16  }
0x506: {  	v7 =	vor.u32 s29, v0;
	v33 =	vpop (erf);
	v63 =	vmul.f32 $1.442695020e+00, v23;
	(erf) = vpow2.f32 v14  }
0x507: {  	v22 =	vmax.f32 v13, v32;
	v28 =	vpop (erf);
	s24 =	simm.s32 $0x2;
	v18 =	vmax.f32 v11, v27;
	(erf) = vpow2.f32 v24  }
0x508: {  	s25 =	simm.s32 $0x30;
	s23 =	simm.s32 $0x20;
	s26 =	sand.u32 $0x7, s24;
	v16 =	vmax.f32 v5, v23;
	v14 =	vmax.f32 v9, v19;
	v24 =	vpop (erf);
	(erf) = vpow2.f32 v63  }
.LBB2_32:
0x509: {  	s26 =	sshll.u32 s26, $0x4;
	vm6 =	vgt.f32 v32, v13;
	s22 =	sadd.s32 $0x80, s22  }
0x50a: {  	vm4 =	vgt.f32 v27, v11;
	vm7 =	vgt.f32 v23, v5;
	(erf) = vpow2.f32 v40;
	s26 =	sadd.s32 s26, s22  }
0x50b: {  	s28 =	sand.u32 $0x70, s23;
	vm5 =	vgt.f32 v19, v9;
	v8 =	vadd.f32 v33, v8;
	v3 =	vadd.f32 v28, v3;
	s29 =	sand.u32 $0x7C00, s22;
	s26 =	sor.u32 $0x380, s26;
	v9 =	vpop (erf)  }
0x50c: {  	v2 =	vsel vm0, v7, v2;
	v1 =	vadd.f32 v24, v1;
	s28 =	sor.u32 s28, s29;
	v19 =	vld [tilespmem:s26+$0x8000];
	v4 =	vadd.f32 v9, v4;
	v9 =	vpop (erf)  }
0x50d: {  	v30 =	vsel vm1, v7, v30;
	v25 =	vsel vm3, v7, v25;
	v23 =	vld [tilespmem:s28+$0x8000];
	v34 =	vadd.f32 v9, v34;
	v9 =	vpop (erf)  }
0x50e: {  	v20 =	vsel vm2, v7, v20;
	v17 =	vsel vm6, v7, v17;
	s29 =	rddreg [dreg:$0x11];
	v35 =	vld [tilespmem:s28+$0x8080];
	v29 =	vadd.f32 v9, v29;
	v9 =	vpop (erf)  }
0x50f: {  	v15 =	vsel vm4, v7, v15;
	v12 =	vsel vm7, v7, v12;
	v10 =	vsel vm5, v7, v10;
	s29 =	sadd.s32 s23, s29;
	v41 =	vld [tilespmem:s28+$0x8100];
	v24 =	vpop (erf)  }
0x510: {  	v32 =	vld [tilespmem:s28+$0x8180];
	v7 =	vor.u32 s29, v0;
	v26 =	vadd.f32 v9, v26;
	v21 =	vadd.f32 v24, v21  }
0x511: {  	v27 =	vld [tilespmem:s28+$0x8200];
	v33 =	vpop (erf);
	vm0 =	vgt.f32 v19, v6;
	v6 =	vmax.f32 v6, v19;
	v60 =	vmul.f32 $1.442695020e+00, v19  }
0x512: {  	v28 =	vpop (erf);
	vm1 =	vgt.f32 v23, v38;
	v38 =	vmax.f32 v38, v23;
	v42 =	vmul.f32 $1.442695020e+00, v23;
	v23 =	vld [tilespmem:s28+$0x8280]  }
0x513: {  	v37 =	vmax.f32 v37, v35;
	v43 =	vmul.f32 $1.442695020e+00, v35;
	v24 =	vpop (erf);
	(erf) = vpow2.f32 v60  }
0x514: {  	p0 =	sne.s32 s25, $0xFF0;
	v19 =	vld [tilespmem:s28+$0x8300];
	v31 =	vmax.f32 v31, v41;
	v61 =	vmul.f32 $1.442695020e+00, v41;
	(erf) = vpow2.f32 v42  }
.Ltmp15:
0x515: {  	v13 =	vmovc v22;
	v22 =	vmax.f32 v22, v32;
	v62 =	vmul.f32 $1.442695020e+00, v32;
	(erf) = vpow2.f32 v43;
	(pc) =	sbr.rel @p0 .LBB2_32-.Ltmp15, $4  }
0x516: {  	v11 =	vmovc v18;
	v18 =	vmax.f32 v18, v27;
	v63 =	vmul.f32 $1.442695020e+00, v27;
	(erf) = vpow2.f32 v61  }
0x517: {  	vm3 =	vgt.f32 v35, v39;
	v44 =	vmul.f32 $1.442695020e+00, v23;
	(erf) = vpow2.f32 v62  }
0x518: {  	v5 =	vmovc v16;
	s24 =	sadd.s32 $0x1, s24;
	v9 =	vmovc v14;
	vm2 =	vgt.f32 v41, v36;
	v16 =	vmax.f32 v16, v23;
	(erf) = vpow2.f32 v63  }
0x519: {  	s23 =	smov.u32 s25;
	s26 =	sand.u32 $0x7, s24;
	s25 =	sadd.s32 $0x10, s25;
	v39 =	vmovc v37;
	v36 =	vmovc v31;
	v14 =	vmax.f32 v14, v19;
	v40 =	vmul.f32 $1.442695020e+00, v19;
	(erf) = vpow2.f32 v44  }
0x51a: {  	s24 =	sshll.u32 s26, $0x4;
	s22 =	sadd.s32 $0x80, s22  }
0x51b: {  	s24 =	sadd.s32 s24, s22  }
0x51c: {  	s25 =	sand.u32 $0x70, s23;
	s22 =	sand.u32 $0x7C00, s22;
	s24 =	sor.u32 $0x380, s24  }
0x51d: {  	s22 =	sor.u32 s25, s22;
	v35 =	vld [tilespmem:s24+$0x8000]  }
0x51e: {  	v47 =	vld [tilespmem:s22+$0x8000]  }
0x51f: {  	v48 =	vld [tilespmem:s22+$0x8080]  }
0x520: {  	v49 =	vld [tilespmem:s22+$0x8100]  }
0x521: {  	v50 =	vld [tilespmem:s22+$0x8180]  }
0x522: {  	v45 =	vld [tilespmem:s22+$0x8200];
	v42 =	vmul.f32 $1.442695020e+00, v35  }
0x523: {  	(erf) = vpow2.f32 v40;
	v43 =	vld [tilespmem:s22+$0x8280];
	v44 =	vmul.f32 $1.442695020e+00, v47  }
0x524: {  	v41 =	vld [tilespmem:s22+$0x8300];
	v46 =	vmul.f32 $1.442695020e+00, v48;
	(erf) = vpow2.f32 v42  }
0x525: {  	v40 =	vpop (erf);
	v59 =	vmul.f32 $1.442695020e+00, v49;
	(erf) = vpow2.f32 v44  }
0x526: {  	v51 =	vpop (erf);
	v60 =	vmul.f32 $1.442695020e+00, v50;
	(erf) = vpow2.f32 v46  }
0x527: {  	v52 =	vpop (erf);
	v61 =	vmul.f32 $1.442695020e+00, v45;
	(erf) = vpow2.f32 v59  }
0x528: {  	v53 =	vpop (erf);
	v62 =	vmul.f32 $1.442695020e+00, v43;
	(erf) = vpow2.f32 v60  }
0x529: {  	v54 =	vpop (erf);
	v63 =	vmul.f32 $1.442695020e+00, v41;
	(erf) = vpow2.f32 v61  }
0x52a: {  	v55 =	vpop (erf);
	(erf) = vpow2.f32 v62  }
0x52b: {  	v56 =	vpop (erf);
	(erf) = vpow2.f32 v63  }
0x52c: {  	v44 =	vpop (erf)  }
0x52d: {  	v42 =	vpop (erf)  }
0x52e: {  	v57 =	vpop (erf)  }
0x52f: {  	v58 =	vpop (erf)  }
0x530: {  	v59 =	vpop (erf)  }
0x531: {  	s28 =	sld [smem:$0x7F8];
	v46 =	vmax.f32 v38, v47;
	v60 =	vpop (erf)  }
0x532: {  	v61 =	vpop (erf)  }
0x533: {  	[tilespmem:$0x10000] =	vst v46;
	v62 =	vpop (erf)  }
0x534: {  	v34 =	vadd.f32 v51, v34;
	[hbm4b:s28+s2] =	stream.linear.scatter [tilespmem:s19], [sflag:$0x3], $0x10, $0x38;
	v46 =	vpop (erf);
	[tilespmem:$0x10080] =	vst v63  }
0x535: {  	s26 =	rddreg [dreg:$0x11];
	_ =	swait.ge [sflag:s20], $0x10  }
0x536: {  	v34 =	vadd.f32 v57, v34;
	[sflag:s20] =	ssyncset.done $0x0;
	s29 =	sld [smem:$0x7F9]  }
0x537: {  	[sflag:s20] =	ssyncadd.s32 $0xFFFFFFF0  }
0x538: {  	[tilespmem:$0x10000] =	vst v34  }
0x539: {  	[hbm4b:s29+s2] =	stream.linear.scatter [tilespmem:s19], [sflag:$0x3], $0x10, $0x38;
	[tilespmem:$0x10080] =	vst v63  }
0x53a: {  	s22 =	sadd.s32 s23, s26;
	_ =	swait.ge [sflag:s20], $0x10  }
0x53b: {  	v30 =	vsel vm1, v7, v30;
	vm4 =	vgt.f32 v47, v38;
	v34 =	vor.u32 s22, v0;
	[sflag:s20] =	ssyncset.done $0x0;
	s25 =	sld [smem:$0x7FA]  }
0x53c: {  	v30 =	vsel vm4, v34, v30;
	[sflag:s20] =	ssyncadd.s32 $0xFFFFFFF0  }
0x53d: {  	[tilespmem:$0x10000] =	vst v30  }
0x53e: {  	[hbm4b:s25+s2] =	stream.linear.scatter [tilespmem:s19], [sflag:$0x3], $0x10, $0x38;
	[tilespmem:$0x10080] =	vst v63  }
0x53f: {  	_ =	swait.ge [sflag:s20], $0x10  }
0x540: {  	[sflag:s20] =	ssyncset.done $0x0  }
0x541: {  	v51 =	vmax.f32 v37, v48;
	[sflag:s20] =	ssyncadd.s32 $0xFFFFFFF0  }
0x542: {  	s26 =	rddreg [dreg:$0x13];
	[tilespmem:$0x10000] =	vst v51  }
0x543: {  	v29 =	vadd.f32 v52, v29;
	[hbm4b:s26+s2] =	stream.linear.scatter [tilespmem:s19], [sflag:$0x3], $0x10, $0x38;
	[tilespmem:$0x10080] =	vst v63  }
0x544: {  	_ =	swait.ge [sflag:s20], $0x10  }
0x545: {  	v29 =	vadd.f32 v58, v29;
	[sflag:s20] =	ssyncset.done $0x0  }
0x546: {  	[sflag:s20] =	ssyncadd.s32 $0xFFFFFFF0  }
0x547: {  	s28 =	rddreg [dreg:$0x14];
	[tilespmem:$0x10000] =	vst v29  }
0x548: {  	[hbm4b:s28+s2] =	stream.linear.scatter [tilespmem:s19], [sflag:$0x3], $0x10, $0x38;
	[tilespmem:$0x10080] =	vst v63  }
0x549: {  	_ =	swait.ge [sflag:s20], $0x10  }
0x54a: {  	v25 =	vsel vm3, v7, v25;
	vm5 =	vgt.f32 v48, v39;
	[sflag:s20] =	ssyncset.done $0x0  }
0x54b: {  	v25 =	vsel vm5, v34, v25;
	[sflag:s20] =	ssyncadd.s32 $0xFFFFFFF0  }
0x54c: {  	s29 =	rddreg [dreg:$0x15];
	[tilespmem:$0x10000] =	vst v25  }
0x54d: {  	[hbm4b:s29+s2] =	stream.linear.scatter [tilespmem:s19], [sflag:$0x3], $0x10, $0x38;
	[tilespmem:$0x10080] =	vst v63  }
0x54e: {  	_ =	swait.ge [sflag:s20], $0x10  }
0x54f: {  	[sflag:s20] =	ssyncset.done $0x0  }
0x550: {  	v52 =	vmax.f32 v31, v49;
	[sflag:s20] =	ssyncadd.s32 $0xFFFFFFF0  }
0x551: {  	s23 =	rddreg [dreg:$0x16];
	[tilespmem:$0x10000] =	vst v52  }
0x552: {  	v57 =	vadd.f32 v53, v26;
	[hbm4b:s23+s2] =	stream.linear.scatter [tilespmem:s19], [sflag:$0x3], $0x10, $0x38;
	[tilespmem:$0x10080] =	vst v63  }
0x553: {  	_ =	swait.ge [sflag:s20], $0x10  }
0x554: {  	v25 =	vadd.f32 v59, v57;
	[sflag:s20] =	ssyncset.done $0x0  }
0x555: {  	[sflag:s20] =	ssyncadd.s32 $0xFFFFFFF0  }
0x556: {  	s24 =	rddreg [dreg:$0x17];
	[tilespmem:$0x10000] =	vst v25  }
0x557: {  	[hbm4b:s24+s2] =	stream.linear.scatter [tilespmem:s19], [sflag:$0x3], $0x10, $0x38;
	[tilespmem:$0x10080] =	vst v63  }
0x558: {  	_ =	swait.ge [sflag:s20], $0x10  }
0x559: {  	v20 =	vsel vm2, v7, v20;
	vm6 =	vgt.f32 v49, v36;
	[sflag:s20] =	ssyncset.done $0x0  }
0x55a: {  	v20 =	vsel vm6, v34, v20;
	[sflag:s20] =	ssyncadd.s32 $0xFFFFFFF0  }
0x55b: {  	s25 =	rddreg [dreg:$0x18];
	[tilespmem:$0x10000] =	vst v20  }
0x55c: {  	[hbm4b:s25+s2] =	stream.linear.scatter [tilespmem:s19], [sflag:$0x3], $0x10, $0x38;
	[tilespmem:$0x10080] =	vst v63  }
0x55d: {  	_ =	swait.ge [sflag:s20], $0x10  }
0x55e: {  	[sflag:s20] =	ssyncset.done $0x0  }
0x55f: {  	v58 =	vmax.f32 v22, v50;
	[sflag:s20] =	ssyncadd.s32 $0xFFFFFFF0  }
0x560: {  	s26 =	rddreg [dreg:$0x19];
	[tilespmem:$0x10000] =	vst v58  }
0x561: {  	v59 =	vadd.f32 v54, v21;
	[hbm4b:s26+s2] =	stream.linear.scatter [tilespmem:s19], [sflag:$0x3], $0x10, $0x38;
	[tilespmem:$0x10080] =	vst v63  }
0x562: {  	_ =	swait.ge [sflag:s20], $0x10  }
0x563: {  	v20 =	vadd.f32 v60, v59;
	[sflag:s20] =	ssyncset.done $0x0  }
0x564: {  	[sflag:s20] =	ssyncadd.s32 $0xFFFFFFF0  }
0x565: {  	s28 =	rddreg [dreg:$0x1a];
	[tilespmem:$0x10000] =	vst v20  }
0x566: {  	[hbm4b:s28+s2] =	stream.linear.scatter [tilespmem:s19], [sflag:$0x3], $0x10, $0x38;
	[tilespmem:$0x10080] =	vst v63  }
0x567: {  	vm7 =	vgt.f32 v32, v13;
	_ =	swait.ge [sflag:s20], $0x10  }
0x568: {  	v13 =	vsel vm7, v7, v17;
	vm8 =	vgt.f32 v50, v22;
	[sflag:s20] =	ssyncset.done $0x0  }
0x569: {  	v13 =	vsel vm8, v34, v13;
	[sflag:s20] =	ssyncadd.s32 $0xFFFFFFF0  }
0x56a: {  	s29 =	rddreg [dreg:$0x1b];
	[tilespmem:$0x10000] =	vst v13  }
0x56b: {  	[hbm4b:s29+s2] =	stream.linear.scatter [tilespmem:s19], [sflag:$0x3], $0x10, $0x38;
	[tilespmem:$0x10080] =	vst v63  }
0x56c: {  	_ =	swait.ge [sflag:s20], $0x10  }
0x56d: {  	[sflag:s20] =	ssyncset.done $0x0  }
0x56e: {  	v8 =	vadd.f32 v33, v8;
	v60 =	vmax.f32 v18, v45;
	[sflag:s20] =	ssyncadd.s32 $0xFFFFFFF0  }
0x56f: {  	s23 =	rddreg [dreg:$0x1c];
	[tilespmem:$0x10000] =	vst v60  }
0x570: {  	v8 =	vadd.f32 v55, v8;
	[hbm4b:s23+s2] =	stream.linear.scatter [tilespmem:s19], [sflag:$0x3], $0x10, $0x38;
	[tilespmem:$0x10080] =	vst v63  }
0x571: {  	_ =	swait.ge [sflag:s20], $0x10  }
0x572: {  	v8 =	vadd.f32 v61, v8;
	[sflag:s20] =	ssyncset.done $0x0  }
0x573: {  	[sflag:s20] =	ssyncadd.s32 $0xFFFFFFF0  }
0x574: {  	s24 =	rddreg [dreg:$0x1d];
	[tilespmem:$0x10000] =	vst v8  }
0x575: {  	[hbm4b:s24+s2] =	stream.linear.scatter [tilespmem:s19], [sflag:$0x3], $0x10, $0x38;
	[tilespmem:$0x10080] =	vst v63  }
0x576: {  	vm9 =	vgt.f32 v27, v11;
	_ =	swait.ge [sflag:s20], $0x10  }
0x577: {  	vm10 =	vgt.f32 v45, v18;
	v61 =	vsel vm9, v7, v15;
	[sflag:s20] =	ssyncset.done $0x0  }
0x578: {  	v8 =	vsel vm10, v34, v61;
	[sflag:s20] =	ssyncadd.s32 $0xFFFFFFF0  }
0x579: {  	s25 =	rddreg [dreg:$0x1e];
	[tilespmem:$0x10000] =	vst v8  }
0x57a: {  	[hbm4b:s25+s2] =	stream.linear.scatter [tilespmem:s19], [sflag:$0x3], $0x10, $0x38;
	[tilespmem:$0x10080] =	vst v63  }
0x57b: {  	_ =	swait.ge [sflag:s20], $0x10  }
0x57c: {  	[sflag:s20] =	ssyncset.done $0x0  }
0x57d: {  	v3 =	vadd.f32 v28, v3;
	v63 =	vmax.f32 v16, v43;
	[sflag:s20] =	ssyncadd.s32 $0xFFFFFFF0  }
0x57e: {  	s26 =	rddreg [dreg:$0x1f];
	[tilespmem:$0x10000] =	vst v63  }
0x57f: {  	v3 =	vadd.f32 v56, v3;
	[hbm4b:s26+s2] =	stream.linear.scatter [tilespmem:s19], [sflag:$0x3], $0x10, $0x38;
	[tilespmem:$0x10080] =	vst v63  }
0x580: {  	_ =	swait.ge [sflag:s20], $0x10  }
0x581: {  	v3 =	vadd.f32 v62, v3;
	[sflag:s20] =	ssyncset.done $0x0;
	s28 =	sld [smem:$0x7F3]  }
0x582: {  	[sflag:s20] =	ssyncadd.s32 $0xFFFFFFF0  }
0x583: {  	[tilespmem:$0x10000] =	vst v3  }
0x584: {  	[hbm4b:s28+s2] =	stream.linear.scatter [tilespmem:s19], [sflag:$0x3], $0x10, $0x38;
	[tilespmem:$0x10080] =	vst v63  }
0x585: {  	vm11 =	vgt.f32 v23, v5;
	_ =	swait.ge [sflag:s20], $0x10  }
0x586: {  	vm12 =	vgt.f32 v43, v16;
	v3 =	vsel vm11, v7, v12;
	[sflag:s20] =	ssyncset.done $0x0;
	s29 =	sld [smem:$0x7F4]  }
0x587: {  	v3 =	vsel vm12, v34, v3;
	[sflag:s20] =	ssyncadd.s32 $0xFFFFFFF0  }
0x588: {  	[tilespmem:$0x10000] =	vst v3  }
0x589: {  	[hbm4b:s29+s2] =	stream.linear.scatter [tilespmem:s19], [sflag:$0x3], $0x10, $0x38;
	[tilespmem:$0x10080] =	vst v63  }
0x58a: {  	_ =	swait.ge [sflag:s20], $0x10  }
0x58b: {  	[sflag:s20] =	ssyncset.done $0x0;
	s23 =	sld [smem:$0x7F5]  }
0x58c: {  	v1 =	vadd.f32 v24, v1;
	v3 =	vmax.f32 v14, v41;
	[sflag:s20] =	ssyncadd.s32 $0xFFFFFFF0  }
0x58d: {  	[tilespmem:$0x10000] =	vst v3  }
0x58e: {  	v1 =	vadd.f32 v44, v1;
	[hbm4b:s23+s2] =	stream.linear.scatter [tilespmem:s19], [sflag:$0x3], $0x10, $0x38;
	[tilespmem:$0x10080] =	vst v63  }
0x58f: {  	_ =	swait.ge [sflag:s20], $0x10  }
0x590: {  	v1 =	vadd.f32 v46, v1;
	[sflag:s20] =	ssyncset.done $0x0;
	s24 =	sld [smem:$0x7F6]  }
0x591: {  	[sflag:s20] =	ssyncadd.s32 $0xFFFFFFF0  }
0x592: {  	[tilespmem:$0x10000] =	vst v1  }
0x593: {  	[hbm4b:s24+s2] =	stream.linear.scatter [tilespmem:s19], [sflag:$0x3], $0x10, $0x38;
	[tilespmem:$0x10080] =	vst v63  }
0x594: {  	vm13 =	vgt.f32 v19, v9;
	_ =	swait.ge [sflag:s20], $0x10  }
0x595: {  	vm14 =	vgt.f32 v41, v14;
	v1 =	vsel vm13, v7, v10;
	[sflag:s20] =	ssyncset.done $0x0;
	s25 =	sld [smem:$0x7F7]  }
0x596: {  	v1 =	vsel vm14, v34, v1;
	[sflag:s20] =	ssyncadd.s32 $0xFFFFFFF0  }
0x597: {  	[tilespmem:$0x10000] =	vst v1  }
0x598: {  	[hbm4b:s25+s2] =	stream.linear.scatter [tilespmem:s19], [sflag:$0x3], $0x10, $0x38;
	[tilespmem:$0x10080] =	vst v63  }
0x599: {  	_ =	swait.ge [sflag:s20], $0x10  }
0x59a: {  	[sflag:s20] =	ssyncset.done $0x0;
	s26 =	sld [smem:$0x7FB]  }
0x59b: {  	v1 =	vmax.f32 v6, v35;
	[sflag:s20] =	ssyncadd.s32 $0xFFFFFFF0  }
0x59c: {  	[tilespmem:$0x10000] =	vst v1  }
0x59d: {  	v1 =	vadd.f32 v40, v4;
	[hbm4b:s26+s2] =	stream.linear.scatter [tilespmem:s19], [sflag:$0x3], $0x10, $0x38;
	[tilespmem:$0x10080] =	vst v63  }
0x59e: {  	_ =	swait.ge [sflag:s20], $0x10  }
0x59f: {  	v1 =	vadd.f32 v42, v1;
	[sflag:s20] =	ssyncset.done $0x0;
	s28 =	sld [smem:$0x7FC]  }
0x5a0: {  	[sflag:s20] =	ssyncadd.s32 $0xFFFFFFF0  }
0x5a1: {  	[tilespmem:$0x10000] =	vst v1  }
0x5a2: {  	[hbm4b:s28+s2] =	stream.linear.scatter [tilespmem:s19], [sflag:$0x3], $0x10, $0x38;
	[tilespmem:$0x10080] =	vst v63  }
0x5a3: {  	_ =	swait.ge [sflag:s20], $0x10  }
0x5a4: {  	s21 =	sadd.s32 $0x1, s21;
	vm15 =	vgt.f32 v35, v6;
	v1 =	vsel vm0, v7, v2;
	[sflag:s20] =	ssyncset.done $0x0;
	s29 =	sld [smem:$0x7FD]  }
0x5a5: {  	p0 =	sne.s32 s21, s15;
	v1 =	vsel vm15, v34, v1;
	[sflag:s20] =	ssyncadd.s32 $0xFFFFFFF0  }
.Ltmp16:
0x5a6: {  	[tilespmem:$0x10000] =	vst v1;
	(pc) =	sbr.rel @p0 .LBB2_1-.Ltmp16, $4  }
0x5a7: {  	[hbm4b:s29+s2] =	stream.linear.scatter [tilespmem:s19], [sflag:$0x3], $0x10, $0x38;
	[tilespmem:$0x10080] =	vst v63  }
0x5a8: {  	_ =	swait.ge [sflag:s20], $0x10  }
0x5a9: {  	[sflag:s20] =	ssyncset.done $0x0  }
0x5aa: {  	[sflag:s20] =	ssyncadd.s32 $0xFFFFFFF0  }
0x5ab: {  	_ =	sfence.sel $0x180000  }
0x5ac: {  	[bflag:$0x0] =	sbarrier.arrive $0xFFFF  }
0x5ad: {  	_ =	strace $0x90000047  }
0x5ae: {  	s0 =	stileid.u32;
	[bflag:$0x2] =	sbarrier.arrive $0xFFFF  }
0x5af: {  	p0 =	sne.s32 s0, $0x0;
	s0 =	rddreg [dreg:$0x2]  }
0x5b0: {  	s0 =	sadd.s32 @!p0 $0x100000, s0  }
0x5b1: {  	[sflag:s0] =	ssyncadd.tile.s32 @!p0 $0x1;
	_ =	shalt  }
.Lfunc_end2:
_tile_overlayer_lowered:
.L_overlay_start_2:
0x5b2: {  	(tag) =	ssettag $0x2  }
0x5b3: {  	s0 =	rddreg [dreg:$0x0];
	s2 =	stileid.u32  }
0x5b4: {  	s1 =	rddreg [dreg:$0x1];
	p0 =	sne.s32 s2, $0x0  }
0x5b5: {  	s3 =	rddreg [dreg:$0x2];
	[bflag:$0x3] =	sbarrier.arrive $0xFFFF;
	s2 =	simm.s32 @!p0 $0x1C03  }
0x5b6: {  	[timem:s3], [sflag:s2] =	dma.local @!p0 [hbm:s0], s1  }
0x5b7: {  	s0 =	simm.s32 @!p0 $0x3  }
0x5b8: {  	_ =	swait.ge @!p0 [sflag:s0], s1  }
0x5b9: {  	s1 =	ssub.s32 @!p0 $0x0, s1;
	[sflag:s0] =	ssyncset.done @!p0 $0x0  }
0x5ba: {  	[sflag:s0] =	ssyncadd.s32 @!p0 s1  }
0x5bb: {  	[bflag:$0x3] =	sbarrier.arrive $0xFFFF  }
0x5bc: {  	_ =	shalt  }

</sc_bundles>
